<compile_context>
chip_gen: v7x
topology: tpu7x:2x2x1
jax: 0.10.2.dev20260603
libtpu: 0.0.44.dev20260713+nightly
codegen_flags: <defaults>
</compile_context>

<pallas_src>
import functools

import jax
import jax.numpy as jnp
from jax import lax
from jax.experimental import pallas as pl
from jax.experimental.pallas import tpu as pltpu
from jax.experimental.pallas import tpu_sc as plsc

B, K, V, H = 16384, 50, 100001, 256
CLAMP = 127.0
L = 16
NC, NS = 2, 16
NW = NC * NS
VP = 100008
NPASS = H // (2 * NW)
CL = 128
KP = 56
NCH = B // CL
FLUSH_CH = 16
FB = FLUSH_CH * CL
MASK_HI = -65536
BT = 512


def _sc_body(idx2_hbm, embT_hbm, out_hbm,
             col_v, idxb0, idxb1, olo, ohi, semc, semi0, semi1):
    idxb = (idxb0, idxb1)
    semi = (semi0, semi1)
    wid = lax.axis_index("s") * NC + lax.axis_index("c")

    zero = jnp.zeros((L,), jnp.float32)

    def split(w):
        lo = plsc.bitcast(lax.shift_left(w, 16), jnp.float32)
        hi = plsc.bitcast(lax.bitwise_and(w, jnp.int32(MASK_HI)), jnp.float32)
        return lo, hi

    def issue_idx(ch, side_off, buf, sem):
        base = (ch * 2 * KP + side_off) * CL
        pltpu.async_copy(idx2_hbm.at[pl.ds(base, KP * CL)], buf, sem)

    def drain_idx(buf, sem):
        pltpu.make_async_copy(
            idx2_hbm.at[pl.ds(0, KP * CL)], buf, sem).wait()

    def chunk(buf, ch):
        for sub in range(CL // L):
            def kbody(k, carry):
                alo, ahi = carry
                vals = plsc.load_gather(
                    col_v, [buf[pl.ds(k * CL + sub * L, L)]])
                lo, hi = split(vals)
                return (alo + lo, ahi + hi)

            alo, ahi = lax.fori_loop(0, K, kbody, (zero, zero), unroll=10)
            s_loc = lax.rem(ch, FLUSH_CH) * CL + sub * L
            olo[pl.ds(s_loc, L)] = alo
            ohi[pl.ds(s_loc, L)] = ahi

    def one_pass(p2, _):
        r = (p2 // 2) * NW + wid
        side_off = lax.rem(p2, 2) * KP
        pltpu.async_copy(embT_hbm.at[pl.ds(r * VP, VP)], col_v, semc).wait()
        issue_idx(0, side_off, idxb[0], semi[0])

        def cpair(h, _2):
            ch0 = 2 * h
            issue_idx(ch0 + 1, side_off, idxb[1], semi[1])
            drain_idx(idxb[0], semi[0])
            chunk(idxb[0], ch0)

            @pl.when(ch0 + 2 < NCH)
            def _():
                issue_idx(ch0 + 2, side_off, idxb[0], semi[0])

            drain_idx(idxb[1], semi[1])
            chunk(idxb[1], ch0 + 1)

            @pl.when(lax.rem(h, FLUSH_CH // 2) == FLUSH_CH // 2 - 1)
            def _():
                soff = (h // (FLUSH_CH // 2)) * FB
                side = lax.rem(p2, 2)
                lobase = side * H * B + 2 * r * B + soff
                hibase = side * H * B + (2 * r + 1) * B + soff
                pltpu.sync_copy(olo, out_hbm.at[pl.ds(lobase, FB)])
                pltpu.sync_copy(ohi, out_hbm.at[pl.ds(hibase, FB)])
            return 0

        lax.fori_loop(0, NCH // 2, cpair, 0)
        return 0

    lax.fori_loop(0, 2 * NPASS, one_pass, 0)


def _tail_body(accw_ref, accb_ref, stm_ref, b1_ref, wa_ref, wb_ref, bout_ref,
               y_ref):
    b1c = b1_ref[0, 0, :][:, None]
    xw = jnp.clip(accw_ref[...] + b1c, 0.0, CLAMP)
    xb = jnp.clip(accb_ref[...] + b1c, 0.0, CLAMP)
    wa = wa_ref[0, 0, :][:, None]
    wb = wb_ref[0, 0, :][:, None]
    s1 = jnp.sum(xw * wa + xb * wb, axis=0)
    s2 = jnp.sum(xw * wb + xb * wa, axis=0)
    stm = stm_ref[0, 0, :]
    y_ref[0, 0, :] = jnp.where(stm == 0, s1, s2) + bout_ref[0, 0, 0]


@jax.jit
def _run(idx2, embT, stm2, b1c, wa, wb, bout):
    mesh = plsc.VectorSubcoreMesh(core_axis_name="c", subcore_axis_name="s",
                                  num_cores=NC, num_subcores=NS)
    sc = pl.kernel(
        _sc_body,
        out_type=jax.ShapeDtypeStruct((2 * H * B,), jnp.float32),
        mesh=mesh,
        compiler_params=pltpu.CompilerParams(needs_layout_passes=False),
        scratch_types=[
            pltpu.VMEM((VP,), jnp.int32),
            pltpu.VMEM((KP * CL,), jnp.int32),
            pltpu.VMEM((KP * CL,), jnp.int32),
            pltpu.VMEM((FB,), jnp.float32),
            pltpu.VMEM((FB,), jnp.float32),
            pltpu.SemaphoreType.DMA,
            pltpu.SemaphoreType.DMA,
            pltpu.SemaphoreType.DMA,
        ],
    )
    outwb = sc(idx2, embT)
    acc = outwb.reshape(2, H, B)
    accw = acc[0]
    accb = acc[1]

    tail = pl.pallas_call(
        _tail_body,
        out_shape=jax.ShapeDtypeStruct((B // BT, 1, BT), jnp.float32),
        grid=(B // BT,),
        in_specs=[
            pl.BlockSpec((H, BT), lambda i: (0, i)),
            pl.BlockSpec((H, BT), lambda i: (0, i)),
            pl.BlockSpec((1, 1, BT), lambda i: (i, 0, 0)),
            pl.BlockSpec((1, 1, H), lambda i: (0, 0, 0)),
            pl.BlockSpec((1, 1, H), lambda i: (0, 0, 0)),
            pl.BlockSpec((1, 1, H), lambda i: (0, 0, 0)),
            pl.BlockSpec((1, 1, 8), lambda i: (0, 0, 0)),
        ],
        out_specs=pl.BlockSpec((1, 1, BT), lambda i: (i, 0, 0)),
    )
    y = tail(accw, accb, stm2, b1c, wa, wb, bout)
    return y.reshape(B)


def kernel(feats_w, feats_b, stm, emb, b1, W_out, b_out):
    def _side(f):
        f3 = f.astype(jnp.int32).reshape(NCH, CL, K).transpose(0, 2, 1)
        return jnp.concatenate(
            [f3, jnp.zeros((NCH, KP - K, CL), jnp.int32)], axis=1)
    idx2 = jnp.concatenate([_side(feats_w), _side(feats_b)],
                           axis=1).reshape(-1)
    emb_i32 = lax.bitcast_convert_type(
        emb.astype(jnp.bfloat16).reshape(V, H // 2, 2), jnp.int32)
    embT = jnp.concatenate(
        [emb_i32, jnp.zeros((VP - V, H // 2), jnp.int32)],
        axis=0).T.reshape(-1)
    w0 = W_out.reshape(2 * H).astype(jnp.float32)
    return _run(idx2, embT, stm.astype(jnp.int32).reshape(B // BT, 1, BT),
                b1.astype(jnp.float32).reshape(1, 1, H),
                w0[:H].reshape(1, 1, H), w0[H:].reshape(1, 1, H),
                jnp.broadcast_to(b_out.astype(jnp.float32),
                                 (8,)).reshape(1, 1, 8))

# --- scband reference (transcript-rebuilt; emitter-appended) ---
"""Pipeline reference for scband-nnue-net-80161269612685 (READ-ONLY COPY).

The authoritative reference and input builder live on the scoring server;
editing this copy changes nothing except your own understanding.
"""

import jax, jax.numpy as jnp
import numpy as np

B, K, V, H = 16384, 50, 100001, 256
CLAMP = 127.0


def setup_inputs(seed: int = 0) -> dict:
    key = jax.random.key(seed)
    k1, k2, k3, k4, k5 = jax.random.split(key, 5)
    feats_w = jax.random.randint(k1, (B, K), 0, V)
    feats_b = jax.random.randint(k2, (B, K), 0, V)
    stm = jax.random.randint(k3, (B,), 0, 2)
    emb = jax.random.uniform(k4, (V, H), minval=-0.01, maxval=0.01, dtype=jnp.float32)
    b1 = jnp.zeros((H,), dtype=jnp.float32)
    W_out = jax.random.uniform(k5, (1, 2 * H), minval=-0.001, maxval=0.001, dtype=jnp.float32)
    b_out = jnp.zeros((1,), dtype=jnp.float32)
    return {"feats_w": feats_w, "feats_b": feats_b, "stm": stm,
            "emb": emb, "b1": b1, "W_out": W_out, "b_out": b_out}


def reference(feats_w, feats_b, stm, emb, b1, W_out, b_out):
    # acc = b1 + sum of embedding rows for each perspective
    acc_w = b1 + jnp.take(emb, feats_w, axis=0).sum(axis=1)
    acc_b = b1 + jnp.take(emb, feats_b, axis=0).sum(axis=1)
    stm_is_white = (stm == 0)[:, None]
    acc_stm = jnp.where(stm_is_white, acc_w, acc_b)
    acc_nstm = jnp.where(stm_is_white, acc_b, acc_w)
    x = jnp.concatenate([acc_stm, acc_nstm], axis=1)
    x = jnp.clip(x, 0.0, CLAMP)
    y = (x @ W_out.T + b_out)[:, 0]
    return y

if __name__ == "__main__":
    import jax
    _d = setup_inputs()
    print(jax.jit(kernel)(*tuple(_d.values())))

</pallas_src>

<mosaic_0001>
#map = affine_map<(d0, d1) -> (0)>
module attributes {stable_mosaic.version = 14 : i64} {
  func.func @_sc_body(%arg0: i32, %arg1: i32, %arg2: memref<1835008xi32, #tpu.memory_space<hbm>>, %arg3: memref<12801024xi32, #tpu.memory_space<hbm>>, %arg4: memref<8388608xf32, #tpu.memory_space<hbm>>, %arg5: memref<100008xi32, #tpu.memory_space<vmem>>, %arg6: memref<7168xi32, #tpu.memory_space<vmem>>, %arg7: memref<7168xi32, #tpu.memory_space<vmem>>, %arg8: memref<2048xf32, #tpu.memory_space<vmem>>, %arg9: memref<2048xf32, #tpu.memory_space<vmem>>, %arg10: memref<!tpu.dma_semaphore, #tpu.memory_space<semaphore_mem>>, %arg11: memref<!tpu.dma_semaphore, #tpu.memory_space<semaphore_mem>>, %arg12: memref<!tpu.dma_semaphore, #tpu.memory_space<semaphore_mem>>) attributes {dimension_semantics = [#tpu.dimension_semantics<core_parallel>, #tpu.dimension_semantics<subcore_parallel>], iteration_bounds = array<i64: 2, 16>, scalar_prefetch = 0 : i64, scratch_operands = 8 : i64, tpu.core_type = #tpu.core_type<sc_vector_subcore>, window_params = [{transform_indices = #map}, {transform_indices = #map}, {transform_indices = #map}]} {
    %mul3A = arith.constant 2 : i32
    %mul3A_0 = arith.muli %arg1, %mul3A : i32
    %add3A = arith.addi %mul3A_0, %arg0 : i32
    %broadcast_in_dim3A = arith.constant 0.000000e+00 : f32
    %broadcast_in_dim3A_1 = vector.broadcast %broadcast_in_dim3A : f32 to vector<16xf32>
    %scan3A = arith.constant 0 : i32
    %scan3A_2 = arith.constant 0 : i32
    %scan3A_3 = arith.constant 8 : i32
    %scan3A_4 = arith.addi %scan3A_2, %scan3A_3 : i32
    %scan3A_5 = arith.constant 1 : i32
    %scan3A_6 = scf.for %scan3A_8 = %scan3A_2 to %scan3A_4 step %scan3A_5 iter_args(%scan3A_9 = %scan3A) -> (i32)  : i32 {
      %jit3A = arith.constant 2 : i32
      %div3A = arith.divsi %scan3A_8, %jit3A : i32
      %sign3A = arith.constant 0 : i32
      %sign3A_10 = arith.cmpi sgt, %scan3A_8, %sign3A : i32
      %sign3A_11 = arith.extui %sign3A_10 : i1 to i32
      %sign3A_12 = arith.constant 0 : i32
      %sign3A_13 = arith.cmpi slt, %scan3A_8, %sign3A_12 : i32
      %sign3A_14 = arith.extui %sign3A_13 : i1 to i32
      %sign3A_15 = arith.subi %sign3A_11, %sign3A_14 : i32
      %sign3A_16 = arith.constant 0 : i32
      %sign3A_17 = arith.cmpi sgt, %jit3A, %sign3A_16 : i32
      %sign3A_18 = arith.extui %sign3A_17 : i1 to i32
      %sign3A_19 = arith.constant 0 : i32
      %sign3A_20 = arith.cmpi slt, %jit3A, %sign3A_19 : i32
      %sign3A_21 = arith.extui %sign3A_20 : i1 to i32
      %sign3A_22 = arith.subi %sign3A_18, %sign3A_21 : i32
      %ne3A = arith.cmpi ne, %sign3A_15, %sign3A_22 : i32
      %rem3A = arith.remsi %scan3A_8, %jit3A : i32
      %ne3A_23 = arith.constant 0 : i32
      %ne3A_24 = arith.cmpi ne, %rem3A, %ne3A_23 : i32
      %and3A = arith.andi %ne3A, %ne3A_24 : i1
      %sub3A = arith.constant 1 : i32
      %sub3A_25 = arith.subi %div3A, %sub3A : i32
      %select_n3A = arith.select %and3A, %sub3A_25, %div3A : i32
      %mul3A_26 = arith.constant 32 : i32
      %mul3A_27 = arith.muli %select_n3A, %mul3A_26 : i32
      %add3A_28 = arith.addi %mul3A_27, %add3A : i32
      %rem3A_29 = arith.constant 2 : i32
      %rem3A_30 = arith.remsi %scan3A_8, %rem3A_29 : i32
      %mul3A_31 = arith.constant 56 : i32
      %mul3A_32 = arith.muli %rem3A_30, %mul3A_31 : i32
      %mul3A_33 = arith.constant 100008 : i32
      %mul3A_34 = arith.muli %add3A_28, %mul3A_33 : i32
      %dma_start3A = tpu.memref_slice %arg3[%mul3A_34] : memref<12801024xi32, #tpu.memory_space<hbm>> -> memref<100008xi32, #tpu.memory_space<hbm>>
      %dma_start3A_35 = tpu.memref_slice %arg3[%mul3A_34] : memref<12801024xi32, #tpu.memory_space<hbm>> -> memref<100008xi32, #tpu.memory_space<hbm>>
      tpu.enqueue_dma source(%dma_start3A_35 : memref<100008xi32, #tpu.memory_space<hbm>>) target(%arg5 : memref<100008xi32, #tpu.memory_space<vmem>>) target_semaphore(%arg10 : memref<!tpu.dma_semaphore, #tpu.memory_space<semaphore_mem>>)
      %dma_wait3A = tpu.memref_slice %arg3[%mul3A_34] : memref<12801024xi32, #tpu.memory_space<hbm>> -> memref<100008xi32, #tpu.memory_space<hbm>>
      %dma_wait3A_36 = tpu.memref_slice %arg3[%mul3A_34] : memref<12801024xi32, #tpu.memory_space<hbm>> -> memref<100008xi32, #tpu.memory_space<hbm>>
      tpu.wait_dma2 semaphore(%arg10 : memref<!tpu.dma_semaphore, #tpu.memory_space<semaphore_mem>>) src(%dma_wait3A_36 : memref<100008xi32, #tpu.memory_space<hbm>>) dst(%arg5 : memref<100008xi32, #tpu.memory_space<vmem>>)
      %add3A_37 = arith.constant 0 : i32
      %add3A_38 = arith.addi %add3A_37, %mul3A_32 : i32
      %mul3A_39 = arith.constant 128 : i32
      %mul3A_40 = arith.muli %add3A_38, %mul3A_39 : i32
      %dma_start3A_41 = tpu.memref_slice %arg2[%mul3A_40] : memref<1835008xi32, #tpu.memory_space<hbm>> -> memref<7168xi32, #tpu.memory_space<hbm>>
      %dma_start3A_42 = tpu.memref_slice %arg2[%mul3A_40] : memref<1835008xi32, #tpu.memory_space<hbm>> -> memref<7168xi32, #tpu.memory_space<hbm>>
      tpu.enqueue_dma source(%dma_start3A_42 : memref<7168xi32, #tpu.memory_space<hbm>>) target(%arg6 : memref<7168xi32, #tpu.memory_space<vmem>>) target_semaphore(%arg11 : memref<!tpu.dma_semaphore, #tpu.memory_space<semaphore_mem>>)
      %scan3A_43 = arith.constant 0 : i32
      %scan3A_44 = arith.constant 0 : i32
      %scan3A_45 = arith.constant 64 : i32
      %scan3A_46 = arith.addi %scan3A_44, %scan3A_45 : i32
      %scan3A_47 = arith.constant 1 : i32
      %scan3A_48 = scf.for %scan3A_51 = %scan3A_44 to %scan3A_46 step %scan3A_47 iter_args(%scan3A_52 = %scan3A_43) -> (i32)  : i32 {
        %mul3A_53 = arith.constant 2 : i32
        %mul3A_54 = arith.muli %mul3A_53, %scan3A_51 : i32
        %add3A_55 = arith.constant 1 : i32
        %add3A_56 = arith.addi %mul3A_54, %add3A_55 : i32
        %mul3A_57 = arith.constant 2 : i32
        %mul3A_58 = arith.muli %add3A_56, %mul3A_57 : i32
        %mul3A_59 = arith.constant 56 : i32
        %mul3A_60 = arith.muli %mul3A_58, %mul3A_59 : i32
        %add3A_61 = arith.addi %mul3A_60, %mul3A_32 : i32
        %mul3A_62 = arith.constant 128 : i32
        %mul3A_63 = arith.muli %add3A_61, %mul3A_62 : i32
        %dma_start3A_64 = tpu.memref_slice %arg2[%mul3A_63] : memref<1835008xi32, #tpu.memory_space<hbm>> -> memref<7168xi32, #tpu.memory_space<hbm>>
        %dma_start3A_65 = tpu.memref_slice %arg2[%mul3A_63] : memref<1835008xi32, #tpu.memory_space<hbm>> -> memref<7168xi32, #tpu.memory_space<hbm>>
        tpu.enqueue_dma source(%dma_start3A_65 : memref<7168xi32, #tpu.memory_space<hbm>>) target(%arg7 : memref<7168xi32, #tpu.memory_space<vmem>>) target_semaphore(%arg12 : memref<!tpu.dma_semaphore, #tpu.memory_space<semaphore_mem>>)
        %dma_wait3A_66 = arith.constant 0 : i32
        %dma_wait3A_67 = tpu.memref_slice %arg2[%dma_wait3A_66] : memref<1835008xi32, #tpu.memory_space<hbm>> -> memref<7168xi32, #tpu.memory_space<hbm>>
        %dma_wait3A_68 = arith.constant 0 : i32
        %dma_wait3A_69 = tpu.memref_slice %arg2[%dma_wait3A_68] : memref<1835008xi32, #tpu.memory_space<hbm>> -> memref<7168xi32, #tpu.memory_space<hbm>>
        tpu.wait_dma2 semaphore(%arg11 : memref<!tpu.dma_semaphore, #tpu.memory_space<semaphore_mem>>) src(%dma_wait3A_69 : memref<7168xi32, #tpu.memory_space<hbm>>) dst(%arg6 : memref<7168xi32, #tpu.memory_space<vmem>>)
        %scan3A_70 = arith.constant 0 : i32
        %scan3A_71 = arith.constant 50 : i32
        %scan3A_72 = arith.addi %scan3A_70, %scan3A_71 : i32
        %scan3A_73 = arith.constant 10 : i32
        %scan3A_74:2 = scf.for %scan3A_342 = %scan3A_70 to %scan3A_72 step %scan3A_73 iter_args(%scan3A_343 = %broadcast_in_dim3A_1, %scan3A_344 = %broadcast_in_dim3A_1) -> (vector<16xf32>, vector<16xf32>)  : i32 {
          %mul3A_345 = arith.constant 128 : i32
          %mul3A_346 = arith.muli %scan3A_342, %mul3A_345 : i32
          %add3A_347 = arith.constant 0 : i32
          %add3A_348 = arith.addi %mul3A_346, %add3A_347 : i32
          %get3A = arith.index_cast %add3A_348 : i32 to index
          %get3A_349 = tpu.vector_load %arg6[%get3A] {strides = array<i32>} : memref<7168xi32, #tpu.memory_space<vmem>>, vector<16xi32>,
          %gather3A = tpu.vector_load_idx %arg5[%get3A_349] : memref<100008xi32, #tpu.memory_space<vmem>>[vector<16xi32>], vector<16xi32>,
          %shift_left3A = arith.constant 16 : i32
          %shift_left3A_350 = vector.broadcast %shift_left3A : i32 to vector<16xi32>
          %shift_left3A_351 = arith.shli %gather3A, %shift_left3A_350 : vector<16xi32>
          %bitcast3A = vector.bitcast %shift_left3A_351 : vector<16xi32> to vector<16xf32>
          %and3A_352 = arith.constant -65536 : i32
          %and3A_353 = vector.broadcast %and3A_352 : i32 to vector<16xi32>
          %and3A_354 = arith.andi %gather3A, %and3A_353 : vector<16xi32>
          %bitcast3A_355 = vector.bitcast %and3A_354 : vector<16xi32> to vector<16xf32>
          %add3A_356 = arith.addf %scan3A_343, %bitcast3A : vector<16xf32>
          %add3A_357 = arith.addf %scan3A_344, %bitcast3A_355 : vector<16xf32>
          %scan3A_358 = arith.constant 1 : i32
          %scan3A_359 = arith.addi %scan3A_342, %scan3A_358 : i32
          %mul3A_360 = arith.constant 128 : i32
          %mul3A_361 = arith.muli %scan3A_359, %mul3A_360 : i32
          %add3A_362 = arith.constant 0 : i32
          %add3A_363 = arith.addi %mul3A_361, %add3A_362 : i32
          %get3A_364 = arith.index_cast %add3A_363 : i32 to index
          %get3A_365 = tpu.vector_load %arg6[%get3A_364] {strides = array<i32>} : memref<7168xi32, #tpu.memory_space<vmem>>, vector<16xi32>,
          %gather3A_366 = tpu.vector_load_idx %arg5[%get3A_365] : memref<100008xi32, #tpu.memory_space<vmem>>[vector<16xi32>], vector<16xi32>,
          %shift_left3A_367 = arith.constant 16 : i32
          %shift_left3A_368 = vector.broadcast %shift_left3A_367 : i32 to vector<16xi32>
          %shift_left3A_369 = arith.shli %gather3A_366, %shift_left3A_368 : vector<16xi32>
          %bitcast3A_370 = vector.bitcast %shift_left3A_369 : vector<16xi32> to vector<16xf32>
          %and3A_371 = arith.constant -65536 : i32
          %and3A_372 = vector.broadcast %and3A_371 : i32 to vector<16xi32>
          %and3A_373 = arith.andi %gather3A_366, %and3A_372 : vector<16xi32>
          %bitcast3A_374 = vector.bitcast %and3A_373 : vector<16xi32> to vector<16xf32>
          %add3A_375 = arith.addf %add3A_356, %bitcast3A_370 : vector<16xf32>
          %add3A_376 = arith.addf %add3A_357, %bitcast3A_374 : vector<16xf32>
          %scan3A_377 = arith.constant 2 : i32
          %scan3A_378 = arith.addi %scan3A_342, %scan3A_377 : i32
          %mul3A_379 = arith.constant 128 : i32
          %mul3A_380 = arith.muli %scan3A_378, %mul3A_379 : i32
          %add3A_381 = arith.constant 0 : i32
          %add3A_382 = arith.addi %mul3A_380, %add3A_381 : i32
          %get3A_383 = arith.index_cast %add3A_382 : i32 to index
          %get3A_384 = tpu.vector_load %arg6[%get3A_383] {strides = array<i32>} : memref<7168xi32, #tpu.memory_space<vmem>>, vector<16xi32>,
          %gather3A_385 = tpu.vector_load_idx %arg5[%get3A_384] : memref<100008xi32, #tpu.memory_space<vmem>>[vector<16xi32>], vector<16xi32>,
          %shift_left3A_386 = arith.constant 16 : i32
          %shift_left3A_387 = vector.broadcast %shift_left3A_386 : i32 to vector<16xi32>
          %shift_left3A_388 = arith.shli %gather3A_385, %shift_left3A_387 : vector<16xi32>
          %bitcast3A_389 = vector.bitcast %shift_left3A_388 : vector<16xi32> to vector<16xf32>
          %and3A_390 = arith.constant -65536 : i32
          %and3A_391 = vector.broadcast %and3A_390 : i32 to vector<16xi32>
          %and3A_392 = arith.andi %gather3A_385, %and3A_391 : vector<16xi32>
          %bitcast3A_393 = vector.bitcast %and3A_392 : vector<16xi32> to vector<16xf32>
          %add3A_394 = arith.addf %add3A_375, %bitcast3A_389 : vector<16xf32>
          %add3A_395 = arith.addf %add3A_376, %bitcast3A_393 : vector<16xf32>
          %scan3A_396 = arith.constant 3 : i32
          %scan3A_397 = arith.addi %scan3A_342, %scan3A_396 : i32
          %mul3A_398 = arith.constant 128 : i32
          %mul3A_399 = arith.muli %scan3A_397, %mul3A_398 : i32
          %add3A_400 = arith.constant 0 : i32
          %add3A_401 = arith.addi %mul3A_399, %add3A_400 : i32
          %get3A_402 = arith.index_cast %add3A_401 : i32 to index
          %get3A_403 = tpu.vector_load %arg6[%get3A_402] {strides = array<i32>} : memref<7168xi32, #tpu.memory_space<vmem>>, vector<16xi32>,
          %gather3A_404 = tpu.vector_load_idx %arg5[%get3A_403] : memref<100008xi32, #tpu.memory_space<vmem>>[vector<16xi32>], vector<16xi32>,
          %shift_left3A_405 = arith.constant 16 : i32
          %shift_left3A_406 = vector.broadcast %shift_left3A_405 : i32 to vector<16xi32>
          %shift_left3A_407 = arith.shli %gather3A_404, %shift_left3A_406 : vector<16xi32>
          %bitcast3A_408 = vector.bitcast %shift_left3A_407 : vector<16xi32> to vector<16xf32>
          %and3A_409 = arith.constant -65536 : i32
          %and3A_410 = vector.broadcast %and3A_409 : i32 to vector<16xi32>
          %and3A_411 = arith.andi %gather3A_404, %and3A_410 : vector<16xi32>
          %bitcast3A_412 = vector.bitcast %and3A_411 : vector<16xi32> to vector<16xf32>
          %add3A_413 = arith.addf %add3A_394, %bitcast3A_408 : vector<16xf32>
          %add3A_414 = arith.addf %add3A_395, %bitcast3A_412 : vector<16xf32>
          %scan3A_415 = arith.constant 4 : i32
          %scan3A_416 = arith.addi %scan3A_342, %scan3A_415 : i32
          %mul3A_417 = arith.constant 128 : i32
          %mul3A_418 = arith.muli %scan3A_416, %mul3A_417 : i32
          %add3A_419 = arith.constant 0 : i32
          %add3A_420 = arith.addi %mul3A_418, %add3A_419 : i32
          %get3A_421 = arith.index_cast %add3A_420 : i32 to index
          %get3A_422 = tpu.vector_load %arg6[%get3A_421] {strides = array<i32>} : memref<7168xi32, #tpu.memory_space<vmem>>, vector<16xi32>,
          %gather3A_423 = tpu.vector_load_idx %arg5[%get3A_422] : memref<100008xi32, #tpu.memory_space<vmem>>[vector<16xi32>], vector<16xi32>,
          %shift_left3A_424 = arith.constant 16 : i32
          %shift_left3A_425 = vector.broadcast %shift_left3A_424 : i32 to vector<16xi32>
          %shift_left3A_426 = arith.shli %gather3A_423, %shift_left3A_425 : vector<16xi32>
          %bitcast3A_427 = vector.bitcast %shift_left3A_426 : vector<16xi32> to vector<16xf32>
          %and3A_428 = arith.constant -65536 : i32
          %and3A_429 = vector.broadcast %and3A_428 : i32 to vector<16xi32>
          %and3A_430 = arith.andi %gather3A_423, %and3A_429 : vector<16xi32>
          %bitcast3A_431 = vector.bitcast %and3A_430 : vector<16xi32> to vector<16xf32>
          %add3A_432 = arith.addf %add3A_413, %bitcast3A_427 : vector<16xf32>
          %add3A_433 = arith.addf %add3A_414, %bitcast3A_431 : vector<16xf32>
          %scan3A_434 = arith.constant 5 : i32
          %scan3A_435 = arith.addi %scan3A_342, %scan3A_434 : i32
          %mul3A_436 = arith.constant 128 : i32
          %mul3A_437 = arith.muli %scan3A_435, %mul3A_436 : i32
          %add3A_438 = arith.constant 0 : i32
          %add3A_439 = arith.addi %mul3A_437, %add3A_438 : i32
          %get3A_440 = arith.index_cast %add3A_439 : i32 to index
          %get3A_441 = tpu.vector_load %arg6[%get3A_440] {strides = array<i32>} : memref<7168xi32, #tpu.memory_space<vmem>>, vector<16xi32>,
          %gather3A_442 = tpu.vector_load_idx %arg5[%get3A_441] : memref<100008xi32, #tpu.memory_space<vmem>>[vector<16xi32>], vector<16xi32>,
          %shift_left3A_443 = arith.constant 16 : i32
          %shift_left3A_444 = vector.broadcast %shift_left3A_443 : i32 to vector<16xi32>
          %shift_left3A_445 = arith.shli %gather3A_442, %shift_left3A_444 : vector<16xi32>
          %bitcast3A_446 = vector.bitcast %shift_left3A_445 : vector<16xi32> to vector<16xf32>
          %and3A_447 = arith.constant -65536 : i32
          %and3A_448 = vector.broadcast %and3A_447 : i32 to vector<16xi32>
          %and3A_449 = arith.andi %gather3A_442, %and3A_448 : vector<16xi32>
          %bitcast3A_450 = vector.bitcast %and3A_449 : vector<16xi32> to vector<16xf32>
          %add3A_451 = arith.addf %add3A_432, %bitcast3A_446 : vector<16xf32>
          %add3A_452 = arith.addf %add3A_433, %bitcast3A_450 : vector<16xf32>
          %scan3A_453 = arith.constant 6 : i32
          %scan3A_454 = arith.addi %scan3A_342, %scan3A_453 : i32
          %mul3A_455 = arith.constant 128 : i32
          %mul3A_456 = arith.muli %scan3A_454, %mul3A_455 : i32
          %add3A_457 = arith.constant 0 : i32
          %add3A_458 = arith.addi %mul3A_456, %add3A_457 : i32
          %get3A_459 = arith.index_cast %add3A_458 : i32 to index
          %get3A_460 = tpu.vector_load %arg6[%get3A_459] {strides = array<i32>} : memref<7168xi32, #tpu.memory_space<vmem>>, vector<16xi32>,
          %gather3A_461 = tpu.vector_load_idx %arg5[%get3A_460] : memref<100008xi32, #tpu.memory_space<vmem>>[vector<16xi32>], vector<16xi32>,
          %shift_left3A_462 = arith.constant 16 : i32
          %shift_left3A_463 = vector.broadcast %shift_left3A_462 : i32 to vector<16xi32>
          %shift_left3A_464 = arith.shli %gather3A_461, %shift_left3A_463 : vector<16xi32>
          %bitcast3A_465 = vector.bitcast %shift_left3A_464 : vector<16xi32> to vector<16xf32>
          %and3A_466 = arith.constant -65536 : i32
          %and3A_467 = vector.broadcast %and3A_466 : i32 to vector<16xi32>
          %and3A_468 = arith.andi %gather3A_461, %and3A_467 : vector<16xi32>
          %bitcast3A_469 = vector.bitcast %and3A_468 : vector<16xi32> to vector<16xf32>
          %add3A_470 = arith.addf %add3A_451, %bitcast3A_465 : vector<16xf32>
          %add3A_471 = arith.addf %add3A_452, %bitcast3A_469 : vector<16xf32>
          %scan3A_472 = arith.constant 7 : i32
          %scan3A_473 = arith.addi %scan3A_342, %scan3A_472 : i32
          %mul3A_474 = arith.constant 128 : i32
          %mul3A_475 = arith.muli %scan3A_473, %mul3A_474 : i32
          %add3A_476 = arith.constant 0 : i32
          %add3A_477 = arith.addi %mul3A_475, %add3A_476 : i32
          %get3A_478 = arith.index_cast %add3A_477 : i32 to index
          %get3A_479 = tpu.vector_load %arg6[%get3A_478] {strides = array<i32>} : memref<7168xi32, #tpu.memory_space<vmem>>, vector<16xi32>,
          %gather3A_480 = tpu.vector_load_idx %arg5[%get3A_479] : memref<100008xi32, #tpu.memory_space<vmem>>[vector<16xi32>], vector<16xi32>,
          %shift_left3A_481 = arith.constant 16 : i32
          %shift_left3A_482 = vector.broadcast %shift_left3A_481 : i32 to vector<16xi32>
          %shift_left3A_483 = arith.shli %gather3A_480, %shift_left3A_482 : vector<16xi32>
          %bitcast3A_484 = vector.bitcast %shift_left3A_483 : vector<16xi32> to vector<16xf32>
          %and3A_485 = arith.constant -65536 : i32
          %and3A_486 = vector.broadcast %and3A_485 : i32 to vector<16xi32>
          %and3A_487 = arith.andi %gather3A_480, %and3A_486 : vector<16xi32>
          %bitcast3A_488 = vector.bitcast %and3A_487 : vector<16xi32> to vector<16xf32>
          %add3A_489 = arith.addf %add3A_470, %bitcast3A_484 : vector<16xf32>
          %add3A_490 = arith.addf %add3A_471, %bitcast3A_488 : vector<16xf32>
          %scan3A_491 = arith.constant 8 : i32
          %scan3A_492 = arith.addi %scan3A_342, %scan3A_491 : i32
          %mul3A_493 = arith.constant 128 : i32
          %mul3A_494 = arith.muli %scan3A_492, %mul3A_493 : i32
          %add3A_495 = arith.constant 0 : i32
          %add3A_496 = arith.addi %mul3A_494, %add3A_495 : i32
          %get3A_497 = arith.index_cast %add3A_496 : i32 to index
          %get3A_498 = tpu.vector_load %arg6[%get3A_497] {strides = array<i32>} : memref<7168xi32, #tpu.memory_space<vmem>>, vector<16xi32>,
          %gather3A_499 = tpu.vector_load_idx %arg5[%get3A_498] : memref<100008xi32, #tpu.memory_space<vmem>>[vector<16xi32>], vector<16xi32>,
          %shift_left3A_500 = arith.constant 16 : i32
          %shift_left3A_501 = vector.broadcast %shift_left3A_500 : i32 to vector<16xi32>
          %shift_left3A_502 = arith.shli %gather3A_499, %shift_left3A_501 : vector<16xi32>
          %bitcast3A_503 = vector.bitcast %shift_left3A_502 : vector<16xi32> to vector<16xf32>
          %and3A_504 = arith.constant -65536 : i32
          %and3A_505 = vector.broadcast %and3A_504 : i32 to vector<16xi32>
          %and3A_506 = arith.andi %gather3A_499, %and3A_505 : vector<16xi32>
          %bitcast3A_507 = vector.bitcast %and3A_506 : vector<16xi32> to vector<16xf32>
          %add3A_508 = arith.addf %add3A_489, %bitcast3A_503 : vector<16xf32>
          %add3A_509 = arith.addf %add3A_490, %bitcast3A_507 : vector<16xf32>
          %scan3A_510 = arith.constant 9 : i32
          %scan3A_511 = arith.addi %scan3A_342, %scan3A_510 : i32
          %mul3A_512 = arith.constant 128 : i32
          %mul3A_513 = arith.muli %scan3A_511, %mul3A_512 : i32
          %add3A_514 = arith.constant 0 : i32
          %add3A_515 = arith.addi %mul3A_513, %add3A_514 : i32
          %get3A_516 = arith.index_cast %add3A_515 : i32 to index
          %get3A_517 = tpu.vector_load %arg6[%get3A_516] {strides = array<i32>} : memref<7168xi32, #tpu.memory_space<vmem>>, vector<16xi32>,
          %gather3A_518 = tpu.vector_load_idx %arg5[%get3A_517] : memref<100008xi32, #tpu.memory_space<vmem>>[vector<16xi32>], vector<16xi32>,
          %shift_left3A_519 = arith.constant 16 : i32
          %shift_left3A_520 = vector.broadcast %shift_left3A_519 : i32 to vector<16xi32>
          %shift_left3A_521 = arith.shli %gather3A_518, %shift_left3A_520 : vector<16xi32>
          %bitcast3A_522 = vector.bitcast %shift_left3A_521 : vector<16xi32> to vector<16xf32>
          %and3A_523 = arith.constant -65536 : i32
          %and3A_524 = vector.broadcast %and3A_523 : i32 to vector<16xi32>
          %and3A_525 = arith.andi %gather3A_518, %and3A_524 : vector<16xi32>
          %bitcast3A_526 = vector.bitcast %and3A_525 : vector<16xi32> to vector<16xf32>
          %add3A_527 = arith.addf %add3A_508, %bitcast3A_522 : vector<16xf32>
          %add3A_528 = arith.addf %add3A_509, %bitcast3A_526 : vector<16xf32>
          scf.yield %add3A_527, %add3A_528 : vector<16xf32>, vector<16xf32>
        }
        %scan3A_75 = arith.constant 50 : i32
        %rem3A_76 = arith.constant 16 : i32
        %rem3A_77 = arith.remsi %mul3A_54, %rem3A_76 : i32
        %mul3A_78 = arith.constant 128 : i32
        %mul3A_79 = arith.muli %rem3A_77, %mul3A_78 : i32
        %add3A_80 = arith.constant 0 : i32
        %add3A_81 = arith.addi %mul3A_79, %add3A_80 : i32
        %swap3A = arith.index_cast %add3A_81 : i32 to index
        %swap3A_82 = tpu.vector_load %arg8[%swap3A] {strides = array<i32>} : memref<2048xf32, #tpu.memory_space<vmem>>, vector<16xf32>,
        tpu.vector_store %arg8[%swap3A], %scan3A_74#0 {strides = array<i32>} : memref<2048xf32, #tpu.memory_space<vmem>>, vector<16xf32>,
        %swap3A_83 = arith.index_cast %add3A_81 : i32 to index
        %swap3A_84 = tpu.vector_load %arg9[%swap3A_83] {strides = array<i32>} : memref<2048xf32, #tpu.memory_space<vmem>>, vector<16xf32>,
        tpu.vector_store %arg9[%swap3A_83], %scan3A_74#1 {strides = array<i32>} : memref<2048xf32, #tpu.memory_space<vmem>>, vector<16xf32>,
        %scan3A_85 = arith.constant 0 : i32
        %scan3A_86 = arith.constant 50 : i32
        %scan3A_87 = arith.addi %scan3A_85, %scan3A_86 : i32
        %scan3A_88 = arith.constant 10 : i32
        %scan3A_89:2 = scf.for %scan3A_342 = %scan3A_85 to %scan3A_87 step %scan3A_88 iter_args(%scan3A_343 = %broadcast_in_dim3A_1, %scan3A_344 = %broadcast_in_dim3A_1) -> (vector<16xf32>, vector<16xf32>)  : i32 {
          %mul3A_345 = arith.constant 128 : i32
          %mul3A_346 = arith.muli %scan3A_342, %mul3A_345 : i32
          %add3A_347 = arith.constant 16 : i32
          %add3A_348 = arith.addi %mul3A_346, %add3A_347 : i32
          %get3A = arith.index_cast %add3A_348 : i32 to index
          %get3A_349 = tpu.vector_load %arg6[%get3A] {strides = array<i32>} : memref<7168xi32, #tpu.memory_space<vmem>>, vector<16xi32>,
          %gather3A = tpu.vector_load_idx %arg5[%get3A_349] : memref<100008xi32, #tpu.memory_space<vmem>>[vector<16xi32>], vector<16xi32>,
          %shift_left3A = arith.constant 16 : i32
          %shift_left3A_350 = vector.broadcast %shift_left3A : i32 to vector<16xi32>
          %shift_left3A_351 = arith.shli %gather3A, %shift_left3A_350 : vector<16xi32>
          %bitcast3A = vector.bitcast %shift_left3A_351 : vector<16xi32> to vector<16xf32>
          %and3A_352 = arith.constant -65536 : i32
          %and3A_353 = vector.broadcast %and3A_352 : i32 to vector<16xi32>
          %and3A_354 = arith.andi %gather3A, %and3A_353 : vector<16xi32>
          %bitcast3A_355 = vector.bitcast %and3A_354 : vector<16xi32> to vector<16xf32>
          %add3A_356 = arith.addf %scan3A_343, %bitcast3A : vector<16xf32>
          %add3A_357 = arith.addf %scan3A_344, %bitcast3A_355 : vector<16xf32>
          %scan3A_358 = arith.constant 1 : i32
          %scan3A_359 = arith.addi %scan3A_342, %scan3A_358 : i32
          %mul3A_360 = arith.constant 128 : i32
          %mul3A_361 = arith.muli %scan3A_359, %mul3A_360 : i32
          %add3A_362 = arith.constant 16 : i32
          %add3A_363 = arith.addi %mul3A_361, %add3A_362 : i32
          %get3A_364 = arith.index_cast %add3A_363 : i32 to index
          %get3A_365 = tpu.vector_load %arg6[%get3A_364] {strides = array<i32>} : memref<7168xi32, #tpu.memory_space<vmem>>, vector<16xi32>,
          %gather3A_366 = tpu.vector_load_idx %arg5[%get3A_365] : memref<100008xi32, #tpu.memory_space<vmem>>[vector<16xi32>], vector<16xi32>,
          %shift_left3A_367 = arith.constant 16 : i32
          %shift_left3A_368 = vector.broadcast %shift_left3A_367 : i32 to vector<16xi32>
          %shift_left3A_369 = arith.shli %gather3A_366, %shift_left3A_368 : vector<16xi32>
          %bitcast3A_370 = vector.bitcast %shift_left3A_369 : vector<16xi32> to vector<16xf32>
          %and3A_371 = arith.constant -65536 : i32
          %and3A_372 = vector.broadcast %and3A_371 : i32 to vector<16xi32>
          %and3A_373 = arith.andi %gather3A_366, %and3A_372 : vector<16xi32>
          %bitcast3A_374 = vector.bitcast %and3A_373 : vector<16xi32> to vector<16xf32>
          %add3A_375 = arith.addf %add3A_356, %bitcast3A_370 : vector<16xf32>
          %add3A_376 = arith.addf %add3A_357, %bitcast3A_374 : vector<16xf32>
          %scan3A_377 = arith.constant 2 : i32
          %scan3A_378 = arith.addi %scan3A_342, %scan3A_377 : i32
          %mul3A_379 = arith.constant 128 : i32
          %mul3A_380 = arith.muli %scan3A_378, %mul3A_379 : i32
          %add3A_381 = arith.constant 16 : i32
          %add3A_382 = arith.addi %mul3A_380, %add3A_381 : i32
          %get3A_383 = arith.index_cast %add3A_382 : i32 to index
          %get3A_384 = tpu.vector_load %arg6[%get3A_383] {strides = array<i32>} : memref<7168xi32, #tpu.memory_space<vmem>>, vector<16xi32>,
          %gather3A_385 = tpu.vector_load_idx %arg5[%get3A_384] : memref<100008xi32, #tpu.memory_space<vmem>>[vector<16xi32>], vector<16xi32>,
          %shift_left3A_386 = arith.constant 16 : i32
          %shift_left3A_387 = vector.broadcast %shift_left3A_386 : i32 to vector<16xi32>
          %shift_left3A_388 = arith.shli %gather3A_385, %shift_left3A_387 : vector<16xi32>
          %bitcast3A_389 = vector.bitcast %shift_left3A_388 : vector<16xi32> to vector<16xf32>
          %and3A_390 = arith.constant -65536 : i32
          %and3A_391 = vector.broadcast %and3A_390 : i32 to vector<16xi32>
          %and3A_392 = arith.andi %gather3A_385, %and3A_391 : vector<16xi32>
          %bitcast3A_393 = vector.bitcast %and3A_392 : vector<16xi32> to vector<16xf32>
          %add3A_394 = arith.addf %add3A_375, %bitcast3A_389 : vector<16xf32>
          %add3A_395 = arith.addf %add3A_376, %bitcast3A_393 : vector<16xf32>
          %scan3A_396 = arith.constant 3 : i32
          %scan3A_397 = arith.addi %scan3A_342, %scan3A_396 : i32
          %mul3A_398 = arith.constant 128 : i32
          %mul3A_399 = arith.muli %scan3A_397, %mul3A_398 : i32
          %add3A_400 = arith.constant 16 : i32
          %add3A_401 = arith.addi %mul3A_399, %add3A_400 : i32
          %get3A_402 = arith.index_cast %add3A_401 : i32 to index
          %get3A_403 = tpu.vector_load %arg6[%get3A_402] {strides = array<i32>} : memref<7168xi32, #tpu.memory_space<vmem>>, vector<16xi32>,
          %gather3A_404 = tpu.vector_load_idx %arg5[%get3A_403] : memref<100008xi32, #tpu.memory_space<vmem>>[vector<16xi32>], vector<16xi32>,
          %shift_left3A_405 = arith.constant 16 : i32
          %shift_left3A_406 = vector.broadcast %shift_left3A_405 : i32 to vector<16xi32>
          %shift_left3A_407 = arith.shli %gather3A_404, %shift_left3A_406 : vector<16xi32>
          %bitcast3A_408 = vector.bitcast %shift_left3A_407 : vector<16xi32> to vector<16xf32>
          %and3A_409 = arith.constant -65536 : i32
          %and3A_410 = vector.broadcast %and3A_409 : i32 to vector<16xi32>
          %and3A_411 = arith.andi %gather3A_404, %and3A_410 : vector<16xi32>
          %bitcast3A_412 = vector.bitcast %and3A_411 : vector<16xi32> to vector<16xf32>
          %add3A_413 = arith.addf %add3A_394, %bitcast3A_408 : vector<16xf32>
          %add3A_414 = arith.addf %add3A_395, %bitcast3A_412 : vector<16xf32>
          %scan3A_415 = arith.constant 4 : i32
          %scan3A_416 = arith.addi %scan3A_342, %scan3A_415 : i32
          %mul3A_417 = arith.constant 128 : i32
          %mul3A_418 = arith.muli %scan3A_416, %mul3A_417 : i32
          %add3A_419 = arith.constant 16 : i32
          %add3A_420 = arith.addi %mul3A_418, %add3A_419 : i32
          %get3A_421 = arith.index_cast %add3A_420 : i32 to index
          %get3A_422 = tpu.vector_load %arg6[%get3A_421] {strides = array<i32>} : memref<7168xi32, #tpu.memory_space<vmem>>, vector<16xi32>,
          %gather3A_423 = tpu.vector_load_idx %arg5[%get3A_422] : memref<100008xi32, #tpu.memory_space<vmem>>[vector<16xi32>], vector<16xi32>,
          %shift_left3A_424 = arith.constant 16 : i32
          %shift_left3A_425 = vector.broadcast %shift_left3A_424 : i32 to vector<16xi32>
          %shift_left3A_426 = arith.shli %gather3A_423, %shift_left3A_425 : vector<16xi32>
          %bitcast3A_427 = vector.bitcast %shift_left3A_426 : vector<16xi32> to vector<16xf32>
          %and3A_428 = arith.constant -65536 : i32
          %and3A_429 = vector.broadcast %and3A_428 : i32 to vector<16xi32>
          %and3A_430 = arith.andi %gather3A_423, %and3A_429 : vector<16xi32>
          %bitcast3A_431 = vector.bitcast %and3A_430 : vector<16xi32> to vector<16xf32>
          %add3A_432 = arith.addf %add3A_413, %bitcast3A_427 : vector<16xf32>
          %add3A_433 = arith.addf %add3A_414, %bitcast3A_431 : vector<16xf32>
          %scan3A_434 = arith.constant 5 : i32
          %scan3A_435 = arith.addi %scan3A_342, %scan3A_434 : i32
          %mul3A_436 = arith.constant 128 : i32
          %mul3A_437 = arith.muli %scan3A_435, %mul3A_436 : i32
          %add3A_438 = arith.constant 16 : i32
          %add3A_439 = arith.addi %mul3A_437, %add3A_438 : i32
          %get3A_440 = arith.index_cast %add3A_439 : i32 to index
          %get3A_441 = tpu.vector_load %arg6[%get3A_440] {strides = array<i32>} : memref<7168xi32, #tpu.memory_space<vmem>>, vector<16xi32>,
          %gather3A_442 = tpu.vector_load_idx %arg5[%get3A_441] : memref<100008xi32, #tpu.memory_space<vmem>>[vector<16xi32>], vector<16xi32>,
          %shift_left3A_443 = arith.constant 16 : i32
          %shift_left3A_444 = vector.broadcast %shift_left3A_443 : i32 to vector<16xi32>
          %shift_left3A_445 = arith.shli %gather3A_442, %shift_left3A_444 : vector<16xi32>
          %bitcast3A_446 = vector.bitcast %shift_left3A_445 : vector<16xi32> to vector<16xf32>
          %and3A_447 = arith.constant -65536 : i32
          %and3A_448 = vector.broadcast %and3A_447 : i32 to vector<16xi32>
          %and3A_449 = arith.andi %gather3A_442, %and3A_448 : vector<16xi32>
          %bitcast3A_450 = vector.bitcast %and3A_449 : vector<16xi32> to vector<16xf32>
          %add3A_451 = arith.addf %add3A_432, %bitcast3A_446 : vector<16xf32>
          %add3A_452 = arith.addf %add3A_433, %bitcast3A_450 : vector<16xf32>
          %scan3A_453 = arith.constant 6 : i32
          %scan3A_454 = arith.addi %scan3A_342, %scan3A_453 : i32
          %mul3A_455 = arith.constant 128 : i32
          %mul3A_456 = arith.muli %scan3A_454, %mul3A_455 : i32
          %add3A_457 = arith.constant 16 : i32
          %add3A_458 = arith.addi %mul3A_456, %add3A_457 : i32
          %get3A_459 = arith.index_cast %add3A_458 : i32 to index
          %get3A_460 = tpu.vector_load %arg6[%get3A_459] {strides = array<i32>} : memref<7168xi32, #tpu.memory_space<vmem>>, vector<16xi32>,
          %gather3A_461 = tpu.vector_load_idx %arg5[%get3A_460] : memref<100008xi32, #tpu.memory_space<vmem>>[vector<16xi32>], vector<16xi32>,
          %shift_left3A_462 = arith.constant 16 : i32
          %shift_left3A_463 = vector.broadcast %shift_left3A_462 : i32 to vector<16xi32>
          %shift_left3A_464 = arith.shli %gather3A_461, %shift_left3A_463 : vector<16xi32>
          %bitcast3A_465 = vector.bitcast %shift_left3A_464 : vector<16xi32> to vector<16xf32>
          %and3A_466 = arith.constant -65536 : i32
          %and3A_467 = vector.broadcast %and3A_466 : i32 to vector<16xi32>
          %and3A_468 = arith.andi %gather3A_461, %and3A_467 : vector<16xi32>
          %bitcast3A_469 = vector.bitcast %and3A_468 : vector<16xi32> to vector<16xf32>
          %add3A_470 = arith.addf %add3A_451, %bitcast3A_465 : vector<16xf32>
          %add3A_471 = arith.addf %add3A_452, %bitcast3A_469 : vector<16xf32>
          %scan3A_472 = arith.constant 7 : i32
          %scan3A_473 = arith.addi %scan3A_342, %scan3A_472 : i32
          %mul3A_474 = arith.constant 128 : i32
          %mul3A_475 = arith.muli %scan3A_473, %mul3A_474 : i32
          %add3A_476 = arith.constant 16 : i32
          %add3A_477 = arith.addi %mul3A_475, %add3A_476 : i32
          %get3A_478 = arith.index_cast %add3A_477 : i32 to index
          %get3A_479 = tpu.vector_load %arg6[%get3A_478] {strides = array<i32>} : memref<7168xi32, #tpu.memory_space<vmem>>, vector<16xi32>,
          %gather3A_480 = tpu.vector_load_idx %arg5[%get3A_479] : memref<100008xi32, #tpu.memory_space<vmem>>[vector<16xi32>], vector<16xi32>,
          %shift_left3A_481 = arith.constant 16 : i32
          %shift_left3A_482 = vector.broadcast %shift_left3A_481 : i32 to vector<16xi32>
          %shift_left3A_483 = arith.shli %gather3A_480, %shift_left3A_482 : vector<16xi32>
          %bitcast3A_484 = vector.bitcast %shift_left3A_483 : vector<16xi32> to vector<16xf32>
          %and3A_485 = arith.constant -65536 : i32
          %and3A_486 = vector.broadcast %and3A_485 : i32 to vector<16xi32>
          %and3A_487 = arith.andi %gather3A_480, %and3A_486 : vector<16xi32>
          %bitcast3A_488 = vector.bitcast %and3A_487 : vector<16xi32> to vector<16xf32>
          %add3A_489 = arith.addf %add3A_470, %bitcast3A_484 : vector<16xf32>
          %add3A_490 = arith.addf %add3A_471, %bitcast3A_488 : vector<16xf32>
          %scan3A_491 = arith.constant 8 : i32
          %scan3A_492 = arith.addi %scan3A_342, %scan3A_491 : i32
          %mul3A_493 = arith.constant 128 : i32
          %mul3A_494 = arith.muli %scan3A_492, %mul3A_493 : i32
          %add3A_495 = arith.constant 16 : i32
          %add3A_496 = arith.addi %mul3A_494, %add3A_495 : i32
          %get3A_497 = arith.index_cast %add3A_496 : i32 to index
          %get3A_498 = tpu.vector_load %arg6[%get3A_497] {strides = array<i32>} : memref<7168xi32, #tpu.memory_space<vmem>>, vector<16xi32>,
          %gather3A_499 = tpu.vector_load_idx %arg5[%get3A_498] : memref<100008xi32, #tpu.memory_space<vmem>>[vector<16xi32>], vector<16xi32>,
          %shift_left3A_500 = arith.constant 16 : i32
          %shift_left3A_501 = vector.broadcast %shift_left3A_500 : i32 to vector<16xi32>
          %shift_left3A_502 = arith.shli %gather3A_499, %shift_left3A_501 : vector<16xi32>
          %bitcast3A_503 = vector.bitcast %shift_left3A_502 : vector<16xi32> to vector<16xf32>
          %and3A_504 = arith.constant -65536 : i32
          %and3A_505 = vector.broadcast %and3A_504 : i32 to vector<16xi32>
          %and3A_506 = arith.andi %gather3A_499, %and3A_505 : vector<16xi32>
          %bitcast3A_507 = vector.bitcast %and3A_506 : vector<16xi32> to vector<16xf32>
          %add3A_508 = arith.addf %add3A_489, %bitcast3A_503 : vector<16xf32>
          %add3A_509 = arith.addf %add3A_490, %bitcast3A_507 : vector<16xf32>
          %scan3A_510 = arith.constant 9 : i32
          %scan3A_511 = arith.addi %scan3A_342, %scan3A_510 : i32
          %mul3A_512 = arith.constant 128 : i32
          %mul3A_513 = arith.muli %scan3A_511, %mul3A_512 : i32
          %add3A_514 = arith.constant 16 : i32
          %add3A_515 = arith.addi %mul3A_513, %add3A_514 : i32
          %get3A_516 = arith.index_cast %add3A_515 : i32 to index
          %get3A_517 = tpu.vector_load %arg6[%get3A_516] {strides = array<i32>} : memref<7168xi32, #tpu.memory_space<vmem>>, vector<16xi32>,
          %gather3A_518 = tpu.vector_load_idx %arg5[%get3A_517] : memref<100008xi32, #tpu.memory_space<vmem>>[vector<16xi32>], vector<16xi32>,
          %shift_left3A_519 = arith.constant 16 : i32
          %shift_left3A_520 = vector.broadcast %shift_left3A_519 : i32 to vector<16xi32>
          %shift_left3A_521 = arith.shli %gather3A_518, %shift_left3A_520 : vector<16xi32>
          %bitcast3A_522 = vector.bitcast %shift_left3A_521 : vector<16xi32> to vector<16xf32>
          %and3A_523 = arith.constant -65536 : i32
          %and3A_524 = vector.broadcast %and3A_523 : i32 to vector<16xi32>
          %and3A_525 = arith.andi %gather3A_518, %and3A_524 : vector<16xi32>
          %bitcast3A_526 = vector.bitcast %and3A_525 : vector<16xi32> to vector<16xf32>
          %add3A_527 = arith.addf %add3A_508, %bitcast3A_522 : vector<16xf32>
          %add3A_528 = arith.addf %add3A_509, %bitcast3A_526 : vector<16xf32>
          scf.yield %add3A_527, %add3A_528 : vector<16xf32>, vector<16xf32>
        }
        %scan3A_90 = arith.constant 50 : i32
        %rem3A_91 = arith.constant 16 : i32
        %rem3A_92 = arith.remsi %mul3A_54, %rem3A_91 : i32
        %mul3A_93 = arith.constant 128 : i32
        %mul3A_94 = arith.muli %rem3A_92, %mul3A_93 : i32
        %add3A_95 = arith.constant 16 : i32
        %add3A_96 = arith.addi %mul3A_94, %add3A_95 : i32
        %swap3A_97 = arith.index_cast %add3A_96 : i32 to index
        %swap3A_98 = tpu.vector_load %arg8[%swap3A_97] {strides = array<i32>} : memref<2048xf32, #tpu.memory_space<vmem>>, vector<16xf32>,
        tpu.vector_store %arg8[%swap3A_97], %scan3A_89#0 {strides = array<i32>} : memref<2048xf32, #tpu.memory_space<vmem>>, vector<16xf32>,
        %swap3A_99 = arith.index_cast %add3A_96 : i32 to index
        %swap3A_100 = tpu.vector_load %arg9[%swap3A_99] {strides = array<i32>} : memref<2048xf32, #tpu.memory_space<vmem>>, vector<16xf32>,
        tpu.vector_store %arg9[%swap3A_99], %scan3A_89#1 {strides = array<i32>} : memref<2048xf32, #tpu.memory_space<vmem>>, vector<16xf32>,
        %scan3A_101 = arith.constant 0 : i32
        %scan3A_102 = arith.constant 50 : i32
        %scan3A_103 = arith.addi %scan3A_101, %scan3A_102 : i32
        %scan3A_104 = arith.constant 10 : i32
        %scan3A_105:2 = scf.for %scan3A_342 = %scan3A_101 to %scan3A_103 step %scan3A_104 iter_args(%scan3A_343 = %broadcast_in_dim3A_1, %scan3A_344 = %broadcast_in_dim3A_1) -> (vector<16xf32>, vector<16xf32>)  : i32 {
          %mul3A_345 = arith.constant 128 : i32
          %mul3A_346 = arith.muli %scan3A_342, %mul3A_345 : i32
          %add3A_347 = arith.constant 32 : i32
          %add3A_348 = arith.addi %mul3A_346, %add3A_347 : i32
          %get3A = arith.index_cast %add3A_348 : i32 to index
          %get3A_349 = tpu.vector_load %arg6[%get3A] {strides = array<i32>} : memref<7168xi32, #tpu.memory_space<vmem>>, vector<16xi32>,
          %gather3A = tpu.vector_load_idx %arg5[%get3A_349] : memref<100008xi32, #tpu.memory_space<vmem>>[vector<16xi32>], vector<16xi32>,
          %shift_left3A = arith.constant 16 : i32
          %shift_left3A_350 = vector.broadcast %shift_left3A : i32 to vector<16xi32>
          %shift_left3A_351 = arith.shli %gather3A, %shift_left3A_350 : vector<16xi32>
          %bitcast3A = vector.bitcast %shift_left3A_351 : vector<16xi32> to vector<16xf32>
          %and3A_352 = arith.constant -65536 : i32
          %and3A_353 = vector.broadcast %and3A_352 : i32 to vector<16xi32>
          %and3A_354 = arith.andi %gather3A, %and3A_353 : vector<16xi32>
          %bitcast3A_355 = vector.bitcast %and3A_354 : vector<16xi32> to vector<16xf32>
          %add3A_356 = arith.addf %scan3A_343, %bitcast3A : vector<16xf32>
          %add3A_357 = arith.addf %scan3A_344, %bitcast3A_355 : vector<16xf32>
          %scan3A_358 = arith.constant 1 : i32
          %scan3A_359 = arith.addi %scan3A_342, %scan3A_358 : i32
          %mul3A_360 = arith.constant 128 : i32
          %mul3A_361 = arith.muli %scan3A_359, %mul3A_360 : i32
          %add3A_362 = arith.constant 32 : i32
          %add3A_363 = arith.addi %mul3A_361, %add3A_362 : i32
          %get3A_364 = arith.index_cast %add3A_363 : i32 to index
          %get3A_365 = tpu.vector_load %arg6[%get3A_364] {strides = array<i32>} : memref<7168xi32, #tpu.memory_space<vmem>>, vector<16xi32>,
          %gather3A_366 = tpu.vector_load_idx %arg5[%get3A_365] : memref<100008xi32, #tpu.memory_space<vmem>>[vector<16xi32>], vector<16xi32>,
          %shift_left3A_367 = arith.constant 16 : i32
          %shift_left3A_368 = vector.broadcast %shift_left3A_367 : i32 to vector<16xi32>
          %shift_left3A_369 = arith.shli %gather3A_366, %shift_left3A_368 : vector<16xi32>
          %bitcast3A_370 = vector.bitcast %shift_left3A_369 : vector<16xi32> to vector<16xf32>
          %and3A_371 = arith.constant -65536 : i32
          %and3A_372 = vector.broadcast %and3A_371 : i32 to vector<16xi32>
          %and3A_373 = arith.andi %gather3A_366, %and3A_372 : vector<16xi32>
          %bitcast3A_374 = vector.bitcast %and3A_373 : vector<16xi32> to vector<16xf32>
          %add3A_375 = arith.addf %add3A_356, %bitcast3A_370 : vector<16xf32>
          %add3A_376 = arith.addf %add3A_357, %bitcast3A_374 : vector<16xf32>
          %scan3A_377 = arith.constant 2 : i32
          %scan3A_378 = arith.addi %scan3A_342, %scan3A_377 : i32
          %mul3A_379 = arith.constant 128 : i32
          %mul3A_380 = arith.muli %scan3A_378, %mul3A_379 : i32
          %add3A_381 = arith.constant 32 : i32
          %add3A_382 = arith.addi %mul3A_380, %add3A_381 : i32
          %get3A_383 = arith.index_cast %add3A_382 : i32 to index
          %get3A_384 = tpu.vector_load %arg6[%get3A_383] {strides = array<i32>} : memref<7168xi32, #tpu.memory_space<vmem>>, vector<16xi32>,
          %gather3A_385 = tpu.vector_load_idx %arg5[%get3A_384] : memref<100008xi32, #tpu.memory_space<vmem>>[vector<16xi32>], vector<16xi32>,
          %shift_left3A_386 = arith.constant 16 : i32
          %shift_left3A_387 = vector.broadcast %shift_left3A_386 : i32 to vector<16xi32>
          %shift_left3A_388 = arith.shli %gather3A_385, %shift_left3A_387 : vector<16xi32>
          %bitcast3A_389 = vector.bitcast %shift_left3A_388 : vector<16xi32> to vector<16xf32>
          %and3A_390 = arith.constant -65536 : i32
          %and3A_391 = vector.broadcast %and3A_390 : i32 to vector<16xi32>
          %and3A_392 = arith.andi %gather3A_385, %and3A_391 : vector<16xi32>
          %bitcast3A_393 = vector.bitcast %and3A_392 : vector<16xi32> to vector<16xf32>
          %add3A_394 = arith.addf %add3A_375, %bitcast3A_389 : vector<16xf32>
          %add3A_395 = arith.addf %add3A_376, %bitcast3A_393 : vector<16xf32>
          %scan3A_396 = arith.constant 3 : i32
          %scan3A_397 = arith.addi %scan3A_342, %scan3A_396 : i32
          %mul3A_398 = arith.constant 128 : i32
          %mul3A_399 = arith.muli %scan3A_397, %mul3A_398 : i32
          %add3A_400 = arith.constant 32 : i32
          %add3A_401 = arith.addi %mul3A_399, %add3A_400 : i32
          %get3A_402 = arith.index_cast %add3A_401 : i32 to index
          %get3A_403 = tpu.vector_load %arg6[%get3A_402] {strides = array<i32>} : memref<7168xi32, #tpu.memory_space<vmem>>, vector<16xi32>,
          %gather3A_404 = tpu.vector_load_idx %arg5[%get3A_403] : memref<100008xi32, #tpu.memory_space<vmem>>[vector<16xi32>], vector<16xi32>,
          %shift_left3A_405 = arith.constant 16 : i32
          %shift_left3A_406 = vector.broadcast %shift_left3A_405 : i32 to vector<16xi32>
          %shift_left3A_407 = arith.shli %gather3A_404, %shift_left3A_406 : vector<16xi32>
          %bitcast3A_408 = vector.bitcast %shift_left3A_407 : vector<16xi32> to vector<16xf32>
          %and3A_409 = arith.constant -65536 : i32
          %and3A_410 = vector.broadcast %and3A_409 : i32 to vector<16xi32>
          %and3A_411 = arith.andi %gather3A_404, %and3A_410 : vector<16xi32>
          %bitcast3A_412 = vector.bitcast %and3A_411 : vector<16xi32> to vector<16xf32>
          %add3A_413 = arith.addf %add3A_394, %bitcast3A_408 : vector<16xf32>
          %add3A_414 = arith.addf %add3A_395, %bitcast3A_412 : vector<16xf32>
          %scan3A_415 = arith.constant 4 : i32
          %scan3A_416 = arith.addi %scan3A_342, %scan3A_415 : i32
          %mul3A_417 = arith.constant 128 : i32
          %mul3A_418 = arith.muli %scan3A_416, %mul3A_417 : i32
          %add3A_419 = arith.constant 32 : i32
          %add3A_420 = arith.addi %mul3A_418, %add3A_419 : i32
          %get3A_421 = arith.index_cast %add3A_420 : i32 to index
          %get3A_422 = tpu.vector_load %arg6[%get3A_421] {strides = array<i32>} : memref<7168xi32, #tpu.memory_space<vmem>>, vector<16xi32>,
          %gather3A_423 = tpu.vector_load_idx %arg5[%get3A_422] : memref<100008xi32, #tpu.memory_space<vmem>>[vector<16xi32>], vector<16xi32>,
          %shift_left3A_424 = arith.constant 16 : i32
          %shift_left3A_425 = vector.broadcast %shift_left3A_424 : i32 to vector<16xi32>
          %shift_left3A_426 = arith.shli %gather3A_423, %shift_left3A_425 : vector<16xi32>
          %bitcast3A_427 = vector.bitcast %shift_left3A_426 : vector<16xi32> to vector<16xf32>
          %and3A_428 = arith.constant -65536 : i32
          %and3A_429 = vector.broadcast %and3A_428 : i32 to vector<16xi32>
          %and3A_430 = arith.andi %gather3A_423, %and3A_429 : vector<16xi32>
          %bitcast3A_431 = vector.bitcast %and3A_430 : vector<16xi32> to vector<16xf32>
          %add3A_432 = arith.addf %add3A_413, %bitcast3A_427 : vector<16xf32>
          %add3A_433 = arith.addf %add3A_414, %bitcast3A_431 : vector<16xf32>
          %scan3A_434 = arith.constant 5 : i32
          %scan3A_435 = arith.addi %scan3A_342, %scan3A_434 : i32
          %mul3A_436 = arith.constant 128 : i32
          %mul3A_437 = arith.muli %scan3A_435, %mul3A_436 : i32
          %add3A_438 = arith.constant 32 : i32
          %add3A_439 = arith.addi %mul3A_437, %add3A_438 : i32
          %get3A_440 = arith.index_cast %add3A_439 : i32 to index
          %get3A_441 = tpu.vector_load %arg6[%get3A_440] {strides = array<i32>} : memref<7168xi32, #tpu.memory_space<vmem>>, vector<16xi32>,
          %gather3A_442 = tpu.vector_load_idx %arg5[%get3A_441] : memref<100008xi32, #tpu.memory_space<vmem>>[vector<16xi32>], vector<16xi32>,
          %shift_left3A_443 = arith.constant 16 : i32
          %shift_left3A_444 = vector.broadcast %shift_left3A_443 : i32 to vector<16xi32>
          %shift_left3A_445 = arith.shli %gather3A_442, %shift_left3A_444 : vector<16xi32>
          %bitcast3A_446 = vector.bitcast %shift_left3A_445 : vector<16xi32> to vector<16xf32>
          %and3A_447 = arith.constant -65536 : i32
          %and3A_448 = vector.broadcast %and3A_447 : i32 to vector<16xi32>
          %and3A_449 = arith.andi %gather3A_442, %and3A_448 : vector<16xi32>
          %bitcast3A_450 = vector.bitcast %and3A_449 : vector<16xi32> to vector<16xf32>
          %add3A_451 = arith.addf %add3A_432, %bitcast3A_446 : vector<16xf32>
          %add3A_452 = arith.addf %add3A_433, %bitcast3A_450 : vector<16xf32>
          %scan3A_453 = arith.constant 6 : i32
          %scan3A_454 = arith.addi %scan3A_342, %scan3A_453 : i32
          %mul3A_455 = arith.constant 128 : i32
          %mul3A_456 = arith.muli %scan3A_454, %mul3A_455 : i32
          %add3A_457 = arith.constant 32 : i32
          %add3A_458 = arith.addi %mul3A_456, %add3A_457 : i32
          %get3A_459 = arith.index_cast %add3A_458 : i32 to index
          %get3A_460 = tpu.vector_load %arg6[%get3A_459] {strides = array<i32>} : memref<7168xi32, #tpu.memory_space<vmem>>, vector<16xi32>,
          %gather3A_461 = tpu.vector_load_idx %arg5[%get3A_460] : memref<100008xi32, #tpu.memory_space<vmem>>[vector<16xi32>], vector<16xi32>,
          %shift_left3A_462 = arith.constant 16 : i32
          %shift_left3A_463 = vector.broadcast %shift_left3A_462 : i32 to vector<16xi32>
          %shift_left3A_464 = arith.shli %gather3A_461, %shift_left3A_463 : vector<16xi32>
          %bitcast3A_465 = vector.bitcast %shift_left3A_464 : vector<16xi32> to vector<16xf32>
          %and3A_466 = arith.constant -65536 : i32
          %and3A_467 = vector.broadcast %and3A_466 : i32 to vector<16xi32>
          %and3A_468 = arith.andi %gather3A_461, %and3A_467 : vector<16xi32>
          %bitcast3A_469 = vector.bitcast %and3A_468 : vector<16xi32> to vector<16xf32>
          %add3A_470 = arith.addf %add3A_451, %bitcast3A_465 : vector<16xf32>
          %add3A_471 = arith.addf %add3A_452, %bitcast3A_469 : vector<16xf32>
          %scan3A_472 = arith.constant 7 : i32
          %scan3A_473 = arith.addi %scan3A_342, %scan3A_472 : i32
          %mul3A_474 = arith.constant 128 : i32
          %mul3A_475 = arith.muli %scan3A_473, %mul3A_474 : i32
          %add3A_476 = arith.constant 32 : i32
          %add3A_477 = arith.addi %mul3A_475, %add3A_476 : i32
          %get3A_478 = arith.index_cast %add3A_477 : i32 to index
          %get3A_479 = tpu.vector_load %arg6[%get3A_478] {strides = array<i32>} : memref<7168xi32, #tpu.memory_space<vmem>>, vector<16xi32>,
          %gather3A_480 = tpu.vector_load_idx %arg5[%get3A_479] : memref<100008xi32, #tpu.memory_space<vmem>>[vector<16xi32>], vector<16xi32>,
          %shift_left3A_481 = arith.constant 16 : i32
          %shift_left3A_482 = vector.broadcast %shift_left3A_481 : i32 to vector<16xi32>
          %shift_left3A_483 = arith.shli %gather3A_480, %shift_left3A_482 : vector<16xi32>
          %bitcast3A_484 = vector.bitcast %shift_left3A_483 : vector<16xi32> to vector<16xf32>
          %and3A_485 = arith.constant -65536 : i32
          %and3A_486 = vector.broadcast %and3A_485 : i32 to vector<16xi32>
          %and3A_487 = arith.andi %gather3A_480, %and3A_486 : vector<16xi32>
          %bitcast3A_488 = vector.bitcast %and3A_487 : vector<16xi32> to vector<16xf32>
          %add3A_489 = arith.addf %add3A_470, %bitcast3A_484 : vector<16xf32>
          %add3A_490 = arith.addf %add3A_471, %bitcast3A_488 : vector<16xf32>
          %scan3A_491 = arith.constant 8 : i32
          %scan3A_492 = arith.addi %scan3A_342, %scan3A_491 : i32
          %mul3A_493 = arith.constant 128 : i32
          %mul3A_494 = arith.muli %scan3A_492, %mul3A_493 : i32
          %add3A_495 = arith.constant 32 : i32
          %add3A_496 = arith.addi %mul3A_494, %add3A_495 : i32
          %get3A_497 = arith.index_cast %add3A_496 : i32 to index
          %get3A_498 = tpu.vector_load %arg6[%get3A_497] {strides = array<i32>} : memref<7168xi32, #tpu.memory_space<vmem>>, vector<16xi32>,
          %gather3A_499 = tpu.vector_load_idx %arg5[%get3A_498] : memref<100008xi32, #tpu.memory_space<vmem>>[vector<16xi32>], vector<16xi32>,
          %shift_left3A_500 = arith.constant 16 : i32
          %shift_left3A_501 = vector.broadcast %shift_left3A_500 : i32 to vector<16xi32>
          %shift_left3A_502 = arith.shli %gather3A_499, %shift_left3A_501 : vector<16xi32>
          %bitcast3A_503 = vector.bitcast %shift_left3A_502 : vector<16xi32> to vector<16xf32>
          %and3A_504 = arith.constant -65536 : i32
          %and3A_505 = vector.broadcast %and3A_504 : i32 to vector<16xi32>
          %and3A_506 = arith.andi %gather3A_499, %and3A_505 : vector<16xi32>
          %bitcast3A_507 = vector.bitcast %and3A_506 : vector<16xi32> to vector<16xf32>
          %add3A_508 = arith.addf %add3A_489, %bitcast3A_503 : vector<16xf32>
          %add3A_509 = arith.addf %add3A_490, %bitcast3A_507 : vector<16xf32>
          %scan3A_510 = arith.constant 9 : i32
          %scan3A_511 = arith.addi %scan3A_342, %scan3A_510 : i32
          %mul3A_512 = arith.constant 128 : i32
          %mul3A_513 = arith.muli %scan3A_511, %mul3A_512 : i32
          %add3A_514 = arith.constant 32 : i32
          %add3A_515 = arith.addi %mul3A_513, %add3A_514 : i32
          %get3A_516 = arith.index_cast %add3A_515 : i32 to index
          %get3A_517 = tpu.vector_load %arg6[%get3A_516] {strides = array<i32>} : memref<7168xi32, #tpu.memory_space<vmem>>, vector<16xi32>,
          %gather3A_518 = tpu.vector_load_idx %arg5[%get3A_517] : memref<100008xi32, #tpu.memory_space<vmem>>[vector<16xi32>], vector<16xi32>,
          %shift_left3A_519 = arith.constant 16 : i32
          %shift_left3A_520 = vector.broadcast %shift_left3A_519 : i32 to vector<16xi32>
          %shift_left3A_521 = arith.shli %gather3A_518, %shift_left3A_520 : vector<16xi32>
          %bitcast3A_522 = vector.bitcast %shift_left3A_521 : vector<16xi32> to vector<16xf32>
          %and3A_523 = arith.constant -65536 : i32
          %and3A_524 = vector.broadcast %and3A_523 : i32 to vector<16xi32>
          %and3A_525 = arith.andi %gather3A_518, %and3A_524 : vector<16xi32>
          %bitcast3A_526 = vector.bitcast %and3A_525 : vector<16xi32> to vector<16xf32>
          %add3A_527 = arith.addf %add3A_508, %bitcast3A_522 : vector<16xf32>
          %add3A_528 = arith.addf %add3A_509, %bitcast3A_526 : vector<16xf32>
          scf.yield %add3A_527, %add3A_528 : vector<16xf32>, vector<16xf32>
        }
        %scan3A_106 = arith.constant 50 : i32
        %rem3A_107 = arith.constant 16 : i32
        %rem3A_108 = arith.remsi %mul3A_54, %rem3A_107 : i32
        %mul3A_109 = arith.constant 128 : i32
        %mul3A_110 = arith.muli %rem3A_108, %mul3A_109 : i32
        %add3A_111 = arith.constant 32 : i32
        %add3A_112 = arith.addi %mul3A_110, %add3A_111 : i32
        %swap3A_113 = arith.index_cast %add3A_112 : i32 to index
        %swap3A_114 = tpu.vector_load %arg8[%swap3A_113] {strides = array<i32>} : memref<2048xf32, #tpu.memory_space<vmem>>, vector<16xf32>,
        tpu.vector_store %arg8[%swap3A_113], %scan3A_105#0 {strides = array<i32>} : memref<2048xf32, #tpu.memory_space<vmem>>, vector<16xf32>,
        %swap3A_115 = arith.index_cast %add3A_112 : i32 to index
        %swap3A_116 = tpu.vector_load %arg9[%swap3A_115] {strides = array<i32>} : memref<2048xf32, #tpu.memory_space<vmem>>, vector<16xf32>,
        tpu.vector_store %arg9[%swap3A_115], %scan3A_105#1 {strides = array<i32>} : memref<2048xf32, #tpu.memory_space<vmem>>, vector<16xf32>,
        %scan3A_117 = arith.constant 0 : i32
        %scan3A_118 = arith.constant 50 : i32
        %scan3A_119 = arith.addi %scan3A_117, %scan3A_118 : i32
        %scan3A_120 = arith.constant 10 : i32
        %scan3A_121:2 = scf.for %scan3A_342 = %scan3A_117 to %scan3A_119 step %scan3A_120 iter_args(%scan3A_343 = %broadcast_in_dim3A_1, %scan3A_344 = %broadcast_in_dim3A_1) -> (vector<16xf32>, vector<16xf32>)  : i32 {
          %mul3A_345 = arith.constant 128 : i32
          %mul3A_346 = arith.muli %scan3A_342, %mul3A_345 : i32
          %add3A_347 = arith.constant 48 : i32
          %add3A_348 = arith.addi %mul3A_346, %add3A_347 : i32
          %get3A = arith.index_cast %add3A_348 : i32 to index
          %get3A_349 = tpu.vector_load %arg6[%get3A] {strides = array<i32>} : memref<7168xi32, #tpu.memory_space<vmem>>, vector<16xi32>,
          %gather3A = tpu.vector_load_idx %arg5[%get3A_349] : memref<100008xi32, #tpu.memory_space<vmem>>[vector<16xi32>], vector<16xi32>,
          %shift_left3A = arith.constant 16 : i32
          %shift_left3A_350 = vector.broadcast %shift_left3A : i32 to vector<16xi32>
          %shift_left3A_351 = arith.shli %gather3A, %shift_left3A_350 : vector<16xi32>
          %bitcast3A = vector.bitcast %shift_left3A_351 : vector<16xi32> to vector<16xf32>
          %and3A_352 = arith.constant -65536 : i32
          %and3A_353 = vector.broadcast %and3A_352 : i32 to vector<16xi32>
          %and3A_354 = arith.andi %gather3A, %and3A_353 : vector<16xi32>
          %bitcast3A_355 = vector.bitcast %and3A_354 : vector<16xi32> to vector<16xf32>
          %add3A_356 = arith.addf %scan3A_343, %bitcast3A : vector<16xf32>
          %add3A_357 = arith.addf %scan3A_344, %bitcast3A_355 : vector<16xf32>
          %scan3A_358 = arith.constant 1 : i32
          %scan3A_359 = arith.addi %scan3A_342, %scan3A_358 : i32
          %mul3A_360 = arith.constant 128 : i32
          %mul3A_361 = arith.muli %scan3A_359, %mul3A_360 : i32
          %add3A_362 = arith.constant 48 : i32
          %add3A_363 = arith.addi %mul3A_361, %add3A_362 : i32
          %get3A_364 = arith.index_cast %add3A_363 : i32 to index
          %get3A_365 = tpu.vector_load %arg6[%get3A_364] {strides = array<i32>} : memref<7168xi32, #tpu.memory_space<vmem>>, vector<16xi32>,
          %gather3A_366 = tpu.vector_load_idx %arg5[%get3A_365] : memref<100008xi32, #tpu.memory_space<vmem>>[vector<16xi32>], vector<16xi32>,
          %shift_left3A_367 = arith.constant 16 : i32
          %shift_left3A_368 = vector.broadcast %shift_left3A_367 : i32 to vector<16xi32>
          %shift_left3A_369 = arith.shli %gather3A_366, %shift_left3A_368 : vector<16xi32>
          %bitcast3A_370 = vector.bitcast %shift_left3A_369 : vector<16xi32> to vector<16xf32>
          %and3A_371 = arith.constant -65536 : i32
          %and3A_372 = vector.broadcast %and3A_371 : i32 to vector<16xi32>
          %and3A_373 = arith.andi %gather3A_366, %and3A_372 : vector<16xi32>
          %bitcast3A_374 = vector.bitcast %and3A_373 : vector<16xi32> to vector<16xf32>
          %add3A_375 = arith.addf %add3A_356, %bitcast3A_370 : vector<16xf32>
          %add3A_376 = arith.addf %add3A_357, %bitcast3A_374 : vector<16xf32>
          %scan3A_377 = arith.constant 2 : i32
          %scan3A_378 = arith.addi %scan3A_342, %scan3A_377 : i32
          %mul3A_379 = arith.constant 128 : i32
          %mul3A_380 = arith.muli %scan3A_378, %mul3A_379 : i32
          %add3A_381 = arith.constant 48 : i32
          %add3A_382 = arith.addi %mul3A_380, %add3A_381 : i32
          %get3A_383 = arith.index_cast %add3A_382 : i32 to index
          %get3A_384 = tpu.vector_load %arg6[%get3A_383] {strides = array<i32>} : memref<7168xi32, #tpu.memory_space<vmem>>, vector<16xi32>,
          %gather3A_385 = tpu.vector_load_idx %arg5[%get3A_384] : memref<100008xi32, #tpu.memory_space<vmem>>[vector<16xi32>], vector<16xi32>,
          %shift_left3A_386 = arith.constant 16 : i32
          %shift_left3A_387 = vector.broadcast %shift_left3A_386 : i32 to vector<16xi32>
          %shift_left3A_388 = arith.shli %gather3A_385, %shift_left3A_387 : vector<16xi32>
          %bitcast3A_389 = vector.bitcast %shift_left3A_388 : vector<16xi32> to vector<16xf32>
          %and3A_390 = arith.constant -65536 : i32
          %and3A_391 = vector.broadcast %and3A_390 : i32 to vector<16xi32>
          %and3A_392 = arith.andi %gather3A_385, %and3A_391 : vector<16xi32>
          %bitcast3A_393 = vector.bitcast %and3A_392 : vector<16xi32> to vector<16xf32>
          %add3A_394 = arith.addf %add3A_375, %bitcast3A_389 : vector<16xf32>
          %add3A_395 = arith.addf %add3A_376, %bitcast3A_393 : vector<16xf32>
          %scan3A_396 = arith.constant 3 : i32
          %scan3A_397 = arith.addi %scan3A_342, %scan3A_396 : i32
          %mul3A_398 = arith.constant 128 : i32
          %mul3A_399 = arith.muli %scan3A_397, %mul3A_398 : i32
          %add3A_400 = arith.constant 48 : i32
          %add3A_401 = arith.addi %mul3A_399, %add3A_400 : i32
          %get3A_402 = arith.index_cast %add3A_401 : i32 to index
          %get3A_403 = tpu.vector_load %arg6[%get3A_402] {strides = array<i32>} : memref<7168xi32, #tpu.memory_space<vmem>>, vector<16xi32>,
          %gather3A_404 = tpu.vector_load_idx %arg5[%get3A_403] : memref<100008xi32, #tpu.memory_space<vmem>>[vector<16xi32>], vector<16xi32>,
          %shift_left3A_405 = arith.constant 16 : i32
          %shift_left3A_406 = vector.broadcast %shift_left3A_405 : i32 to vector<16xi32>
          %shift_left3A_407 = arith.shli %gather3A_404, %shift_left3A_406 : vector<16xi32>
          %bitcast3A_408 = vector.bitcast %shift_left3A_407 : vector<16xi32> to vector<16xf32>
          %and3A_409 = arith.constant -65536 : i32
          %and3A_410 = vector.broadcast %and3A_409 : i32 to vector<16xi32>
          %and3A_411 = arith.andi %gather3A_404, %and3A_410 : vector<16xi32>
          %bitcast3A_412 = vector.bitcast %and3A_411 : vector<16xi32> to vector<16xf32>
          %add3A_413 = arith.addf %add3A_394, %bitcast3A_408 : vector<16xf32>
          %add3A_414 = arith.addf %add3A_395, %bitcast3A_412 : vector<16xf32>
          %scan3A_415 = arith.constant 4 : i32
          %scan3A_416 = arith.addi %scan3A_342, %scan3A_415 : i32
          %mul3A_417 = arith.constant 128 : i32
          %mul3A_418 = arith.muli %scan3A_416, %mul3A_417 : i32
          %add3A_419 = arith.constant 48 : i32
          %add3A_420 = arith.addi %mul3A_418, %add3A_419 : i32
          %get3A_421 = arith.index_cast %add3A_420 : i32 to index
          %get3A_422 = tpu.vector_load %arg6[%get3A_421] {strides = array<i32>} : memref<7168xi32, #tpu.memory_space<vmem>>, vector<16xi32>,
          %gather3A_423 = tpu.vector_load_idx %arg5[%get3A_422] : memref<100008xi32, #tpu.memory_space<vmem>>[vector<16xi32>], vector<16xi32>,
          %shift_left3A_424 = arith.constant 16 : i32
          %shift_left3A_425 = vector.broadcast %shift_left3A_424 : i32 to vector<16xi32>
          %shift_left3A_426 = arith.shli %gather3A_423, %shift_left3A_425 : vector<16xi32>
          %bitcast3A_427 = vector.bitcast %shift_left3A_426 : vector<16xi32> to vector<16xf32>
          %and3A_428 = arith.constant -65536 : i32
          %and3A_429 = vector.broadcast %and3A_428 : i32 to vector<16xi32>
          %and3A_430 = arith.andi %gather3A_423, %and3A_429 : vector<16xi32>
          %bitcast3A_431 = vector.bitcast %and3A_430 : vector<16xi32> to vector<16xf32>
          %add3A_432 = arith.addf %add3A_413, %bitcast3A_427 : vector<16xf32>
          %add3A_433 = arith.addf %add3A_414, %bitcast3A_431 : vector<16xf32>
          %scan3A_434 = arith.constant 5 : i32
          %scan3A_435 = arith.addi %scan3A_342, %scan3A_434 : i32
          %mul3A_436 = arith.constant 128 : i32
          %mul3A_437 = arith.muli %scan3A_435, %mul3A_436 : i32
          %add3A_438 = arith.constant 48 : i32
          %add3A_439 = arith.addi %mul3A_437, %add3A_438 : i32
          %get3A_440 = arith.index_cast %add3A_439 : i32 to index
          %get3A_441 = tpu.vector_load %arg6[%get3A_440] {strides = array<i32>} : memref<7168xi32, #tpu.memory_space<vmem>>, vector<16xi32>,
          %gather3A_442 = tpu.vector_load_idx %arg5[%get3A_441] : memref<100008xi32, #tpu.memory_space<vmem>>[vector<16xi32>], vector<16xi32>,
          %shift_left3A_443 = arith.constant 16 : i32
          %shift_left3A_444 = vector.broadcast %shift_left3A_443 : i32 to vector<16xi32>
          %shift_left3A_445 = arith.shli %gather3A_442, %shift_left3A_444 : vector<16xi32>
          %bitcast3A_446 = vector.bitcast %shift_left3A_445 : vector<16xi32> to vector<16xf32>
          %and3A_447 = arith.constant -65536 : i32
          %and3A_448 = vector.broadcast %and3A_447 : i32 to vector<16xi32>
          %and3A_449 = arith.andi %gather3A_442, %and3A_448 : vector<16xi32>
          %bitcast3A_450 = vector.bitcast %and3A_449 : vector<16xi32> to vector<16xf32>
          %add3A_451 = arith.addf %add3A_432, %bitcast3A_446 : vector<16xf32>
          %add3A_452 = arith.addf %add3A_433, %bitcast3A_450 : vector<16xf32>
          %scan3A_453 = arith.constant 6 : i32
          %scan3A_454 = arith.addi %scan3A_342, %scan3A_453 : i32
          %mul3A_455 = arith.constant 128 : i32
          %mul3A_456 = arith.muli %scan3A_454, %mul3A_455 : i32
          %add3A_457 = arith.constant 48 : i32
          %add3A_458 = arith.addi %mul3A_456, %add3A_457 : i32
          %get3A_459 = arith.index_cast %add3A_458 : i32 to index
          %get3A_460 = tpu.vector_load %arg6[%get3A_459] {strides = array<i32>} : memref<7168xi32, #tpu.memory_space<vmem>>, vector<16xi32>,
          %gather3A_461 = tpu.vector_load_idx %arg5[%get3A_460] : memref<100008xi32, #tpu.memory_space<vmem>>[vector<16xi32>], vector<16xi32>,
          %shift_left3A_462 = arith.constant 16 : i32
          %shift_left3A_463 = vector.broadcast %shift_left3A_462 : i32 to vector<16xi32>
          %shift_left3A_464 = arith.shli %gather3A_461, %shift_left3A_463 : vector<16xi32>
          %bitcast3A_465 = vector.bitcast %shift_left3A_464 : vector<16xi32> to vector<16xf32>
          %and3A_466 = arith.constant -65536 : i32
          %and3A_467 = vector.broadcast %and3A_466 : i32 to vector<16xi32>
          %and3A_468 = arith.andi %gather3A_461, %and3A_467 : vector<16xi32>
          %bitcast3A_469 = vector.bitcast %and3A_468 : vector<16xi32> to vector<16xf32>
          %add3A_470 = arith.addf %add3A_451, %bitcast3A_465 : vector<16xf32>
          %add3A_471 = arith.addf %add3A_452, %bitcast3A_469 : vector<16xf32>
          %scan3A_472 = arith.constant 7 : i32
          %scan3A_473 = arith.addi %scan3A_342, %scan3A_472 : i32
          %mul3A_474 = arith.constant 128 : i32
          %mul3A_475 = arith.muli %scan3A_473, %mul3A_474 : i32
          %add3A_476 = arith.constant 48 : i32
          %add3A_477 = arith.addi %mul3A_475, %add3A_476 : i32
          %get3A_478 = arith.index_cast %add3A_477 : i32 to index
          %get3A_479 = tpu.vector_load %arg6[%get3A_478] {strides = array<i32>} : memref<7168xi32, #tpu.memory_space<vmem>>, vector<16xi32>,
          %gather3A_480 = tpu.vector_load_idx %arg5[%get3A_479] : memref<100008xi32, #tpu.memory_space<vmem>>[vector<16xi32>], vector<16xi32>,
          %shift_left3A_481 = arith.constant 16 : i32
          %shift_left3A_482 = vector.broadcast %shift_left3A_481 : i32 to vector<16xi32>
          %shift_left3A_483 = arith.shli %gather3A_480, %shift_left3A_482 : vector<16xi32>
          %bitcast3A_484 = vector.bitcast %shift_left3A_483 : vector<16xi32> to vector<16xf32>
          %and3A_485 = arith.constant -65536 : i32
          %and3A_486 = vector.broadcast %and3A_485 : i32 to vector<16xi32>
          %and3A_487 = arith.andi %gather3A_480, %and3A_486 : vector<16xi32>
          %bitcast3A_488 = vector.bitcast %and3A_487 : vector<16xi32> to vector<16xf32>
          %add3A_489 = arith.addf %add3A_470, %bitcast3A_484 : vector<16xf32>
          %add3A_490 = arith.addf %add3A_471, %bitcast3A_488 : vector<16xf32>
          %scan3A_491 = arith.constant 8 : i32
          %scan3A_492 = arith.addi %scan3A_342, %scan3A_491 : i32
          %mul3A_493 = arith.constant 128 : i32
          %mul3A_494 = arith.muli %scan3A_492, %mul3A_493 : i32
          %add3A_495 = arith.constant 48 : i32
          %add3A_496 = arith.addi %mul3A_494, %add3A_495 : i32
          %get3A_497 = arith.index_cast %add3A_496 : i32 to index
          %get3A_498 = tpu.vector_load %arg6[%get3A_497] {strides = array<i32>} : memref<7168xi32, #tpu.memory_space<vmem>>, vector<16xi32>,
          %gather3A_499 = tpu.vector_load_idx %arg5[%get3A_498] : memref<100008xi32, #tpu.memory_space<vmem>>[vector<16xi32>], vector<16xi32>,
          %shift_left3A_500 = arith.constant 16 : i32
          %shift_left3A_501 = vector.broadcast %shift_left3A_500 : i32 to vector<16xi32>
          %shift_left3A_502 = arith.shli %gather3A_499, %shift_left3A_501 : vector<16xi32>
          %bitcast3A_503 = vector.bitcast %shift_left3A_502 : vector<16xi32> to vector<16xf32>
          %and3A_504 = arith.constant -65536 : i32
          %and3A_505 = vector.broadcast %and3A_504 : i32 to vector<16xi32>
          %and3A_506 = arith.andi %gather3A_499, %and3A_505 : vector<16xi32>
          %bitcast3A_507 = vector.bitcast %and3A_506 : vector<16xi32> to vector<16xf32>
          %add3A_508 = arith.addf %add3A_489, %bitcast3A_503 : vector<16xf32>
          %add3A_509 = arith.addf %add3A_490, %bitcast3A_507 : vector<16xf32>
          %scan3A_510 = arith.constant 9 : i32
          %scan3A_511 = arith.addi %scan3A_342, %scan3A_510 : i32
          %mul3A_512 = arith.constant 128 : i32
          %mul3A_513 = arith.muli %scan3A_511, %mul3A_512 : i32
          %add3A_514 = arith.constant 48 : i32
          %add3A_515 = arith.addi %mul3A_513, %add3A_514 : i32
          %get3A_516 = arith.index_cast %add3A_515 : i32 to index
          %get3A_517 = tpu.vector_load %arg6[%get3A_516] {strides = array<i32>} : memref<7168xi32, #tpu.memory_space<vmem>>, vector<16xi32>,
          %gather3A_518 = tpu.vector_load_idx %arg5[%get3A_517] : memref<100008xi32, #tpu.memory_space<vmem>>[vector<16xi32>], vector<16xi32>,
          %shift_left3A_519 = arith.constant 16 : i32
          %shift_left3A_520 = vector.broadcast %shift_left3A_519 : i32 to vector<16xi32>
          %shift_left3A_521 = arith.shli %gather3A_518, %shift_left3A_520 : vector<16xi32>
          %bitcast3A_522 = vector.bitcast %shift_left3A_521 : vector<16xi32> to vector<16xf32>
          %and3A_523 = arith.constant -65536 : i32
          %and3A_524 = vector.broadcast %and3A_523 : i32 to vector<16xi32>
          %and3A_525 = arith.andi %gather3A_518, %and3A_524 : vector<16xi32>
          %bitcast3A_526 = vector.bitcast %and3A_525 : vector<16xi32> to vector<16xf32>
          %add3A_527 = arith.addf %add3A_508, %bitcast3A_522 : vector<16xf32>
          %add3A_528 = arith.addf %add3A_509, %bitcast3A_526 : vector<16xf32>
          scf.yield %add3A_527, %add3A_528 : vector<16xf32>, vector<16xf32>
        }
        %scan3A_122 = arith.constant 50 : i32
        %rem3A_123 = arith.constant 16 : i32
        %rem3A_124 = arith.remsi %mul3A_54, %rem3A_123 : i32
        %mul3A_125 = arith.constant 128 : i32
        %mul3A_126 = arith.muli %rem3A_124, %mul3A_125 : i32
        %add3A_127 = arith.constant 48 : i32
        %add3A_128 = arith.addi %mul3A_126, %add3A_127 : i32
        %swap3A_129 = arith.index_cast %add3A_128 : i32 to index
        %swap3A_130 = tpu.vector_load %arg8[%swap3A_129] {strides = array<i32>} : memref<2048xf32, #tpu.memory_space<vmem>>, vector<16xf32>,
        tpu.vector_store %arg8[%swap3A_129], %scan3A_121#0 {strides = array<i32>} : memref<2048xf32, #tpu.memory_space<vmem>>, vector<16xf32>,
        %swap3A_131 = arith.index_cast %add3A_128 : i32 to index
        %swap3A_132 = tpu.vector_load %arg9[%swap3A_131] {strides = array<i32>} : memref<2048xf32, #tpu.memory_space<vmem>>, vector<16xf32>,
        tpu.vector_store %arg9[%swap3A_131], %scan3A_121#1 {strides = array<i32>} : memref<2048xf32, #tpu.memory_space<vmem>>, vector<16xf32>,
        %scan3A_133 = arith.constant 0 : i32
        %scan3A_134 = arith.constant 50 : i32
        %scan3A_135 = arith.addi %scan3A_133, %scan3A_134 : i32
        %scan3A_136 = arith.constant 10 : i32
        %scan3A_137:2 = scf.for %scan3A_342 = %scan3A_133 to %scan3A_135 step %scan3A_136 iter_args(%scan3A_343 = %broadcast_in_dim3A_1, %scan3A_344 = %broadcast_in_dim3A_1) -> (vector<16xf32>, vector<16xf32>)  : i32 {
          %mul3A_345 = arith.constant 128 : i32
          %mul3A_346 = arith.muli %scan3A_342, %mul3A_345 : i32
          %add3A_347 = arith.constant 64 : i32
          %add3A_348 = arith.addi %mul3A_346, %add3A_347 : i32
          %get3A = arith.index_cast %add3A_348 : i32 to index
          %get3A_349 = tpu.vector_load %arg6[%get3A] {strides = array<i32>} : memref<7168xi32, #tpu.memory_space<vmem>>, vector<16xi32>,
          %gather3A = tpu.vector_load_idx %arg5[%get3A_349] : memref<100008xi32, #tpu.memory_space<vmem>>[vector<16xi32>], vector<16xi32>,
          %shift_left3A = arith.constant 16 : i32
          %shift_left3A_350 = vector.broadcast %shift_left3A : i32 to vector<16xi32>
          %shift_left3A_351 = arith.shli %gather3A, %shift_left3A_350 : vector<16xi32>
          %bitcast3A = vector.bitcast %shift_left3A_351 : vector<16xi32> to vector<16xf32>
          %and3A_352 = arith.constant -65536 : i32
          %and3A_353 = vector.broadcast %and3A_352 : i32 to vector<16xi32>
          %and3A_354 = arith.andi %gather3A, %and3A_353 : vector<16xi32>
          %bitcast3A_355 = vector.bitcast %and3A_354 : vector<16xi32> to vector<16xf32>
          %add3A_356 = arith.addf %scan3A_343, %bitcast3A : vector<16xf32>
          %add3A_357 = arith.addf %scan3A_344, %bitcast3A_355 : vector<16xf32>
          %scan3A_358 = arith.constant 1 : i32
          %scan3A_359 = arith.addi %scan3A_342, %scan3A_358 : i32
          %mul3A_360 = arith.constant 128 : i32
          %mul3A_361 = arith.muli %scan3A_359, %mul3A_360 : i32
          %add3A_362 = arith.constant 64 : i32
          %add3A_363 = arith.addi %mul3A_361, %add3A_362 : i32
          %get3A_364 = arith.index_cast %add3A_363 : i32 to index
          %get3A_365 = tpu.vector_load %arg6[%get3A_364] {strides = array<i32>} : memref<7168xi32, #tpu.memory_space<vmem>>, vector<16xi32>,
          %gather3A_366 = tpu.vector_load_idx %arg5[%get3A_365] : memref<100008xi32, #tpu.memory_space<vmem>>[vector<16xi32>], vector<16xi32>,
          %shift_left3A_367 = arith.constant 16 : i32
          %shift_left3A_368 = vector.broadcast %shift_left3A_367 : i32 to vector<16xi32>
          %shift_left3A_369 = arith.shli %gather3A_366, %shift_left3A_368 : vector<16xi32>
          %bitcast3A_370 = vector.bitcast %shift_left3A_369 : vector<16xi32> to vector<16xf32>
          %and3A_371 = arith.constant -65536 : i32
          %and3A_372 = vector.broadcast %and3A_371 : i32 to vector<16xi32>
          %and3A_373 = arith.andi %gather3A_366, %and3A_372 : vector<16xi32>
          %bitcast3A_374 = vector.bitcast %and3A_373 : vector<16xi32> to vector<16xf32>
          %add3A_375 = arith.addf %add3A_356, %bitcast3A_370 : vector<16xf32>
          %add3A_376 = arith.addf %add3A_357, %bitcast3A_374 : vector<16xf32>
          %scan3A_377 = arith.constant 2 : i32
          %scan3A_378 = arith.addi %scan3A_342, %scan3A_377 : i32
          %mul3A_379 = arith.constant 128 : i32
          %mul3A_380 = arith.muli %scan3A_378, %mul3A_379 : i32
          %add3A_381 = arith.constant 64 : i32
          %add3A_382 = arith.addi %mul3A_380, %add3A_381 : i32
          %get3A_383 = arith.index_cast %add3A_382 : i32 to index
          %get3A_384 = tpu.vector_load %arg6[%get3A_383] {strides = array<i32>} : memref<7168xi32, #tpu.memory_space<vmem>>, vector<16xi32>,
          %gather3A_385 = tpu.vector_load_idx %arg5[%get3A_384] : memref<100008xi32, #tpu.memory_space<vmem>>[vector<16xi32>], vector<16xi32>,
          %shift_left3A_386 = arith.constant 16 : i32
          %shift_left3A_387 = vector.broadcast %shift_left3A_386 : i32 to vector<16xi32>
          %shift_left3A_388 = arith.shli %gather3A_385, %shift_left3A_387 : vector<16xi32>
          %bitcast3A_389 = vector.bitcast %shift_left3A_388 : vector<16xi32> to vector<16xf32>
          %and3A_390 = arith.constant -65536 : i32
          %and3A_391 = vector.broadcast %and3A_390 : i32 to vector<16xi32>
          %and3A_392 = arith.andi %gather3A_385, %and3A_391 : vector<16xi32>
          %bitcast3A_393 = vector.bitcast %and3A_392 : vector<16xi32> to vector<16xf32>
          %add3A_394 = arith.addf %add3A_375, %bitcast3A_389 : vector<16xf32>
          %add3A_395 = arith.addf %add3A_376, %bitcast3A_393 : vector<16xf32>
          %scan3A_396 = arith.constant 3 : i32
          %scan3A_397 = arith.addi %scan3A_342, %scan3A_396 : i32
          %mul3A_398 = arith.constant 128 : i32
          %mul3A_399 = arith.muli %scan3A_397, %mul3A_398 : i32
          %add3A_400 = arith.constant 64 : i32
          %add3A_401 = arith.addi %mul3A_399, %add3A_400 : i32
          %get3A_402 = arith.index_cast %add3A_401 : i32 to index
          %get3A_403 = tpu.vector_load %arg6[%get3A_402] {strides = array<i32>} : memref<7168xi32, #tpu.memory_space<vmem>>, vector<16xi32>,
          %gather3A_404 = tpu.vector_load_idx %arg5[%get3A_403] : memref<100008xi32, #tpu.memory_space<vmem>>[vector<16xi32>], vector<16xi32>,
          %shift_left3A_405 = arith.constant 16 : i32
          %shift_left3A_406 = vector.broadcast %shift_left3A_405 : i32 to vector<16xi32>
          %shift_left3A_407 = arith.shli %gather3A_404, %shift_left3A_406 : vector<16xi32>
          %bitcast3A_408 = vector.bitcast %shift_left3A_407 : vector<16xi32> to vector<16xf32>
          %and3A_409 = arith.constant -65536 : i32
          %and3A_410 = vector.broadcast %and3A_409 : i32 to vector<16xi32>
          %and3A_411 = arith.andi %gather3A_404, %and3A_410 : vector<16xi32>
          %bitcast3A_412 = vector.bitcast %and3A_411 : vector<16xi32> to vector<16xf32>
          %add3A_413 = arith.addf %add3A_394, %bitcast3A_408 : vector<16xf32>
          %add3A_414 = arith.addf %add3A_395, %bitcast3A_412 : vector<16xf32>
          %scan3A_415 = arith.constant 4 : i32
          %scan3A_416 = arith.addi %scan3A_342, %scan3A_415 : i32
          %mul3A_417 = arith.constant 128 : i32
          %mul3A_418 = arith.muli %scan3A_416, %mul3A_417 : i32
          %add3A_419 = arith.constant 64 : i32
          %add3A_420 = arith.addi %mul3A_418, %add3A_419 : i32
          %get3A_421 = arith.index_cast %add3A_420 : i32 to index
          %get3A_422 = tpu.vector_load %arg6[%get3A_421] {strides = array<i32>} : memref<7168xi32, #tpu.memory_space<vmem>>, vector<16xi32>,
          %gather3A_423 = tpu.vector_load_idx %arg5[%get3A_422] : memref<100008xi32, #tpu.memory_space<vmem>>[vector<16xi32>], vector<16xi32>,
          %shift_left3A_424 = arith.constant 16 : i32
          %shift_left3A_425 = vector.broadcast %shift_left3A_424 : i32 to vector<16xi32>
          %shift_left3A_426 = arith.shli %gather3A_423, %shift_left3A_425 : vector<16xi32>
          %bitcast3A_427 = vector.bitcast %shift_left3A_426 : vector<16xi32> to vector<16xf32>
          %and3A_428 = arith.constant -65536 : i32
          %and3A_429 = vector.broadcast %and3A_428 : i32 to vector<16xi32>
          %and3A_430 = arith.andi %gather3A_423, %and3A_429 : vector<16xi32>
          %bitcast3A_431 = vector.bitcast %and3A_430 : vector<16xi32> to vector<16xf32>
          %add3A_432 = arith.addf %add3A_413, %bitcast3A_427 : vector<16xf32>
          %add3A_433 = arith.addf %add3A_414, %bitcast3A_431 : vector<16xf32>
          %scan3A_434 = arith.constant 5 : i32
          %scan3A_435 = arith.addi %scan3A_342, %scan3A_434 : i32
          %mul3A_436 = arith.constant 128 : i32
          %mul3A_437 = arith.muli %scan3A_435, %mul3A_436 : i32
          %add3A_438 = arith.constant 64 : i32
          %add3A_439 = arith.addi %mul3A_437, %add3A_438 : i32
          %get3A_440 = arith.index_cast %add3A_439 : i32 to index
          %get3A_441 = tpu.vector_load %arg6[%get3A_440] {strides = array<i32>} : memref<7168xi32, #tpu.memory_space<vmem>>, vector<16xi32>,
          %gather3A_442 = tpu.vector_load_idx %arg5[%get3A_441] : memref<100008xi32, #tpu.memory_space<vmem>>[vector<16xi32>], vector<16xi32>,
          %shift_left3A_443 = arith.constant 16 : i32
          %shift_left3A_444 = vector.broadcast %shift_left3A_443 : i32 to vector<16xi32>
          %shift_left3A_445 = arith.shli %gather3A_442, %shift_left3A_444 : vector<16xi32>
          %bitcast3A_446 = vector.bitcast %shift_left3A_445 : vector<16xi32> to vector<16xf32>
          %and3A_447 = arith.constant -65536 : i32
          %and3A_448 = vector.broadcast %and3A_447 : i32 to vector<16xi32>
          %and3A_449 = arith.andi %gather3A_442, %and3A_448 : vector<16xi32>
          %bitcast3A_450 = vector.bitcast %and3A_449 : vector<16xi32> to vector<16xf32>
          %add3A_451 = arith.addf %add3A_432, %bitcast3A_446 : vector<16xf32>
          %add3A_452 = arith.addf %add3A_433, %bitcast3A_450 : vector<16xf32>
          %scan3A_453 = arith.constant 6 : i32
          %scan3A_454 = arith.addi %scan3A_342, %scan3A_453 : i32
          %mul3A_455 = arith.constant 128 : i32
          %mul3A_456 = arith.muli %scan3A_454, %mul3A_455 : i32
          %add3A_457 = arith.constant 64 : i32
          %add3A_458 = arith.addi %mul3A_456, %add3A_457 : i32
          %get3A_459 = arith.index_cast %add3A_458 : i32 to index
          %get3A_460 = tpu.vector_load %arg6[%get3A_459] {strides = array<i32>} : memref<7168xi32, #tpu.memory_space<vmem>>, vector<16xi32>,
          %gather3A_461 = tpu.vector_load_idx %arg5[%get3A_460] : memref<100008xi32, #tpu.memory_space<vmem>>[vector<16xi32>], vector<16xi32>,
          %shift_left3A_462 = arith.constant 16 : i32
          %shift_left3A_463 = vector.broadcast %shift_left3A_462 : i32 to vector<16xi32>
          %shift_left3A_464 = arith.shli %gather3A_461, %shift_left3A_463 : vector<16xi32>
          %bitcast3A_465 = vector.bitcast %shift_left3A_464 : vector<16xi32> to vector<16xf32>
          %and3A_466 = arith.constant -65536 : i32
          %and3A_467 = vector.broadcast %and3A_466 : i32 to vector<16xi32>
          %and3A_468 = arith.andi %gather3A_461, %and3A_467 : vector<16xi32>
          %bitcast3A_469 = vector.bitcast %and3A_468 : vector<16xi32> to vector<16xf32>
          %add3A_470 = arith.addf %add3A_451, %bitcast3A_465 : vector<16xf32>
          %add3A_471 = arith.addf %add3A_452, %bitcast3A_469 : vector<16xf32>
          %scan3A_472 = arith.constant 7 : i32
          %scan3A_473 = arith.addi %scan3A_342, %scan3A_472 : i32
          %mul3A_474 = arith.constant 128 : i32
          %mul3A_475 = arith.muli %scan3A_473, %mul3A_474 : i32
          %add3A_476 = arith.constant 64 : i32
          %add3A_477 = arith.addi %mul3A_475, %add3A_476 : i32
          %get3A_478 = arith.index_cast %add3A_477 : i32 to index
          %get3A_479 = tpu.vector_load %arg6[%get3A_478] {strides = array<i32>} : memref<7168xi32, #tpu.memory_space<vmem>>, vector<16xi32>,
          %gather3A_480 = tpu.vector_load_idx %arg5[%get3A_479] : memref<100008xi32, #tpu.memory_space<vmem>>[vector<16xi32>], vector<16xi32>,
          %shift_left3A_481 = arith.constant 16 : i32
          %shift_left3A_482 = vector.broadcast %shift_left3A_481 : i32 to vector<16xi32>
          %shift_left3A_483 = arith.shli %gather3A_480, %shift_left3A_482 : vector<16xi32>
          %bitcast3A_484 = vector.bitcast %shift_left3A_483 : vector<16xi32> to vector<16xf32>
          %and3A_485 = arith.constant -65536 : i32
          %and3A_486 = vector.broadcast %and3A_485 : i32 to vector<16xi32>
          %and3A_487 = arith.andi %gather3A_480, %and3A_486 : vector<16xi32>
          %bitcast3A_488 = vector.bitcast %and3A_487 : vector<16xi32> to vector<16xf32>
          %add3A_489 = arith.addf %add3A_470, %bitcast3A_484 : vector<16xf32>
          %add3A_490 = arith.addf %add3A_471, %bitcast3A_488 : vector<16xf32>
          %scan3A_491 = arith.constant 8 : i32
          %scan3A_492 = arith.addi %scan3A_342, %scan3A_491 : i32
          %mul3A_493 = arith.constant 128 : i32
          %mul3A_494 = arith.muli %scan3A_492, %mul3A_493 : i32
          %add3A_495 = arith.constant 64 : i32
          %add3A_496 = arith.addi %mul3A_494, %add3A_495 : i32
          %get3A_497 = arith.index_cast %add3A_496 : i32 to index
          %get3A_498 = tpu.vector_load %arg6[%get3A_497] {strides = array<i32>} : memref<7168xi32, #tpu.memory_space<vmem>>, vector<16xi32>,
          %gather3A_499 = tpu.vector_load_idx %arg5[%get3A_498] : memref<100008xi32, #tpu.memory_space<vmem>>[vector<16xi32>], vector<16xi32>,
          %shift_left3A_500 = arith.constant 16 : i32
          %shift_left3A_501 = vector.broadcast %shift_left3A_500 : i32 to vector<16xi32>
          %shift_left3A_502 = arith.shli %gather3A_499, %shift_left3A_501 : vector<16xi32>
          %bitcast3A_503 = vector.bitcast %shift_left3A_502 : vector<16xi32> to vector<16xf32>
          %and3A_504 = arith.constant -65536 : i32
          %and3A_505 = vector.broadcast %and3A_504 : i32 to vector<16xi32>
          %and3A_506 = arith.andi %gather3A_499, %and3A_505 : vector<16xi32>
          %bitcast3A_507 = vector.bitcast %and3A_506 : vector<16xi32> to vector<16xf32>
          %add3A_508 = arith.addf %add3A_489, %bitcast3A_503 : vector<16xf32>
          %add3A_509 = arith.addf %add3A_490, %bitcast3A_507 : vector<16xf32>
          %scan3A_510 = arith.constant 9 : i32
          %scan3A_511 = arith.addi %scan3A_342, %scan3A_510 : i32
          %mul3A_512 = arith.constant 128 : i32
          %mul3A_513 = arith.muli %scan3A_511, %mul3A_512 : i32
          %add3A_514 = arith.constant 64 : i32
          %add3A_515 = arith.addi %mul3A_513, %add3A_514 : i32
          %get3A_516 = arith.index_cast %add3A_515 : i32 to index
          %get3A_517 = tpu.vector_load %arg6[%get3A_516] {strides = array<i32>} : memref<7168xi32, #tpu.memory_space<vmem>>, vector<16xi32>,
          %gather3A_518 = tpu.vector_load_idx %arg5[%get3A_517] : memref<100008xi32, #tpu.memory_space<vmem>>[vector<16xi32>], vector<16xi32>,
          %shift_left3A_519 = arith.constant 16 : i32
          %shift_left3A_520 = vector.broadcast %shift_left3A_519 : i32 to vector<16xi32>
          %shift_left3A_521 = arith.shli %gather3A_518, %shift_left3A_520 : vector<16xi32>
          %bitcast3A_522 = vector.bitcast %shift_left3A_521 : vector<16xi32> to vector<16xf32>
          %and3A_523 = arith.constant -65536 : i32
          %and3A_524 = vector.broadcast %and3A_523 : i32 to vector<16xi32>
          %and3A_525 = arith.andi %gather3A_518, %and3A_524 : vector<16xi32>
          %bitcast3A_526 = vector.bitcast %and3A_525 : vector<16xi32> to vector<16xf32>
          %add3A_527 = arith.addf %add3A_508, %bitcast3A_522 : vector<16xf32>
          %add3A_528 = arith.addf %add3A_509, %bitcast3A_526 : vector<16xf32>
          scf.yield %add3A_527, %add3A_528 : vector<16xf32>, vector<16xf32>
        }
        %scan3A_138 = arith.constant 50 : i32
        %rem3A_139 = arith.constant 16 : i32
        %rem3A_140 = arith.remsi %mul3A_54, %rem3A_139 : i32
        %mul3A_141 = arith.constant 128 : i32
        %mul3A_142 = arith.muli %rem3A_140, %mul3A_141 : i32
        %add3A_143 = arith.constant 64 : i32
        %add3A_144 = arith.addi %mul3A_142, %add3A_143 : i32
        %swap3A_145 = arith.index_cast %add3A_144 : i32 to index
        %swap3A_146 = tpu.vector_load %arg8[%swap3A_145] {strides = array<i32>} : memref<2048xf32, #tpu.memory_space<vmem>>, vector<16xf32>,
        tpu.vector_store %arg8[%swap3A_145], %scan3A_137#0 {strides = array<i32>} : memref<2048xf32, #tpu.memory_space<vmem>>, vector<16xf32>,
        %swap3A_147 = arith.index_cast %add3A_144 : i32 to index
        %swap3A_148 = tpu.vector_load %arg9[%swap3A_147] {strides = array<i32>} : memref<2048xf32, #tpu.memory_space<vmem>>, vector<16xf32>,
        tpu.vector_store %arg9[%swap3A_147], %scan3A_137#1 {strides = array<i32>} : memref<2048xf32, #tpu.memory_space<vmem>>, vector<16xf32>,
        %scan3A_149 = arith.constant 0 : i32
        %scan3A_150 = arith.constant 50 : i32
        %scan3A_151 = arith.addi %scan3A_149, %scan3A_150 : i32
        %scan3A_152 = arith.constant 10 : i32
        %scan3A_153:2 = scf.for %scan3A_342 = %scan3A_149 to %scan3A_151 step %scan3A_152 iter_args(%scan3A_343 = %broadcast_in_dim3A_1, %scan3A_344 = %broadcast_in_dim3A_1) -> (vector<16xf32>, vector<16xf32>)  : i32 {
          %mul3A_345 = arith.constant 128 : i32
          %mul3A_346 = arith.muli %scan3A_342, %mul3A_345 : i32
          %add3A_347 = arith.constant 80 : i32
          %add3A_348 = arith.addi %mul3A_346, %add3A_347 : i32
          %get3A = arith.index_cast %add3A_348 : i32 to index
          %get3A_349 = tpu.vector_load %arg6[%get3A] {strides = array<i32>} : memref<7168xi32, #tpu.memory_space<vmem>>, vector<16xi32>,
          %gather3A = tpu.vector_load_idx %arg5[%get3A_349] : memref<100008xi32, #tpu.memory_space<vmem>>[vector<16xi32>], vector<16xi32>,
          %shift_left3A = arith.constant 16 : i32
          %shift_left3A_350 = vector.broadcast %shift_left3A : i32 to vector<16xi32>
          %shift_left3A_351 = arith.shli %gather3A, %shift_left3A_350 : vector<16xi32>
          %bitcast3A = vector.bitcast %shift_left3A_351 : vector<16xi32> to vector<16xf32>
          %and3A_352 = arith.constant -65536 : i32
          %and3A_353 = vector.broadcast %and3A_352 : i32 to vector<16xi32>
          %and3A_354 = arith.andi %gather3A, %and3A_353 : vector<16xi32>
          %bitcast3A_355 = vector.bitcast %and3A_354 : vector<16xi32> to vector<16xf32>
          %add3A_356 = arith.addf %scan3A_343, %bitcast3A : vector<16xf32>
          %add3A_357 = arith.addf %scan3A_344, %bitcast3A_355 : vector<16xf32>
          %scan3A_358 = arith.constant 1 : i32
          %scan3A_359 = arith.addi %scan3A_342, %scan3A_358 : i32
          %mul3A_360 = arith.constant 128 : i32
          %mul3A_361 = arith.muli %scan3A_359, %mul3A_360 : i32
          %add3A_362 = arith.constant 80 : i32
          %add3A_363 = arith.addi %mul3A_361, %add3A_362 : i32
          %get3A_364 = arith.index_cast %add3A_363 : i32 to index
          %get3A_365 = tpu.vector_load %arg6[%get3A_364] {strides = array<i32>} : memref<7168xi32, #tpu.memory_space<vmem>>, vector<16xi32>,
          %gather3A_366 = tpu.vector_load_idx %arg5[%get3A_365] : memref<100008xi32, #tpu.memory_space<vmem>>[vector<16xi32>], vector<16xi32>,
          %shift_left3A_367 = arith.constant 16 : i32
          %shift_left3A_368 = vector.broadcast %shift_left3A_367 : i32 to vector<16xi32>
          %shift_left3A_369 = arith.shli %gather3A_366, %shift_left3A_368 : vector<16xi32>
          %bitcast3A_370 = vector.bitcast %shift_left3A_369 : vector<16xi32> to vector<16xf32>
          %and3A_371 = arith.constant -65536 : i32
          %and3A_372 = vector.broadcast %and3A_371 : i32 to vector<16xi32>
          %and3A_373 = arith.andi %gather3A_366, %and3A_372 : vector<16xi32>
          %bitcast3A_374 = vector.bitcast %and3A_373 : vector<16xi32> to vector<16xf32>
          %add3A_375 = arith.addf %add3A_356, %bitcast3A_370 : vector<16xf32>
          %add3A_376 = arith.addf %add3A_357, %bitcast3A_374 : vector<16xf32>
          %scan3A_377 = arith.constant 2 : i32
          %scan3A_378 = arith.addi %scan3A_342, %scan3A_377 : i32
          %mul3A_379 = arith.constant 128 : i32
          %mul3A_380 = arith.muli %scan3A_378, %mul3A_379 : i32
          %add3A_381 = arith.constant 80 : i32
          %add3A_382 = arith.addi %mul3A_380, %add3A_381 : i32
          %get3A_383 = arith.index_cast %add3A_382 : i32 to index
          %get3A_384 = tpu.vector_load %arg6[%get3A_383] {strides = array<i32>} : memref<7168xi32, #tpu.memory_space<vmem>>, vector<16xi32>,
          %gather3A_385 = tpu.vector_load_idx %arg5[%get3A_384] : memref<100008xi32, #tpu.memory_space<vmem>>[vector<16xi32>], vector<16xi32>,
          %shift_left3A_386 = arith.constant 16 : i32
          %shift_left3A_387 = vector.broadcast %shift_left3A_386 : i32 to vector<16xi32>
          %shift_left3A_388 = arith.shli %gather3A_385, %shift_left3A_387 : vector<16xi32>
          %bitcast3A_389 = vector.bitcast %shift_left3A_388 : vector<16xi32> to vector<16xf32>
          %and3A_390 = arith.constant -65536 : i32
          %and3A_391 = vector.broadcast %and3A_390 : i32 to vector<16xi32>
          %and3A_392 = arith.andi %gather3A_385, %and3A_391 : vector<16xi32>
          %bitcast3A_393 = vector.bitcast %and3A_392 : vector<16xi32> to vector<16xf32>
          %add3A_394 = arith.addf %add3A_375, %bitcast3A_389 : vector<16xf32>
          %add3A_395 = arith.addf %add3A_376, %bitcast3A_393 : vector<16xf32>
          %scan3A_396 = arith.constant 3 : i32
          %scan3A_397 = arith.addi %scan3A_342, %scan3A_396 : i32
          %mul3A_398 = arith.constant 128 : i32
          %mul3A_399 = arith.muli %scan3A_397, %mul3A_398 : i32
          %add3A_400 = arith.constant 80 : i32
          %add3A_401 = arith.addi %mul3A_399, %add3A_400 : i32
          %get3A_402 = arith.index_cast %add3A_401 : i32 to index
          %get3A_403 = tpu.vector_load %arg6[%get3A_402] {strides = array<i32>} : memref<7168xi32, #tpu.memory_space<vmem>>, vector<16xi32>,
          %gather3A_404 = tpu.vector_load_idx %arg5[%get3A_403] : memref<100008xi32, #tpu.memory_space<vmem>>[vector<16xi32>], vector<16xi32>,
          %shift_left3A_405 = arith.constant 16 : i32
          %shift_left3A_406 = vector.broadcast %shift_left3A_405 : i32 to vector<16xi32>
          %shift_left3A_407 = arith.shli %gather3A_404, %shift_left3A_406 : vector<16xi32>
          %bitcast3A_408 = vector.bitcast %shift_left3A_407 : vector<16xi32> to vector<16xf32>
          %and3A_409 = arith.constant -65536 : i32
          %and3A_410 = vector.broadcast %and3A_409 : i32 to vector<16xi32>
          %and3A_411 = arith.andi %gather3A_404, %and3A_410 : vector<16xi32>
          %bitcast3A_412 = vector.bitcast %and3A_411 : vector<16xi32> to vector<16xf32>
          %add3A_413 = arith.addf %add3A_394, %bitcast3A_408 : vector<16xf32>
          %add3A_414 = arith.addf %add3A_395, %bitcast3A_412 : vector<16xf32>
          %scan3A_415 = arith.constant 4 : i32
          %scan3A_416 = arith.addi %scan3A_342, %scan3A_415 : i32
          %mul3A_417 = arith.constant 128 : i32
          %mul3A_418 = arith.muli %scan3A_416, %mul3A_417 : i32
          %add3A_419 = arith.constant 80 : i32
          %add3A_420 = arith.addi %mul3A_418, %add3A_419 : i32
          %get3A_421 = arith.index_cast %add3A_420 : i32 to index
          %get3A_422 = tpu.vector_load %arg6[%get3A_421] {strides = array<i32>} : memref<7168xi32, #tpu.memory_space<vmem>>, vector<16xi32>,
          %gather3A_423 = tpu.vector_load_idx %arg5[%get3A_422] : memref<100008xi32, #tpu.memory_space<vmem>>[vector<16xi32>], vector<16xi32>,
          %shift_left3A_424 = arith.constant 16 : i32
          %shift_left3A_425 = vector.broadcast %shift_left3A_424 : i32 to vector<16xi32>
          %shift_left3A_426 = arith.shli %gather3A_423, %shift_left3A_425 : vector<16xi32>
          %bitcast3A_427 = vector.bitcast %shift_left3A_426 : vector<16xi32> to vector<16xf32>
          %and3A_428 = arith.constant -65536 : i32
          %and3A_429 = vector.broadcast %and3A_428 : i32 to vector<16xi32>
          %and3A_430 = arith.andi %gather3A_423, %and3A_429 : vector<16xi32>
          %bitcast3A_431 = vector.bitcast %and3A_430 : vector<16xi32> to vector<16xf32>
          %add3A_432 = arith.addf %add3A_413, %bitcast3A_427 : vector<16xf32>
          %add3A_433 = arith.addf %add3A_414, %bitcast3A_431 : vector<16xf32>
          %scan3A_434 = arith.constant 5 : i32
          %scan3A_435 = arith.addi %scan3A_342, %scan3A_434 : i32
          %mul3A_436 = arith.constant 128 : i32
          %mul3A_437 = arith.muli %scan3A_435, %mul3A_436 : i32
          %add3A_438 = arith.constant 80 : i32
          %add3A_439 = arith.addi %mul3A_437, %add3A_438 : i32
          %get3A_440 = arith.index_cast %add3A_439 : i32 to index
          %get3A_441 = tpu.vector_load %arg6[%get3A_440] {strides = array<i32>} : memref<7168xi32, #tpu.memory_space<vmem>>, vector<16xi32>,
          %gather3A_442 = tpu.vector_load_idx %arg5[%get3A_441] : memref<100008xi32, #tpu.memory_space<vmem>>[vector<16xi32>], vector<16xi32>,
          %shift_left3A_443 = arith.constant 16 : i32
          %shift_left3A_444 = vector.broadcast %shift_left3A_443 : i32 to vector<16xi32>
          %shift_left3A_445 = arith.shli %gather3A_442, %shift_left3A_444 : vector<16xi32>
          %bitcast3A_446 = vector.bitcast %shift_left3A_445 : vector<16xi32> to vector<16xf32>
          %and3A_447 = arith.constant -65536 : i32
          %and3A_448 = vector.broadcast %and3A_447 : i32 to vector<16xi32>
          %and3A_449 = arith.andi %gather3A_442, %and3A_448 : vector<16xi32>
          %bitcast3A_450 = vector.bitcast %and3A_449 : vector<16xi32> to vector<16xf32>
          %add3A_451 = arith.addf %add3A_432, %bitcast3A_446 : vector<16xf32>
          %add3A_452 = arith.addf %add3A_433, %bitcast3A_450 : vector<16xf32>
          %scan3A_453 = arith.constant 6 : i32
          %scan3A_454 = arith.addi %scan3A_342, %scan3A_453 : i32
          %mul3A_455 = arith.constant 128 : i32
          %mul3A_456 = arith.muli %scan3A_454, %mul3A_455 : i32
          %add3A_457 = arith.constant 80 : i32
          %add3A_458 = arith.addi %mul3A_456, %add3A_457 : i32
          %get3A_459 = arith.index_cast %add3A_458 : i32 to index
          %get3A_460 = tpu.vector_load %arg6[%get3A_459] {strides = array<i32>} : memref<7168xi32, #tpu.memory_space<vmem>>, vector<16xi32>,
          %gather3A_461 = tpu.vector_load_idx %arg5[%get3A_460] : memref<100008xi32, #tpu.memory_space<vmem>>[vector<16xi32>], vector<16xi32>,
          %shift_left3A_462 = arith.constant 16 : i32
          %shift_left3A_463 = vector.broadcast %shift_left3A_462 : i32 to vector<16xi32>
          %shift_left3A_464 = arith.shli %gather3A_461, %shift_left3A_463 : vector<16xi32>
          %bitcast3A_465 = vector.bitcast %shift_left3A_464 : vector<16xi32> to vector<16xf32>
          %and3A_466 = arith.constant -65536 : i32
          %and3A_467 = vector.broadcast %and3A_466 : i32 to vector<16xi32>
          %and3A_468 = arith.andi %gather3A_461, %and3A_467 : vector<16xi32>
          %bitcast3A_469 = vector.bitcast %and3A_468 : vector<16xi32> to vector<16xf32>
          %add3A_470 = arith.addf %add3A_451, %bitcast3A_465 : vector<16xf32>
          %add3A_471 = arith.addf %add3A_452, %bitcast3A_469 : vector<16xf32>
          %scan3A_472 = arith.constant 7 : i32
          %scan3A_473 = arith.addi %scan3A_342, %scan3A_472 : i32
          %mul3A_474 = arith.constant 128 : i32
          %mul3A_475 = arith.muli %scan3A_473, %mul3A_474 : i32
          %add3A_476 = arith.constant 80 : i32
          %add3A_477 = arith.addi %mul3A_475, %add3A_476 : i32
          %get3A_478 = arith.index_cast %add3A_477 : i32 to index
          %get3A_479 = tpu.vector_load %arg6[%get3A_478] {strides = array<i32>} : memref<7168xi32, #tpu.memory_space<vmem>>, vector<16xi32>,
          %gather3A_480 = tpu.vector_load_idx %arg5[%get3A_479] : memref<100008xi32, #tpu.memory_space<vmem>>[vector<16xi32>], vector<16xi32>,
          %shift_left3A_481 = arith.constant 16 : i32
          %shift_left3A_482 = vector.broadcast %shift_left3A_481 : i32 to vector<16xi32>
          %shift_left3A_483 = arith.shli %gather3A_480, %shift_left3A_482 : vector<16xi32>
          %bitcast3A_484 = vector.bitcast %shift_left3A_483 : vector<16xi32> to vector<16xf32>
          %and3A_485 = arith.constant -65536 : i32
          %and3A_486 = vector.broadcast %and3A_485 : i32 to vector<16xi32>
          %and3A_487 = arith.andi %gather3A_480, %and3A_486 : vector<16xi32>
          %bitcast3A_488 = vector.bitcast %and3A_487 : vector<16xi32> to vector<16xf32>
          %add3A_489 = arith.addf %add3A_470, %bitcast3A_484 : vector<16xf32>
          %add3A_490 = arith.addf %add3A_471, %bitcast3A_488 : vector<16xf32>
          %scan3A_491 = arith.constant 8 : i32
          %scan3A_492 = arith.addi %scan3A_342, %scan3A_491 : i32
          %mul3A_493 = arith.constant 128 : i32
          %mul3A_494 = arith.muli %scan3A_492, %mul3A_493 : i32
          %add3A_495 = arith.constant 80 : i32
          %add3A_496 = arith.addi %mul3A_494, %add3A_495 : i32
          %get3A_497 = arith.index_cast %add3A_496 : i32 to index
          %get3A_498 = tpu.vector_load %arg6[%get3A_497] {strides = array<i32>} : memref<7168xi32, #tpu.memory_space<vmem>>, vector<16xi32>,
          %gather3A_499 = tpu.vector_load_idx %arg5[%get3A_498] : memref<100008xi32, #tpu.memory_space<vmem>>[vector<16xi32>], vector<16xi32>,
          %shift_left3A_500 = arith.constant 16 : i32
          %shift_left3A_501 = vector.broadcast %shift_left3A_500 : i32 to vector<16xi32>
          %shift_left3A_502 = arith.shli %gather3A_499, %shift_left3A_501 : vector<16xi32>
          %bitcast3A_503 = vector.bitcast %shift_left3A_502 : vector<16xi32> to vector<16xf32>
          %and3A_504 = arith.constant -65536 : i32
          %and3A_505 = vector.broadcast %and3A_504 : i32 to vector<16xi32>
          %and3A_506 = arith.andi %gather3A_499, %and3A_505 : vector<16xi32>
          %bitcast3A_507 = vector.bitcast %and3A_506 : vector<16xi32> to vector<16xf32>
          %add3A_508 = arith.addf %add3A_489, %bitcast3A_503 : vector<16xf32>
          %add3A_509 = arith.addf %add3A_490, %bitcast3A_507 : vector<16xf32>
          %scan3A_510 = arith.constant 9 : i32
          %scan3A_511 = arith.addi %scan3A_342, %scan3A_510 : i32
          %mul3A_512 = arith.constant 128 : i32
          %mul3A_513 = arith.muli %scan3A_511, %mul3A_512 : i32
          %add3A_514 = arith.constant 80 : i32
          %add3A_515 = arith.addi %mul3A_513, %add3A_514 : i32
          %get3A_516 = arith.index_cast %add3A_515 : i32 to index
          %get3A_517 = tpu.vector_load %arg6[%get3A_516] {strides = array<i32>} : memref<7168xi32, #tpu.memory_space<vmem>>, vector<16xi32>,
          %gather3A_518 = tpu.vector_load_idx %arg5[%get3A_517] : memref<100008xi32, #tpu.memory_space<vmem>>[vector<16xi32>], vector<16xi32>,
          %shift_left3A_519 = arith.constant 16 : i32
          %shift_left3A_520 = vector.broadcast %shift_left3A_519 : i32 to vector<16xi32>
          %shift_left3A_521 = arith.shli %gather3A_518, %shift_left3A_520 : vector<16xi32>
          %bitcast3A_522 = vector.bitcast %shift_left3A_521 : vector<16xi32> to vector<16xf32>
          %and3A_523 = arith.constant -65536 : i32
          %and3A_524 = vector.broadcast %and3A_523 : i32 to vector<16xi32>
          %and3A_525 = arith.andi %gather3A_518, %and3A_524 : vector<16xi32>
          %bitcast3A_526 = vector.bitcast %and3A_525 : vector<16xi32> to vector<16xf32>
          %add3A_527 = arith.addf %add3A_508, %bitcast3A_522 : vector<16xf32>
          %add3A_528 = arith.addf %add3A_509, %bitcast3A_526 : vector<16xf32>
          scf.yield %add3A_527, %add3A_528 : vector<16xf32>, vector<16xf32>
        }
        %scan3A_154 = arith.constant 50 : i32
        %rem3A_155 = arith.constant 16 : i32
        %rem3A_156 = arith.remsi %mul3A_54, %rem3A_155 : i32
        %mul3A_157 = arith.constant 128 : i32
        %mul3A_158 = arith.muli %rem3A_156, %mul3A_157 : i32
        %add3A_159 = arith.constant 80 : i32
        %add3A_160 = arith.addi %mul3A_158, %add3A_159 : i32
        %swap3A_161 = arith.index_cast %add3A_160 : i32 to index
        %swap3A_162 = tpu.vector_load %arg8[%swap3A_161] {strides = array<i32>} : memref<2048xf32, #tpu.memory_space<vmem>>, vector<16xf32>,
        tpu.vector_store %arg8[%swap3A_161], %scan3A_153#0 {strides = array<i32>} : memref<2048xf32, #tpu.memory_space<vmem>>, vector<16xf32>,
        %swap3A_163 = arith.index_cast %add3A_160 : i32 to index
        %swap3A_164 = tpu.vector_load %arg9[%swap3A_163] {strides = array<i32>} : memref<2048xf32, #tpu.memory_space<vmem>>, vector<16xf32>,
        tpu.vector_store %arg9[%swap3A_163], %scan3A_153#1 {strides = array<i32>} : memref<2048xf32, #tpu.memory_space<vmem>>, vector<16xf32>,
        %scan3A_165 = arith.constant 0 : i32
        %scan3A_166 = arith.constant 50 : i32
        %scan3A_167 = arith.addi %scan3A_165, %scan3A_166 : i32
        %scan3A_168 = arith.constant 10 : i32
        %scan3A_169:2 = scf.for %scan3A_342 = %scan3A_165 to %scan3A_167 step %scan3A_168 iter_args(%scan3A_343 = %broadcast_in_dim3A_1, %scan3A_344 = %broadcast_in_dim3A_1) -> (vector<16xf32>, vector<16xf32>)  : i32 {
          %mul3A_345 = arith.constant 128 : i32
          %mul3A_346 = arith.muli %scan3A_342, %mul3A_345 : i32
          %add3A_347 = arith.constant 96 : i32
          %add3A_348 = arith.addi %mul3A_346, %add3A_347 : i32
          %get3A = arith.index_cast %add3A_348 : i32 to index
          %get3A_349 = tpu.vector_load %arg6[%get3A] {strides = array<i32>} : memref<7168xi32, #tpu.memory_space<vmem>>, vector<16xi32>,
          %gather3A = tpu.vector_load_idx %arg5[%get3A_349] : memref<100008xi32, #tpu.memory_space<vmem>>[vector<16xi32>], vector<16xi32>,
          %shift_left3A = arith.constant 16 : i32
          %shift_left3A_350 = vector.broadcast %shift_left3A : i32 to vector<16xi32>
          %shift_left3A_351 = arith.shli %gather3A, %shift_left3A_350 : vector<16xi32>
          %bitcast3A = vector.bitcast %shift_left3A_351 : vector<16xi32> to vector<16xf32>
          %and3A_352 = arith.constant -65536 : i32
          %and3A_353 = vector.broadcast %and3A_352 : i32 to vector<16xi32>
          %and3A_354 = arith.andi %gather3A, %and3A_353 : vector<16xi32>
          %bitcast3A_355 = vector.bitcast %and3A_354 : vector<16xi32> to vector<16xf32>
          %add3A_356 = arith.addf %scan3A_343, %bitcast3A : vector<16xf32>
          %add3A_357 = arith.addf %scan3A_344, %bitcast3A_355 : vector<16xf32>
          %scan3A_358 = arith.constant 1 : i32
          %scan3A_359 = arith.addi %scan3A_342, %scan3A_358 : i32
          %mul3A_360 = arith.constant 128 : i32
          %mul3A_361 = arith.muli %scan3A_359, %mul3A_360 : i32
          %add3A_362 = arith.constant 96 : i32
          %add3A_363 = arith.addi %mul3A_361, %add3A_362 : i32
          %get3A_364 = arith.index_cast %add3A_363 : i32 to index
          %get3A_365 = tpu.vector_load %arg6[%get3A_364] {strides = array<i32>} : memref<7168xi32, #tpu.memory_space<vmem>>, vector<16xi32>,
          %gather3A_366 = tpu.vector_load_idx %arg5[%get3A_365] : memref<100008xi32, #tpu.memory_space<vmem>>[vector<16xi32>], vector<16xi32>,
          %shift_left3A_367 = arith.constant 16 : i32
          %shift_left3A_368 = vector.broadcast %shift_left3A_367 : i32 to vector<16xi32>
          %shift_left3A_369 = arith.shli %gather3A_366, %shift_left3A_368 : vector<16xi32>
          %bitcast3A_370 = vector.bitcast %shift_left3A_369 : vector<16xi32> to vector<16xf32>
          %and3A_371 = arith.constant -65536 : i32
          %and3A_372 = vector.broadcast %and3A_371 : i32 to vector<16xi32>
          %and3A_373 = arith.andi %gather3A_366, %and3A_372 : vector<16xi32>
          %bitcast3A_374 = vector.bitcast %and3A_373 : vector<16xi32> to vector<16xf32>
          %add3A_375 = arith.addf %add3A_356, %bitcast3A_370 : vector<16xf32>
          %add3A_376 = arith.addf %add3A_357, %bitcast3A_374 : vector<16xf32>
          %scan3A_377 = arith.constant 2 : i32
          %scan3A_378 = arith.addi %scan3A_342, %scan3A_377 : i32
          %mul3A_379 = arith.constant 128 : i32
          %mul3A_380 = arith.muli %scan3A_378, %mul3A_379 : i32
          %add3A_381 = arith.constant 96 : i32
          %add3A_382 = arith.addi %mul3A_380, %add3A_381 : i32
          %get3A_383 = arith.index_cast %add3A_382 : i32 to index
          %get3A_384 = tpu.vector_load %arg6[%get3A_383] {strides = array<i32>} : memref<7168xi32, #tpu.memory_space<vmem>>, vector<16xi32>,
          %gather3A_385 = tpu.vector_load_idx %arg5[%get3A_384] : memref<100008xi32, #tpu.memory_space<vmem>>[vector<16xi32>], vector<16xi32>,
          %shift_left3A_386 = arith.constant 16 : i32
          %shift_left3A_387 = vector.broadcast %shift_left3A_386 : i32 to vector<16xi32>
          %shift_left3A_388 = arith.shli %gather3A_385, %shift_left3A_387 : vector<16xi32>
          %bitcast3A_389 = vector.bitcast %shift_left3A_388 : vector<16xi32> to vector<16xf32>
          %and3A_390 = arith.constant -65536 : i32
          %and3A_391 = vector.broadcast %and3A_390 : i32 to vector<16xi32>
          %and3A_392 = arith.andi %gather3A_385, %and3A_391 : vector<16xi32>
          %bitcast3A_393 = vector.bitcast %and3A_392 : vector<16xi32> to vector<16xf32>
          %add3A_394 = arith.addf %add3A_375, %bitcast3A_389 : vector<16xf32>
          %add3A_395 = arith.addf %add3A_376, %bitcast3A_393 : vector<16xf32>
          %scan3A_396 = arith.constant 3 : i32
          %scan3A_397 = arith.addi %scan3A_342, %scan3A_396 : i32
          %mul3A_398 = arith.constant 128 : i32
          %mul3A_399 = arith.muli %scan3A_397, %mul3A_398 : i32
          %add3A_400 = arith.constant 96 : i32
          %add3A_401 = arith.addi %mul3A_399, %add3A_400 : i32
          %get3A_402 = arith.index_cast %add3A_401 : i32 to index
          %get3A_403 = tpu.vector_load %arg6[%get3A_402] {strides = array<i32>} : memref<7168xi32, #tpu.memory_space<vmem>>, vector<16xi32>,
          %gather3A_404 = tpu.vector_load_idx %arg5[%get3A_403] : memref<100008xi32, #tpu.memory_space<vmem>>[vector<16xi32>], vector<16xi32>,
          %shift_left3A_405 = arith.constant 16 : i32
          %shift_left3A_406 = vector.broadcast %shift_left3A_405 : i32 to vector<16xi32>
          %shift_left3A_407 = arith.shli %gather3A_404, %shift_left3A_406 : vector<16xi32>
          %bitcast3A_408 = vector.bitcast %shift_left3A_407 : vector<16xi32> to vector<16xf32>
          %and3A_409 = arith.constant -65536 : i32
          %and3A_410 = vector.broadcast %and3A_409 : i32 to vector<16xi32>
          %and3A_411 = arith.andi %gather3A_404, %and3A_410 : vector<16xi32>
          %bitcast3A_412 = vector.bitcast %and3A_411 : vector<16xi32> to vector<16xf32>
          %add3A_413 = arith.addf %add3A_394, %bitcast3A_408 : vector<16xf32>
          %add3A_414 = arith.addf %add3A_395, %bitcast3A_412 : vector<16xf32>
          %scan3A_415 = arith.constant 4 : i32
          %scan3A_416 = arith.addi %scan3A_342, %scan3A_415 : i32
          %mul3A_417 = arith.constant 128 : i32
          %mul3A_418 = arith.muli %scan3A_416, %mul3A_417 : i32
          %add3A_419 = arith.constant 96 : i32
          %add3A_420 = arith.addi %mul3A_418, %add3A_419 : i32
          %get3A_421 = arith.index_cast %add3A_420 : i32 to index
          %get3A_422 = tpu.vector_load %arg6[%get3A_421] {strides = array<i32>} : memref<7168xi32, #tpu.memory_space<vmem>>, vector<16xi32>,
          %gather3A_423 = tpu.vector_load_idx %arg5[%get3A_422] : memref<100008xi32, #tpu.memory_space<vmem>>[vector<16xi32>], vector<16xi32>,
          %shift_left3A_424 = arith.constant 16 : i32
          %shift_left3A_425 = vector.broadcast %shift_left3A_424 : i32 to vector<16xi32>
          %shift_left3A_426 = arith.shli %gather3A_423, %shift_left3A_425 : vector<16xi32>
          %bitcast3A_427 = vector.bitcast %shift_left3A_426 : vector<16xi32> to vector<16xf32>
          %and3A_428 = arith.constant -65536 : i32
          %and3A_429 = vector.broadcast %and3A_428 : i32 to vector<16xi32>
          %and3A_430 = arith.andi %gather3A_423, %and3A_429 : vector<16xi32>
          %bitcast3A_431 = vector.bitcast %and3A_430 : vector<16xi32> to vector<16xf32>
          %add3A_432 = arith.addf %add3A_413, %bitcast3A_427 : vector<16xf32>
          %add3A_433 = arith.addf %add3A_414, %bitcast3A_431 : vector<16xf32>
          %scan3A_434 = arith.constant 5 : i32
          %scan3A_435 = arith.addi %scan3A_342, %scan3A_434 : i32
          %mul3A_436 = arith.constant 128 : i32
          %mul3A_437 = arith.muli %scan3A_435, %mul3A_436 : i32
          %add3A_438 = arith.constant 96 : i32
          %add3A_439 = arith.addi %mul3A_437, %add3A_438 : i32
          %get3A_440 = arith.index_cast %add3A_439 : i32 to index
          %get3A_441 = tpu.vector_load %arg6[%get3A_440] {strides = array<i32>} : memref<7168xi32, #tpu.memory_space<vmem>>, vector<16xi32>,
          %gather3A_442 = tpu.vector_load_idx %arg5[%get3A_441] : memref<100008xi32, #tpu.memory_space<vmem>>[vector<16xi32>], vector<16xi32>,
          %shift_left3A_443 = arith.constant 16 : i32
          %shift_left3A_444 = vector.broadcast %shift_left3A_443 : i32 to vector<16xi32>
          %shift_left3A_445 = arith.shli %gather3A_442, %shift_left3A_444 : vector<16xi32>
          %bitcast3A_446 = vector.bitcast %shift_left3A_445 : vector<16xi32> to vector<16xf32>
          %and3A_447 = arith.constant -65536 : i32
          %and3A_448 = vector.broadcast %and3A_447 : i32 to vector<16xi32>
          %and3A_449 = arith.andi %gather3A_442, %and3A_448 : vector<16xi32>
          %bitcast3A_450 = vector.bitcast %and3A_449 : vector<16xi32> to vector<16xf32>
          %add3A_451 = arith.addf %add3A_432, %bitcast3A_446 : vector<16xf32>
          %add3A_452 = arith.addf %add3A_433, %bitcast3A_450 : vector<16xf32>
          %scan3A_453 = arith.constant 6 : i32
          %scan3A_454 = arith.addi %scan3A_342, %scan3A_453 : i32
          %mul3A_455 = arith.constant 128 : i32
          %mul3A_456 = arith.muli %scan3A_454, %mul3A_455 : i32
          %add3A_457 = arith.constant 96 : i32
          %add3A_458 = arith.addi %mul3A_456, %add3A_457 : i32
          %get3A_459 = arith.index_cast %add3A_458 : i32 to index
          %get3A_460 = tpu.vector_load %arg6[%get3A_459] {strides = array<i32>} : memref<7168xi32, #tpu.memory_space<vmem>>, vector<16xi32>,
          %gather3A_461 = tpu.vector_load_idx %arg5[%get3A_460] : memref<100008xi32, #tpu.memory_space<vmem>>[vector<16xi32>], vector<16xi32>,
          %shift_left3A_462 = arith.constant 16 : i32
          %shift_left3A_463 = vector.broadcast %shift_left3A_462 : i32 to vector<16xi32>
          %shift_left3A_464 = arith.shli %gather3A_461, %shift_left3A_463 : vector<16xi32>
          %bitcast3A_465 = vector.bitcast %shift_left3A_464 : vector<16xi32> to vector<16xf32>
          %and3A_466 = arith.constant -65536 : i32
          %and3A_467 = vector.broadcast %and3A_466 : i32 to vector<16xi32>
          %and3A_468 = arith.andi %gather3A_461, %and3A_467 : vector<16xi32>
          %bitcast3A_469 = vector.bitcast %and3A_468 : vector<16xi32> to vector<16xf32>
          %add3A_470 = arith.addf %add3A_451, %bitcast3A_465 : vector<16xf32>
          %add3A_471 = arith.addf %add3A_452, %bitcast3A_469 : vector<16xf32>
          %scan3A_472 = arith.constant 7 : i32
          %scan3A_473 = arith.addi %scan3A_342, %scan3A_472 : i32
          %mul3A_474 = arith.constant 128 : i32
          %mul3A_475 = arith.muli %scan3A_473, %mul3A_474 : i32
          %add3A_476 = arith.constant 96 : i32
          %add3A_477 = arith.addi %mul3A_475, %add3A_476 : i32
          %get3A_478 = arith.index_cast %add3A_477 : i32 to index
          %get3A_479 = tpu.vector_load %arg6[%get3A_478] {strides = array<i32>} : memref<7168xi32, #tpu.memory_space<vmem>>, vector<16xi32>,
          %gather3A_480 = tpu.vector_load_idx %arg5[%get3A_479] : memref<100008xi32, #tpu.memory_space<vmem>>[vector<16xi32>], vector<16xi32>,
          %shift_left3A_481 = arith.constant 16 : i32
          %shift_left3A_482 = vector.broadcast %shift_left3A_481 : i32 to vector<16xi32>
          %shift_left3A_483 = arith.shli %gather3A_480, %shift_left3A_482 : vector<16xi32>
          %bitcast3A_484 = vector.bitcast %shift_left3A_483 : vector<16xi32> to vector<16xf32>
          %and3A_485 = arith.constant -65536 : i32
          %and3A_486 = vector.broadcast %and3A_485 : i32 to vector<16xi32>
          %and3A_487 = arith.andi %gather3A_480, %and3A_486 : vector<16xi32>
          %bitcast3A_488 = vector.bitcast %and3A_487 : vector<16xi32> to vector<16xf32>
          %add3A_489 = arith.addf %add3A_470, %bitcast3A_484 : vector<16xf32>
          %add3A_490 = arith.addf %add3A_471, %bitcast3A_488 : vector<16xf32>
          %scan3A_491 = arith.constant 8 : i32
          %scan3A_492 = arith.addi %scan3A_342, %scan3A_491 : i32
          %mul3A_493 = arith.constant 128 : i32
          %mul3A_494 = arith.muli %scan3A_492, %mul3A_493 : i32
          %add3A_495 = arith.constant 96 : i32
          %add3A_496 = arith.addi %mul3A_494, %add3A_495 : i32
          %get3A_497 = arith.index_cast %add3A_496 : i32 to index
          %get3A_498 = tpu.vector_load %arg6[%get3A_497] {strides = array<i32>} : memref<7168xi32, #tpu.memory_space<vmem>>, vector<16xi32>,
          %gather3A_499 = tpu.vector_load_idx %arg5[%get3A_498] : memref<100008xi32, #tpu.memory_space<vmem>>[vector<16xi32>], vector<16xi32>,
          %shift_left3A_500 = arith.constant 16 : i32
          %shift_left3A_501 = vector.broadcast %shift_left3A_500 : i32 to vector<16xi32>
          %shift_left3A_502 = arith.shli %gather3A_499, %shift_left3A_501 : vector<16xi32>
          %bitcast3A_503 = vector.bitcast %shift_left3A_502 : vector<16xi32> to vector<16xf32>
          %and3A_504 = arith.constant -65536 : i32
          %and3A_505 = vector.broadcast %and3A_504 : i32 to vector<16xi32>
          %and3A_506 = arith.andi %gather3A_499, %and3A_505 : vector<16xi32>
          %bitcast3A_507 = vector.bitcast %and3A_506 : vector<16xi32> to vector<16xf32>
          %add3A_508 = arith.addf %add3A_489, %bitcast3A_503 : vector<16xf32>
          %add3A_509 = arith.addf %add3A_490, %bitcast3A_507 : vector<16xf32>
          %scan3A_510 = arith.constant 9 : i32
          %scan3A_511 = arith.addi %scan3A_342, %scan3A_510 : i32
          %mul3A_512 = arith.constant 128 : i32
          %mul3A_513 = arith.muli %scan3A_511, %mul3A_512 : i32
          %add3A_514 = arith.constant 96 : i32
          %add3A_515 = arith.addi %mul3A_513, %add3A_514 : i32
          %get3A_516 = arith.index_cast %add3A_515 : i32 to index
          %get3A_517 = tpu.vector_load %arg6[%get3A_516] {strides = array<i32>} : memref<7168xi32, #tpu.memory_space<vmem>>, vector<16xi32>,
          %gather3A_518 = tpu.vector_load_idx %arg5[%get3A_517] : memref<100008xi32, #tpu.memory_space<vmem>>[vector<16xi32>], vector<16xi32>,
          %shift_left3A_519 = arith.constant 16 : i32
          %shift_left3A_520 = vector.broadcast %shift_left3A_519 : i32 to vector<16xi32>
          %shift_left3A_521 = arith.shli %gather3A_518, %shift_left3A_520 : vector<16xi32>
          %bitcast3A_522 = vector.bitcast %shift_left3A_521 : vector<16xi32> to vector<16xf32>
          %and3A_523 = arith.constant -65536 : i32
          %and3A_524 = vector.broadcast %and3A_523 : i32 to vector<16xi32>
          %and3A_525 = arith.andi %gather3A_518, %and3A_524 : vector<16xi32>
          %bitcast3A_526 = vector.bitcast %and3A_525 : vector<16xi32> to vector<16xf32>
          %add3A_527 = arith.addf %add3A_508, %bitcast3A_522 : vector<16xf32>
          %add3A_528 = arith.addf %add3A_509, %bitcast3A_526 : vector<16xf32>
          scf.yield %add3A_527, %add3A_528 : vector<16xf32>, vector<16xf32>
        }
        %scan3A_170 = arith.constant 50 : i32
        %rem3A_171 = arith.constant 16 : i32
        %rem3A_172 = arith.remsi %mul3A_54, %rem3A_171 : i32
        %mul3A_173 = arith.constant 128 : i32
        %mul3A_174 = arith.muli %rem3A_172, %mul3A_173 : i32
        %add3A_175 = arith.constant 96 : i32
        %add3A_176 = arith.addi %mul3A_174, %add3A_175 : i32
        %swap3A_177 = arith.index_cast %add3A_176 : i32 to index
        %swap3A_178 = tpu.vector_load %arg8[%swap3A_177] {strides = array<i32>} : memref<2048xf32, #tpu.memory_space<vmem>>, vector<16xf32>,
        tpu.vector_store %arg8[%swap3A_177], %scan3A_169#0 {strides = array<i32>} : memref<2048xf32, #tpu.memory_space<vmem>>, vector<16xf32>,
        %swap3A_179 = arith.index_cast %add3A_176 : i32 to index
        %swap3A_180 = tpu.vector_load %arg9[%swap3A_179] {strides = array<i32>} : memref<2048xf32, #tpu.memory_space<vmem>>, vector<16xf32>,
        tpu.vector_store %arg9[%swap3A_179], %scan3A_169#1 {strides = array<i32>} : memref<2048xf32, #tpu.memory_space<vmem>>, vector<16xf32>,
        %scan3A_181 = arith.constant 0 : i32
        %scan3A_182 = arith.constant 50 : i32
        %scan3A_183 = arith.addi %scan3A_181, %scan3A_182 : i32
        %scan3A_184 = arith.constant 10 : i32
        %scan3A_185:2 = scf.for %scan3A_342 = %scan3A_181 to %scan3A_183 step %scan3A_184 iter_args(%scan3A_343 = %broadcast_in_dim3A_1, %scan3A_344 = %broadcast_in_dim3A_1) -> (vector<16xf32>, vector<16xf32>)  : i32 {
          %mul3A_345 = arith.constant 128 : i32
          %mul3A_346 = arith.muli %scan3A_342, %mul3A_345 : i32
          %add3A_347 = arith.constant 112 : i32
          %add3A_348 = arith.addi %mul3A_346, %add3A_347 : i32
          %get3A = arith.index_cast %add3A_348 : i32 to index
          %get3A_349 = tpu.vector_load %arg6[%get3A] {strides = array<i32>} : memref<7168xi32, #tpu.memory_space<vmem>>, vector<16xi32>,
          %gather3A = tpu.vector_load_idx %arg5[%get3A_349] : memref<100008xi32, #tpu.memory_space<vmem>>[vector<16xi32>], vector<16xi32>,
          %shift_left3A = arith.constant 16 : i32
          %shift_left3A_350 = vector.broadcast %shift_left3A : i32 to vector<16xi32>
          %shift_left3A_351 = arith.shli %gather3A, %shift_left3A_350 : vector<16xi32>
          %bitcast3A = vector.bitcast %shift_left3A_351 : vector<16xi32> to vector<16xf32>
          %and3A_352 = arith.constant -65536 : i32
          %and3A_353 = vector.broadcast %and3A_352 : i32 to vector<16xi32>
          %and3A_354 = arith.andi %gather3A, %and3A_353 : vector<16xi32>
          %bitcast3A_355 = vector.bitcast %and3A_354 : vector<16xi32> to vector<16xf32>
          %add3A_356 = arith.addf %scan3A_343, %bitcast3A : vector<16xf32>
          %add3A_357 = arith.addf %scan3A_344, %bitcast3A_355 : vector<16xf32>
          %scan3A_358 = arith.constant 1 : i32
          %scan3A_359 = arith.addi %scan3A_342, %scan3A_358 : i32
          %mul3A_360 = arith.constant 128 : i32
          %mul3A_361 = arith.muli %scan3A_359, %mul3A_360 : i32
          %add3A_362 = arith.constant 112 : i32
          %add3A_363 = arith.addi %mul3A_361, %add3A_362 : i32
          %get3A_364 = arith.index_cast %add3A_363 : i32 to index
          %get3A_365 = tpu.vector_load %arg6[%get3A_364] {strides = array<i32>} : memref<7168xi32, #tpu.memory_space<vmem>>, vector<16xi32>,
          %gather3A_366 = tpu.vector_load_idx %arg5[%get3A_365] : memref<100008xi32, #tpu.memory_space<vmem>>[vector<16xi32>], vector<16xi32>,
          %shift_left3A_367 = arith.constant 16 : i32
          %shift_left3A_368 = vector.broadcast %shift_left3A_367 : i32 to vector<16xi32>
          %shift_left3A_369 = arith.shli %gather3A_366, %shift_left3A_368 : vector<16xi32>
          %bitcast3A_370 = vector.bitcast %shift_left3A_369 : vector<16xi32> to vector<16xf32>
          %and3A_371 = arith.constant -65536 : i32
          %and3A_372 = vector.broadcast %and3A_371 : i32 to vector<16xi32>
          %and3A_373 = arith.andi %gather3A_366, %and3A_372 : vector<16xi32>
          %bitcast3A_374 = vector.bitcast %and3A_373 : vector<16xi32> to vector<16xf32>
          %add3A_375 = arith.addf %add3A_356, %bitcast3A_370 : vector<16xf32>
          %add3A_376 = arith.addf %add3A_357, %bitcast3A_374 : vector<16xf32>
          %scan3A_377 = arith.constant 2 : i32
          %scan3A_378 = arith.addi %scan3A_342, %scan3A_377 : i32
          %mul3A_379 = arith.constant 128 : i32
          %mul3A_380 = arith.muli %scan3A_378, %mul3A_379 : i32
          %add3A_381 = arith.constant 112 : i32
          %add3A_382 = arith.addi %mul3A_380, %add3A_381 : i32
          %get3A_383 = arith.index_cast %add3A_382 : i32 to index
          %get3A_384 = tpu.vector_load %arg6[%get3A_383] {strides = array<i32>} : memref<7168xi32, #tpu.memory_space<vmem>>, vector<16xi32>,
          %gather3A_385 = tpu.vector_load_idx %arg5[%get3A_384] : memref<100008xi32, #tpu.memory_space<vmem>>[vector<16xi32>], vector<16xi32>,
          %shift_left3A_386 = arith.constant 16 : i32
          %shift_left3A_387 = vector.broadcast %shift_left3A_386 : i32 to vector<16xi32>
          %shift_left3A_388 = arith.shli %gather3A_385, %shift_left3A_387 : vector<16xi32>
          %bitcast3A_389 = vector.bitcast %shift_left3A_388 : vector<16xi32> to vector<16xf32>
          %and3A_390 = arith.constant -65536 : i32
          %and3A_391 = vector.broadcast %and3A_390 : i32 to vector<16xi32>
          %and3A_392 = arith.andi %gather3A_385, %and3A_391 : vector<16xi32>
          %bitcast3A_393 = vector.bitcast %and3A_392 : vector<16xi32> to vector<16xf32>
          %add3A_394 = arith.addf %add3A_375, %bitcast3A_389 : vector<16xf32>
          %add3A_395 = arith.addf %add3A_376, %bitcast3A_393 : vector<16xf32>
          %scan3A_396 = arith.constant 3 : i32
          %scan3A_397 = arith.addi %scan3A_342, %scan3A_396 : i32
          %mul3A_398 = arith.constant 128 : i32
          %mul3A_399 = arith.muli %scan3A_397, %mul3A_398 : i32
          %add3A_400 = arith.constant 112 : i32
          %add3A_401 = arith.addi %mul3A_399, %add3A_400 : i32
          %get3A_402 = arith.index_cast %add3A_401 : i32 to index
          %get3A_403 = tpu.vector_load %arg6[%get3A_402] {strides = array<i32>} : memref<7168xi32, #tpu.memory_space<vmem>>, vector<16xi32>,
          %gather3A_404 = tpu.vector_load_idx %arg5[%get3A_403] : memref<100008xi32, #tpu.memory_space<vmem>>[vector<16xi32>], vector<16xi32>,
          %shift_left3A_405 = arith.constant 16 : i32
          %shift_left3A_406 = vector.broadcast %shift_left3A_405 : i32 to vector<16xi32>
          %shift_left3A_407 = arith.shli %gather3A_404, %shift_left3A_406 : vector<16xi32>
          %bitcast3A_408 = vector.bitcast %shift_left3A_407 : vector<16xi32> to vector<16xf32>
          %and3A_409 = arith.constant -65536 : i32
          %and3A_410 = vector.broadcast %and3A_409 : i32 to vector<16xi32>
          %and3A_411 = arith.andi %gather3A_404, %and3A_410 : vector<16xi32>
          %bitcast3A_412 = vector.bitcast %and3A_411 : vector<16xi32> to vector<16xf32>
          %add3A_413 = arith.addf %add3A_394, %bitcast3A_408 : vector<16xf32>
          %add3A_414 = arith.addf %add3A_395, %bitcast3A_412 : vector<16xf32>
          %scan3A_415 = arith.constant 4 : i32
          %scan3A_416 = arith.addi %scan3A_342, %scan3A_415 : i32
          %mul3A_417 = arith.constant 128 : i32
          %mul3A_418 = arith.muli %scan3A_416, %mul3A_417 : i32
          %add3A_419 = arith.constant 112 : i32
          %add3A_420 = arith.addi %mul3A_418, %add3A_419 : i32
          %get3A_421 = arith.index_cast %add3A_420 : i32 to index
          %get3A_422 = tpu.vector_load %arg6[%get3A_421] {strides = array<i32>} : memref<7168xi32, #tpu.memory_space<vmem>>, vector<16xi32>,
          %gather3A_423 = tpu.vector_load_idx %arg5[%get3A_422] : memref<100008xi32, #tpu.memory_space<vmem>>[vector<16xi32>], vector<16xi32>,
          %shift_left3A_424 = arith.constant 16 : i32
          %shift_left3A_425 = vector.broadcast %shift_left3A_424 : i32 to vector<16xi32>
          %shift_left3A_426 = arith.shli %gather3A_423, %shift_left3A_425 : vector<16xi32>
          %bitcast3A_427 = vector.bitcast %shift_left3A_426 : vector<16xi32> to vector<16xf32>
          %and3A_428 = arith.constant -65536 : i32
          %and3A_429 = vector.broadcast %and3A_428 : i32 to vector<16xi32>
          %and3A_430 = arith.andi %gather3A_423, %and3A_429 : vector<16xi32>
          %bitcast3A_431 = vector.bitcast %and3A_430 : vector<16xi32> to vector<16xf32>
          %add3A_432 = arith.addf %add3A_413, %bitcast3A_427 : vector<16xf32>
          %add3A_433 = arith.addf %add3A_414, %bitcast3A_431 : vector<16xf32>
          %scan3A_434 = arith.constant 5 : i32
          %scan3A_435 = arith.addi %scan3A_342, %scan3A_434 : i32
          %mul3A_436 = arith.constant 128 : i32
          %mul3A_437 = arith.muli %scan3A_435, %mul3A_436 : i32
          %add3A_438 = arith.constant 112 : i32
          %add3A_439 = arith.addi %mul3A_437, %add3A_438 : i32
          %get3A_440 = arith.index_cast %add3A_439 : i32 to index
          %get3A_441 = tpu.vector_load %arg6[%get3A_440] {strides = array<i32>} : memref<7168xi32, #tpu.memory_space<vmem>>, vector<16xi32>,
          %gather3A_442 = tpu.vector_load_idx %arg5[%get3A_441] : memref<100008xi32, #tpu.memory_space<vmem>>[vector<16xi32>], vector<16xi32>,
          %shift_left3A_443 = arith.constant 16 : i32
          %shift_left3A_444 = vector.broadcast %shift_left3A_443 : i32 to vector<16xi32>
          %shift_left3A_445 = arith.shli %gather3A_442, %shift_left3A_444 : vector<16xi32>
          %bitcast3A_446 = vector.bitcast %shift_left3A_445 : vector<16xi32> to vector<16xf32>
          %and3A_447 = arith.constant -65536 : i32
          %and3A_448 = vector.broadcast %and3A_447 : i32 to vector<16xi32>
          %and3A_449 = arith.andi %gather3A_442, %and3A_448 : vector<16xi32>
          %bitcast3A_450 = vector.bitcast %and3A_449 : vector<16xi32> to vector<16xf32>
          %add3A_451 = arith.addf %add3A_432, %bitcast3A_446 : vector<16xf32>
          %add3A_452 = arith.addf %add3A_433, %bitcast3A_450 : vector<16xf32>
          %scan3A_453 = arith.constant 6 : i32
          %scan3A_454 = arith.addi %scan3A_342, %scan3A_453 : i32
          %mul3A_455 = arith.constant 128 : i32
          %mul3A_456 = arith.muli %scan3A_454, %mul3A_455 : i32
          %add3A_457 = arith.constant 112 : i32
          %add3A_458 = arith.addi %mul3A_456, %add3A_457 : i32
          %get3A_459 = arith.index_cast %add3A_458 : i32 to index
          %get3A_460 = tpu.vector_load %arg6[%get3A_459] {strides = array<i32>} : memref<7168xi32, #tpu.memory_space<vmem>>, vector<16xi32>,
          %gather3A_461 = tpu.vector_load_idx %arg5[%get3A_460] : memref<100008xi32, #tpu.memory_space<vmem>>[vector<16xi32>], vector<16xi32>,
          %shift_left3A_462 = arith.constant 16 : i32
          %shift_left3A_463 = vector.broadcast %shift_left3A_462 : i32 to vector<16xi32>
          %shift_left3A_464 = arith.shli %gather3A_461, %shift_left3A_463 : vector<16xi32>
          %bitcast3A_465 = vector.bitcast %shift_left3A_464 : vector<16xi32> to vector<16xf32>
          %and3A_466 = arith.constant -65536 : i32
          %and3A_467 = vector.broadcast %and3A_466 : i32 to vector<16xi32>
          %and3A_468 = arith.andi %gather3A_461, %and3A_467 : vector<16xi32>
          %bitcast3A_469 = vector.bitcast %and3A_468 : vector<16xi32> to vector<16xf32>
          %add3A_470 = arith.addf %add3A_451, %bitcast3A_465 : vector<16xf32>
          %add3A_471 = arith.addf %add3A_452, %bitcast3A_469 : vector<16xf32>
          %scan3A_472 = arith.constant 7 : i32
          %scan3A_473 = arith.addi %scan3A_342, %scan3A_472 : i32
          %mul3A_474 = arith.constant 128 : i32
          %mul3A_475 = arith.muli %scan3A_473, %mul3A_474 : i32
          %add3A_476 = arith.constant 112 : i32
          %add3A_477 = arith.addi %mul3A_475, %add3A_476 : i32
          %get3A_478 = arith.index_cast %add3A_477 : i32 to index
          %get3A_479 = tpu.vector_load %arg6[%get3A_478] {strides = array<i32>} : memref<7168xi32, #tpu.memory_space<vmem>>, vector<16xi32>,
          %gather3A_480 = tpu.vector_load_idx %arg5[%get3A_479] : memref<100008xi32, #tpu.memory_space<vmem>>[vector<16xi32>], vector<16xi32>,
          %shift_left3A_481 = arith.constant 16 : i32
          %shift_left3A_482 = vector.broadcast %shift_left3A_481 : i32 to vector<16xi32>
          %shift_left3A_483 = arith.shli %gather3A_480, %shift_left3A_482 : vector<16xi32>
          %bitcast3A_484 = vector.bitcast %shift_left3A_483 : vector<16xi32> to vector<16xf32>
          %and3A_485 = arith.constant -65536 : i32
          %and3A_486 = vector.broadcast %and3A_485 : i32 to vector<16xi32>
          %and3A_487 = arith.andi %gather3A_480, %and3A_486 : vector<16xi32>
          %bitcast3A_488 = vector.bitcast %and3A_487 : vector<16xi32> to vector<16xf32>
          %add3A_489 = arith.addf %add3A_470, %bitcast3A_484 : vector<16xf32>
          %add3A_490 = arith.addf %add3A_471, %bitcast3A_488 : vector<16xf32>
          %scan3A_491 = arith.constant 8 : i32
          %scan3A_492 = arith.addi %scan3A_342, %scan3A_491 : i32
          %mul3A_493 = arith.constant 128 : i32
          %mul3A_494 = arith.muli %scan3A_492, %mul3A_493 : i32
          %add3A_495 = arith.constant 112 : i32
          %add3A_496 = arith.addi %mul3A_494, %add3A_495 : i32
          %get3A_497 = arith.index_cast %add3A_496 : i32 to index
          %get3A_498 = tpu.vector_load %arg6[%get3A_497] {strides = array<i32>} : memref<7168xi32, #tpu.memory_space<vmem>>, vector<16xi32>,
          %gather3A_499 = tpu.vector_load_idx %arg5[%get3A_498] : memref<100008xi32, #tpu.memory_space<vmem>>[vector<16xi32>], vector<16xi32>,
          %shift_left3A_500 = arith.constant 16 : i32
          %shift_left3A_501 = vector.broadcast %shift_left3A_500 : i32 to vector<16xi32>
          %shift_left3A_502 = arith.shli %gather3A_499, %shift_left3A_501 : vector<16xi32>
          %bitcast3A_503 = vector.bitcast %shift_left3A_502 : vector<16xi32> to vector<16xf32>
          %and3A_504 = arith.constant -65536 : i32
          %and3A_505 = vector.broadcast %and3A_504 : i32 to vector<16xi32>
          %and3A_506 = arith.andi %gather3A_499, %and3A_505 : vector<16xi32>
          %bitcast3A_507 = vector.bitcast %and3A_506 : vector<16xi32> to vector<16xf32>
          %add3A_508 = arith.addf %add3A_489, %bitcast3A_503 : vector<16xf32>
          %add3A_509 = arith.addf %add3A_490, %bitcast3A_507 : vector<16xf32>
          %scan3A_510 = arith.constant 9 : i32
          %scan3A_511 = arith.addi %scan3A_342, %scan3A_510 : i32
          %mul3A_512 = arith.constant 128 : i32
          %mul3A_513 = arith.muli %scan3A_511, %mul3A_512 : i32
          %add3A_514 = arith.constant 112 : i32
          %add3A_515 = arith.addi %mul3A_513, %add3A_514 : i32
          %get3A_516 = arith.index_cast %add3A_515 : i32 to index
          %get3A_517 = tpu.vector_load %arg6[%get3A_516] {strides = array<i32>} : memref<7168xi32, #tpu.memory_space<vmem>>, vector<16xi32>,
          %gather3A_518 = tpu.vector_load_idx %arg5[%get3A_517] : memref<100008xi32, #tpu.memory_space<vmem>>[vector<16xi32>], vector<16xi32>,
          %shift_left3A_519 = arith.constant 16 : i32
          %shift_left3A_520 = vector.broadcast %shift_left3A_519 : i32 to vector<16xi32>
          %shift_left3A_521 = arith.shli %gather3A_518, %shift_left3A_520 : vector<16xi32>
          %bitcast3A_522 = vector.bitcast %shift_left3A_521 : vector<16xi32> to vector<16xf32>
          %and3A_523 = arith.constant -65536 : i32
          %and3A_524 = vector.broadcast %and3A_523 : i32 to vector<16xi32>
          %and3A_525 = arith.andi %gather3A_518, %and3A_524 : vector<16xi32>
          %bitcast3A_526 = vector.bitcast %and3A_525 : vector<16xi32> to vector<16xf32>
          %add3A_527 = arith.addf %add3A_508, %bitcast3A_522 : vector<16xf32>
          %add3A_528 = arith.addf %add3A_509, %bitcast3A_526 : vector<16xf32>
          scf.yield %add3A_527, %add3A_528 : vector<16xf32>, vector<16xf32>
        }
        %scan3A_186 = arith.constant 50 : i32
        %rem3A_187 = arith.constant 16 : i32
        %rem3A_188 = arith.remsi %mul3A_54, %rem3A_187 : i32
        %mul3A_189 = arith.constant 128 : i32
        %mul3A_190 = arith.muli %rem3A_188, %mul3A_189 : i32
        %add3A_191 = arith.constant 112 : i32
        %add3A_192 = arith.addi %mul3A_190, %add3A_191 : i32
        %swap3A_193 = arith.index_cast %add3A_192 : i32 to index
        %swap3A_194 = tpu.vector_load %arg8[%swap3A_193] {strides = array<i32>} : memref<2048xf32, #tpu.memory_space<vmem>>, vector<16xf32>,
        tpu.vector_store %arg8[%swap3A_193], %scan3A_185#0 {strides = array<i32>} : memref<2048xf32, #tpu.memory_space<vmem>>, vector<16xf32>,
        %swap3A_195 = arith.index_cast %add3A_192 : i32 to index
        %swap3A_196 = tpu.vector_load %arg9[%swap3A_195] {strides = array<i32>} : memref<2048xf32, #tpu.memory_space<vmem>>, vector<16xf32>,
        tpu.vector_store %arg9[%swap3A_195], %scan3A_185#1 {strides = array<i32>} : memref<2048xf32, #tpu.memory_space<vmem>>, vector<16xf32>,
        %add3A_197 = arith.constant 2 : i32
        %add3A_198 = arith.addi %mul3A_54, %add3A_197 : i32
        %lt3A = arith.constant 128 : i32
        %lt3A_199 = arith.cmpi slt, %add3A_198, %lt3A : i32
        %convert_element_type3A = arith.extui %lt3A_199 : i1 to i32
        %cond3A = arith.constant 0 : i32
        %cond3A_200 = arith.cmpi ne, %convert_element_type3A, %cond3A : i32
        scf.if %cond3A_200 {
          %add3A_342 = arith.constant 2 : i32
          %add3A_343 = arith.addi %mul3A_54, %add3A_342 : i32
          %mul3A_344 = arith.constant 2 : i32
          %mul3A_345 = arith.muli %add3A_343, %mul3A_344 : i32
          %mul3A_346 = arith.constant 56 : i32
          %mul3A_347 = arith.muli %mul3A_345, %mul3A_346 : i32
          %add3A_348 = arith.addi %mul3A_347, %mul3A_32 : i32
          %mul3A_349 = arith.constant 128 : i32
          %mul3A_350 = arith.muli %add3A_348, %mul3A_349 : i32
          %dma_start3A_351 = tpu.memref_slice %arg2[%mul3A_350] : memref<1835008xi32, #tpu.memory_space<hbm>> -> memref<7168xi32, #tpu.memory_space<hbm>>
          %dma_start3A_352 = tpu.memref_slice %arg2[%mul3A_350] : memref<1835008xi32, #tpu.memory_space<hbm>> -> memref<7168xi32, #tpu.memory_space<hbm>>
          tpu.enqueue_dma source(%dma_start3A_352 : memref<7168xi32, #tpu.memory_space<hbm>>) target(%arg6 : memref<7168xi32, #tpu.memory_space<vmem>>) target_semaphore(%arg11 : memref<!tpu.dma_semaphore, #tpu.memory_space<semaphore_mem>>)
        } else {
        }
        %dma_wait3A_201 = arith.constant 0 : i32
        %dma_wait3A_202 = tpu.memref_slice %arg2[%dma_wait3A_201] : memref<1835008xi32, #tpu.memory_space<hbm>> -> memref<7168xi32, #tpu.memory_space<hbm>>
        %dma_wait3A_203 = arith.constant 0 : i32
        %dma_wait3A_204 = tpu.memref_slice %arg2[%dma_wait3A_203] : memref<1835008xi32, #tpu.memory_space<hbm>> -> memref<7168xi32, #tpu.memory_space<hbm>>
        tpu.wait_dma2 semaphore(%arg12 : memref<!tpu.dma_semaphore, #tpu.memory_space<semaphore_mem>>) src(%dma_wait3A_204 : memref<7168xi32, #tpu.memory_space<hbm>>) dst(%arg7 : memref<7168xi32, #tpu.memory_space<vmem>>)
        %add3A_205 = arith.constant 1 : i32
        %add3A_206 = arith.addi %mul3A_54, %add3A_205 : i32
        %scan3A_207 = arith.constant 0 : i32
        %scan3A_208 = arith.constant 50 : i32
        %scan3A_209 = arith.addi %scan3A_207, %scan3A_208 : i32
        %scan3A_210 = arith.constant 10 : i32
        %scan3A_211:2 = scf.for %scan3A_342 = %scan3A_207 to %scan3A_209 step %scan3A_210 iter_args(%scan3A_343 = %broadcast_in_dim3A_1, %scan3A_344 = %broadcast_in_dim3A_1) -> (vector<16xf32>, vector<16xf32>)  : i32 {
          %mul3A_345 = arith.constant 128 : i32
          %mul3A_346 = arith.muli %scan3A_342, %mul3A_345 : i32
          %add3A_347 = arith.constant 0 : i32
          %add3A_348 = arith.addi %mul3A_346, %add3A_347 : i32
          %get3A = arith.index_cast %add3A_348 : i32 to index
          %get3A_349 = tpu.vector_load %arg7[%get3A] {strides = array<i32>} : memref<7168xi32, #tpu.memory_space<vmem>>, vector<16xi32>,
          %gather3A = tpu.vector_load_idx %arg5[%get3A_349] : memref<100008xi32, #tpu.memory_space<vmem>>[vector<16xi32>], vector<16xi32>,
          %shift_left3A = arith.constant 16 : i32
          %shift_left3A_350 = vector.broadcast %shift_left3A : i32 to vector<16xi32>
          %shift_left3A_351 = arith.shli %gather3A, %shift_left3A_350 : vector<16xi32>
          %bitcast3A = vector.bitcast %shift_left3A_351 : vector<16xi32> to vector<16xf32>
          %and3A_352 = arith.constant -65536 : i32
          %and3A_353 = vector.broadcast %and3A_352 : i32 to vector<16xi32>
          %and3A_354 = arith.andi %gather3A, %and3A_353 : vector<16xi32>
          %bitcast3A_355 = vector.bitcast %and3A_354 : vector<16xi32> to vector<16xf32>
          %add3A_356 = arith.addf %scan3A_343, %bitcast3A : vector<16xf32>
          %add3A_357 = arith.addf %scan3A_344, %bitcast3A_355 : vector<16xf32>
          %scan3A_358 = arith.constant 1 : i32
          %scan3A_359 = arith.addi %scan3A_342, %scan3A_358 : i32
          %mul3A_360 = arith.constant 128 : i32
          %mul3A_361 = arith.muli %scan3A_359, %mul3A_360 : i32
          %add3A_362 = arith.constant 0 : i32
          %add3A_363 = arith.addi %mul3A_361, %add3A_362 : i32
          %get3A_364 = arith.index_cast %add3A_363 : i32 to index
          %get3A_365 = tpu.vector_load %arg7[%get3A_364] {strides = array<i32>} : memref<7168xi32, #tpu.memory_space<vmem>>, vector<16xi32>,
          %gather3A_366 = tpu.vector_load_idx %arg5[%get3A_365] : memref<100008xi32, #tpu.memory_space<vmem>>[vector<16xi32>], vector<16xi32>,
          %shift_left3A_367 = arith.constant 16 : i32
          %shift_left3A_368 = vector.broadcast %shift_left3A_367 : i32 to vector<16xi32>
          %shift_left3A_369 = arith.shli %gather3A_366, %shift_left3A_368 : vector<16xi32>
          %bitcast3A_370 = vector.bitcast %shift_left3A_369 : vector<16xi32> to vector<16xf32>
          %and3A_371 = arith.constant -65536 : i32
          %and3A_372 = vector.broadcast %and3A_371 : i32 to vector<16xi32>
          %and3A_373 = arith.andi %gather3A_366, %and3A_372 : vector<16xi32>
          %bitcast3A_374 = vector.bitcast %and3A_373 : vector<16xi32> to vector<16xf32>
          %add3A_375 = arith.addf %add3A_356, %bitcast3A_370 : vector<16xf32>
          %add3A_376 = arith.addf %add3A_357, %bitcast3A_374 : vector<16xf32>
          %scan3A_377 = arith.constant 2 : i32
          %scan3A_378 = arith.addi %scan3A_342, %scan3A_377 : i32
          %mul3A_379 = arith.constant 128 : i32
          %mul3A_380 = arith.muli %scan3A_378, %mul3A_379 : i32
          %add3A_381 = arith.constant 0 : i32
          %add3A_382 = arith.addi %mul3A_380, %add3A_381 : i32
          %get3A_383 = arith.index_cast %add3A_382 : i32 to index
          %get3A_384 = tpu.vector_load %arg7[%get3A_383] {strides = array<i32>} : memref<7168xi32, #tpu.memory_space<vmem>>, vector<16xi32>,
          %gather3A_385 = tpu.vector_load_idx %arg5[%get3A_384] : memref<100008xi32, #tpu.memory_space<vmem>>[vector<16xi32>], vector<16xi32>,
          %shift_left3A_386 = arith.constant 16 : i32
          %shift_left3A_387 = vector.broadcast %shift_left3A_386 : i32 to vector<16xi32>
          %shift_left3A_388 = arith.shli %gather3A_385, %shift_left3A_387 : vector<16xi32>
          %bitcast3A_389 = vector.bitcast %shift_left3A_388 : vector<16xi32> to vector<16xf32>
          %and3A_390 = arith.constant -65536 : i32
          %and3A_391 = vector.broadcast %and3A_390 : i32 to vector<16xi32>
          %and3A_392 = arith.andi %gather3A_385, %and3A_391 : vector<16xi32>
          %bitcast3A_393 = vector.bitcast %and3A_392 : vector<16xi32> to vector<16xf32>
          %add3A_394 = arith.addf %add3A_375, %bitcast3A_389 : vector<16xf32>
          %add3A_395 = arith.addf %add3A_376, %bitcast3A_393 : vector<16xf32>
          %scan3A_396 = arith.constant 3 : i32
          %scan3A_397 = arith.addi %scan3A_342, %scan3A_396 : i32
          %mul3A_398 = arith.constant 128 : i32
          %mul3A_399 = arith.muli %scan3A_397, %mul3A_398 : i32
          %add3A_400 = arith.constant 0 : i32
          %add3A_401 = arith.addi %mul3A_399, %add3A_400 : i32
          %get3A_402 = arith.index_cast %add3A_401 : i32 to index
          %get3A_403 = tpu.vector_load %arg7[%get3A_402] {strides = array<i32>} : memref<7168xi32, #tpu.memory_space<vmem>>, vector<16xi32>,
          %gather3A_404 = tpu.vector_load_idx %arg5[%get3A_403] : memref<100008xi32, #tpu.memory_space<vmem>>[vector<16xi32>], vector<16xi32>,
          %shift_left3A_405 = arith.constant 16 : i32
          %shift_left3A_406 = vector.broadcast %shift_left3A_405 : i32 to vector<16xi32>
          %shift_left3A_407 = arith.shli %gather3A_404, %shift_left3A_406 : vector<16xi32>
          %bitcast3A_408 = vector.bitcast %shift_left3A_407 : vector<16xi32> to vector<16xf32>
          %and3A_409 = arith.constant -65536 : i32
          %and3A_410 = vector.broadcast %and3A_409 : i32 to vector<16xi32>
          %and3A_411 = arith.andi %gather3A_404, %and3A_410 : vector<16xi32>
          %bitcast3A_412 = vector.bitcast %and3A_411 : vector<16xi32> to vector<16xf32>
          %add3A_413 = arith.addf %add3A_394, %bitcast3A_408 : vector<16xf32>
          %add3A_414 = arith.addf %add3A_395, %bitcast3A_412 : vector<16xf32>
          %scan3A_415 = arith.constant 4 : i32
          %scan3A_416 = arith.addi %scan3A_342, %scan3A_415 : i32
          %mul3A_417 = arith.constant 128 : i32
          %mul3A_418 = arith.muli %scan3A_416, %mul3A_417 : i32
          %add3A_419 = arith.constant 0 : i32
          %add3A_420 = arith.addi %mul3A_418, %add3A_419 : i32
          %get3A_421 = arith.index_cast %add3A_420 : i32 to index
          %get3A_422 = tpu.vector_load %arg7[%get3A_421] {strides = array<i32>} : memref<7168xi32, #tpu.memory_space<vmem>>, vector<16xi32>,
          %gather3A_423 = tpu.vector_load_idx %arg5[%get3A_422] : memref<100008xi32, #tpu.memory_space<vmem>>[vector<16xi32>], vector<16xi32>,
          %shift_left3A_424 = arith.constant 16 : i32
          %shift_left3A_425 = vector.broadcast %shift_left3A_424 : i32 to vector<16xi32>
          %shift_left3A_426 = arith.shli %gather3A_423, %shift_left3A_425 : vector<16xi32>
          %bitcast3A_427 = vector.bitcast %shift_left3A_426 : vector<16xi32> to vector<16xf32>
          %and3A_428 = arith.constant -65536 : i32
          %and3A_429 = vector.broadcast %and3A_428 : i32 to vector<16xi32>
          %and3A_430 = arith.andi %gather3A_423, %and3A_429 : vector<16xi32>
          %bitcast3A_431 = vector.bitcast %and3A_430 : vector<16xi32> to vector<16xf32>
          %add3A_432 = arith.addf %add3A_413, %bitcast3A_427 : vector<16xf32>
          %add3A_433 = arith.addf %add3A_414, %bitcast3A_431 : vector<16xf32>
          %scan3A_434 = arith.constant 5 : i32
          %scan3A_435 = arith.addi %scan3A_342, %scan3A_434 : i32
          %mul3A_436 = arith.constant 128 : i32
          %mul3A_437 = arith.muli %scan3A_435, %mul3A_436 : i32
          %add3A_438 = arith.constant 0 : i32
          %add3A_439 = arith.addi %mul3A_437, %add3A_438 : i32
          %get3A_440 = arith.index_cast %add3A_439 : i32 to index
          %get3A_441 = tpu.vector_load %arg7[%get3A_440] {strides = array<i32>} : memref<7168xi32, #tpu.memory_space<vmem>>, vector<16xi32>,
          %gather3A_442 = tpu.vector_load_idx %arg5[%get3A_441] : memref<100008xi32, #tpu.memory_space<vmem>>[vector<16xi32>], vector<16xi32>,
          %shift_left3A_443 = arith.constant 16 : i32
          %shift_left3A_444 = vector.broadcast %shift_left3A_443 : i32 to vector<16xi32>
          %shift_left3A_445 = arith.shli %gather3A_442, %shift_left3A_444 : vector<16xi32>
          %bitcast3A_446 = vector.bitcast %shift_left3A_445 : vector<16xi32> to vector<16xf32>
          %and3A_447 = arith.constant -65536 : i32
          %and3A_448 = vector.broadcast %and3A_447 : i32 to vector<16xi32>
          %and3A_449 = arith.andi %gather3A_442, %and3A_448 : vector<16xi32>
          %bitcast3A_450 = vector.bitcast %and3A_449 : vector<16xi32> to vector<16xf32>
          %add3A_451 = arith.addf %add3A_432, %bitcast3A_446 : vector<16xf32>
          %add3A_452 = arith.addf %add3A_433, %bitcast3A_450 : vector<16xf32>
          %scan3A_453 = arith.constant 6 : i32
          %scan3A_454 = arith.addi %scan3A_342, %scan3A_453 : i32
          %mul3A_455 = arith.constant 128 : i32
          %mul3A_456 = arith.muli %scan3A_454, %mul3A_455 : i32
          %add3A_457 = arith.constant 0 : i32
          %add3A_458 = arith.addi %mul3A_456, %add3A_457 : i32
          %get3A_459 = arith.index_cast %add3A_458 : i32 to index
          %get3A_460 = tpu.vector_load %arg7[%get3A_459] {strides = array<i32>} : memref<7168xi32, #tpu.memory_space<vmem>>, vector<16xi32>,
          %gather3A_461 = tpu.vector_load_idx %arg5[%get3A_460] : memref<100008xi32, #tpu.memory_space<vmem>>[vector<16xi32>], vector<16xi32>,
          %shift_left3A_462 = arith.constant 16 : i32
          %shift_left3A_463 = vector.broadcast %shift_left3A_462 : i32 to vector<16xi32>
          %shift_left3A_464 = arith.shli %gather3A_461, %shift_left3A_463 : vector<16xi32>
          %bitcast3A_465 = vector.bitcast %shift_left3A_464 : vector<16xi32> to vector<16xf32>
          %and3A_466 = arith.constant -65536 : i32
          %and3A_467 = vector.broadcast %and3A_466 : i32 to vector<16xi32>
          %and3A_468 = arith.andi %gather3A_461, %and3A_467 : vector<16xi32>
          %bitcast3A_469 = vector.bitcast %and3A_468 : vector<16xi32> to vector<16xf32>
          %add3A_470 = arith.addf %add3A_451, %bitcast3A_465 : vector<16xf32>
          %add3A_471 = arith.addf %add3A_452, %bitcast3A_469 : vector<16xf32>
          %scan3A_472 = arith.constant 7 : i32
          %scan3A_473 = arith.addi %scan3A_342, %scan3A_472 : i32
          %mul3A_474 = arith.constant 128 : i32
          %mul3A_475 = arith.muli %scan3A_473, %mul3A_474 : i32
          %add3A_476 = arith.constant 0 : i32
          %add3A_477 = arith.addi %mul3A_475, %add3A_476 : i32
          %get3A_478 = arith.index_cast %add3A_477 : i32 to index
          %get3A_479 = tpu.vector_load %arg7[%get3A_478] {strides = array<i32>} : memref<7168xi32, #tpu.memory_space<vmem>>, vector<16xi32>,
          %gather3A_480 = tpu.vector_load_idx %arg5[%get3A_479] : memref<100008xi32, #tpu.memory_space<vmem>>[vector<16xi32>], vector<16xi32>,
          %shift_left3A_481 = arith.constant 16 : i32
          %shift_left3A_482 = vector.broadcast %shift_left3A_481 : i32 to vector<16xi32>
          %shift_left3A_483 = arith.shli %gather3A_480, %shift_left3A_482 : vector<16xi32>
          %bitcast3A_484 = vector.bitcast %shift_left3A_483 : vector<16xi32> to vector<16xf32>
          %and3A_485 = arith.constant -65536 : i32
          %and3A_486 = vector.broadcast %and3A_485 : i32 to vector<16xi32>
          %and3A_487 = arith.andi %gather3A_480, %and3A_486 : vector<16xi32>
          %bitcast3A_488 = vector.bitcast %and3A_487 : vector<16xi32> to vector<16xf32>
          %add3A_489 = arith.addf %add3A_470, %bitcast3A_484 : vector<16xf32>
          %add3A_490 = arith.addf %add3A_471, %bitcast3A_488 : vector<16xf32>
          %scan3A_491 = arith.constant 8 : i32
          %scan3A_492 = arith.addi %scan3A_342, %scan3A_491 : i32
          %mul3A_493 = arith.constant 128 : i32
          %mul3A_494 = arith.muli %scan3A_492, %mul3A_493 : i32
          %add3A_495 = arith.constant 0 : i32
          %add3A_496 = arith.addi %mul3A_494, %add3A_495 : i32
          %get3A_497 = arith.index_cast %add3A_496 : i32 to index
          %get3A_498 = tpu.vector_load %arg7[%get3A_497] {strides = array<i32>} : memref<7168xi32, #tpu.memory_space<vmem>>, vector<16xi32>,
          %gather3A_499 = tpu.vector_load_idx %arg5[%get3A_498] : memref<100008xi32, #tpu.memory_space<vmem>>[vector<16xi32>], vector<16xi32>,
          %shift_left3A_500 = arith.constant 16 : i32
          %shift_left3A_501 = vector.broadcast %shift_left3A_500 : i32 to vector<16xi32>
          %shift_left3A_502 = arith.shli %gather3A_499, %shift_left3A_501 : vector<16xi32>
          %bitcast3A_503 = vector.bitcast %shift_left3A_502 : vector<16xi32> to vector<16xf32>
          %and3A_504 = arith.constant -65536 : i32
          %and3A_505 = vector.broadcast %and3A_504 : i32 to vector<16xi32>
          %and3A_506 = arith.andi %gather3A_499, %and3A_505 : vector<16xi32>
          %bitcast3A_507 = vector.bitcast %and3A_506 : vector<16xi32> to vector<16xf32>
          %add3A_508 = arith.addf %add3A_489, %bitcast3A_503 : vector<16xf32>
          %add3A_509 = arith.addf %add3A_490, %bitcast3A_507 : vector<16xf32>
          %scan3A_510 = arith.constant 9 : i32
          %scan3A_511 = arith.addi %scan3A_342, %scan3A_510 : i32
          %mul3A_512 = arith.constant 128 : i32
          %mul3A_513 = arith.muli %scan3A_511, %mul3A_512 : i32
          %add3A_514 = arith.constant 0 : i32
          %add3A_515 = arith.addi %mul3A_513, %add3A_514 : i32
          %get3A_516 = arith.index_cast %add3A_515 : i32 to index
          %get3A_517 = tpu.vector_load %arg7[%get3A_516] {strides = array<i32>} : memref<7168xi32, #tpu.memory_space<vmem>>, vector<16xi32>,
          %gather3A_518 = tpu.vector_load_idx %arg5[%get3A_517] : memref<100008xi32, #tpu.memory_space<vmem>>[vector<16xi32>], vector<16xi32>,
          %shift_left3A_519 = arith.constant 16 : i32
          %shift_left3A_520 = vector.broadcast %shift_left3A_519 : i32 to vector<16xi32>
          %shift_left3A_521 = arith.shli %gather3A_518, %shift_left3A_520 : vector<16xi32>
          %bitcast3A_522 = vector.bitcast %shift_left3A_521 : vector<16xi32> to vector<16xf32>
          %and3A_523 = arith.constant -65536 : i32
          %and3A_524 = vector.broadcast %and3A_523 : i32 to vector<16xi32>
          %and3A_525 = arith.andi %gather3A_518, %and3A_524 : vector<16xi32>
          %bitcast3A_526 = vector.bitcast %and3A_525 : vector<16xi32> to vector<16xf32>
          %add3A_527 = arith.addf %add3A_508, %bitcast3A_522 : vector<16xf32>
          %add3A_528 = arith.addf %add3A_509, %bitcast3A_526 : vector<16xf32>
          scf.yield %add3A_527, %add3A_528 : vector<16xf32>, vector<16xf32>
        }
        %scan3A_212 = arith.constant 50 : i32
        %rem3A_213 = arith.constant 16 : i32
        %rem3A_214 = arith.remsi %add3A_206, %rem3A_213 : i32
        %mul3A_215 = arith.constant 128 : i32
        %mul3A_216 = arith.muli %rem3A_214, %mul3A_215 : i32
        %add3A_217 = arith.constant 0 : i32
        %add3A_218 = arith.addi %mul3A_216, %add3A_217 : i32
        %swap3A_219 = arith.index_cast %add3A_218 : i32 to index
        %swap3A_220 = tpu.vector_load %arg8[%swap3A_219] {strides = array<i32>} : memref<2048xf32, #tpu.memory_space<vmem>>, vector<16xf32>,
        tpu.vector_store %arg8[%swap3A_219], %scan3A_211#0 {strides = array<i32>} : memref<2048xf32, #tpu.memory_space<vmem>>, vector<16xf32>,
        %swap3A_221 = arith.index_cast %add3A_218 : i32 to index
        %swap3A_222 = tpu.vector_load %arg9[%swap3A_221] {strides = array<i32>} : memref<2048xf32, #tpu.memory_space<vmem>>, vector<16xf32>,
        tpu.vector_store %arg9[%swap3A_221], %scan3A_211#1 {strides = array<i32>} : memref<2048xf32, #tpu.memory_space<vmem>>, vector<16xf32>,
        %scan3A_223 = arith.constant 0 : i32
        %scan3A_224 = arith.constant 50 : i32
        %scan3A_225 = arith.addi %scan3A_223, %scan3A_224 : i32
        %scan3A_226 = arith.constant 10 : i32
        %scan3A_227:2 = scf.for %scan3A_342 = %scan3A_223 to %scan3A_225 step %scan3A_226 iter_args(%scan3A_343 = %broadcast_in_dim3A_1, %scan3A_344 = %broadcast_in_dim3A_1) -> (vector<16xf32>, vector<16xf32>)  : i32 {
          %mul3A_345 = arith.constant 128 : i32
          %mul3A_346 = arith.muli %scan3A_342, %mul3A_345 : i32
          %add3A_347 = arith.constant 16 : i32
          %add3A_348 = arith.addi %mul3A_346, %add3A_347 : i32
          %get3A = arith.index_cast %add3A_348 : i32 to index
          %get3A_349 = tpu.vector_load %arg7[%get3A] {strides = array<i32>} : memref<7168xi32, #tpu.memory_space<vmem>>, vector<16xi32>,
          %gather3A = tpu.vector_load_idx %arg5[%get3A_349] : memref<100008xi32, #tpu.memory_space<vmem>>[vector<16xi32>], vector<16xi32>,
          %shift_left3A = arith.constant 16 : i32
          %shift_left3A_350 = vector.broadcast %shift_left3A : i32 to vector<16xi32>
          %shift_left3A_351 = arith.shli %gather3A, %shift_left3A_350 : vector<16xi32>
          %bitcast3A = vector.bitcast %shift_left3A_351 : vector<16xi32> to vector<16xf32>
          %and3A_352 = arith.constant -65536 : i32
          %and3A_353 = vector.broadcast %and3A_352 : i32 to vector<16xi32>
          %and3A_354 = arith.andi %gather3A, %and3A_353 : vector<16xi32>
          %bitcast3A_355 = vector.bitcast %and3A_354 : vector<16xi32> to vector<16xf32>
          %add3A_356 = arith.addf %scan3A_343, %bitcast3A : vector<16xf32>
          %add3A_357 = arith.addf %scan3A_344, %bitcast3A_355 : vector<16xf32>
          %scan3A_358 = arith.constant 1 : i32
          %scan3A_359 = arith.addi %scan3A_342, %scan3A_358 : i32
          %mul3A_360 = arith.constant 128 : i32
          %mul3A_361 = arith.muli %scan3A_359, %mul3A_360 : i32
          %add3A_362 = arith.constant 16 : i32
          %add3A_363 = arith.addi %mul3A_361, %add3A_362 : i32
          %get3A_364 = arith.index_cast %add3A_363 : i32 to index
          %get3A_365 = tpu.vector_load %arg7[%get3A_364] {strides = array<i32>} : memref<7168xi32, #tpu.memory_space<vmem>>, vector<16xi32>,
          %gather3A_366 = tpu.vector_load_idx %arg5[%get3A_365] : memref<100008xi32, #tpu.memory_space<vmem>>[vector<16xi32>], vector<16xi32>,
          %shift_left3A_367 = arith.constant 16 : i32
          %shift_left3A_368 = vector.broadcast %shift_left3A_367 : i32 to vector<16xi32>
          %shift_left3A_369 = arith.shli %gather3A_366, %shift_left3A_368 : vector<16xi32>
          %bitcast3A_370 = vector.bitcast %shift_left3A_369 : vector<16xi32> to vector<16xf32>
          %and3A_371 = arith.constant -65536 : i32
          %and3A_372 = vector.broadcast %and3A_371 : i32 to vector<16xi32>
          %and3A_373 = arith.andi %gather3A_366, %and3A_372 : vector<16xi32>
          %bitcast3A_374 = vector.bitcast %and3A_373 : vector<16xi32> to vector<16xf32>
          %add3A_375 = arith.addf %add3A_356, %bitcast3A_370 : vector<16xf32>
          %add3A_376 = arith.addf %add3A_357, %bitcast3A_374 : vector<16xf32>
          %scan3A_377 = arith.constant 2 : i32
          %scan3A_378 = arith.addi %scan3A_342, %scan3A_377 : i32
          %mul3A_379 = arith.constant 128 : i32
          %mul3A_380 = arith.muli %scan3A_378, %mul3A_379 : i32
          %add3A_381 = arith.constant 16 : i32
          %add3A_382 = arith.addi %mul3A_380, %add3A_381 : i32
          %get3A_383 = arith.index_cast %add3A_382 : i32 to index
          %get3A_384 = tpu.vector_load %arg7[%get3A_383] {strides = array<i32>} : memref<7168xi32, #tpu.memory_space<vmem>>, vector<16xi32>,
          %gather3A_385 = tpu.vector_load_idx %arg5[%get3A_384] : memref<100008xi32, #tpu.memory_space<vmem>>[vector<16xi32>], vector<16xi32>,
          %shift_left3A_386 = arith.constant 16 : i32
          %shift_left3A_387 = vector.broadcast %shift_left3A_386 : i32 to vector<16xi32>
          %shift_left3A_388 = arith.shli %gather3A_385, %shift_left3A_387 : vector<16xi32>
          %bitcast3A_389 = vector.bitcast %shift_left3A_388 : vector<16xi32> to vector<16xf32>
          %and3A_390 = arith.constant -65536 : i32
          %and3A_391 = vector.broadcast %and3A_390 : i32 to vector<16xi32>
          %and3A_392 = arith.andi %gather3A_385, %and3A_391 : vector<16xi32>
          %bitcast3A_393 = vector.bitcast %and3A_392 : vector<16xi32> to vector<16xf32>
          %add3A_394 = arith.addf %add3A_375, %bitcast3A_389 : vector<16xf32>
          %add3A_395 = arith.addf %add3A_376, %bitcast3A_393 : vector<16xf32>
          %scan3A_396 = arith.constant 3 : i32
          %scan3A_397 = arith.addi %scan3A_342, %scan3A_396 : i32
          %mul3A_398 = arith.constant 128 : i32
          %mul3A_399 = arith.muli %scan3A_397, %mul3A_398 : i32
          %add3A_400 = arith.constant 16 : i32
          %add3A_401 = arith.addi %mul3A_399, %add3A_400 : i32
          %get3A_402 = arith.index_cast %add3A_401 : i32 to index
          %get3A_403 = tpu.vector_load %arg7[%get3A_402] {strides = array<i32>} : memref<7168xi32, #tpu.memory_space<vmem>>, vector<16xi32>,
          %gather3A_404 = tpu.vector_load_idx %arg5[%get3A_403] : memref<100008xi32, #tpu.memory_space<vmem>>[vector<16xi32>], vector<16xi32>,
          %shift_left3A_405 = arith.constant 16 : i32
          %shift_left3A_406 = vector.broadcast %shift_left3A_405 : i32 to vector<16xi32>
          %shift_left3A_407 = arith.shli %gather3A_404, %shift_left3A_406 : vector<16xi32>
          %bitcast3A_408 = vector.bitcast %shift_left3A_407 : vector<16xi32> to vector<16xf32>
          %and3A_409 = arith.constant -65536 : i32
          %and3A_410 = vector.broadcast %and3A_409 : i32 to vector<16xi32>
          %and3A_411 = arith.andi %gather3A_404, %and3A_410 : vector<16xi32>
          %bitcast3A_412 = vector.bitcast %and3A_411 : vector<16xi32> to vector<16xf32>
          %add3A_413 = arith.addf %add3A_394, %bitcast3A_408 : vector<16xf32>
          %add3A_414 = arith.addf %add3A_395, %bitcast3A_412 : vector<16xf32>
          %scan3A_415 = arith.constant 4 : i32
          %scan3A_416 = arith.addi %scan3A_342, %scan3A_415 : i32
          %mul3A_417 = arith.constant 128 : i32
          %mul3A_418 = arith.muli %scan3A_416, %mul3A_417 : i32
          %add3A_419 = arith.constant 16 : i32
          %add3A_420 = arith.addi %mul3A_418, %add3A_419 : i32
          %get3A_421 = arith.index_cast %add3A_420 : i32 to index
          %get3A_422 = tpu.vector_load %arg7[%get3A_421] {strides = array<i32>} : memref<7168xi32, #tpu.memory_space<vmem>>, vector<16xi32>,
          %gather3A_423 = tpu.vector_load_idx %arg5[%get3A_422] : memref<100008xi32, #tpu.memory_space<vmem>>[vector<16xi32>], vector<16xi32>,
          %shift_left3A_424 = arith.constant 16 : i32
          %shift_left3A_425 = vector.broadcast %shift_left3A_424 : i32 to vector<16xi32>
          %shift_left3A_426 = arith.shli %gather3A_423, %shift_left3A_425 : vector<16xi32>
          %bitcast3A_427 = vector.bitcast %shift_left3A_426 : vector<16xi32> to vector<16xf32>
          %and3A_428 = arith.constant -65536 : i32
          %and3A_429 = vector.broadcast %and3A_428 : i32 to vector<16xi32>
          %and3A_430 = arith.andi %gather3A_423, %and3A_429 : vector<16xi32>
          %bitcast3A_431 = vector.bitcast %and3A_430 : vector<16xi32> to vector<16xf32>
          %add3A_432 = arith.addf %add3A_413, %bitcast3A_427 : vector<16xf32>
          %add3A_433 = arith.addf %add3A_414, %bitcast3A_431 : vector<16xf32>
          %scan3A_434 = arith.constant 5 : i32
          %scan3A_435 = arith.addi %scan3A_342, %scan3A_434 : i32
          %mul3A_436 = arith.constant 128 : i32
          %mul3A_437 = arith.muli %scan3A_435, %mul3A_436 : i32
          %add3A_438 = arith.constant 16 : i32
          %add3A_439 = arith.addi %mul3A_437, %add3A_438 : i32
          %get3A_440 = arith.index_cast %add3A_439 : i32 to index
          %get3A_441 = tpu.vector_load %arg7[%get3A_440] {strides = array<i32>} : memref<7168xi32, #tpu.memory_space<vmem>>, vector<16xi32>,
          %gather3A_442 = tpu.vector_load_idx %arg5[%get3A_441] : memref<100008xi32, #tpu.memory_space<vmem>>[vector<16xi32>], vector<16xi32>,
          %shift_left3A_443 = arith.constant 16 : i32
          %shift_left3A_444 = vector.broadcast %shift_left3A_443 : i32 to vector<16xi32>
          %shift_left3A_445 = arith.shli %gather3A_442, %shift_left3A_444 : vector<16xi32>
          %bitcast3A_446 = vector.bitcast %shift_left3A_445 : vector<16xi32> to vector<16xf32>
          %and3A_447 = arith.constant -65536 : i32
          %and3A_448 = vector.broadcast %and3A_447 : i32 to vector<16xi32>
          %and3A_449 = arith.andi %gather3A_442, %and3A_448 : vector<16xi32>
          %bitcast3A_450 = vector.bitcast %and3A_449 : vector<16xi32> to vector<16xf32>
          %add3A_451 = arith.addf %add3A_432, %bitcast3A_446 : vector<16xf32>
          %add3A_452 = arith.addf %add3A_433, %bitcast3A_450 : vector<16xf32>
          %scan3A_453 = arith.constant 6 : i32
          %scan3A_454 = arith.addi %scan3A_342, %scan3A_453 : i32
          %mul3A_455 = arith.constant 128 : i32
          %mul3A_456 = arith.muli %scan3A_454, %mul3A_455 : i32
          %add3A_457 = arith.constant 16 : i32
          %add3A_458 = arith.addi %mul3A_456, %add3A_457 : i32
          %get3A_459 = arith.index_cast %add3A_458 : i32 to index
          %get3A_460 = tpu.vector_load %arg7[%get3A_459] {strides = array<i32>} : memref<7168xi32, #tpu.memory_space<vmem>>, vector<16xi32>,
          %gather3A_461 = tpu.vector_load_idx %arg5[%get3A_460] : memref<100008xi32, #tpu.memory_space<vmem>>[vector<16xi32>], vector<16xi32>,
          %shift_left3A_462 = arith.constant 16 : i32
          %shift_left3A_463 = vector.broadcast %shift_left3A_462 : i32 to vector<16xi32>
          %shift_left3A_464 = arith.shli %gather3A_461, %shift_left3A_463 : vector<16xi32>
          %bitcast3A_465 = vector.bitcast %shift_left3A_464 : vector<16xi32> to vector<16xf32>
          %and3A_466 = arith.constant -65536 : i32
          %and3A_467 = vector.broadcast %and3A_466 : i32 to vector<16xi32>
          %and3A_468 = arith.andi %gather3A_461, %and3A_467 : vector<16xi32>
          %bitcast3A_469 = vector.bitcast %and3A_468 : vector<16xi32> to vector<16xf32>
          %add3A_470 = arith.addf %add3A_451, %bitcast3A_465 : vector<16xf32>
          %add3A_471 = arith.addf %add3A_452, %bitcast3A_469 : vector<16xf32>
          %scan3A_472 = arith.constant 7 : i32
          %scan3A_473 = arith.addi %scan3A_342, %scan3A_472 : i32
          %mul3A_474 = arith.constant 128 : i32
          %mul3A_475 = arith.muli %scan3A_473, %mul3A_474 : i32
          %add3A_476 = arith.constant 16 : i32
          %add3A_477 = arith.addi %mul3A_475, %add3A_476 : i32
          %get3A_478 = arith.index_cast %add3A_477 : i32 to index
          %get3A_479 = tpu.vector_load %arg7[%get3A_478] {strides = array<i32>} : memref<7168xi32, #tpu.memory_space<vmem>>, vector<16xi32>,
          %gather3A_480 = tpu.vector_load_idx %arg5[%get3A_479] : memref<100008xi32, #tpu.memory_space<vmem>>[vector<16xi32>], vector<16xi32>,
          %shift_left3A_481 = arith.constant 16 : i32
          %shift_left3A_482 = vector.broadcast %shift_left3A_481 : i32 to vector<16xi32>
          %shift_left3A_483 = arith.shli %gather3A_480, %shift_left3A_482 : vector<16xi32>
          %bitcast3A_484 = vector.bitcast %shift_left3A_483 : vector<16xi32> to vector<16xf32>
          %and3A_485 = arith.constant -65536 : i32
          %and3A_486 = vector.broadcast %and3A_485 : i32 to vector<16xi32>
          %and3A_487 = arith.andi %gather3A_480, %and3A_486 : vector<16xi32>
          %bitcast3A_488 = vector.bitcast %and3A_487 : vector<16xi32> to vector<16xf32>
          %add3A_489 = arith.addf %add3A_470, %bitcast3A_484 : vector<16xf32>
          %add3A_490 = arith.addf %add3A_471, %bitcast3A_488 : vector<16xf32>
          %scan3A_491 = arith.constant 8 : i32
          %scan3A_492 = arith.addi %scan3A_342, %scan3A_491 : i32
          %mul3A_493 = arith.constant 128 : i32
          %mul3A_494 = arith.muli %scan3A_492, %mul3A_493 : i32
          %add3A_495 = arith.constant 16 : i32
          %add3A_496 = arith.addi %mul3A_494, %add3A_495 : i32
          %get3A_497 = arith.index_cast %add3A_496 : i32 to index
          %get3A_498 = tpu.vector_load %arg7[%get3A_497] {strides = array<i32>} : memref<7168xi32, #tpu.memory_space<vmem>>, vector<16xi32>,
          %gather3A_499 = tpu.vector_load_idx %arg5[%get3A_498] : memref<100008xi32, #tpu.memory_space<vmem>>[vector<16xi32>], vector<16xi32>,
          %shift_left3A_500 = arith.constant 16 : i32
          %shift_left3A_501 = vector.broadcast %shift_left3A_500 : i32 to vector<16xi32>
          %shift_left3A_502 = arith.shli %gather3A_499, %shift_left3A_501 : vector<16xi32>
          %bitcast3A_503 = vector.bitcast %shift_left3A_502 : vector<16xi32> to vector<16xf32>
          %and3A_504 = arith.constant -65536 : i32
          %and3A_505 = vector.broadcast %and3A_504 : i32 to vector<16xi32>
          %and3A_506 = arith.andi %gather3A_499, %and3A_505 : vector<16xi32>
          %bitcast3A_507 = vector.bitcast %and3A_506 : vector<16xi32> to vector<16xf32>
          %add3A_508 = arith.addf %add3A_489, %bitcast3A_503 : vector<16xf32>
          %add3A_509 = arith.addf %add3A_490, %bitcast3A_507 : vector<16xf32>
          %scan3A_510 = arith.constant 9 : i32
          %scan3A_511 = arith.addi %scan3A_342, %scan3A_510 : i32
          %mul3A_512 = arith.constant 128 : i32
          %mul3A_513 = arith.muli %scan3A_511, %mul3A_512 : i32
          %add3A_514 = arith.constant 16 : i32
          %add3A_515 = arith.addi %mul3A_513, %add3A_514 : i32
          %get3A_516 = arith.index_cast %add3A_515 : i32 to index
          %get3A_517 = tpu.vector_load %arg7[%get3A_516] {strides = array<i32>} : memref<7168xi32, #tpu.memory_space<vmem>>, vector<16xi32>,
          %gather3A_518 = tpu.vector_load_idx %arg5[%get3A_517] : memref<100008xi32, #tpu.memory_space<vmem>>[vector<16xi32>], vector<16xi32>,
          %shift_left3A_519 = arith.constant 16 : i32
          %shift_left3A_520 = vector.broadcast %shift_left3A_519 : i32 to vector<16xi32>
          %shift_left3A_521 = arith.shli %gather3A_518, %shift_left3A_520 : vector<16xi32>
          %bitcast3A_522 = vector.bitcast %shift_left3A_521 : vector<16xi32> to vector<16xf32>
          %and3A_523 = arith.constant -65536 : i32
          %and3A_524 = vector.broadcast %and3A_523 : i32 to vector<16xi32>
          %and3A_525 = arith.andi %gather3A_518, %and3A_524 : vector<16xi32>
          %bitcast3A_526 = vector.bitcast %and3A_525 : vector<16xi32> to vector<16xf32>
          %add3A_527 = arith.addf %add3A_508, %bitcast3A_522 : vector<16xf32>
          %add3A_528 = arith.addf %add3A_509, %bitcast3A_526 : vector<16xf32>
          scf.yield %add3A_527, %add3A_528 : vector<16xf32>, vector<16xf32>
        }
        %scan3A_228 = arith.constant 50 : i32
        %rem3A_229 = arith.constant 16 : i32
        %rem3A_230 = arith.remsi %add3A_206, %rem3A_229 : i32
        %mul3A_231 = arith.constant 128 : i32
        %mul3A_232 = arith.muli %rem3A_230, %mul3A_231 : i32
        %add3A_233 = arith.constant 16 : i32
        %add3A_234 = arith.addi %mul3A_232, %add3A_233 : i32
        %swap3A_235 = arith.index_cast %add3A_234 : i32 to index
        %swap3A_236 = tpu.vector_load %arg8[%swap3A_235] {strides = array<i32>} : memref<2048xf32, #tpu.memory_space<vmem>>, vector<16xf32>,
        tpu.vector_store %arg8[%swap3A_235], %scan3A_227#0 {strides = array<i32>} : memref<2048xf32, #tpu.memory_space<vmem>>, vector<16xf32>,
        %swap3A_237 = arith.index_cast %add3A_234 : i32 to index
        %swap3A_238 = tpu.vector_load %arg9[%swap3A_237] {strides = array<i32>} : memref<2048xf32, #tpu.memory_space<vmem>>, vector<16xf32>,
        tpu.vector_store %arg9[%swap3A_237], %scan3A_227#1 {strides = array<i32>} : memref<2048xf32, #tpu.memory_space<vmem>>, vector<16xf32>,
        %scan3A_239 = arith.constant 0 : i32
        %scan3A_240 = arith.constant 50 : i32
        %scan3A_241 = arith.addi %scan3A_239, %scan3A_240 : i32
        %scan3A_242 = arith.constant 10 : i32
        %scan3A_243:2 = scf.for %scan3A_342 = %scan3A_239 to %scan3A_241 step %scan3A_242 iter_args(%scan3A_343 = %broadcast_in_dim3A_1, %scan3A_344 = %broadcast_in_dim3A_1) -> (vector<16xf32>, vector<16xf32>)  : i32 {
          %mul3A_345 = arith.constant 128 : i32
          %mul3A_346 = arith.muli %scan3A_342, %mul3A_345 : i32
          %add3A_347 = arith.constant 32 : i32
          %add3A_348 = arith.addi %mul3A_346, %add3A_347 : i32
          %get3A = arith.index_cast %add3A_348 : i32 to index
          %get3A_349 = tpu.vector_load %arg7[%get3A] {strides = array<i32>} : memref<7168xi32, #tpu.memory_space<vmem>>, vector<16xi32>,
          %gather3A = tpu.vector_load_idx %arg5[%get3A_349] : memref<100008xi32, #tpu.memory_space<vmem>>[vector<16xi32>], vector<16xi32>,
          %shift_left3A = arith.constant 16 : i32
          %shift_left3A_350 = vector.broadcast %shift_left3A : i32 to vector<16xi32>
          %shift_left3A_351 = arith.shli %gather3A, %shift_left3A_350 : vector<16xi32>
          %bitcast3A = vector.bitcast %shift_left3A_351 : vector<16xi32> to vector<16xf32>
          %and3A_352 = arith.constant -65536 : i32
          %and3A_353 = vector.broadcast %and3A_352 : i32 to vector<16xi32>
          %and3A_354 = arith.andi %gather3A, %and3A_353 : vector<16xi32>
          %bitcast3A_355 = vector.bitcast %and3A_354 : vector<16xi32> to vector<16xf32>
          %add3A_356 = arith.addf %scan3A_343, %bitcast3A : vector<16xf32>
          %add3A_357 = arith.addf %scan3A_344, %bitcast3A_355 : vector<16xf32>
          %scan3A_358 = arith.constant 1 : i32
          %scan3A_359 = arith.addi %scan3A_342, %scan3A_358 : i32
          %mul3A_360 = arith.constant 128 : i32
          %mul3A_361 = arith.muli %scan3A_359, %mul3A_360 : i32
          %add3A_362 = arith.constant 32 : i32
          %add3A_363 = arith.addi %mul3A_361, %add3A_362 : i32
          %get3A_364 = arith.index_cast %add3A_363 : i32 to index
          %get3A_365 = tpu.vector_load %arg7[%get3A_364] {strides = array<i32>} : memref<7168xi32, #tpu.memory_space<vmem>>, vector<16xi32>,
          %gather3A_366 = tpu.vector_load_idx %arg5[%get3A_365] : memref<100008xi32, #tpu.memory_space<vmem>>[vector<16xi32>], vector<16xi32>,
          %shift_left3A_367 = arith.constant 16 : i32
          %shift_left3A_368 = vector.broadcast %shift_left3A_367 : i32 to vector<16xi32>
          %shift_left3A_369 = arith.shli %gather3A_366, %shift_left3A_368 : vector<16xi32>
          %bitcast3A_370 = vector.bitcast %shift_left3A_369 : vector<16xi32> to vector<16xf32>
          %and3A_371 = arith.constant -65536 : i32
          %and3A_372 = vector.broadcast %and3A_371 : i32 to vector<16xi32>
          %and3A_373 = arith.andi %gather3A_366, %and3A_372 : vector<16xi32>
          %bitcast3A_374 = vector.bitcast %and3A_373 : vector<16xi32> to vector<16xf32>
          %add3A_375 = arith.addf %add3A_356, %bitcast3A_370 : vector<16xf32>
          %add3A_376 = arith.addf %add3A_357, %bitcast3A_374 : vector<16xf32>
          %scan3A_377 = arith.constant 2 : i32
          %scan3A_378 = arith.addi %scan3A_342, %scan3A_377 : i32
          %mul3A_379 = arith.constant 128 : i32
          %mul3A_380 = arith.muli %scan3A_378, %mul3A_379 : i32
          %add3A_381 = arith.constant 32 : i32
          %add3A_382 = arith.addi %mul3A_380, %add3A_381 : i32
          %get3A_383 = arith.index_cast %add3A_382 : i32 to index
          %get3A_384 = tpu.vector_load %arg7[%get3A_383] {strides = array<i32>} : memref<7168xi32, #tpu.memory_space<vmem>>, vector<16xi32>,
          %gather3A_385 = tpu.vector_load_idx %arg5[%get3A_384] : memref<100008xi32, #tpu.memory_space<vmem>>[vector<16xi32>], vector<16xi32>,
          %shift_left3A_386 = arith.constant 16 : i32
          %shift_left3A_387 = vector.broadcast %shift_left3A_386 : i32 to vector<16xi32>
          %shift_left3A_388 = arith.shli %gather3A_385, %shift_left3A_387 : vector<16xi32>
          %bitcast3A_389 = vector.bitcast %shift_left3A_388 : vector<16xi32> to vector<16xf32>
          %and3A_390 = arith.constant -65536 : i32
          %and3A_391 = vector.broadcast %and3A_390 : i32 to vector<16xi32>
          %and3A_392 = arith.andi %gather3A_385, %and3A_391 : vector<16xi32>
          %bitcast3A_393 = vector.bitcast %and3A_392 : vector<16xi32> to vector<16xf32>
          %add3A_394 = arith.addf %add3A_375, %bitcast3A_389 : vector<16xf32>
          %add3A_395 = arith.addf %add3A_376, %bitcast3A_393 : vector<16xf32>
          %scan3A_396 = arith.constant 3 : i32
          %scan3A_397 = arith.addi %scan3A_342, %scan3A_396 : i32
          %mul3A_398 = arith.constant 128 : i32
          %mul3A_399 = arith.muli %scan3A_397, %mul3A_398 : i32
          %add3A_400 = arith.constant 32 : i32
          %add3A_401 = arith.addi %mul3A_399, %add3A_400 : i32
          %get3A_402 = arith.index_cast %add3A_401 : i32 to index
          %get3A_403 = tpu.vector_load %arg7[%get3A_402] {strides = array<i32>} : memref<7168xi32, #tpu.memory_space<vmem>>, vector<16xi32>,
          %gather3A_404 = tpu.vector_load_idx %arg5[%get3A_403] : memref<100008xi32, #tpu.memory_space<vmem>>[vector<16xi32>], vector<16xi32>,
          %shift_left3A_405 = arith.constant 16 : i32
          %shift_left3A_406 = vector.broadcast %shift_left3A_405 : i32 to vector<16xi32>
          %shift_left3A_407 = arith.shli %gather3A_404, %shift_left3A_406 : vector<16xi32>
          %bitcast3A_408 = vector.bitcast %shift_left3A_407 : vector<16xi32> to vector<16xf32>
          %and3A_409 = arith.constant -65536 : i32
          %and3A_410 = vector.broadcast %and3A_409 : i32 to vector<16xi32>
          %and3A_411 = arith.andi %gather3A_404, %and3A_410 : vector<16xi32>
          %bitcast3A_412 = vector.bitcast %and3A_411 : vector<16xi32> to vector<16xf32>
          %add3A_413 = arith.addf %add3A_394, %bitcast3A_408 : vector<16xf32>
          %add3A_414 = arith.addf %add3A_395, %bitcast3A_412 : vector<16xf32>
          %scan3A_415 = arith.constant 4 : i32
          %scan3A_416 = arith.addi %scan3A_342, %scan3A_415 : i32
          %mul3A_417 = arith.constant 128 : i32
          %mul3A_418 = arith.muli %scan3A_416, %mul3A_417 : i32
          %add3A_419 = arith.constant 32 : i32
          %add3A_420 = arith.addi %mul3A_418, %add3A_419 : i32
          %get3A_421 = arith.index_cast %add3A_420 : i32 to index
          %get3A_422 = tpu.vector_load %arg7[%get3A_421] {strides = array<i32>} : memref<7168xi32, #tpu.memory_space<vmem>>, vector<16xi32>,
          %gather3A_423 = tpu.vector_load_idx %arg5[%get3A_422] : memref<100008xi32, #tpu.memory_space<vmem>>[vector<16xi32>], vector<16xi32>,
          %shift_left3A_424 = arith.constant 16 : i32
          %shift_left3A_425 = vector.broadcast %shift_left3A_424 : i32 to vector<16xi32>
          %shift_left3A_426 = arith.shli %gather3A_423, %shift_left3A_425 : vector<16xi32>
          %bitcast3A_427 = vector.bitcast %shift_left3A_426 : vector<16xi32> to vector<16xf32>
          %and3A_428 = arith.constant -65536 : i32
          %and3A_429 = vector.broadcast %and3A_428 : i32 to vector<16xi32>
          %and3A_430 = arith.andi %gather3A_423, %and3A_429 : vector<16xi32>
          %bitcast3A_431 = vector.bitcast %and3A_430 : vector<16xi32> to vector<16xf32>
          %add3A_432 = arith.addf %add3A_413, %bitcast3A_427 : vector<16xf32>
          %add3A_433 = arith.addf %add3A_414, %bitcast3A_431 : vector<16xf32>
          %scan3A_434 = arith.constant 5 : i32
          %scan3A_435 = arith.addi %scan3A_342, %scan3A_434 : i32
          %mul3A_436 = arith.constant 128 : i32
          %mul3A_437 = arith.muli %scan3A_435, %mul3A_436 : i32
          %add3A_438 = arith.constant 32 : i32
          %add3A_439 = arith.addi %mul3A_437, %add3A_438 : i32
          %get3A_440 = arith.index_cast %add3A_439 : i32 to index
          %get3A_441 = tpu.vector_load %arg7[%get3A_440] {strides = array<i32>} : memref<7168xi32, #tpu.memory_space<vmem>>, vector<16xi32>,
          %gather3A_442 = tpu.vector_load_idx %arg5[%get3A_441] : memref<100008xi32, #tpu.memory_space<vmem>>[vector<16xi32>], vector<16xi32>,
          %shift_left3A_443 = arith.constant 16 : i32
          %shift_left3A_444 = vector.broadcast %shift_left3A_443 : i32 to vector<16xi32>
          %shift_left3A_445 = arith.shli %gather3A_442, %shift_left3A_444 : vector<16xi32>
          %bitcast3A_446 = vector.bitcast %shift_left3A_445 : vector<16xi32> to vector<16xf32>
          %and3A_447 = arith.constant -65536 : i32
          %and3A_448 = vector.broadcast %and3A_447 : i32 to vector<16xi32>
          %and3A_449 = arith.andi %gather3A_442, %and3A_448 : vector<16xi32>
          %bitcast3A_450 = vector.bitcast %and3A_449 : vector<16xi32> to vector<16xf32>
          %add3A_451 = arith.addf %add3A_432, %bitcast3A_446 : vector<16xf32>
          %add3A_452 = arith.addf %add3A_433, %bitcast3A_450 : vector<16xf32>
          %scan3A_453 = arith.constant 6 : i32
          %scan3A_454 = arith.addi %scan3A_342, %scan3A_453 : i32
          %mul3A_455 = arith.constant 128 : i32
          %mul3A_456 = arith.muli %scan3A_454, %mul3A_455 : i32
          %add3A_457 = arith.constant 32 : i32
          %add3A_458 = arith.addi %mul3A_456, %add3A_457 : i32
          %get3A_459 = arith.index_cast %add3A_458 : i32 to index
          %get3A_460 = tpu.vector_load %arg7[%get3A_459] {strides = array<i32>} : memref<7168xi32, #tpu.memory_space<vmem>>, vector<16xi32>,
          %gather3A_461 = tpu.vector_load_idx %arg5[%get3A_460] : memref<100008xi32, #tpu.memory_space<vmem>>[vector<16xi32>], vector<16xi32>,
          %shift_left3A_462 = arith.constant 16 : i32
          %shift_left3A_463 = vector.broadcast %shift_left3A_462 : i32 to vector<16xi32>
          %shift_left3A_464 = arith.shli %gather3A_461, %shift_left3A_463 : vector<16xi32>
          %bitcast3A_465 = vector.bitcast %shift_left3A_464 : vector<16xi32> to vector<16xf32>
          %and3A_466 = arith.constant -65536 : i32
          %and3A_467 = vector.broadcast %and3A_466 : i32 to vector<16xi32>
          %and3A_468 = arith.andi %gather3A_461, %and3A_467 : vector<16xi32>
          %bitcast3A_469 = vector.bitcast %and3A_468 : vector<16xi32> to vector<16xf32>
          %add3A_470 = arith.addf %add3A_451, %bitcast3A_465 : vector<16xf32>
          %add3A_471 = arith.addf %add3A_452, %bitcast3A_469 : vector<16xf32>
          %scan3A_472 = arith.constant 7 : i32
          %scan3A_473 = arith.addi %scan3A_342, %scan3A_472 : i32
          %mul3A_474 = arith.constant 128 : i32
          %mul3A_475 = arith.muli %scan3A_473, %mul3A_474 : i32
          %add3A_476 = arith.constant 32 : i32
          %add3A_477 = arith.addi %mul3A_475, %add3A_476 : i32
          %get3A_478 = arith.index_cast %add3A_477 : i32 to index
          %get3A_479 = tpu.vector_load %arg7[%get3A_478] {strides = array<i32>} : memref<7168xi32, #tpu.memory_space<vmem>>, vector<16xi32>,
          %gather3A_480 = tpu.vector_load_idx %arg5[%get3A_479] : memref<100008xi32, #tpu.memory_space<vmem>>[vector<16xi32>], vector<16xi32>,
          %shift_left3A_481 = arith.constant 16 : i32
          %shift_left3A_482 = vector.broadcast %shift_left3A_481 : i32 to vector<16xi32>
          %shift_left3A_483 = arith.shli %gather3A_480, %shift_left3A_482 : vector<16xi32>
          %bitcast3A_484 = vector.bitcast %shift_left3A_483 : vector<16xi32> to vector<16xf32>
          %and3A_485 = arith.constant -65536 : i32
          %and3A_486 = vector.broadcast %and3A_485 : i32 to vector<16xi32>
          %and3A_487 = arith.andi %gather3A_480, %and3A_486 : vector<16xi32>
          %bitcast3A_488 = vector.bitcast %and3A_487 : vector<16xi32> to vector<16xf32>
          %add3A_489 = arith.addf %add3A_470, %bitcast3A_484 : vector<16xf32>
          %add3A_490 = arith.addf %add3A_471, %bitcast3A_488 : vector<16xf32>
          %scan3A_491 = arith.constant 8 : i32
          %scan3A_492 = arith.addi %scan3A_342, %scan3A_491 : i32
          %mul3A_493 = arith.constant 128 : i32
          %mul3A_494 = arith.muli %scan3A_492, %mul3A_493 : i32
          %add3A_495 = arith.constant 32 : i32
          %add3A_496 = arith.addi %mul3A_494, %add3A_495 : i32
          %get3A_497 = arith.index_cast %add3A_496 : i32 to index
          %get3A_498 = tpu.vector_load %arg7[%get3A_497] {strides = array<i32>} : memref<7168xi32, #tpu.memory_space<vmem>>, vector<16xi32>,
          %gather3A_499 = tpu.vector_load_idx %arg5[%get3A_498] : memref<100008xi32, #tpu.memory_space<vmem>>[vector<16xi32>], vector<16xi32>,
          %shift_left3A_500 = arith.constant 16 : i32
          %shift_left3A_501 = vector.broadcast %shift_left3A_500 : i32 to vector<16xi32>
          %shift_left3A_502 = arith.shli %gather3A_499, %shift_left3A_501 : vector<16xi32>
          %bitcast3A_503 = vector.bitcast %shift_left3A_502 : vector<16xi32> to vector<16xf32>
          %and3A_504 = arith.constant -65536 : i32
          %and3A_505 = vector.broadcast %and3A_504 : i32 to vector<16xi32>
          %and3A_506 = arith.andi %gather3A_499, %and3A_505 : vector<16xi32>
          %bitcast3A_507 = vector.bitcast %and3A_506 : vector<16xi32> to vector<16xf32>
          %add3A_508 = arith.addf %add3A_489, %bitcast3A_503 : vector<16xf32>
          %add3A_509 = arith.addf %add3A_490, %bitcast3A_507 : vector<16xf32>
          %scan3A_510 = arith.constant 9 : i32
          %scan3A_511 = arith.addi %scan3A_342, %scan3A_510 : i32
          %mul3A_512 = arith.constant 128 : i32
          %mul3A_513 = arith.muli %scan3A_511, %mul3A_512 : i32
          %add3A_514 = arith.constant 32 : i32
          %add3A_515 = arith.addi %mul3A_513, %add3A_514 : i32
          %get3A_516 = arith.index_cast %add3A_515 : i32 to index
          %get3A_517 = tpu.vector_load %arg7[%get3A_516] {strides = array<i32>} : memref<7168xi32, #tpu.memory_space<vmem>>, vector<16xi32>,
          %gather3A_518 = tpu.vector_load_idx %arg5[%get3A_517] : memref<100008xi32, #tpu.memory_space<vmem>>[vector<16xi32>], vector<16xi32>,
          %shift_left3A_519 = arith.constant 16 : i32
          %shift_left3A_520 = vector.broadcast %shift_left3A_519 : i32 to vector<16xi32>
          %shift_left3A_521 = arith.shli %gather3A_518, %shift_left3A_520 : vector<16xi32>
          %bitcast3A_522 = vector.bitcast %shift_left3A_521 : vector<16xi32> to vector<16xf32>
          %and3A_523 = arith.constant -65536 : i32
          %and3A_524 = vector.broadcast %and3A_523 : i32 to vector<16xi32>
          %and3A_525 = arith.andi %gather3A_518, %and3A_524 : vector<16xi32>
          %bitcast3A_526 = vector.bitcast %and3A_525 : vector<16xi32> to vector<16xf32>
          %add3A_527 = arith.addf %add3A_508, %bitcast3A_522 : vector<16xf32>
          %add3A_528 = arith.addf %add3A_509, %bitcast3A_526 : vector<16xf32>
          scf.yield %add3A_527, %add3A_528 : vector<16xf32>, vector<16xf32>
        }
        %scan3A_244 = arith.constant 50 : i32
        %rem3A_245 = arith.constant 16 : i32
        %rem3A_246 = arith.remsi %add3A_206, %rem3A_245 : i32
        %mul3A_247 = arith.constant 128 : i32
        %mul3A_248 = arith.muli %rem3A_246, %mul3A_247 : i32
        %add3A_249 = arith.constant 32 : i32
        %add3A_250 = arith.addi %mul3A_248, %add3A_249 : i32
        %swap3A_251 = arith.index_cast %add3A_250 : i32 to index
        %swap3A_252 = tpu.vector_load %arg8[%swap3A_251] {strides = array<i32>} : memref<2048xf32, #tpu.memory_space<vmem>>, vector<16xf32>,
        tpu.vector_store %arg8[%swap3A_251], %scan3A_243#0 {strides = array<i32>} : memref<2048xf32, #tpu.memory_space<vmem>>, vector<16xf32>,
        %swap3A_253 = arith.index_cast %add3A_250 : i32 to index
        %swap3A_254 = tpu.vector_load %arg9[%swap3A_253] {strides = array<i32>} : memref<2048xf32, #tpu.memory_space<vmem>>, vector<16xf32>,
        tpu.vector_store %arg9[%swap3A_253], %scan3A_243#1 {strides = array<i32>} : memref<2048xf32, #tpu.memory_space<vmem>>, vector<16xf32>,
        %scan3A_255 = arith.constant 0 : i32
        %scan3A_256 = arith.constant 50 : i32
        %scan3A_257 = arith.addi %scan3A_255, %scan3A_256 : i32
        %scan3A_258 = arith.constant 10 : i32
        %scan3A_259:2 = scf.for %scan3A_342 = %scan3A_255 to %scan3A_257 step %scan3A_258 iter_args(%scan3A_343 = %broadcast_in_dim3A_1, %scan3A_344 = %broadcast_in_dim3A_1) -> (vector<16xf32>, vector<16xf32>)  : i32 {
          %mul3A_345 = arith.constant 128 : i32
          %mul3A_346 = arith.muli %scan3A_342, %mul3A_345 : i32
          %add3A_347 = arith.constant 48 : i32
          %add3A_348 = arith.addi %mul3A_346, %add3A_347 : i32
          %get3A = arith.index_cast %add3A_348 : i32 to index
          %get3A_349 = tpu.vector_load %arg7[%get3A] {strides = array<i32>} : memref<7168xi32, #tpu.memory_space<vmem>>, vector<16xi32>,
          %gather3A = tpu.vector_load_idx %arg5[%get3A_349] : memref<100008xi32, #tpu.memory_space<vmem>>[vector<16xi32>], vector<16xi32>,
          %shift_left3A = arith.constant 16 : i32
          %shift_left3A_350 = vector.broadcast %shift_left3A : i32 to vector<16xi32>
          %shift_left3A_351 = arith.shli %gather3A, %shift_left3A_350 : vector<16xi32>
          %bitcast3A = vector.bitcast %shift_left3A_351 : vector<16xi32> to vector<16xf32>
          %and3A_352 = arith.constant -65536 : i32
          %and3A_353 = vector.broadcast %and3A_352 : i32 to vector<16xi32>
          %and3A_354 = arith.andi %gather3A, %and3A_353 : vector<16xi32>
          %bitcast3A_355 = vector.bitcast %and3A_354 : vector<16xi32> to vector<16xf32>
          %add3A_356 = arith.addf %scan3A_343, %bitcast3A : vector<16xf32>
          %add3A_357 = arith.addf %scan3A_344, %bitcast3A_355 : vector<16xf32>
          %scan3A_358 = arith.constant 1 : i32
          %scan3A_359 = arith.addi %scan3A_342, %scan3A_358 : i32
          %mul3A_360 = arith.constant 128 : i32
          %mul3A_361 = arith.muli %scan3A_359, %mul3A_360 : i32
          %add3A_362 = arith.constant 48 : i32
          %add3A_363 = arith.addi %mul3A_361, %add3A_362 : i32
          %get3A_364 = arith.index_cast %add3A_363 : i32 to index
          %get3A_365 = tpu.vector_load %arg7[%get3A_364] {strides = array<i32>} : memref<7168xi32, #tpu.memory_space<vmem>>, vector<16xi32>,
          %gather3A_366 = tpu.vector_load_idx %arg5[%get3A_365] : memref<100008xi32, #tpu.memory_space<vmem>>[vector<16xi32>], vector<16xi32>,
          %shift_left3A_367 = arith.constant 16 : i32
          %shift_left3A_368 = vector.broadcast %shift_left3A_367 : i32 to vector<16xi32>
          %shift_left3A_369 = arith.shli %gather3A_366, %shift_left3A_368 : vector<16xi32>
          %bitcast3A_370 = vector.bitcast %shift_left3A_369 : vector<16xi32> to vector<16xf32>
          %and3A_371 = arith.constant -65536 : i32
          %and3A_372 = vector.broadcast %and3A_371 : i32 to vector<16xi32>
          %and3A_373 = arith.andi %gather3A_366, %and3A_372 : vector<16xi32>
          %bitcast3A_374 = vector.bitcast %and3A_373 : vector<16xi32> to vector<16xf32>
          %add3A_375 = arith.addf %add3A_356, %bitcast3A_370 : vector<16xf32>
          %add3A_376 = arith.addf %add3A_357, %bitcast3A_374 : vector<16xf32>
          %scan3A_377 = arith.constant 2 : i32
          %scan3A_378 = arith.addi %scan3A_342, %scan3A_377 : i32
          %mul3A_379 = arith.constant 128 : i32
          %mul3A_380 = arith.muli %scan3A_378, %mul3A_379 : i32
          %add3A_381 = arith.constant 48 : i32
          %add3A_382 = arith.addi %mul3A_380, %add3A_381 : i32
          %get3A_383 = arith.index_cast %add3A_382 : i32 to index
          %get3A_384 = tpu.vector_load %arg7[%get3A_383] {strides = array<i32>} : memref<7168xi32, #tpu.memory_space<vmem>>, vector<16xi32>,
          %gather3A_385 = tpu.vector_load_idx %arg5[%get3A_384] : memref<100008xi32, #tpu.memory_space<vmem>>[vector<16xi32>], vector<16xi32>,
          %shift_left3A_386 = arith.constant 16 : i32
          %shift_left3A_387 = vector.broadcast %shift_left3A_386 : i32 to vector<16xi32>
          %shift_left3A_388 = arith.shli %gather3A_385, %shift_left3A_387 : vector<16xi32>
          %bitcast3A_389 = vector.bitcast %shift_left3A_388 : vector<16xi32> to vector<16xf32>
          %and3A_390 = arith.constant -65536 : i32
          %and3A_391 = vector.broadcast %and3A_390 : i32 to vector<16xi32>
          %and3A_392 = arith.andi %gather3A_385, %and3A_391 : vector<16xi32>
          %bitcast3A_393 = vector.bitcast %and3A_392 : vector<16xi32> to vector<16xf32>
          %add3A_394 = arith.addf %add3A_375, %bitcast3A_389 : vector<16xf32>
          %add3A_395 = arith.addf %add3A_376, %bitcast3A_393 : vector<16xf32>
          %scan3A_396 = arith.constant 3 : i32
          %scan3A_397 = arith.addi %scan3A_342, %scan3A_396 : i32
          %mul3A_398 = arith.constant 128 : i32
          %mul3A_399 = arith.muli %scan3A_397, %mul3A_398 : i32
          %add3A_400 = arith.constant 48 : i32
          %add3A_401 = arith.addi %mul3A_399, %add3A_400 : i32
          %get3A_402 = arith.index_cast %add3A_401 : i32 to index
          %get3A_403 = tpu.vector_load %arg7[%get3A_402] {strides = array<i32>} : memref<7168xi32, #tpu.memory_space<vmem>>, vector<16xi32>,
          %gather3A_404 = tpu.vector_load_idx %arg5[%get3A_403] : memref<100008xi32, #tpu.memory_space<vmem>>[vector<16xi32>], vector<16xi32>,
          %shift_left3A_405 = arith.constant 16 : i32
          %shift_left3A_406 = vector.broadcast %shift_left3A_405 : i32 to vector<16xi32>
          %shift_left3A_407 = arith.shli %gather3A_404, %shift_left3A_406 : vector<16xi32>
          %bitcast3A_408 = vector.bitcast %shift_left3A_407 : vector<16xi32> to vector<16xf32>
          %and3A_409 = arith.constant -65536 : i32
          %and3A_410 = vector.broadcast %and3A_409 : i32 to vector<16xi32>
          %and3A_411 = arith.andi %gather3A_404, %and3A_410 : vector<16xi32>
          %bitcast3A_412 = vector.bitcast %and3A_411 : vector<16xi32> to vector<16xf32>
          %add3A_413 = arith.addf %add3A_394, %bitcast3A_408 : vector<16xf32>
          %add3A_414 = arith.addf %add3A_395, %bitcast3A_412 : vector<16xf32>
          %scan3A_415 = arith.constant 4 : i32
          %scan3A_416 = arith.addi %scan3A_342, %scan3A_415 : i32
          %mul3A_417 = arith.constant 128 : i32
          %mul3A_418 = arith.muli %scan3A_416, %mul3A_417 : i32
          %add3A_419 = arith.constant 48 : i32
          %add3A_420 = arith.addi %mul3A_418, %add3A_419 : i32
          %get3A_421 = arith.index_cast %add3A_420 : i32 to index
          %get3A_422 = tpu.vector_load %arg7[%get3A_421] {strides = array<i32>} : memref<7168xi32, #tpu.memory_space<vmem>>, vector<16xi32>,
          %gather3A_423 = tpu.vector_load_idx %arg5[%get3A_422] : memref<100008xi32, #tpu.memory_space<vmem>>[vector<16xi32>], vector<16xi32>,
          %shift_left3A_424 = arith.constant 16 : i32
          %shift_left3A_425 = vector.broadcast %shift_left3A_424 : i32 to vector<16xi32>
          %shift_left3A_426 = arith.shli %gather3A_423, %shift_left3A_425 : vector<16xi32>
          %bitcast3A_427 = vector.bitcast %shift_left3A_426 : vector<16xi32> to vector<16xf32>
          %and3A_428 = arith.constant -65536 : i32
          %and3A_429 = vector.broadcast %and3A_428 : i32 to vector<16xi32>
          %and3A_430 = arith.andi %gather3A_423, %and3A_429 : vector<16xi32>
          %bitcast3A_431 = vector.bitcast %and3A_430 : vector<16xi32> to vector<16xf32>
          %add3A_432 = arith.addf %add3A_413, %bitcast3A_427 : vector<16xf32>
          %add3A_433 = arith.addf %add3A_414, %bitcast3A_431 : vector<16xf32>
          %scan3A_434 = arith.constant 5 : i32
          %scan3A_435 = arith.addi %scan3A_342, %scan3A_434 : i32
          %mul3A_436 = arith.constant 128 : i32
          %mul3A_437 = arith.muli %scan3A_435, %mul3A_436 : i32
          %add3A_438 = arith.constant 48 : i32
          %add3A_439 = arith.addi %mul3A_437, %add3A_438 : i32
          %get3A_440 = arith.index_cast %add3A_439 : i32 to index
          %get3A_441 = tpu.vector_load %arg7[%get3A_440] {strides = array<i32>} : memref<7168xi32, #tpu.memory_space<vmem>>, vector<16xi32>,
          %gather3A_442 = tpu.vector_load_idx %arg5[%get3A_441] : memref<100008xi32, #tpu.memory_space<vmem>>[vector<16xi32>], vector<16xi32>,
          %shift_left3A_443 = arith.constant 16 : i32
          %shift_left3A_444 = vector.broadcast %shift_left3A_443 : i32 to vector<16xi32>
          %shift_left3A_445 = arith.shli %gather3A_442, %shift_left3A_444 : vector<16xi32>
          %bitcast3A_446 = vector.bitcast %shift_left3A_445 : vector<16xi32> to vector<16xf32>
          %and3A_447 = arith.constant -65536 : i32
          %and3A_448 = vector.broadcast %and3A_447 : i32 to vector<16xi32>
          %and3A_449 = arith.andi %gather3A_442, %and3A_448 : vector<16xi32>
          %bitcast3A_450 = vector.bitcast %and3A_449 : vector<16xi32> to vector<16xf32>
          %add3A_451 = arith.addf %add3A_432, %bitcast3A_446 : vector<16xf32>
          %add3A_452 = arith.addf %add3A_433, %bitcast3A_450 : vector<16xf32>
          %scan3A_453 = arith.constant 6 : i32
          %scan3A_454 = arith.addi %scan3A_342, %scan3A_453 : i32
          %mul3A_455 = arith.constant 128 : i32
          %mul3A_456 = arith.muli %scan3A_454, %mul3A_455 : i32
          %add3A_457 = arith.constant 48 : i32
          %add3A_458 = arith.addi %mul3A_456, %add3A_457 : i32
          %get3A_459 = arith.index_cast %add3A_458 : i32 to index
          %get3A_460 = tpu.vector_load %arg7[%get3A_459] {strides = array<i32>} : memref<7168xi32, #tpu.memory_space<vmem>>, vector<16xi32>,
          %gather3A_461 = tpu.vector_load_idx %arg5[%get3A_460] : memref<100008xi32, #tpu.memory_space<vmem>>[vector<16xi32>], vector<16xi32>,
          %shift_left3A_462 = arith.constant 16 : i32
          %shift_left3A_463 = vector.broadcast %shift_left3A_462 : i32 to vector<16xi32>
          %shift_left3A_464 = arith.shli %gather3A_461, %shift_left3A_463 : vector<16xi32>
          %bitcast3A_465 = vector.bitcast %shift_left3A_464 : vector<16xi32> to vector<16xf32>
          %and3A_466 = arith.constant -65536 : i32
          %and3A_467 = vector.broadcast %and3A_466 : i32 to vector<16xi32>
          %and3A_468 = arith.andi %gather3A_461, %and3A_467 : vector<16xi32>
          %bitcast3A_469 = vector.bitcast %and3A_468 : vector<16xi32> to vector<16xf32>
          %add3A_470 = arith.addf %add3A_451, %bitcast3A_465 : vector<16xf32>
          %add3A_471 = arith.addf %add3A_452, %bitcast3A_469 : vector<16xf32>
          %scan3A_472 = arith.constant 7 : i32
          %scan3A_473 = arith.addi %scan3A_342, %scan3A_472 : i32
          %mul3A_474 = arith.constant 128 : i32
          %mul3A_475 = arith.muli %scan3A_473, %mul3A_474 : i32
          %add3A_476 = arith.constant 48 : i32
          %add3A_477 = arith.addi %mul3A_475, %add3A_476 : i32
          %get3A_478 = arith.index_cast %add3A_477 : i32 to index
          %get3A_479 = tpu.vector_load %arg7[%get3A_478] {strides = array<i32>} : memref<7168xi32, #tpu.memory_space<vmem>>, vector<16xi32>,
          %gather3A_480 = tpu.vector_load_idx %arg5[%get3A_479] : memref<100008xi32, #tpu.memory_space<vmem>>[vector<16xi32>], vector<16xi32>,
          %shift_left3A_481 = arith.constant 16 : i32
          %shift_left3A_482 = vector.broadcast %shift_left3A_481 : i32 to vector<16xi32>
          %shift_left3A_483 = arith.shli %gather3A_480, %shift_left3A_482 : vector<16xi32>
          %bitcast3A_484 = vector.bitcast %shift_left3A_483 : vector<16xi32> to vector<16xf32>
          %and3A_485 = arith.constant -65536 : i32
          %and3A_486 = vector.broadcast %and3A_485 : i32 to vector<16xi32>
          %and3A_487 = arith.andi %gather3A_480, %and3A_486 : vector<16xi32>
          %bitcast3A_488 = vector.bitcast %and3A_487 : vector<16xi32> to vector<16xf32>
          %add3A_489 = arith.addf %add3A_470, %bitcast3A_484 : vector<16xf32>
          %add3A_490 = arith.addf %add3A_471, %bitcast3A_488 : vector<16xf32>
          %scan3A_491 = arith.constant 8 : i32
          %scan3A_492 = arith.addi %scan3A_342, %scan3A_491 : i32
          %mul3A_493 = arith.constant 128 : i32
          %mul3A_494 = arith.muli %scan3A_492, %mul3A_493 : i32
          %add3A_495 = arith.constant 48 : i32
          %add3A_496 = arith.addi %mul3A_494, %add3A_495 : i32
          %get3A_497 = arith.index_cast %add3A_496 : i32 to index
          %get3A_498 = tpu.vector_load %arg7[%get3A_497] {strides = array<i32>} : memref<7168xi32, #tpu.memory_space<vmem>>, vector<16xi32>,
          %gather3A_499 = tpu.vector_load_idx %arg5[%get3A_498] : memref<100008xi32, #tpu.memory_space<vmem>>[vector<16xi32>], vector<16xi32>,
          %shift_left3A_500 = arith.constant 16 : i32
          %shift_left3A_501 = vector.broadcast %shift_left3A_500 : i32 to vector<16xi32>
          %shift_left3A_502 = arith.shli %gather3A_499, %shift_left3A_501 : vector<16xi32>
          %bitcast3A_503 = vector.bitcast %shift_left3A_502 : vector<16xi32> to vector<16xf32>
          %and3A_504 = arith.constant -65536 : i32
          %and3A_505 = vector.broadcast %and3A_504 : i32 to vector<16xi32>
          %and3A_506 = arith.andi %gather3A_499, %and3A_505 : vector<16xi32>
          %bitcast3A_507 = vector.bitcast %and3A_506 : vector<16xi32> to vector<16xf32>
          %add3A_508 = arith.addf %add3A_489, %bitcast3A_503 : vector<16xf32>
          %add3A_509 = arith.addf %add3A_490, %bitcast3A_507 : vector<16xf32>
          %scan3A_510 = arith.constant 9 : i32
          %scan3A_511 = arith.addi %scan3A_342, %scan3A_510 : i32
          %mul3A_512 = arith.constant 128 : i32
          %mul3A_513 = arith.muli %scan3A_511, %mul3A_512 : i32
          %add3A_514 = arith.constant 48 : i32
          %add3A_515 = arith.addi %mul3A_513, %add3A_514 : i32
          %get3A_516 = arith.index_cast %add3A_515 : i32 to index
          %get3A_517 = tpu.vector_load %arg7[%get3A_516] {strides = array<i32>} : memref<7168xi32, #tpu.memory_space<vmem>>, vector<16xi32>,
          %gather3A_518 = tpu.vector_load_idx %arg5[%get3A_517] : memref<100008xi32, #tpu.memory_space<vmem>>[vector<16xi32>], vector<16xi32>,
          %shift_left3A_519 = arith.constant 16 : i32
          %shift_left3A_520 = vector.broadcast %shift_left3A_519 : i32 to vector<16xi32>
          %shift_left3A_521 = arith.shli %gather3A_518, %shift_left3A_520 : vector<16xi32>
          %bitcast3A_522 = vector.bitcast %shift_left3A_521 : vector<16xi32> to vector<16xf32>
          %and3A_523 = arith.constant -65536 : i32
          %and3A_524 = vector.broadcast %and3A_523 : i32 to vector<16xi32>
          %and3A_525 = arith.andi %gather3A_518, %and3A_524 : vector<16xi32>
          %bitcast3A_526 = vector.bitcast %and3A_525 : vector<16xi32> to vector<16xf32>
          %add3A_527 = arith.addf %add3A_508, %bitcast3A_522 : vector<16xf32>
          %add3A_528 = arith.addf %add3A_509, %bitcast3A_526 : vector<16xf32>
          scf.yield %add3A_527, %add3A_528 : vector<16xf32>, vector<16xf32>
        }
        %scan3A_260 = arith.constant 50 : i32
        %rem3A_261 = arith.constant 16 : i32
        %rem3A_262 = arith.remsi %add3A_206, %rem3A_261 : i32
        %mul3A_263 = arith.constant 128 : i32
        %mul3A_264 = arith.muli %rem3A_262, %mul3A_263 : i32
        %add3A_265 = arith.constant 48 : i32
        %add3A_266 = arith.addi %mul3A_264, %add3A_265 : i32
        %swap3A_267 = arith.index_cast %add3A_266 : i32 to index
        %swap3A_268 = tpu.vector_load %arg8[%swap3A_267] {strides = array<i32>} : memref<2048xf32, #tpu.memory_space<vmem>>, vector<16xf32>,
        tpu.vector_store %arg8[%swap3A_267], %scan3A_259#0 {strides = array<i32>} : memref<2048xf32, #tpu.memory_space<vmem>>, vector<16xf32>,
        %swap3A_269 = arith.index_cast %add3A_266 : i32 to index
        %swap3A_270 = tpu.vector_load %arg9[%swap3A_269] {strides = array<i32>} : memref<2048xf32, #tpu.memory_space<vmem>>, vector<16xf32>,
        tpu.vector_store %arg9[%swap3A_269], %scan3A_259#1 {strides = array<i32>} : memref<2048xf32, #tpu.memory_space<vmem>>, vector<16xf32>,
        %scan3A_271 = arith.constant 0 : i32
        %scan3A_272 = arith.constant 50 : i32
        %scan3A_273 = arith.addi %scan3A_271, %scan3A_272 : i32
        %scan3A_274 = arith.constant 10 : i32
        %scan3A_275:2 = scf.for %scan3A_342 = %scan3A_271 to %scan3A_273 step %scan3A_274 iter_args(%scan3A_343 = %broadcast_in_dim3A_1, %scan3A_344 = %broadcast_in_dim3A_1) -> (vector<16xf32>, vector<16xf32>)  : i32 {
          %mul3A_345 = arith.constant 128 : i32
          %mul3A_346 = arith.muli %scan3A_342, %mul3A_345 : i32
          %add3A_347 = arith.constant 64 : i32
          %add3A_348 = arith.addi %mul3A_346, %add3A_347 : i32
          %get3A = arith.index_cast %add3A_348 : i32 to index
          %get3A_349 = tpu.vector_load %arg7[%get3A] {strides = array<i32>} : memref<7168xi32, #tpu.memory_space<vmem>>, vector<16xi32>,
          %gather3A = tpu.vector_load_idx %arg5[%get3A_349] : memref<100008xi32, #tpu.memory_space<vmem>>[vector<16xi32>], vector<16xi32>,
          %shift_left3A = arith.constant 16 : i32
          %shift_left3A_350 = vector.broadcast %shift_left3A : i32 to vector<16xi32>
          %shift_left3A_351 = arith.shli %gather3A, %shift_left3A_350 : vector<16xi32>
          %bitcast3A = vector.bitcast %shift_left3A_351 : vector<16xi32> to vector<16xf32>
          %and3A_352 = arith.constant -65536 : i32
          %and3A_353 = vector.broadcast %and3A_352 : i32 to vector<16xi32>
          %and3A_354 = arith.andi %gather3A, %and3A_353 : vector<16xi32>
          %bitcast3A_355 = vector.bitcast %and3A_354 : vector<16xi32> to vector<16xf32>
          %add3A_356 = arith.addf %scan3A_343, %bitcast3A : vector<16xf32>
          %add3A_357 = arith.addf %scan3A_344, %bitcast3A_355 : vector<16xf32>
          %scan3A_358 = arith.constant 1 : i32
          %scan3A_359 = arith.addi %scan3A_342, %scan3A_358 : i32
          %mul3A_360 = arith.constant 128 : i32
          %mul3A_361 = arith.muli %scan3A_359, %mul3A_360 : i32
          %add3A_362 = arith.constant 64 : i32
          %add3A_363 = arith.addi %mul3A_361, %add3A_362 : i32
          %get3A_364 = arith.index_cast %add3A_363 : i32 to index
          %get3A_365 = tpu.vector_load %arg7[%get3A_364] {strides = array<i32>} : memref<7168xi32, #tpu.memory_space<vmem>>, vector<16xi32>,
          %gather3A_366 = tpu.vector_load_idx %arg5[%get3A_365] : memref<100008xi32, #tpu.memory_space<vmem>>[vector<16xi32>], vector<16xi32>,
          %shift_left3A_367 = arith.constant 16 : i32
          %shift_left3A_368 = vector.broadcast %shift_left3A_367 : i32 to vector<16xi32>
          %shift_left3A_369 = arith.shli %gather3A_366, %shift_left3A_368 : vector<16xi32>
          %bitcast3A_370 = vector.bitcast %shift_left3A_369 : vector<16xi32> to vector<16xf32>
          %and3A_371 = arith.constant -65536 : i32
          %and3A_372 = vector.broadcast %and3A_371 : i32 to vector<16xi32>
          %and3A_373 = arith.andi %gather3A_366, %and3A_372 : vector<16xi32>
          %bitcast3A_374 = vector.bitcast %and3A_373 : vector<16xi32> to vector<16xf32>
          %add3A_375 = arith.addf %add3A_356, %bitcast3A_370 : vector<16xf32>
          %add3A_376 = arith.addf %add3A_357, %bitcast3A_374 : vector<16xf32>
          %scan3A_377 = arith.constant 2 : i32
          %scan3A_378 = arith.addi %scan3A_342, %scan3A_377 : i32
          %mul3A_379 = arith.constant 128 : i32
          %mul3A_380 = arith.muli %scan3A_378, %mul3A_379 : i32
          %add3A_381 = arith.constant 64 : i32
          %add3A_382 = arith.addi %mul3A_380, %add3A_381 : i32
          %get3A_383 = arith.index_cast %add3A_382 : i32 to index
          %get3A_384 = tpu.vector_load %arg7[%get3A_383] {strides = array<i32>} : memref<7168xi32, #tpu.memory_space<vmem>>, vector<16xi32>,
          %gather3A_385 = tpu.vector_load_idx %arg5[%get3A_384] : memref<100008xi32, #tpu.memory_space<vmem>>[vector<16xi32>], vector<16xi32>,
          %shift_left3A_386 = arith.constant 16 : i32
          %shift_left3A_387 = vector.broadcast %shift_left3A_386 : i32 to vector<16xi32>
          %shift_left3A_388 = arith.shli %gather3A_385, %shift_left3A_387 : vector<16xi32>
          %bitcast3A_389 = vector.bitcast %shift_left3A_388 : vector<16xi32> to vector<16xf32>
          %and3A_390 = arith.constant -65536 : i32
          %and3A_391 = vector.broadcast %and3A_390 : i32 to vector<16xi32>
          %and3A_392 = arith.andi %gather3A_385, %and3A_391 : vector<16xi32>
          %bitcast3A_393 = vector.bitcast %and3A_392 : vector<16xi32> to vector<16xf32>
          %add3A_394 = arith.addf %add3A_375, %bitcast3A_389 : vector<16xf32>
          %add3A_395 = arith.addf %add3A_376, %bitcast3A_393 : vector<16xf32>
          %scan3A_396 = arith.constant 3 : i32
          %scan3A_397 = arith.addi %scan3A_342, %scan3A_396 : i32
          %mul3A_398 = arith.constant 128 : i32
          %mul3A_399 = arith.muli %scan3A_397, %mul3A_398 : i32
          %add3A_400 = arith.constant 64 : i32
          %add3A_401 = arith.addi %mul3A_399, %add3A_400 : i32
          %get3A_402 = arith.index_cast %add3A_401 : i32 to index
          %get3A_403 = tpu.vector_load %arg7[%get3A_402] {strides = array<i32>} : memref<7168xi32, #tpu.memory_space<vmem>>, vector<16xi32>,
          %gather3A_404 = tpu.vector_load_idx %arg5[%get3A_403] : memref<100008xi32, #tpu.memory_space<vmem>>[vector<16xi32>], vector<16xi32>,
          %shift_left3A_405 = arith.constant 16 : i32
          %shift_left3A_406 = vector.broadcast %shift_left3A_405 : i32 to vector<16xi32>
          %shift_left3A_407 = arith.shli %gather3A_404, %shift_left3A_406 : vector<16xi32>
          %bitcast3A_408 = vector.bitcast %shift_left3A_407 : vector<16xi32> to vector<16xf32>
          %and3A_409 = arith.constant -65536 : i32
          %and3A_410 = vector.broadcast %and3A_409 : i32 to vector<16xi32>
          %and3A_411 = arith.andi %gather3A_404, %and3A_410 : vector<16xi32>
          %bitcast3A_412 = vector.bitcast %and3A_411 : vector<16xi32> to vector<16xf32>
          %add3A_413 = arith.addf %add3A_394, %bitcast3A_408 : vector<16xf32>
          %add3A_414 = arith.addf %add3A_395, %bitcast3A_412 : vector<16xf32>
          %scan3A_415 = arith.constant 4 : i32
          %scan3A_416 = arith.addi %scan3A_342, %scan3A_415 : i32
          %mul3A_417 = arith.constant 128 : i32
          %mul3A_418 = arith.muli %scan3A_416, %mul3A_417 : i32
          %add3A_419 = arith.constant 64 : i32
          %add3A_420 = arith.addi %mul3A_418, %add3A_419 : i32
          %get3A_421 = arith.index_cast %add3A_420 : i32 to index
          %get3A_422 = tpu.vector_load %arg7[%get3A_421] {strides = array<i32>} : memref<7168xi32, #tpu.memory_space<vmem>>, vector<16xi32>,
          %gather3A_423 = tpu.vector_load_idx %arg5[%get3A_422] : memref<100008xi32, #tpu.memory_space<vmem>>[vector<16xi32>], vector<16xi32>,
          %shift_left3A_424 = arith.constant 16 : i32
          %shift_left3A_425 = vector.broadcast %shift_left3A_424 : i32 to vector<16xi32>
          %shift_left3A_426 = arith.shli %gather3A_423, %shift_left3A_425 : vector<16xi32>
          %bitcast3A_427 = vector.bitcast %shift_left3A_426 : vector<16xi32> to vector<16xf32>
          %and3A_428 = arith.constant -65536 : i32
          %and3A_429 = vector.broadcast %and3A_428 : i32 to vector<16xi32>
          %and3A_430 = arith.andi %gather3A_423, %and3A_429 : vector<16xi32>
          %bitcast3A_431 = vector.bitcast %and3A_430 : vector<16xi32> to vector<16xf32>
          %add3A_432 = arith.addf %add3A_413, %bitcast3A_427 : vector<16xf32>
          %add3A_433 = arith.addf %add3A_414, %bitcast3A_431 : vector<16xf32>
          %scan3A_434 = arith.constant 5 : i32
          %scan3A_435 = arith.addi %scan3A_342, %scan3A_434 : i32
          %mul3A_436 = arith.constant 128 : i32
          %mul3A_437 = arith.muli %scan3A_435, %mul3A_436 : i32
          %add3A_438 = arith.constant 64 : i32
          %add3A_439 = arith.addi %mul3A_437, %add3A_438 : i32
          %get3A_440 = arith.index_cast %add3A_439 : i32 to index
          %get3A_441 = tpu.vector_load %arg7[%get3A_440] {strides = array<i32>} : memref<7168xi32, #tpu.memory_space<vmem>>, vector<16xi32>,
          %gather3A_442 = tpu.vector_load_idx %arg5[%get3A_441] : memref<100008xi32, #tpu.memory_space<vmem>>[vector<16xi32>], vector<16xi32>,
          %shift_left3A_443 = arith.constant 16 : i32
          %shift_left3A_444 = vector.broadcast %shift_left3A_443 : i32 to vector<16xi32>
          %shift_left3A_445 = arith.shli %gather3A_442, %shift_left3A_444 : vector<16xi32>
          %bitcast3A_446 = vector.bitcast %shift_left3A_445 : vector<16xi32> to vector<16xf32>
          %and3A_447 = arith.constant -65536 : i32
          %and3A_448 = vector.broadcast %and3A_447 : i32 to vector<16xi32>
          %and3A_449 = arith.andi %gather3A_442, %and3A_448 : vector<16xi32>
          %bitcast3A_450 = vector.bitcast %and3A_449 : vector<16xi32> to vector<16xf32>
          %add3A_451 = arith.addf %add3A_432, %bitcast3A_446 : vector<16xf32>
          %add3A_452 = arith.addf %add3A_433, %bitcast3A_450 : vector<16xf32>
          %scan3A_453 = arith.constant 6 : i32
          %scan3A_454 = arith.addi %scan3A_342, %scan3A_453 : i32
          %mul3A_455 = arith.constant 128 : i32
          %mul3A_456 = arith.muli %scan3A_454, %mul3A_455 : i32
          %add3A_457 = arith.constant 64 : i32
          %add3A_458 = arith.addi %mul3A_456, %add3A_457 : i32
          %get3A_459 = arith.index_cast %add3A_458 : i32 to index
          %get3A_460 = tpu.vector_load %arg7[%get3A_459] {strides = array<i32>} : memref<7168xi32, #tpu.memory_space<vmem>>, vector<16xi32>,
          %gather3A_461 = tpu.vector_load_idx %arg5[%get3A_460] : memref<100008xi32, #tpu.memory_space<vmem>>[vector<16xi32>], vector<16xi32>,
          %shift_left3A_462 = arith.constant 16 : i32
          %shift_left3A_463 = vector.broadcast %shift_left3A_462 : i32 to vector<16xi32>
          %shift_left3A_464 = arith.shli %gather3A_461, %shift_left3A_463 : vector<16xi32>
          %bitcast3A_465 = vector.bitcast %shift_left3A_464 : vector<16xi32> to vector<16xf32>
          %and3A_466 = arith.constant -65536 : i32
          %and3A_467 = vector.broadcast %and3A_466 : i32 to vector<16xi32>
          %and3A_468 = arith.andi %gather3A_461, %and3A_467 : vector<16xi32>
          %bitcast3A_469 = vector.bitcast %and3A_468 : vector<16xi32> to vector<16xf32>
          %add3A_470 = arith.addf %add3A_451, %bitcast3A_465 : vector<16xf32>
          %add3A_471 = arith.addf %add3A_452, %bitcast3A_469 : vector<16xf32>
          %scan3A_472 = arith.constant 7 : i32
          %scan3A_473 = arith.addi %scan3A_342, %scan3A_472 : i32
          %mul3A_474 = arith.constant 128 : i32
          %mul3A_475 = arith.muli %scan3A_473, %mul3A_474 : i32
          %add3A_476 = arith.constant 64 : i32
          %add3A_477 = arith.addi %mul3A_475, %add3A_476 : i32
          %get3A_478 = arith.index_cast %add3A_477 : i32 to index
          %get3A_479 = tpu.vector_load %arg7[%get3A_478] {strides = array<i32>} : memref<7168xi32, #tpu.memory_space<vmem>>, vector<16xi32>,
          %gather3A_480 = tpu.vector_load_idx %arg5[%get3A_479] : memref<100008xi32, #tpu.memory_space<vmem>>[vector<16xi32>], vector<16xi32>,
          %shift_left3A_481 = arith.constant 16 : i32
          %shift_left3A_482 = vector.broadcast %shift_left3A_481 : i32 to vector<16xi32>
          %shift_left3A_483 = arith.shli %gather3A_480, %shift_left3A_482 : vector<16xi32>
          %bitcast3A_484 = vector.bitcast %shift_left3A_483 : vector<16xi32> to vector<16xf32>
          %and3A_485 = arith.constant -65536 : i32
          %and3A_486 = vector.broadcast %and3A_485 : i32 to vector<16xi32>
          %and3A_487 = arith.andi %gather3A_480, %and3A_486 : vector<16xi32>
          %bitcast3A_488 = vector.bitcast %and3A_487 : vector<16xi32> to vector<16xf32>
          %add3A_489 = arith.addf %add3A_470, %bitcast3A_484 : vector<16xf32>
          %add3A_490 = arith.addf %add3A_471, %bitcast3A_488 : vector<16xf32>
          %scan3A_491 = arith.constant 8 : i32
          %scan3A_492 = arith.addi %scan3A_342, %scan3A_491 : i32
          %mul3A_493 = arith.constant 128 : i32
          %mul3A_494 = arith.muli %scan3A_492, %mul3A_493 : i32
          %add3A_495 = arith.constant 64 : i32
          %add3A_496 = arith.addi %mul3A_494, %add3A_495 : i32
          %get3A_497 = arith.index_cast %add3A_496 : i32 to index
          %get3A_498 = tpu.vector_load %arg7[%get3A_497] {strides = array<i32>} : memref<7168xi32, #tpu.memory_space<vmem>>, vector<16xi32>,
          %gather3A_499 = tpu.vector_load_idx %arg5[%get3A_498] : memref<100008xi32, #tpu.memory_space<vmem>>[vector<16xi32>], vector<16xi32>,
          %shift_left3A_500 = arith.constant 16 : i32
          %shift_left3A_501 = vector.broadcast %shift_left3A_500 : i32 to vector<16xi32>
          %shift_left3A_502 = arith.shli %gather3A_499, %shift_left3A_501 : vector<16xi32>
          %bitcast3A_503 = vector.bitcast %shift_left3A_502 : vector<16xi32> to vector<16xf32>
          %and3A_504 = arith.constant -65536 : i32
          %and3A_505 = vector.broadcast %and3A_504 : i32 to vector<16xi32>
          %and3A_506 = arith.andi %gather3A_499, %and3A_505 : vector<16xi32>
          %bitcast3A_507 = vector.bitcast %and3A_506 : vector<16xi32> to vector<16xf32>
          %add3A_508 = arith.addf %add3A_489, %bitcast3A_503 : vector<16xf32>
          %add3A_509 = arith.addf %add3A_490, %bitcast3A_507 : vector<16xf32>
          %scan3A_510 = arith.constant 9 : i32
          %scan3A_511 = arith.addi %scan3A_342, %scan3A_510 : i32
          %mul3A_512 = arith.constant 128 : i32
          %mul3A_513 = arith.muli %scan3A_511, %mul3A_512 : i32
          %add3A_514 = arith.constant 64 : i32
          %add3A_515 = arith.addi %mul3A_513, %add3A_514 : i32
          %get3A_516 = arith.index_cast %add3A_515 : i32 to index
          %get3A_517 = tpu.vector_load %arg7[%get3A_516] {strides = array<i32>} : memref<7168xi32, #tpu.memory_space<vmem>>, vector<16xi32>,
          %gather3A_518 = tpu.vector_load_idx %arg5[%get3A_517] : memref<100008xi32, #tpu.memory_space<vmem>>[vector<16xi32>], vector<16xi32>,
          %shift_left3A_519 = arith.constant 16 : i32
          %shift_left3A_520 = vector.broadcast %shift_left3A_519 : i32 to vector<16xi32>
          %shift_left3A_521 = arith.shli %gather3A_518, %shift_left3A_520 : vector<16xi32>
          %bitcast3A_522 = vector.bitcast %shift_left3A_521 : vector<16xi32> to vector<16xf32>
          %and3A_523 = arith.constant -65536 : i32
          %and3A_524 = vector.broadcast %and3A_523 : i32 to vector<16xi32>
          %and3A_525 = arith.andi %gather3A_518, %and3A_524 : vector<16xi32>
          %bitcast3A_526 = vector.bitcast %and3A_525 : vector<16xi32> to vector<16xf32>
          %add3A_527 = arith.addf %add3A_508, %bitcast3A_522 : vector<16xf32>
          %add3A_528 = arith.addf %add3A_509, %bitcast3A_526 : vector<16xf32>
          scf.yield %add3A_527, %add3A_528 : vector<16xf32>, vector<16xf32>
        }
        %scan3A_276 = arith.constant 50 : i32
        %rem3A_277 = arith.constant 16 : i32
        %rem3A_278 = arith.remsi %add3A_206, %rem3A_277 : i32
        %mul3A_279 = arith.constant 128 : i32
        %mul3A_280 = arith.muli %rem3A_278, %mul3A_279 : i32
        %add3A_281 = arith.constant 64 : i32
        %add3A_282 = arith.addi %mul3A_280, %add3A_281 : i32
        %swap3A_283 = arith.index_cast %add3A_282 : i32 to index
        %swap3A_284 = tpu.vector_load %arg8[%swap3A_283] {strides = array<i32>} : memref<2048xf32, #tpu.memory_space<vmem>>, vector<16xf32>,
        tpu.vector_store %arg8[%swap3A_283], %scan3A_275#0 {strides = array<i32>} : memref<2048xf32, #tpu.memory_space<vmem>>, vector<16xf32>,
        %swap3A_285 = arith.index_cast %add3A_282 : i32 to index
        %swap3A_286 = tpu.vector_load %arg9[%swap3A_285] {strides = array<i32>} : memref<2048xf32, #tpu.memory_space<vmem>>, vector<16xf32>,
        tpu.vector_store %arg9[%swap3A_285], %scan3A_275#1 {strides = array<i32>} : memref<2048xf32, #tpu.memory_space<vmem>>, vector<16xf32>,
        %scan3A_287 = arith.constant 0 : i32
        %scan3A_288 = arith.constant 50 : i32
        %scan3A_289 = arith.addi %scan3A_287, %scan3A_288 : i32
        %scan3A_290 = arith.constant 10 : i32
        %scan3A_291:2 = scf.for %scan3A_342 = %scan3A_287 to %scan3A_289 step %scan3A_290 iter_args(%scan3A_343 = %broadcast_in_dim3A_1, %scan3A_344 = %broadcast_in_dim3A_1) -> (vector<16xf32>, vector<16xf32>)  : i32 {
          %mul3A_345 = arith.constant 128 : i32
          %mul3A_346 = arith.muli %scan3A_342, %mul3A_345 : i32
          %add3A_347 = arith.constant 80 : i32
          %add3A_348 = arith.addi %mul3A_346, %add3A_347 : i32
          %get3A = arith.index_cast %add3A_348 : i32 to index
          %get3A_349 = tpu.vector_load %arg7[%get3A] {strides = array<i32>} : memref<7168xi32, #tpu.memory_space<vmem>>, vector<16xi32>,
          %gather3A = tpu.vector_load_idx %arg5[%get3A_349] : memref<100008xi32, #tpu.memory_space<vmem>>[vector<16xi32>], vector<16xi32>,
          %shift_left3A = arith.constant 16 : i32
          %shift_left3A_350 = vector.broadcast %shift_left3A : i32 to vector<16xi32>
          %shift_left3A_351 = arith.shli %gather3A, %shift_left3A_350 : vector<16xi32>
          %bitcast3A = vector.bitcast %shift_left3A_351 : vector<16xi32> to vector<16xf32>
          %and3A_352 = arith.constant -65536 : i32
          %and3A_353 = vector.broadcast %and3A_352 : i32 to vector<16xi32>
          %and3A_354 = arith.andi %gather3A, %and3A_353 : vector<16xi32>
          %bitcast3A_355 = vector.bitcast %and3A_354 : vector<16xi32> to vector<16xf32>
          %add3A_356 = arith.addf %scan3A_343, %bitcast3A : vector<16xf32>
          %add3A_357 = arith.addf %scan3A_344, %bitcast3A_355 : vector<16xf32>
          %scan3A_358 = arith.constant 1 : i32
          %scan3A_359 = arith.addi %scan3A_342, %scan3A_358 : i32
          %mul3A_360 = arith.constant 128 : i32
          %mul3A_361 = arith.muli %scan3A_359, %mul3A_360 : i32
          %add3A_362 = arith.constant 80 : i32
          %add3A_363 = arith.addi %mul3A_361, %add3A_362 : i32
          %get3A_364 = arith.index_cast %add3A_363 : i32 to index
          %get3A_365 = tpu.vector_load %arg7[%get3A_364] {strides = array<i32>} : memref<7168xi32, #tpu.memory_space<vmem>>, vector<16xi32>,
          %gather3A_366 = tpu.vector_load_idx %arg5[%get3A_365] : memref<100008xi32, #tpu.memory_space<vmem>>[vector<16xi32>], vector<16xi32>,
          %shift_left3A_367 = arith.constant 16 : i32
          %shift_left3A_368 = vector.broadcast %shift_left3A_367 : i32 to vector<16xi32>
          %shift_left3A_369 = arith.shli %gather3A_366, %shift_left3A_368 : vector<16xi32>
          %bitcast3A_370 = vector.bitcast %shift_left3A_369 : vector<16xi32> to vector<16xf32>
          %and3A_371 = arith.constant -65536 : i32
          %and3A_372 = vector.broadcast %and3A_371 : i32 to vector<16xi32>
          %and3A_373 = arith.andi %gather3A_366, %and3A_372 : vector<16xi32>
          %bitcast3A_374 = vector.bitcast %and3A_373 : vector<16xi32> to vector<16xf32>
          %add3A_375 = arith.addf %add3A_356, %bitcast3A_370 : vector<16xf32>
          %add3A_376 = arith.addf %add3A_357, %bitcast3A_374 : vector<16xf32>
          %scan3A_377 = arith.constant 2 : i32
          %scan3A_378 = arith.addi %scan3A_342, %scan3A_377 : i32
          %mul3A_379 = arith.constant 128 : i32
          %mul3A_380 = arith.muli %scan3A_378, %mul3A_379 : i32
          %add3A_381 = arith.constant 80 : i32
          %add3A_382 = arith.addi %mul3A_380, %add3A_381 : i32
          %get3A_383 = arith.index_cast %add3A_382 : i32 to index
          %get3A_384 = tpu.vector_load %arg7[%get3A_383] {strides = array<i32>} : memref<7168xi32, #tpu.memory_space<vmem>>, vector<16xi32>,
          %gather3A_385 = tpu.vector_load_idx %arg5[%get3A_384] : memref<100008xi32, #tpu.memory_space<vmem>>[vector<16xi32>], vector<16xi32>,
          %shift_left3A_386 = arith.constant 16 : i32
          %shift_left3A_387 = vector.broadcast %shift_left3A_386 : i32 to vector<16xi32>
          %shift_left3A_388 = arith.shli %gather3A_385, %shift_left3A_387 : vector<16xi32>
          %bitcast3A_389 = vector.bitcast %shift_left3A_388 : vector<16xi32> to vector<16xf32>
          %and3A_390 = arith.constant -65536 : i32
          %and3A_391 = vector.broadcast %and3A_390 : i32 to vector<16xi32>
          %and3A_392 = arith.andi %gather3A_385, %and3A_391 : vector<16xi32>
          %bitcast3A_393 = vector.bitcast %and3A_392 : vector<16xi32> to vector<16xf32>
          %add3A_394 = arith.addf %add3A_375, %bitcast3A_389 : vector<16xf32>
          %add3A_395 = arith.addf %add3A_376, %bitcast3A_393 : vector<16xf32>
          %scan3A_396 = arith.constant 3 : i32
          %scan3A_397 = arith.addi %scan3A_342, %scan3A_396 : i32
          %mul3A_398 = arith.constant 128 : i32
          %mul3A_399 = arith.muli %scan3A_397, %mul3A_398 : i32
          %add3A_400 = arith.constant 80 : i32
          %add3A_401 = arith.addi %mul3A_399, %add3A_400 : i32
          %get3A_402 = arith.index_cast %add3A_401 : i32 to index
          %get3A_403 = tpu.vector_load %arg7[%get3A_402] {strides = array<i32>} : memref<7168xi32, #tpu.memory_space<vmem>>, vector<16xi32>,
          %gather3A_404 = tpu.vector_load_idx %arg5[%get3A_403] : memref<100008xi32, #tpu.memory_space<vmem>>[vector<16xi32>], vector<16xi32>,
          %shift_left3A_405 = arith.constant 16 : i32
          %shift_left3A_406 = vector.broadcast %shift_left3A_405 : i32 to vector<16xi32>
          %shift_left3A_407 = arith.shli %gather3A_404, %shift_left3A_406 : vector<16xi32>
          %bitcast3A_408 = vector.bitcast %shift_left3A_407 : vector<16xi32> to vector<16xf32>
          %and3A_409 = arith.constant -65536 : i32
          %and3A_410 = vector.broadcast %and3A_409 : i32 to vector<16xi32>
          %and3A_411 = arith.andi %gather3A_404, %and3A_410 : vector<16xi32>
          %bitcast3A_412 = vector.bitcast %and3A_411 : vector<16xi32> to vector<16xf32>
          %add3A_413 = arith.addf %add3A_394, %bitcast3A_408 : vector<16xf32>
          %add3A_414 = arith.addf %add3A_395, %bitcast3A_412 : vector<16xf32>
          %scan3A_415 = arith.constant 4 : i32
          %scan3A_416 = arith.addi %scan3A_342, %scan3A_415 : i32
          %mul3A_417 = arith.constant 128 : i32
          %mul3A_418 = arith.muli %scan3A_416, %mul3A_417 : i32
          %add3A_419 = arith.constant 80 : i32
          %add3A_420 = arith.addi %mul3A_418, %add3A_419 : i32
          %get3A_421 = arith.index_cast %add3A_420 : i32 to index
          %get3A_422 = tpu.vector_load %arg7[%get3A_421] {strides = array<i32>} : memref<7168xi32, #tpu.memory_space<vmem>>, vector<16xi32>,
          %gather3A_423 = tpu.vector_load_idx %arg5[%get3A_422] : memref<100008xi32, #tpu.memory_space<vmem>>[vector<16xi32>], vector<16xi32>,
          %shift_left3A_424 = arith.constant 16 : i32
          %shift_left3A_425 = vector.broadcast %shift_left3A_424 : i32 to vector<16xi32>
          %shift_left3A_426 = arith.shli %gather3A_423, %shift_left3A_425 : vector<16xi32>
          %bitcast3A_427 = vector.bitcast %shift_left3A_426 : vector<16xi32> to vector<16xf32>
          %and3A_428 = arith.constant -65536 : i32
          %and3A_429 = vector.broadcast %and3A_428 : i32 to vector<16xi32>
          %and3A_430 = arith.andi %gather3A_423, %and3A_429 : vector<16xi32>
          %bitcast3A_431 = vector.bitcast %and3A_430 : vector<16xi32> to vector<16xf32>
          %add3A_432 = arith.addf %add3A_413, %bitcast3A_427 : vector<16xf32>
          %add3A_433 = arith.addf %add3A_414, %bitcast3A_431 : vector<16xf32>
          %scan3A_434 = arith.constant 5 : i32
          %scan3A_435 = arith.addi %scan3A_342, %scan3A_434 : i32
          %mul3A_436 = arith.constant 128 : i32
          %mul3A_437 = arith.muli %scan3A_435, %mul3A_436 : i32
          %add3A_438 = arith.constant 80 : i32
          %add3A_439 = arith.addi %mul3A_437, %add3A_438 : i32
          %get3A_440 = arith.index_cast %add3A_439 : i32 to index
          %get3A_441 = tpu.vector_load %arg7[%get3A_440] {strides = array<i32>} : memref<7168xi32, #tpu.memory_space<vmem>>, vector<16xi32>,
          %gather3A_442 = tpu.vector_load_idx %arg5[%get3A_441] : memref<100008xi32, #tpu.memory_space<vmem>>[vector<16xi32>], vector<16xi32>,
          %shift_left3A_443 = arith.constant 16 : i32
          %shift_left3A_444 = vector.broadcast %shift_left3A_443 : i32 to vector<16xi32>
          %shift_left3A_445 = arith.shli %gather3A_442, %shift_left3A_444 : vector<16xi32>
          %bitcast3A_446 = vector.bitcast %shift_left3A_445 : vector<16xi32> to vector<16xf32>
          %and3A_447 = arith.constant -65536 : i32
          %and3A_448 = vector.broadcast %and3A_447 : i32 to vector<16xi32>
          %and3A_449 = arith.andi %gather3A_442, %and3A_448 : vector<16xi32>
          %bitcast3A_450 = vector.bitcast %and3A_449 : vector<16xi32> to vector<16xf32>
          %add3A_451 = arith.addf %add3A_432, %bitcast3A_446 : vector<16xf32>
          %add3A_452 = arith.addf %add3A_433, %bitcast3A_450 : vector<16xf32>
          %scan3A_453 = arith.constant 6 : i32
          %scan3A_454 = arith.addi %scan3A_342, %scan3A_453 : i32
          %mul3A_455 = arith.constant 128 : i32
          %mul3A_456 = arith.muli %scan3A_454, %mul3A_455 : i32
          %add3A_457 = arith.constant 80 : i32
          %add3A_458 = arith.addi %mul3A_456, %add3A_457 : i32
          %get3A_459 = arith.index_cast %add3A_458 : i32 to index
          %get3A_460 = tpu.vector_load %arg7[%get3A_459] {strides = array<i32>} : memref<7168xi32, #tpu.memory_space<vmem>>, vector<16xi32>,
          %gather3A_461 = tpu.vector_load_idx %arg5[%get3A_460] : memref<100008xi32, #tpu.memory_space<vmem>>[vector<16xi32>], vector<16xi32>,
          %shift_left3A_462 = arith.constant 16 : i32
          %shift_left3A_463 = vector.broadcast %shift_left3A_462 : i32 to vector<16xi32>
          %shift_left3A_464 = arith.shli %gather3A_461, %shift_left3A_463 : vector<16xi32>
          %bitcast3A_465 = vector.bitcast %shift_left3A_464 : vector<16xi32> to vector<16xf32>
          %and3A_466 = arith.constant -65536 : i32
          %and3A_467 = vector.broadcast %and3A_466 : i32 to vector<16xi32>
          %and3A_468 = arith.andi %gather3A_461, %and3A_467 : vector<16xi32>
          %bitcast3A_469 = vector.bitcast %and3A_468 : vector<16xi32> to vector<16xf32>
          %add3A_470 = arith.addf %add3A_451, %bitcast3A_465 : vector<16xf32>
          %add3A_471 = arith.addf %add3A_452, %bitcast3A_469 : vector<16xf32>
          %scan3A_472 = arith.constant 7 : i32
          %scan3A_473 = arith.addi %scan3A_342, %scan3A_472 : i32
          %mul3A_474 = arith.constant 128 : i32
          %mul3A_475 = arith.muli %scan3A_473, %mul3A_474 : i32
          %add3A_476 = arith.constant 80 : i32
          %add3A_477 = arith.addi %mul3A_475, %add3A_476 : i32
          %get3A_478 = arith.index_cast %add3A_477 : i32 to index
          %get3A_479 = tpu.vector_load %arg7[%get3A_478] {strides = array<i32>} : memref<7168xi32, #tpu.memory_space<vmem>>, vector<16xi32>,
          %gather3A_480 = tpu.vector_load_idx %arg5[%get3A_479] : memref<100008xi32, #tpu.memory_space<vmem>>[vector<16xi32>], vector<16xi32>,
          %shift_left3A_481 = arith.constant 16 : i32
          %shift_left3A_482 = vector.broadcast %shift_left3A_481 : i32 to vector<16xi32>
          %shift_left3A_483 = arith.shli %gather3A_480, %shift_left3A_482 : vector<16xi32>
          %bitcast3A_484 = vector.bitcast %shift_left3A_483 : vector<16xi32> to vector<16xf32>
          %and3A_485 = arith.constant -65536 : i32
          %and3A_486 = vector.broadcast %and3A_485 : i32 to vector<16xi32>
          %and3A_487 = arith.andi %gather3A_480, %and3A_486 : vector<16xi32>
          %bitcast3A_488 = vector.bitcast %and3A_487 : vector<16xi32> to vector<16xf32>
          %add3A_489 = arith.addf %add3A_470, %bitcast3A_484 : vector<16xf32>
          %add3A_490 = arith.addf %add3A_471, %bitcast3A_488 : vector<16xf32>
          %scan3A_491 = arith.constant 8 : i32
          %scan3A_492 = arith.addi %scan3A_342, %scan3A_491 : i32
          %mul3A_493 = arith.constant 128 : i32
          %mul3A_494 = arith.muli %scan3A_492, %mul3A_493 : i32
          %add3A_495 = arith.constant 80 : i32
          %add3A_496 = arith.addi %mul3A_494, %add3A_495 : i32
          %get3A_497 = arith.index_cast %add3A_496 : i32 to index
          %get3A_498 = tpu.vector_load %arg7[%get3A_497] {strides = array<i32>} : memref<7168xi32, #tpu.memory_space<vmem>>, vector<16xi32>,
          %gather3A_499 = tpu.vector_load_idx %arg5[%get3A_498] : memref<100008xi32, #tpu.memory_space<vmem>>[vector<16xi32>], vector<16xi32>,
          %shift_left3A_500 = arith.constant 16 : i32
          %shift_left3A_501 = vector.broadcast %shift_left3A_500 : i32 to vector<16xi32>
          %shift_left3A_502 = arith.shli %gather3A_499, %shift_left3A_501 : vector<16xi32>
          %bitcast3A_503 = vector.bitcast %shift_left3A_502 : vector<16xi32> to vector<16xf32>
          %and3A_504 = arith.constant -65536 : i32
          %and3A_505 = vector.broadcast %and3A_504 : i32 to vector<16xi32>
          %and3A_506 = arith.andi %gather3A_499, %and3A_505 : vector<16xi32>
          %bitcast3A_507 = vector.bitcast %and3A_506 : vector<16xi32> to vector<16xf32>
          %add3A_508 = arith.addf %add3A_489, %bitcast3A_503 : vector<16xf32>
          %add3A_509 = arith.addf %add3A_490, %bitcast3A_507 : vector<16xf32>
          %scan3A_510 = arith.constant 9 : i32
          %scan3A_511 = arith.addi %scan3A_342, %scan3A_510 : i32
          %mul3A_512 = arith.constant 128 : i32
          %mul3A_513 = arith.muli %scan3A_511, %mul3A_512 : i32
          %add3A_514 = arith.constant 80 : i32
          %add3A_515 = arith.addi %mul3A_513, %add3A_514 : i32
          %get3A_516 = arith.index_cast %add3A_515 : i32 to index
          %get3A_517 = tpu.vector_load %arg7[%get3A_516] {strides = array<i32>} : memref<7168xi32, #tpu.memory_space<vmem>>, vector<16xi32>,
          %gather3A_518 = tpu.vector_load_idx %arg5[%get3A_517] : memref<100008xi32, #tpu.memory_space<vmem>>[vector<16xi32>], vector<16xi32>,
          %shift_left3A_519 = arith.constant 16 : i32
          %shift_left3A_520 = vector.broadcast %shift_left3A_519 : i32 to vector<16xi32>
          %shift_left3A_521 = arith.shli %gather3A_518, %shift_left3A_520 : vector<16xi32>
          %bitcast3A_522 = vector.bitcast %shift_left3A_521 : vector<16xi32> to vector<16xf32>
          %and3A_523 = arith.constant -65536 : i32
          %and3A_524 = vector.broadcast %and3A_523 : i32 to vector<16xi32>
          %and3A_525 = arith.andi %gather3A_518, %and3A_524 : vector<16xi32>
          %bitcast3A_526 = vector.bitcast %and3A_525 : vector<16xi32> to vector<16xf32>
          %add3A_527 = arith.addf %add3A_508, %bitcast3A_522 : vector<16xf32>
          %add3A_528 = arith.addf %add3A_509, %bitcast3A_526 : vector<16xf32>
          scf.yield %add3A_527, %add3A_528 : vector<16xf32>, vector<16xf32>
        }
        %scan3A_292 = arith.constant 50 : i32
        %rem3A_293 = arith.constant 16 : i32
        %rem3A_294 = arith.remsi %add3A_206, %rem3A_293 : i32
        %mul3A_295 = arith.constant 128 : i32
        %mul3A_296 = arith.muli %rem3A_294, %mul3A_295 : i32
        %add3A_297 = arith.constant 80 : i32
        %add3A_298 = arith.addi %mul3A_296, %add3A_297 : i32
        %swap3A_299 = arith.index_cast %add3A_298 : i32 to index
        %swap3A_300 = tpu.vector_load %arg8[%swap3A_299] {strides = array<i32>} : memref<2048xf32, #tpu.memory_space<vmem>>, vector<16xf32>,
        tpu.vector_store %arg8[%swap3A_299], %scan3A_291#0 {strides = array<i32>} : memref<2048xf32, #tpu.memory_space<vmem>>, vector<16xf32>,
        %swap3A_301 = arith.index_cast %add3A_298 : i32 to index
        %swap3A_302 = tpu.vector_load %arg9[%swap3A_301] {strides = array<i32>} : memref<2048xf32, #tpu.memory_space<vmem>>, vector<16xf32>,
        tpu.vector_store %arg9[%swap3A_301], %scan3A_291#1 {strides = array<i32>} : memref<2048xf32, #tpu.memory_space<vmem>>, vector<16xf32>,
        %scan3A_303 = arith.constant 0 : i32
        %scan3A_304 = arith.constant 50 : i32
        %scan3A_305 = arith.addi %scan3A_303, %scan3A_304 : i32
        %scan3A_306 = arith.constant 10 : i32
        %scan3A_307:2 = scf.for %scan3A_342 = %scan3A_303 to %scan3A_305 step %scan3A_306 iter_args(%scan3A_343 = %broadcast_in_dim3A_1, %scan3A_344 = %broadcast_in_dim3A_1) -> (vector<16xf32>, vector<16xf32>)  : i32 {
          %mul3A_345 = arith.constant 128 : i32
          %mul3A_346 = arith.muli %scan3A_342, %mul3A_345 : i32
          %add3A_347 = arith.constant 96 : i32
          %add3A_348 = arith.addi %mul3A_346, %add3A_347 : i32
          %get3A = arith.index_cast %add3A_348 : i32 to index
          %get3A_349 = tpu.vector_load %arg7[%get3A] {strides = array<i32>} : memref<7168xi32, #tpu.memory_space<vmem>>, vector<16xi32>,
          %gather3A = tpu.vector_load_idx %arg5[%get3A_349] : memref<100008xi32, #tpu.memory_space<vmem>>[vector<16xi32>], vector<16xi32>,
          %shift_left3A = arith.constant 16 : i32
          %shift_left3A_350 = vector.broadcast %shift_left3A : i32 to vector<16xi32>
          %shift_left3A_351 = arith.shli %gather3A, %shift_left3A_350 : vector<16xi32>
          %bitcast3A = vector.bitcast %shift_left3A_351 : vector<16xi32> to vector<16xf32>
          %and3A_352 = arith.constant -65536 : i32
          %and3A_353 = vector.broadcast %and3A_352 : i32 to vector<16xi32>
          %and3A_354 = arith.andi %gather3A, %and3A_353 : vector<16xi32>
          %bitcast3A_355 = vector.bitcast %and3A_354 : vector<16xi32> to vector<16xf32>
          %add3A_356 = arith.addf %scan3A_343, %bitcast3A : vector<16xf32>
          %add3A_357 = arith.addf %scan3A_344, %bitcast3A_355 : vector<16xf32>
          %scan3A_358 = arith.constant 1 : i32
          %scan3A_359 = arith.addi %scan3A_342, %scan3A_358 : i32
          %mul3A_360 = arith.constant 128 : i32
          %mul3A_361 = arith.muli %scan3A_359, %mul3A_360 : i32
          %add3A_362 = arith.constant 96 : i32
          %add3A_363 = arith.addi %mul3A_361, %add3A_362 : i32
          %get3A_364 = arith.index_cast %add3A_363 : i32 to index
          %get3A_365 = tpu.vector_load %arg7[%get3A_364] {strides = array<i32>} : memref<7168xi32, #tpu.memory_space<vmem>>, vector<16xi32>,
          %gather3A_366 = tpu.vector_load_idx %arg5[%get3A_365] : memref<100008xi32, #tpu.memory_space<vmem>>[vector<16xi32>], vector<16xi32>,
          %shift_left3A_367 = arith.constant 16 : i32
          %shift_left3A_368 = vector.broadcast %shift_left3A_367 : i32 to vector<16xi32>
          %shift_left3A_369 = arith.shli %gather3A_366, %shift_left3A_368 : vector<16xi32>
          %bitcast3A_370 = vector.bitcast %shift_left3A_369 : vector<16xi32> to vector<16xf32>
          %and3A_371 = arith.constant -65536 : i32
          %and3A_372 = vector.broadcast %and3A_371 : i32 to vector<16xi32>
          %and3A_373 = arith.andi %gather3A_366, %and3A_372 : vector<16xi32>
          %bitcast3A_374 = vector.bitcast %and3A_373 : vector<16xi32> to vector<16xf32>
          %add3A_375 = arith.addf %add3A_356, %bitcast3A_370 : vector<16xf32>
          %add3A_376 = arith.addf %add3A_357, %bitcast3A_374 : vector<16xf32>
          %scan3A_377 = arith.constant 2 : i32
          %scan3A_378 = arith.addi %scan3A_342, %scan3A_377 : i32
          %mul3A_379 = arith.constant 128 : i32
          %mul3A_380 = arith.muli %scan3A_378, %mul3A_379 : i32
          %add3A_381 = arith.constant 96 : i32
          %add3A_382 = arith.addi %mul3A_380, %add3A_381 : i32
          %get3A_383 = arith.index_cast %add3A_382 : i32 to index
          %get3A_384 = tpu.vector_load %arg7[%get3A_383] {strides = array<i32>} : memref<7168xi32, #tpu.memory_space<vmem>>, vector<16xi32>,
          %gather3A_385 = tpu.vector_load_idx %arg5[%get3A_384] : memref<100008xi32, #tpu.memory_space<vmem>>[vector<16xi32>], vector<16xi32>,
          %shift_left3A_386 = arith.constant 16 : i32
          %shift_left3A_387 = vector.broadcast %shift_left3A_386 : i32 to vector<16xi32>
          %shift_left3A_388 = arith.shli %gather3A_385, %shift_left3A_387 : vector<16xi32>
          %bitcast3A_389 = vector.bitcast %shift_left3A_388 : vector<16xi32> to vector<16xf32>
          %and3A_390 = arith.constant -65536 : i32
          %and3A_391 = vector.broadcast %and3A_390 : i32 to vector<16xi32>
          %and3A_392 = arith.andi %gather3A_385, %and3A_391 : vector<16xi32>
          %bitcast3A_393 = vector.bitcast %and3A_392 : vector<16xi32> to vector<16xf32>
          %add3A_394 = arith.addf %add3A_375, %bitcast3A_389 : vector<16xf32>
          %add3A_395 = arith.addf %add3A_376, %bitcast3A_393 : vector<16xf32>
          %scan3A_396 = arith.constant 3 : i32
          %scan3A_397 = arith.addi %scan3A_342, %scan3A_396 : i32
          %mul3A_398 = arith.constant 128 : i32
          %mul3A_399 = arith.muli %scan3A_397, %mul3A_398 : i32
          %add3A_400 = arith.constant 96 : i32
          %add3A_401 = arith.addi %mul3A_399, %add3A_400 : i32
          %get3A_402 = arith.index_cast %add3A_401 : i32 to index
          %get3A_403 = tpu.vector_load %arg7[%get3A_402] {strides = array<i32>} : memref<7168xi32, #tpu.memory_space<vmem>>, vector<16xi32>,
          %gather3A_404 = tpu.vector_load_idx %arg5[%get3A_403] : memref<100008xi32, #tpu.memory_space<vmem>>[vector<16xi32>], vector<16xi32>,
          %shift_left3A_405 = arith.constant 16 : i32
          %shift_left3A_406 = vector.broadcast %shift_left3A_405 : i32 to vector<16xi32>
          %shift_left3A_407 = arith.shli %gather3A_404, %shift_left3A_406 : vector<16xi32>
          %bitcast3A_408 = vector.bitcast %shift_left3A_407 : vector<16xi32> to vector<16xf32>
          %and3A_409 = arith.constant -65536 : i32
          %and3A_410 = vector.broadcast %and3A_409 : i32 to vector<16xi32>
          %and3A_411 = arith.andi %gather3A_404, %and3A_410 : vector<16xi32>
          %bitcast3A_412 = vector.bitcast %and3A_411 : vector<16xi32> to vector<16xf32>
          %add3A_413 = arith.addf %add3A_394, %bitcast3A_408 : vector<16xf32>
          %add3A_414 = arith.addf %add3A_395, %bitcast3A_412 : vector<16xf32>
          %scan3A_415 = arith.constant 4 : i32
          %scan3A_416 = arith.addi %scan3A_342, %scan3A_415 : i32
          %mul3A_417 = arith.constant 128 : i32
          %mul3A_418 = arith.muli %scan3A_416, %mul3A_417 : i32
          %add3A_419 = arith.constant 96 : i32
          %add3A_420 = arith.addi %mul3A_418, %add3A_419 : i32
          %get3A_421 = arith.index_cast %add3A_420 : i32 to index
          %get3A_422 = tpu.vector_load %arg7[%get3A_421] {strides = array<i32>} : memref<7168xi32, #tpu.memory_space<vmem>>, vector<16xi32>,
          %gather3A_423 = tpu.vector_load_idx %arg5[%get3A_422] : memref<100008xi32, #tpu.memory_space<vmem>>[vector<16xi32>], vector<16xi32>,
          %shift_left3A_424 = arith.constant 16 : i32
          %shift_left3A_425 = vector.broadcast %shift_left3A_424 : i32 to vector<16xi32>
          %shift_left3A_426 = arith.shli %gather3A_423, %shift_left3A_425 : vector<16xi32>
          %bitcast3A_427 = vector.bitcast %shift_left3A_426 : vector<16xi32> to vector<16xf32>
          %and3A_428 = arith.constant -65536 : i32
          %and3A_429 = vector.broadcast %and3A_428 : i32 to vector<16xi32>
          %and3A_430 = arith.andi %gather3A_423, %and3A_429 : vector<16xi32>
          %bitcast3A_431 = vector.bitcast %and3A_430 : vector<16xi32> to vector<16xf32>
          %add3A_432 = arith.addf %add3A_413, %bitcast3A_427 : vector<16xf32>
          %add3A_433 = arith.addf %add3A_414, %bitcast3A_431 : vector<16xf32>
          %scan3A_434 = arith.constant 5 : i32
          %scan3A_435 = arith.addi %scan3A_342, %scan3A_434 : i32
          %mul3A_436 = arith.constant 128 : i32
          %mul3A_437 = arith.muli %scan3A_435, %mul3A_436 : i32
          %add3A_438 = arith.constant 96 : i32
          %add3A_439 = arith.addi %mul3A_437, %add3A_438 : i32
          %get3A_440 = arith.index_cast %add3A_439 : i32 to index
          %get3A_441 = tpu.vector_load %arg7[%get3A_440] {strides = array<i32>} : memref<7168xi32, #tpu.memory_space<vmem>>, vector<16xi32>,
          %gather3A_442 = tpu.vector_load_idx %arg5[%get3A_441] : memref<100008xi32, #tpu.memory_space<vmem>>[vector<16xi32>], vector<16xi32>,
          %shift_left3A_443 = arith.constant 16 : i32
          %shift_left3A_444 = vector.broadcast %shift_left3A_443 : i32 to vector<16xi32>
          %shift_left3A_445 = arith.shli %gather3A_442, %shift_left3A_444 : vector<16xi32>
          %bitcast3A_446 = vector.bitcast %shift_left3A_445 : vector<16xi32> to vector<16xf32>
          %and3A_447 = arith.constant -65536 : i32
          %and3A_448 = vector.broadcast %and3A_447 : i32 to vector<16xi32>
          %and3A_449 = arith.andi %gather3A_442, %and3A_448 : vector<16xi32>
          %bitcast3A_450 = vector.bitcast %and3A_449 : vector<16xi32> to vector<16xf32>
          %add3A_451 = arith.addf %add3A_432, %bitcast3A_446 : vector<16xf32>
          %add3A_452 = arith.addf %add3A_433, %bitcast3A_450 : vector<16xf32>
          %scan3A_453 = arith.constant 6 : i32
          %scan3A_454 = arith.addi %scan3A_342, %scan3A_453 : i32
          %mul3A_455 = arith.constant 128 : i32
          %mul3A_456 = arith.muli %scan3A_454, %mul3A_455 : i32
          %add3A_457 = arith.constant 96 : i32
          %add3A_458 = arith.addi %mul3A_456, %add3A_457 : i32
          %get3A_459 = arith.index_cast %add3A_458 : i32 to index
          %get3A_460 = tpu.vector_load %arg7[%get3A_459] {strides = array<i32>} : memref<7168xi32, #tpu.memory_space<vmem>>, vector<16xi32>,
          %gather3A_461 = tpu.vector_load_idx %arg5[%get3A_460] : memref<100008xi32, #tpu.memory_space<vmem>>[vector<16xi32>], vector<16xi32>,
          %shift_left3A_462 = arith.constant 16 : i32
          %shift_left3A_463 = vector.broadcast %shift_left3A_462 : i32 to vector<16xi32>
          %shift_left3A_464 = arith.shli %gather3A_461, %shift_left3A_463 : vector<16xi32>
          %bitcast3A_465 = vector.bitcast %shift_left3A_464 : vector<16xi32> to vector<16xf32>
          %and3A_466 = arith.constant -65536 : i32
          %and3A_467 = vector.broadcast %and3A_466 : i32 to vector<16xi32>
          %and3A_468 = arith.andi %gather3A_461, %and3A_467 : vector<16xi32>
          %bitcast3A_469 = vector.bitcast %and3A_468 : vector<16xi32> to vector<16xf32>
          %add3A_470 = arith.addf %add3A_451, %bitcast3A_465 : vector<16xf32>
          %add3A_471 = arith.addf %add3A_452, %bitcast3A_469 : vector<16xf32>
          %scan3A_472 = arith.constant 7 : i32
          %scan3A_473 = arith.addi %scan3A_342, %scan3A_472 : i32
          %mul3A_474 = arith.constant 128 : i32
          %mul3A_475 = arith.muli %scan3A_473, %mul3A_474 : i32
          %add3A_476 = arith.constant 96 : i32
          %add3A_477 = arith.addi %mul3A_475, %add3A_476 : i32
          %get3A_478 = arith.index_cast %add3A_477 : i32 to index
          %get3A_479 = tpu.vector_load %arg7[%get3A_478] {strides = array<i32>} : memref<7168xi32, #tpu.memory_space<vmem>>, vector<16xi32>,
          %gather3A_480 = tpu.vector_load_idx %arg5[%get3A_479] : memref<100008xi32, #tpu.memory_space<vmem>>[vector<16xi32>], vector<16xi32>,
          %shift_left3A_481 = arith.constant 16 : i32
          %shift_left3A_482 = vector.broadcast %shift_left3A_481 : i32 to vector<16xi32>
          %shift_left3A_483 = arith.shli %gather3A_480, %shift_left3A_482 : vector<16xi32>
          %bitcast3A_484 = vector.bitcast %shift_left3A_483 : vector<16xi32> to vector<16xf32>
          %and3A_485 = arith.constant -65536 : i32
          %and3A_486 = vector.broadcast %and3A_485 : i32 to vector<16xi32>
          %and3A_487 = arith.andi %gather3A_480, %and3A_486 : vector<16xi32>
          %bitcast3A_488 = vector.bitcast %and3A_487 : vector<16xi32> to vector<16xf32>
          %add3A_489 = arith.addf %add3A_470, %bitcast3A_484 : vector<16xf32>
          %add3A_490 = arith.addf %add3A_471, %bitcast3A_488 : vector<16xf32>
          %scan3A_491 = arith.constant 8 : i32
          %scan3A_492 = arith.addi %scan3A_342, %scan3A_491 : i32
          %mul3A_493 = arith.constant 128 : i32
          %mul3A_494 = arith.muli %scan3A_492, %mul3A_493 : i32
          %add3A_495 = arith.constant 96 : i32
          %add3A_496 = arith.addi %mul3A_494, %add3A_495 : i32
          %get3A_497 = arith.index_cast %add3A_496 : i32 to index
          %get3A_498 = tpu.vector_load %arg7[%get3A_497] {strides = array<i32>} : memref<7168xi32, #tpu.memory_space<vmem>>, vector<16xi32>,
          %gather3A_499 = tpu.vector_load_idx %arg5[%get3A_498] : memref<100008xi32, #tpu.memory_space<vmem>>[vector<16xi32>], vector<16xi32>,
          %shift_left3A_500 = arith.constant 16 : i32
          %shift_left3A_501 = vector.broadcast %shift_left3A_500 : i32 to vector<16xi32>
          %shift_left3A_502 = arith.shli %gather3A_499, %shift_left3A_501 : vector<16xi32>
          %bitcast3A_503 = vector.bitcast %shift_left3A_502 : vector<16xi32> to vector<16xf32>
          %and3A_504 = arith.constant -65536 : i32
          %and3A_505 = vector.broadcast %and3A_504 : i32 to vector<16xi32>
          %and3A_506 = arith.andi %gather3A_499, %and3A_505 : vector<16xi32>
          %bitcast3A_507 = vector.bitcast %and3A_506 : vector<16xi32> to vector<16xf32>
          %add3A_508 = arith.addf %add3A_489, %bitcast3A_503 : vector<16xf32>
          %add3A_509 = arith.addf %add3A_490, %bitcast3A_507 : vector<16xf32>
          %scan3A_510 = arith.constant 9 : i32
          %scan3A_511 = arith.addi %scan3A_342, %scan3A_510 : i32
          %mul3A_512 = arith.constant 128 : i32
          %mul3A_513 = arith.muli %scan3A_511, %mul3A_512 : i32
          %add3A_514 = arith.constant 96 : i32
          %add3A_515 = arith.addi %mul3A_513, %add3A_514 : i32
          %get3A_516 = arith.index_cast %add3A_515 : i32 to index
          %get3A_517 = tpu.vector_load %arg7[%get3A_516] {strides = array<i32>} : memref<7168xi32, #tpu.memory_space<vmem>>, vector<16xi32>,
          %gather3A_518 = tpu.vector_load_idx %arg5[%get3A_517] : memref<100008xi32, #tpu.memory_space<vmem>>[vector<16xi32>], vector<16xi32>,
          %shift_left3A_519 = arith.constant 16 : i32
          %shift_left3A_520 = vector.broadcast %shift_left3A_519 : i32 to vector<16xi32>
          %shift_left3A_521 = arith.shli %gather3A_518, %shift_left3A_520 : vector<16xi32>
          %bitcast3A_522 = vector.bitcast %shift_left3A_521 : vector<16xi32> to vector<16xf32>
          %and3A_523 = arith.constant -65536 : i32
          %and3A_524 = vector.broadcast %and3A_523 : i32 to vector<16xi32>
          %and3A_525 = arith.andi %gather3A_518, %and3A_524 : vector<16xi32>
          %bitcast3A_526 = vector.bitcast %and3A_525 : vector<16xi32> to vector<16xf32>
          %add3A_527 = arith.addf %add3A_508, %bitcast3A_522 : vector<16xf32>
          %add3A_528 = arith.addf %add3A_509, %bitcast3A_526 : vector<16xf32>
          scf.yield %add3A_527, %add3A_528 : vector<16xf32>, vector<16xf32>
        }
        %scan3A_308 = arith.constant 50 : i32
        %rem3A_309 = arith.constant 16 : i32
        %rem3A_310 = arith.remsi %add3A_206, %rem3A_309 : i32
        %mul3A_311 = arith.constant 128 : i32
        %mul3A_312 = arith.muli %rem3A_310, %mul3A_311 : i32
        %add3A_313 = arith.constant 96 : i32
        %add3A_314 = arith.addi %mul3A_312, %add3A_313 : i32
        %swap3A_315 = arith.index_cast %add3A_314 : i32 to index
        %swap3A_316 = tpu.vector_load %arg8[%swap3A_315] {strides = array<i32>} : memref<2048xf32, #tpu.memory_space<vmem>>, vector<16xf32>,
        tpu.vector_store %arg8[%swap3A_315], %scan3A_307#0 {strides = array<i32>} : memref<2048xf32, #tpu.memory_space<vmem>>, vector<16xf32>,
        %swap3A_317 = arith.index_cast %add3A_314 : i32 to index
        %swap3A_318 = tpu.vector_load %arg9[%swap3A_317] {strides = array<i32>} : memref<2048xf32, #tpu.memory_space<vmem>>, vector<16xf32>,
        tpu.vector_store %arg9[%swap3A_317], %scan3A_307#1 {strides = array<i32>} : memref<2048xf32, #tpu.memory_space<vmem>>, vector<16xf32>,
        %scan3A_319 = arith.constant 0 : i32
        %scan3A_320 = arith.constant 50 : i32
        %scan3A_321 = arith.addi %scan3A_319, %scan3A_320 : i32
        %scan3A_322 = arith.constant 10 : i32
        %scan3A_323:2 = scf.for %scan3A_342 = %scan3A_319 to %scan3A_321 step %scan3A_322 iter_args(%scan3A_343 = %broadcast_in_dim3A_1, %scan3A_344 = %broadcast_in_dim3A_1) -> (vector<16xf32>, vector<16xf32>)  : i32 {
          %mul3A_345 = arith.constant 128 : i32
          %mul3A_346 = arith.muli %scan3A_342, %mul3A_345 : i32
          %add3A_347 = arith.constant 112 : i32
          %add3A_348 = arith.addi %mul3A_346, %add3A_347 : i32
          %get3A = arith.index_cast %add3A_348 : i32 to index
          %get3A_349 = tpu.vector_load %arg7[%get3A] {strides = array<i32>} : memref<7168xi32, #tpu.memory_space<vmem>>, vector<16xi32>,
          %gather3A = tpu.vector_load_idx %arg5[%get3A_349] : memref<100008xi32, #tpu.memory_space<vmem>>[vector<16xi32>], vector<16xi32>,
          %shift_left3A = arith.constant 16 : i32
          %shift_left3A_350 = vector.broadcast %shift_left3A : i32 to vector<16xi32>
          %shift_left3A_351 = arith.shli %gather3A, %shift_left3A_350 : vector<16xi32>
          %bitcast3A = vector.bitcast %shift_left3A_351 : vector<16xi32> to vector<16xf32>
          %and3A_352 = arith.constant -65536 : i32
          %and3A_353 = vector.broadcast %and3A_352 : i32 to vector<16xi32>
          %and3A_354 = arith.andi %gather3A, %and3A_353 : vector<16xi32>
          %bitcast3A_355 = vector.bitcast %and3A_354 : vector<16xi32> to vector<16xf32>
          %add3A_356 = arith.addf %scan3A_343, %bitcast3A : vector<16xf32>
          %add3A_357 = arith.addf %scan3A_344, %bitcast3A_355 : vector<16xf32>
          %scan3A_358 = arith.constant 1 : i32
          %scan3A_359 = arith.addi %scan3A_342, %scan3A_358 : i32
          %mul3A_360 = arith.constant 128 : i32
          %mul3A_361 = arith.muli %scan3A_359, %mul3A_360 : i32
          %add3A_362 = arith.constant 112 : i32
          %add3A_363 = arith.addi %mul3A_361, %add3A_362 : i32
          %get3A_364 = arith.index_cast %add3A_363 : i32 to index
          %get3A_365 = tpu.vector_load %arg7[%get3A_364] {strides = array<i32>} : memref<7168xi32, #tpu.memory_space<vmem>>, vector<16xi32>,
          %gather3A_366 = tpu.vector_load_idx %arg5[%get3A_365] : memref<100008xi32, #tpu.memory_space<vmem>>[vector<16xi32>], vector<16xi32>,
          %shift_left3A_367 = arith.constant 16 : i32
          %shift_left3A_368 = vector.broadcast %shift_left3A_367 : i32 to vector<16xi32>
          %shift_left3A_369 = arith.shli %gather3A_366, %shift_left3A_368 : vector<16xi32>
          %bitcast3A_370 = vector.bitcast %shift_left3A_369 : vector<16xi32> to vector<16xf32>
          %and3A_371 = arith.constant -65536 : i32
          %and3A_372 = vector.broadcast %and3A_371 : i32 to vector<16xi32>
          %and3A_373 = arith.andi %gather3A_366, %and3A_372 : vector<16xi32>
          %bitcast3A_374 = vector.bitcast %and3A_373 : vector<16xi32> to vector<16xf32>
          %add3A_375 = arith.addf %add3A_356, %bitcast3A_370 : vector<16xf32>
          %add3A_376 = arith.addf %add3A_357, %bitcast3A_374 : vector<16xf32>
          %scan3A_377 = arith.constant 2 : i32
          %scan3A_378 = arith.addi %scan3A_342, %scan3A_377 : i32
          %mul3A_379 = arith.constant 128 : i32
          %mul3A_380 = arith.muli %scan3A_378, %mul3A_379 : i32
          %add3A_381 = arith.constant 112 : i32
          %add3A_382 = arith.addi %mul3A_380, %add3A_381 : i32
          %get3A_383 = arith.index_cast %add3A_382 : i32 to index
          %get3A_384 = tpu.vector_load %arg7[%get3A_383] {strides = array<i32>} : memref<7168xi32, #tpu.memory_space<vmem>>, vector<16xi32>,
          %gather3A_385 = tpu.vector_load_idx %arg5[%get3A_384] : memref<100008xi32, #tpu.memory_space<vmem>>[vector<16xi32>], vector<16xi32>,
          %shift_left3A_386 = arith.constant 16 : i32
          %shift_left3A_387 = vector.broadcast %shift_left3A_386 : i32 to vector<16xi32>
          %shift_left3A_388 = arith.shli %gather3A_385, %shift_left3A_387 : vector<16xi32>
          %bitcast3A_389 = vector.bitcast %shift_left3A_388 : vector<16xi32> to vector<16xf32>
          %and3A_390 = arith.constant -65536 : i32
          %and3A_391 = vector.broadcast %and3A_390 : i32 to vector<16xi32>
          %and3A_392 = arith.andi %gather3A_385, %and3A_391 : vector<16xi32>
          %bitcast3A_393 = vector.bitcast %and3A_392 : vector<16xi32> to vector<16xf32>
          %add3A_394 = arith.addf %add3A_375, %bitcast3A_389 : vector<16xf32>
          %add3A_395 = arith.addf %add3A_376, %bitcast3A_393 : vector<16xf32>
          %scan3A_396 = arith.constant 3 : i32
          %scan3A_397 = arith.addi %scan3A_342, %scan3A_396 : i32
          %mul3A_398 = arith.constant 128 : i32
          %mul3A_399 = arith.muli %scan3A_397, %mul3A_398 : i32
          %add3A_400 = arith.constant 112 : i32
          %add3A_401 = arith.addi %mul3A_399, %add3A_400 : i32
          %get3A_402 = arith.index_cast %add3A_401 : i32 to index
          %get3A_403 = tpu.vector_load %arg7[%get3A_402] {strides = array<i32>} : memref<7168xi32, #tpu.memory_space<vmem>>, vector<16xi32>,
          %gather3A_404 = tpu.vector_load_idx %arg5[%get3A_403] : memref<100008xi32, #tpu.memory_space<vmem>>[vector<16xi32>], vector<16xi32>,
          %shift_left3A_405 = arith.constant 16 : i32
          %shift_left3A_406 = vector.broadcast %shift_left3A_405 : i32 to vector<16xi32>
          %shift_left3A_407 = arith.shli %gather3A_404, %shift_left3A_406 : vector<16xi32>
          %bitcast3A_408 = vector.bitcast %shift_left3A_407 : vector<16xi32> to vector<16xf32>
          %and3A_409 = arith.constant -65536 : i32
          %and3A_410 = vector.broadcast %and3A_409 : i32 to vector<16xi32>
          %and3A_411 = arith.andi %gather3A_404, %and3A_410 : vector<16xi32>
          %bitcast3A_412 = vector.bitcast %and3A_411 : vector<16xi32> to vector<16xf32>
          %add3A_413 = arith.addf %add3A_394, %bitcast3A_408 : vector<16xf32>
          %add3A_414 = arith.addf %add3A_395, %bitcast3A_412 : vector<16xf32>
          %scan3A_415 = arith.constant 4 : i32
          %scan3A_416 = arith.addi %scan3A_342, %scan3A_415 : i32
          %mul3A_417 = arith.constant 128 : i32
          %mul3A_418 = arith.muli %scan3A_416, %mul3A_417 : i32
          %add3A_419 = arith.constant 112 : i32
          %add3A_420 = arith.addi %mul3A_418, %add3A_419 : i32
          %get3A_421 = arith.index_cast %add3A_420 : i32 to index
          %get3A_422 = tpu.vector_load %arg7[%get3A_421] {strides = array<i32>} : memref<7168xi32, #tpu.memory_space<vmem>>, vector<16xi32>,
          %gather3A_423 = tpu.vector_load_idx %arg5[%get3A_422] : memref<100008xi32, #tpu.memory_space<vmem>>[vector<16xi32>], vector<16xi32>,
          %shift_left3A_424 = arith.constant 16 : i32
          %shift_left3A_425 = vector.broadcast %shift_left3A_424 : i32 to vector<16xi32>
          %shift_left3A_426 = arith.shli %gather3A_423, %shift_left3A_425 : vector<16xi32>
          %bitcast3A_427 = vector.bitcast %shift_left3A_426 : vector<16xi32> to vector<16xf32>
          %and3A_428 = arith.constant -65536 : i32
          %and3A_429 = vector.broadcast %and3A_428 : i32 to vector<16xi32>
          %and3A_430 = arith.andi %gather3A_423, %and3A_429 : vector<16xi32>
          %bitcast3A_431 = vector.bitcast %and3A_430 : vector<16xi32> to vector<16xf32>
          %add3A_432 = arith.addf %add3A_413, %bitcast3A_427 : vector<16xf32>
          %add3A_433 = arith.addf %add3A_414, %bitcast3A_431 : vector<16xf32>
          %scan3A_434 = arith.constant 5 : i32
          %scan3A_435 = arith.addi %scan3A_342, %scan3A_434 : i32
          %mul3A_436 = arith.constant 128 : i32
          %mul3A_437 = arith.muli %scan3A_435, %mul3A_436 : i32
          %add3A_438 = arith.constant 112 : i32
          %add3A_439 = arith.addi %mul3A_437, %add3A_438 : i32
          %get3A_440 = arith.index_cast %add3A_439 : i32 to index
          %get3A_441 = tpu.vector_load %arg7[%get3A_440] {strides = array<i32>} : memref<7168xi32, #tpu.memory_space<vmem>>, vector<16xi32>,
          %gather3A_442 = tpu.vector_load_idx %arg5[%get3A_441] : memref<100008xi32, #tpu.memory_space<vmem>>[vector<16xi32>], vector<16xi32>,
          %shift_left3A_443 = arith.constant 16 : i32
          %shift_left3A_444 = vector.broadcast %shift_left3A_443 : i32 to vector<16xi32>
          %shift_left3A_445 = arith.shli %gather3A_442, %shift_left3A_444 : vector<16xi32>
          %bitcast3A_446 = vector.bitcast %shift_left3A_445 : vector<16xi32> to vector<16xf32>
          %and3A_447 = arith.constant -65536 : i32
          %and3A_448 = vector.broadcast %and3A_447 : i32 to vector<16xi32>
          %and3A_449 = arith.andi %gather3A_442, %and3A_448 : vector<16xi32>
          %bitcast3A_450 = vector.bitcast %and3A_449 : vector<16xi32> to vector<16xf32>
          %add3A_451 = arith.addf %add3A_432, %bitcast3A_446 : vector<16xf32>
          %add3A_452 = arith.addf %add3A_433, %bitcast3A_450 : vector<16xf32>
          %scan3A_453 = arith.constant 6 : i32
          %scan3A_454 = arith.addi %scan3A_342, %scan3A_453 : i32
          %mul3A_455 = arith.constant 128 : i32
          %mul3A_456 = arith.muli %scan3A_454, %mul3A_455 : i32
          %add3A_457 = arith.constant 112 : i32
          %add3A_458 = arith.addi %mul3A_456, %add3A_457 : i32
          %get3A_459 = arith.index_cast %add3A_458 : i32 to index
          %get3A_460 = tpu.vector_load %arg7[%get3A_459] {strides = array<i32>} : memref<7168xi32, #tpu.memory_space<vmem>>, vector<16xi32>,
          %gather3A_461 = tpu.vector_load_idx %arg5[%get3A_460] : memref<100008xi32, #tpu.memory_space<vmem>>[vector<16xi32>], vector<16xi32>,
          %shift_left3A_462 = arith.constant 16 : i32
          %shift_left3A_463 = vector.broadcast %shift_left3A_462 : i32 to vector<16xi32>
          %shift_left3A_464 = arith.shli %gather3A_461, %shift_left3A_463 : vector<16xi32>
          %bitcast3A_465 = vector.bitcast %shift_left3A_464 : vector<16xi32> to vector<16xf32>
          %and3A_466 = arith.constant -65536 : i32
          %and3A_467 = vector.broadcast %and3A_466 : i32 to vector<16xi32>
          %and3A_468 = arith.andi %gather3A_461, %and3A_467 : vector<16xi32>
          %bitcast3A_469 = vector.bitcast %and3A_468 : vector<16xi32> to vector<16xf32>
          %add3A_470 = arith.addf %add3A_451, %bitcast3A_465 : vector<16xf32>
          %add3A_471 = arith.addf %add3A_452, %bitcast3A_469 : vector<16xf32>
          %scan3A_472 = arith.constant 7 : i32
          %scan3A_473 = arith.addi %scan3A_342, %scan3A_472 : i32
          %mul3A_474 = arith.constant 128 : i32
          %mul3A_475 = arith.muli %scan3A_473, %mul3A_474 : i32
          %add3A_476 = arith.constant 112 : i32
          %add3A_477 = arith.addi %mul3A_475, %add3A_476 : i32
          %get3A_478 = arith.index_cast %add3A_477 : i32 to index
          %get3A_479 = tpu.vector_load %arg7[%get3A_478] {strides = array<i32>} : memref<7168xi32, #tpu.memory_space<vmem>>, vector<16xi32>,
          %gather3A_480 = tpu.vector_load_idx %arg5[%get3A_479] : memref<100008xi32, #tpu.memory_space<vmem>>[vector<16xi32>], vector<16xi32>,
          %shift_left3A_481 = arith.constant 16 : i32
          %shift_left3A_482 = vector.broadcast %shift_left3A_481 : i32 to vector<16xi32>
          %shift_left3A_483 = arith.shli %gather3A_480, %shift_left3A_482 : vector<16xi32>
          %bitcast3A_484 = vector.bitcast %shift_left3A_483 : vector<16xi32> to vector<16xf32>
          %and3A_485 = arith.constant -65536 : i32
          %and3A_486 = vector.broadcast %and3A_485 : i32 to vector<16xi32>
          %and3A_487 = arith.andi %gather3A_480, %and3A_486 : vector<16xi32>
          %bitcast3A_488 = vector.bitcast %and3A_487 : vector<16xi32> to vector<16xf32>
          %add3A_489 = arith.addf %add3A_470, %bitcast3A_484 : vector<16xf32>
          %add3A_490 = arith.addf %add3A_471, %bitcast3A_488 : vector<16xf32>
          %scan3A_491 = arith.constant 8 : i32
          %scan3A_492 = arith.addi %scan3A_342, %scan3A_491 : i32
          %mul3A_493 = arith.constant 128 : i32
          %mul3A_494 = arith.muli %scan3A_492, %mul3A_493 : i32
          %add3A_495 = arith.constant 112 : i32
          %add3A_496 = arith.addi %mul3A_494, %add3A_495 : i32
          %get3A_497 = arith.index_cast %add3A_496 : i32 to index
          %get3A_498 = tpu.vector_load %arg7[%get3A_497] {strides = array<i32>} : memref<7168xi32, #tpu.memory_space<vmem>>, vector<16xi32>,
          %gather3A_499 = tpu.vector_load_idx %arg5[%get3A_498] : memref<100008xi32, #tpu.memory_space<vmem>>[vector<16xi32>], vector<16xi32>,
          %shift_left3A_500 = arith.constant 16 : i32
          %shift_left3A_501 = vector.broadcast %shift_left3A_500 : i32 to vector<16xi32>
          %shift_left3A_502 = arith.shli %gather3A_499, %shift_left3A_501 : vector<16xi32>
          %bitcast3A_503 = vector.bitcast %shift_left3A_502 : vector<16xi32> to vector<16xf32>
          %and3A_504 = arith.constant -65536 : i32
          %and3A_505 = vector.broadcast %and3A_504 : i32 to vector<16xi32>
          %and3A_506 = arith.andi %gather3A_499, %and3A_505 : vector<16xi32>
          %bitcast3A_507 = vector.bitcast %and3A_506 : vector<16xi32> to vector<16xf32>
          %add3A_508 = arith.addf %add3A_489, %bitcast3A_503 : vector<16xf32>
          %add3A_509 = arith.addf %add3A_490, %bitcast3A_507 : vector<16xf32>
          %scan3A_510 = arith.constant 9 : i32
          %scan3A_511 = arith.addi %scan3A_342, %scan3A_510 : i32
          %mul3A_512 = arith.constant 128 : i32
          %mul3A_513 = arith.muli %scan3A_511, %mul3A_512 : i32
          %add3A_514 = arith.constant 112 : i32
          %add3A_515 = arith.addi %mul3A_513, %add3A_514 : i32
          %get3A_516 = arith.index_cast %add3A_515 : i32 to index
          %get3A_517 = tpu.vector_load %arg7[%get3A_516] {strides = array<i32>} : memref<7168xi32, #tpu.memory_space<vmem>>, vector<16xi32>,
          %gather3A_518 = tpu.vector_load_idx %arg5[%get3A_517] : memref<100008xi32, #tpu.memory_space<vmem>>[vector<16xi32>], vector<16xi32>,
          %shift_left3A_519 = arith.constant 16 : i32
          %shift_left3A_520 = vector.broadcast %shift_left3A_519 : i32 to vector<16xi32>
          %shift_left3A_521 = arith.shli %gather3A_518, %shift_left3A_520 : vector<16xi32>
          %bitcast3A_522 = vector.bitcast %shift_left3A_521 : vector<16xi32> to vector<16xf32>
          %and3A_523 = arith.constant -65536 : i32
          %and3A_524 = vector.broadcast %and3A_523 : i32 to vector<16xi32>
          %and3A_525 = arith.andi %gather3A_518, %and3A_524 : vector<16xi32>
          %bitcast3A_526 = vector.bitcast %and3A_525 : vector<16xi32> to vector<16xf32>
          %add3A_527 = arith.addf %add3A_508, %bitcast3A_522 : vector<16xf32>
          %add3A_528 = arith.addf %add3A_509, %bitcast3A_526 : vector<16xf32>
          scf.yield %add3A_527, %add3A_528 : vector<16xf32>, vector<16xf32>
        }
        %scan3A_324 = arith.constant 50 : i32
        %rem3A_325 = arith.constant 16 : i32
        %rem3A_326 = arith.remsi %add3A_206, %rem3A_325 : i32
        %mul3A_327 = arith.constant 128 : i32
        %mul3A_328 = arith.muli %rem3A_326, %mul3A_327 : i32
        %add3A_329 = arith.constant 112 : i32
        %add3A_330 = arith.addi %mul3A_328, %add3A_329 : i32
        %swap3A_331 = arith.index_cast %add3A_330 : i32 to index
        %swap3A_332 = tpu.vector_load %arg8[%swap3A_331] {strides = array<i32>} : memref<2048xf32, #tpu.memory_space<vmem>>, vector<16xf32>,
        tpu.vector_store %arg8[%swap3A_331], %scan3A_323#0 {strides = array<i32>} : memref<2048xf32, #tpu.memory_space<vmem>>, vector<16xf32>,
        %swap3A_333 = arith.index_cast %add3A_330 : i32 to index
        %swap3A_334 = tpu.vector_load %arg9[%swap3A_333] {strides = array<i32>} : memref<2048xf32, #tpu.memory_space<vmem>>, vector<16xf32>,
        tpu.vector_store %arg9[%swap3A_333], %scan3A_323#1 {strides = array<i32>} : memref<2048xf32, #tpu.memory_space<vmem>>, vector<16xf32>,
        %rem3A_335 = arith.constant 8 : i32
        %rem3A_336 = arith.remsi %scan3A_51, %rem3A_335 : i32
        %eq3A = arith.constant 7 : i32
        %eq3A_337 = arith.cmpi eq, %rem3A_336, %eq3A : i32
        %convert_element_type3A_338 = arith.extui %eq3A_337 : i1 to i32
        %cond3A_339 = arith.constant 0 : i32
        %cond3A_340 = arith.cmpi ne, %convert_element_type3A_338, %cond3A_339 : i32
        scf.if %cond3A_340 {
          %jit3A_342 = arith.constant 8 : i32
          %div3A_343 = arith.divsi %scan3A_51, %jit3A_342 : i32
          %sign3A_344 = arith.constant 0 : i32
          %sign3A_345 = arith.cmpi sgt, %scan3A_51, %sign3A_344 : i32
          %sign3A_346 = arith.extui %sign3A_345 : i1 to i32
          %sign3A_347 = arith.constant 0 : i32
          %sign3A_348 = arith.cmpi slt, %scan3A_51, %sign3A_347 : i32
          %sign3A_349 = arith.extui %sign3A_348 : i1 to i32
          %sign3A_350 = arith.subi %sign3A_346, %sign3A_349 : i32
          %sign3A_351 = arith.constant 0 : i32
          %sign3A_352 = arith.cmpi sgt, %jit3A_342, %sign3A_351 : i32
          %sign3A_353 = arith.extui %sign3A_352 : i1 to i32
          %sign3A_354 = arith.constant 0 : i32
          %sign3A_355 = arith.cmpi slt, %jit3A_342, %sign3A_354 : i32
          %sign3A_356 = arith.extui %sign3A_355 : i1 to i32
          %sign3A_357 = arith.subi %sign3A_353, %sign3A_356 : i32
          %ne3A_358 = arith.cmpi ne, %sign3A_350, %sign3A_357 : i32
          %rem3A_359 = arith.remsi %scan3A_51, %jit3A_342 : i32
          %ne3A_360 = arith.constant 0 : i32
          %ne3A_361 = arith.cmpi ne, %rem3A_359, %ne3A_360 : i32
          %and3A_362 = arith.andi %ne3A_358, %ne3A_361 : i1
          %sub3A_363 = arith.constant 1 : i32
          %sub3A_364 = arith.subi %div3A_343, %sub3A_363 : i32
          %select_n3A_365 = arith.select %and3A_362, %sub3A_364, %div3A_343 : i32
          %mul3A_366 = arith.constant 2048 : i32
          %mul3A_367 = arith.muli %select_n3A_365, %mul3A_366 : i32
          %rem3A_368 = arith.constant 2 : i32
          %rem3A_369 = arith.remsi %scan3A_8, %rem3A_368 : i32
          %mul3A_370 = arith.constant 256 : i32
          %mul3A_371 = arith.muli %rem3A_369, %mul3A_370 : i32
          %mul3A_372 = arith.constant 16384 : i32
          %mul3A_373 = arith.muli %mul3A_371, %mul3A_372 : i32
          %mul3A_374 = arith.constant 2 : i32
          %mul3A_375 = arith.muli %mul3A_374, %add3A_28 : i32
          %mul3A_376 = arith.constant 16384 : i32
          %mul3A_377 = arith.muli %mul3A_375, %mul3A_376 : i32
          %add3A_378 = arith.addi %mul3A_373, %mul3A_377 : i32
          %add3A_379 = arith.addi %add3A_378, %mul3A_367 : i32
          %mul3A_380 = arith.constant 256 : i32
          %mul3A_381 = arith.muli %rem3A_369, %mul3A_380 : i32
          %mul3A_382 = arith.constant 16384 : i32
          %mul3A_383 = arith.muli %mul3A_381, %mul3A_382 : i32
          %mul3A_384 = arith.constant 2 : i32
          %mul3A_385 = arith.muli %mul3A_384, %add3A_28 : i32
          %add3A_386 = arith.constant 1 : i32
          %add3A_387 = arith.addi %mul3A_385, %add3A_386 : i32
          %mul3A_388 = arith.constant 16384 : i32
          %mul3A_389 = arith.muli %add3A_387, %mul3A_388 : i32
          %add3A_390 = arith.addi %mul3A_383, %mul3A_389 : i32
          %add3A_391 = arith.addi %add3A_390, %mul3A_367 : i32
          "tpu.region"() ({
            %run_scoped3A = tpu.sem_alloc : memref<!tpu.dma_semaphore, #tpu.memory_space<semaphore_mem>>
            %dma_start3A_392 = tpu.memref_slice %arg4[%add3A_379] : memref<8388608xf32, #tpu.memory_space<hbm>> -> memref<2048xf32, #tpu.memory_space<hbm>>
            %dma_start3A_393 = tpu.memref_slice %arg4[%add3A_379] : memref<8388608xf32, #tpu.memory_space<hbm>> -> memref<2048xf32, #tpu.memory_space<hbm>>
            tpu.enqueue_dma source(%arg8 : memref<2048xf32, #tpu.memory_space<vmem>>) target(%dma_start3A_393 : memref<2048xf32, #tpu.memory_space<hbm>>) target_semaphore(%run_scoped3A : memref<!tpu.dma_semaphore, #tpu.memory_space<semaphore_mem>>)
            %dma_wait3A_394 = tpu.memref_slice %arg4[%add3A_379] : memref<8388608xf32, #tpu.memory_space<hbm>> -> memref<2048xf32, #tpu.memory_space<hbm>>
            %dma_wait3A_395 = tpu.memref_slice %arg4[%add3A_379] : memref<8388608xf32, #tpu.memory_space<hbm>> -> memref<2048xf32, #tpu.memory_space<hbm>>
            tpu.wait_dma2 semaphore(%run_scoped3A : memref<!tpu.dma_semaphore, #tpu.memory_space<semaphore_mem>>) src(%arg8 : memref<2048xf32, #tpu.memory_space<vmem>>) dst(%dma_wait3A_395 : memref<2048xf32, #tpu.memory_space<hbm>>)
            tpu.yield
          }) : () -> ()
          "tpu.region"() ({
            %run_scoped3A = tpu.sem_alloc : memref<!tpu.dma_semaphore, #tpu.memory_space<semaphore_mem>>
            %dma_start3A_392 = tpu.memref_slice %arg4[%add3A_391] : memref<8388608xf32, #tpu.memory_space<hbm>> -> memref<2048xf32, #tpu.memory_space<hbm>>
            %dma_start3A_393 = tpu.memref_slice %arg4[%add3A_391] : memref<8388608xf32, #tpu.memory_space<hbm>> -> memref<2048xf32, #tpu.memory_space<hbm>>
            tpu.enqueue_dma source(%arg9 : memref<2048xf32, #tpu.memory_space<vmem>>) target(%dma_start3A_393 : memref<2048xf32, #tpu.memory_space<hbm>>) target_semaphore(%run_scoped3A : memref<!tpu.dma_semaphore, #tpu.memory_space<semaphore_mem>>)
            %dma_wait3A_394 = tpu.memref_slice %arg4[%add3A_391] : memref<8388608xf32, #tpu.memory_space<hbm>> -> memref<2048xf32, #tpu.memory_space<hbm>>
            %dma_wait3A_395 = tpu.memref_slice %arg4[%add3A_391] : memref<8388608xf32, #tpu.memory_space<hbm>> -> memref<2048xf32, #tpu.memory_space<hbm>>
            tpu.wait_dma2 semaphore(%run_scoped3A : memref<!tpu.dma_semaphore, #tpu.memory_space<semaphore_mem>>) src(%arg9 : memref<2048xf32, #tpu.memory_space<vmem>>) dst(%dma_wait3A_395 : memref<2048xf32, #tpu.memory_space<hbm>>)
            tpu.yield
          }) : () -> ()
        } else {
        }
        %scan3A_341 = arith.constant 0 : i32
        scf.yield %scan3A_341 : i32
      }
      %scan3A_49 = arith.constant 64 : i32
      %scan3A_50 = arith.constant 0 : i32
      scf.yield %scan3A_50 : i32
    }
    %scan3A_7 = arith.constant 8 : i32
    return
  }
}

module attributes {stable_mosaic.version = 14 : i64} {
  func.func @_tail_body(%arg0: i32, %arg1: memref<256x512xf32, #tpu.memory_space<vmem>>, %arg2: memref<256x512xf32, #tpu.memory_space<vmem>>, %arg3: memref<1x1x512xi32, #tpu.memory_space<vmem>>, %arg4: memref<1x1x256xf32, #tpu.memory_space<vmem>>, %arg5: memref<1x1x256xf32, #tpu.memory_space<vmem>>, %arg6: memref<1x1x256xf32, #tpu.memory_space<vmem>>, %arg7: memref<1x1x8xf32, #tpu.memory_space<vmem>>, %arg8: memref<1x1x512xf32, #tpu.memory_space<vmem>>) attributes {dimension_semantics = [#tpu.dimension_semantics<arbitrary>], iteration_bounds = array<i64: 32>, scalar_prefetch = 0 : i64, scratch_operands = 0 : i64, tpu.core_type = #tpu.core_type<tc>, window_params = [{transform_indices = @transform_0, window_bounds = array<i64: 256, 512>}, {transform_indices = @transform_1, window_bounds = array<i64: 256, 512>}, {transform_indices = @transform_2, window_bounds = array<i64: 1, 1, 512>}, {pipeline_mode = #tpu.pipeline_mode<synchronous>, transform_indices = @transform_3, window_bounds = array<i64: 1, 1, 256>}, {pipeline_mode = #tpu.pipeline_mode<synchronous>, transform_indices = @transform_4, window_bounds = array<i64: 1, 1, 256>}, {pipeline_mode = #tpu.pipeline_mode<synchronous>, transform_indices = @transform_5, window_bounds = array<i64: 1, 1, 256>}, {pipeline_mode = #tpu.pipeline_mode<synchronous>, transform_indices = @transform_6, window_bounds = array<i64: 1, 1, 8>}, {transform_indices = @transform_7, window_bounds = array<i64: 1, 1, 512>}]} {
    %get3A = arith.constant 0 : index
    %get3A_0 = arith.constant 0 : index
    %get3A_1 = arith.constant 0 : index
    %get3A_2 = vector.load %arg4[%get3A, %get3A_0, %get3A_1] : memref<1x1x256xf32, #tpu.memory_space<vmem>>, vector<1x1x256xf32>
    %get3A_3 = vector.shape_cast %get3A_2 : vector<1x1x256xf32> to vector<256xf32>
    %broadcast_in_dim3A = vector.shape_cast %get3A_3 : vector<256xf32> to vector<256x1xf32>
    %get3A_4 = arith.constant 0 : index
    %get3A_5 = arith.constant 0 : index
    %get3A_6 = vector.load %arg1[%get3A_4, %get3A_5] : memref<256x512xf32, #tpu.memory_space<vmem>>, vector<256x512xf32>
    %add3A = vector.broadcast %broadcast_in_dim3A : vector<256x1xf32> to vector<256x512xf32>
    %add3A_7 = arith.addf %get3A_6, %add3A : vector<256x512xf32>
    %jit3A = arith.constant 0.000000e+00 : f32
    %jit3A_8 = arith.constant 1.270000e+02 : f32
    %max3A = vector.broadcast %jit3A : f32 to vector<256x512xf32>
    %max3A_9 = arith.maximumf %max3A, %add3A_7 : vector<256x512xf32>
    %min3A = vector.broadcast %jit3A_8 : f32 to vector<256x512xf32>
    %min3A_10 = arith.minimumf %min3A, %max3A_9 : vector<256x512xf32>
    %get3A_11 = arith.constant 0 : index
    %get3A_12 = arith.constant 0 : index
    %get3A_13 = vector.load %arg2[%get3A_11, %get3A_12] : memref<256x512xf32, #tpu.memory_space<vmem>>, vector<256x512xf32>
    %add3A_14 = vector.broadcast %broadcast_in_dim3A : vector<256x1xf32> to vector<256x512xf32>
    %add3A_15 = arith.addf %get3A_13, %add3A_14 : vector<256x512xf32>
    %jit3A_16 = arith.constant 0.000000e+00 : f32
    %jit3A_17 = arith.constant 1.270000e+02 : f32
    %max3A_18 = vector.broadcast %jit3A_16 : f32 to vector<256x512xf32>
    %max3A_19 = arith.maximumf %max3A_18, %add3A_15 : vector<256x512xf32>
    %min3A_20 = vector.broadcast %jit3A_17 : f32 to vector<256x512xf32>
    %min3A_21 = arith.minimumf %min3A_20, %max3A_19 : vector<256x512xf32>
    %get3A_22 = arith.constant 0 : index
    %get3A_23 = arith.constant 0 : index
    %get3A_24 = arith.constant 0 : index
    %get3A_25 = vector.load %arg5[%get3A_22, %get3A_23, %get3A_24] : memref<1x1x256xf32, #tpu.memory_space<vmem>>, vector<1x1x256xf32>
    %get3A_26 = vector.shape_cast %get3A_25 : vector<1x1x256xf32> to vector<256xf32>
    %broadcast_in_dim3A_27 = vector.shape_cast %get3A_26 : vector<256xf32> to vector<256x1xf32>
    %get3A_28 = arith.constant 0 : index
    %get3A_29 = arith.constant 0 : index
    %get3A_30 = arith.constant 0 : index
    %get3A_31 = vector.load %arg6[%get3A_28, %get3A_29, %get3A_30] : memref<1x1x256xf32, #tpu.memory_space<vmem>>, vector<1x1x256xf32>
    %get3A_32 = vector.shape_cast %get3A_31 : vector<1x1x256xf32> to vector<256xf32>
    %broadcast_in_dim3A_33 = vector.shape_cast %get3A_32 : vector<256xf32> to vector<256x1xf32>
    %mul3A = vector.broadcast %broadcast_in_dim3A_27 : vector<256x1xf32> to vector<256x512xf32>
    %mul3A_34 = arith.mulf %min3A_10, %mul3A : vector<256x512xf32>
    %mul3A_35 = vector.broadcast %broadcast_in_dim3A_33 : vector<256x1xf32> to vector<256x512xf32>
    %mul3A_36 = arith.mulf %min3A_21, %mul3A_35 : vector<256x512xf32>
    %add3A_37 = arith.addf %mul3A_34, %mul3A_36 : vector<256x512xf32>
    %reduce_sum3A = arith.constant dense<0.000000e+00> : vector<512xf32>
    %reduce_sum3A_38 = vector.multi_reduction <add>, %add3A_37, %reduce_sum3A [0] : vector<256x512xf32> to vector<512xf32>
    %mul3A_39 = vector.broadcast %broadcast_in_dim3A_33 : vector<256x1xf32> to vector<256x512xf32>
    %mul3A_40 = arith.mulf %min3A_10, %mul3A_39 : vector<256x512xf32>
    %mul3A_41 = vector.broadcast %broadcast_in_dim3A_27 : vector<256x1xf32> to vector<256x512xf32>
    %mul3A_42 = arith.mulf %min3A_21, %mul3A_41 : vector<256x512xf32>
    %add3A_43 = arith.addf %mul3A_40, %mul3A_42 : vector<256x512xf32>
    %reduce_sum3A_44 = arith.constant dense<0.000000e+00> : vector<512xf32>
    %reduce_sum3A_45 = vector.multi_reduction <add>, %add3A_43, %reduce_sum3A_44 [0] : vector<256x512xf32> to vector<512xf32>
    %get3A_46 = arith.constant 0 : index
    %get3A_47 = arith.constant 0 : index
    %get3A_48 = arith.constant 0 : index
    %get3A_49 = vector.load %arg3[%get3A_46, %get3A_47, %get3A_48] : memref<1x1x512xi32, #tpu.memory_space<vmem>>, vector<1x1x512xi32>
    %get3A_50 = vector.shape_cast %get3A_49 : vector<1x1x512xi32> to vector<512xi32>
    %eq3A = arith.constant 0 : i32
    %eq3A_51 = vector.broadcast %eq3A : i32 to vector<512xi32>
    %eq3A_52 = arith.cmpi eq, %get3A_50, %eq3A_51 : vector<512xi32>
    %select_n3A = arith.select %eq3A_52, %reduce_sum3A_38, %reduce_sum3A_45 : vector<512xi1>, vector<512xf32>
    %get3A_53 = arith.constant 0 : index
    %get3A_54 = arith.constant 0 : index
    %get3A_55 = arith.constant 0 : index
    %get3A_56 = vector.load %arg7[%get3A_53, %get3A_54, %get3A_55] : memref<1x1x8xf32, #tpu.memory_space<vmem>>, vector<1x1x1xf32>
    %get3A_57 = vector.extract %get3A_56[0, 0, 0] : f32 from vector<1x1x1xf32>
    %add3A_58 = vector.broadcast %get3A_57 : f32 to vector<512xf32>
    %add3A_59 = arith.addf %select_n3A, %add3A_58 : vector<512xf32>
    %swap3A = arith.constant 0 : index
    %swap3A_60 = arith.constant 0 : index
    %swap3A_61 = arith.constant 0 : index
    %swap3A_62 = vector.load %arg8[%swap3A, %swap3A_60, %swap3A_61] : memref<1x1x512xf32, #tpu.memory_space<vmem>>, vector<1x1x512xf32>
    %swap3A_63 = vector.shape_cast %swap3A_62 : vector<1x1x512xf32> to vector<512xf32>
    %swap3A_64 = vector.shape_cast %add3A_59 : vector<512xf32> to vector<1x1x512xf32>
    tpu.vector_store %arg8[%swap3A, %swap3A_60, %swap3A_61], %swap3A_64 {strides = array<i32>} : memref<1x1x512xf32, #tpu.memory_space<vmem>>, vector<1x1x512xf32>,
    return
  }
  func.func @transform_0(%arg0: i32) -> (i32, i32) {
    %c0_i32 = arith.constant 0 : i32
    %c0_i32_0 = arith.constant 0 : i32
    return %c0_i32, %arg0 : i32, i32
  }
  func.func @transform_1(%arg0: i32) -> (i32, i32) {
    %c0_i32 = arith.constant 0 : i32
    %c0_i32_0 = arith.constant 0 : i32
    return %c0_i32, %arg0 : i32, i32
  }
  func.func @transform_2(%arg0: i32) -> (i32, i32, i32) {
    %c0_i32 = arith.constant 0 : i32
    %c0_i32_0 = arith.constant 0 : i32
    %c0_i32_1 = arith.constant 0 : i32
    return %arg0, %c0_i32, %c0_i32_0 : i32, i32, i32
  }
  func.func @transform_3(%arg0: i32) -> (i32, i32, i32) {
    %c0_i32 = arith.constant 0 : i32
    %c0_i32_0 = arith.constant 0 : i32
    %c0_i32_1 = arith.constant 0 : i32
    %c0_i32_2 = arith.constant 0 : i32
    return %c0_i32, %c0_i32_0, %c0_i32_1 : i32, i32, i32
  }
  func.func @transform_4(%arg0: i32) -> (i32, i32, i32) {
    %c0_i32 = arith.constant 0 : i32
    %c0_i32_0 = arith.constant 0 : i32
    %c0_i32_1 = arith.constant 0 : i32
    %c0_i32_2 = arith.constant 0 : i32
    return %c0_i32, %c0_i32_0, %c0_i32_1 : i32, i32, i32
  }
  func.func @transform_5(%arg0: i32) -> (i32, i32, i32) {
    %c0_i32 = arith.constant 0 : i32
    %c0_i32_0 = arith.constant 0 : i32
    %c0_i32_1 = arith.constant 0 : i32
    %c0_i32_2 = arith.constant 0 : i32
    return %c0_i32, %c0_i32_0, %c0_i32_1 : i32, i32, i32
  }
  func.func @transform_6(%arg0: i32) -> (i32, i32, i32) {
    %c0_i32 = arith.constant 0 : i32
    %c0_i32_0 = arith.constant 0 : i32
    %c0_i32_1 = arith.constant 0 : i32
    %c0_i32_2 = arith.constant 0 : i32
    return %c0_i32, %c0_i32_0, %c0_i32_1 : i32, i32, i32
  }
  func.func @transform_7(%arg0: i32) -> (i32, i32, i32) {
    %c0_i32 = arith.constant 0 : i32
    %c0_i32_0 = arith.constant 0 : i32
    %c0_i32_1 = arith.constant 0 : i32
    return %arg0, %c0_i32, %c0_i32_0 : i32, i32, i32
  }
}

</mosaic_0001>

<sc_bundles>
// kernel: _run.4.cloned.1.call-start
scs
__scs_entry_jumppad:
0x0: {  	(pc) =	sbr.rel $0x88, $3  }
0x1: {  	(tag) =	ssettag $0x0;
	lr =	simm.s32 $0x1  }
0x2: {  	[smem:$0x3F9A] =	sst lr;
	_ =	strace $0xD0000000  }
0x3: {  	_ = 	snop  }
0x4: {  	_ = 	snop  }
0x5: {  	_ = 	snop  }
0x6: {  	_ = 	snop  }
0x7: {  	_ = 	snop  }
__scs_overlays_trampoline_lowered:
0x8: {  	[smem:$0x3FA9] =	sst s0  }
0x9: {  	[smem:$0x3FAA] =	sst s1  }
0xa: {  	[smem:$0x3FAB] =	sst s2  }
0xb: {  	[smem:$0x3FAC] =	sst s3  }
0xc: {  	[smem:$0x3FAD] =	sst s4  }
0xd: {  	[smem:$0x3FAE] =	sst s5  }
0xe: {  	[smem:$0x3FAF] =	sst s6  }
0xf: {  	[smem:$0x3FB0] =	sst s7  }
0x10: {  	[smem:$0x3FB1] =	sst s8  }
0x11: {  	[smem:$0x3FB2] =	sst s9;
	s0 =	simm.s32 @!p0 $0x0  }
0x12: {  	s1 =	sld [smem:$0x3F98];
	s0 =	simm.s32 @p0 $0x1  }
0x13: {  	[smem:$0x3FB3] =	sst s0;
	s0 =	simm.s32 @!p1 $0x0  }
0x14: {  	s2 =	sld [smem:$0x3F97];
	s0 =	simm.s32 @p1 $0x1  }
0x15: {  	[smem:$0x3FB4] =	sst s0;
	s0 =	simm.s32 @!p2 $0x0  }
0x16: {  	s3 =	sld [smem:$0x3FDB];
	s0 =	simm.s32 @p2 $0x1  }
0x17: {  	s4 =	simm.s32 $0x1BF5;
	[smem:$0x3FB6] =	sst s0  }
0x18: {  	s0 =	sld [smem:$0x3F99];
	_ =	swait.ge [sflag:s4], $0x0  }
0x19: {  	s7 =	sld [smem:$0x3F9A]  }
0x1a: {  	s8 =	sadd.s32 $0xFFFFE003, lr  }
0x1b: {  	s9 =	sadd.s32 $0xFFFFFEF7, lr;
	s5 =	simm.s32 $0xFFFFFFFF;
	p2 =	slt.u32 s8, $0xFFFFF086  }
0x1c: {  	p1 =	slt.u32 s9, $0xF7A;
	s5 =	simm.s32 @!p2 $0x0  }
0x1d: {  	s5 =	simm.s32 @p1 $0x1;
	p0 =	seq.s32 s7, s2  }
0x1e: {  	s7 =	smul.u32 @!p0 $0xF7A, s2;
	p2 =	seq.s32 @!p0 s5, $0x0  }
0x1f: {  	s9 =	smul.u32 $0xF7A, s1;
	s8 =	simm.s32 @!p0 $0x1BF5;
	p2 =	por !p2, p0  }
0x20: {  	[sflag:s8] =	ssyncset.s32 @!p0 $0xFFFFF086;
	s6 =	sadd.s32 @!p0 s3, s7;
	s7 =	simm.s32 @!p0 $0x108  }
0x21: {  	s3 =	sadd.s32 s3, s9;
	s6 =	sadd.s32 @!p0 $0x88, s6;
	s7 =	simm.s32 @p2 $0x1082  }
0x22: {  	[simem:s7], [sflag:s8] =	dma.local @!p0 [hbm:s6], $0xF7A  }
0x23: {  	s9 =	sor.u32 $0xD0000000, s2;
	s6 =	simm.s32 $0x108;
	_ =	swait.ge @!p0 [sflag:s8], $0x0  }
0x24: {  	s3 =	sadd.s32 $0x88, s3;
	s6 =	simm.s32 @!p1 $0x1082;
	[sflag:s4] =	ssyncset.s32 $0xFFFFF086  }
0x25: {  	[simem:s6], [sflag:s4] =	dma.local [hbm:s3], $0xF7A  }
0x26: {  	[smem:$0x3F9A] =	sst s1;
	(tag) =	ssettag s2;
	_ =	strace s9  }
0x27: {  	s1 =	sld [smem:$0x3FAA]  }
0x28: {  	s2 =	sld [smem:$0x3FAB]  }
0x29: {  	s4 =	sld [smem:$0x3FAD]  }
0x2a: {  	p0 =	seq.s32 s5, $0x0;
	s5 =	sld [smem:$0x3FAE]  }
0x2b: {  	s6 =	sld [smem:$0x3FAF]  }
0x2c: {  	s7 =	sld [smem:$0x3FB0]  }
0x2d: {  	s3 =	simm.s32 $0x108;
	s8 =	sld [smem:$0x3FB1]  }
0x2e: {  	s3 =	simm.s32 @!p0 $0x1082;
	s9 =	sld [smem:$0x3FB2]  }
0x2f: {  	lr =	sadd.s32 s0, s3;
	s0 =	sld [smem:$0x3FA9]  }
0x30: {  	s3 =	sld [smem:$0x3FAC]  }
0x31: {  	[smem:$0x3FB5] =	sst s10  }
0x32: {  	s10 =	sld [smem:$0x3FB3];
	_ =	sdelay $0x3  }
0x33: {  	p0 =	seq.s32 s10, $0x1;
	s10 =	sld [smem:$0x3FB5];
	_ =	sdelay $0x3  }
0x34: {  	[smem:$0x3FB5] =	sst s10  }
0x35: {  	s10 =	sld [smem:$0x3FB4];
	_ =	sdelay $0x3  }
0x36: {  	p1 =	seq.s32 s10, $0x1;
	s10 =	sld [smem:$0x3FB5];
	_ =	sdelay $0x3  }
0x37: {  	[smem:$0x3FB5] =	sst s10  }
0x38: {  	s10 =	sld [smem:$0x3FB6]  }
0x39: {  	_ = 	snop;
	(pc) =	sbr.ind lr, $3  }
0x3a: {  	_ = 	snop  }
0x3b: {  	_ = 	snop  }
0x3c: {  	p2 =	seq.s32 s10, $0x1;
	s10 =	sld [smem:$0x3FB5]  }
0x3d: {  	_ =	shalt  }
0x3e: {  	_ =	shalt  }
0x3f: {  	_ =	shalt  }
0x40: {  	_ =	shalt  }
0x41: {  	_ =	shalt  }
0x42: {  	_ =	shalt  }
0x43: {  	_ =	shalt  }
0x44: {  	_ =	shalt  }
0x45: {  	_ =	shalt  }
0x46: {  	_ =	shalt  }
0x47: {  	_ =	shalt  }
0x48: {  	_ =	shalt  }
0x49: {  	_ =	shalt  }
0x4a: {  	_ =	shalt  }
0x4b: {  	_ =	shalt  }
0x4c: {  	_ =	shalt  }
0x4d: {  	_ =	shalt  }
0x4e: {  	_ =	shalt  }
0x4f: {  	_ =	shalt  }
0x50: {  	_ =	shalt  }
0x51: {  	_ =	shalt  }
0x52: {  	_ =	shalt  }
0x53: {  	_ =	shalt  }
0x54: {  	_ =	shalt  }
0x55: {  	_ =	shalt  }
0x56: {  	_ =	shalt  }
0x57: {  	_ =	shalt  }
0x58: {  	_ =	shalt  }
0x59: {  	_ =	shalt  }
0x5a: {  	_ =	shalt  }
0x5b: {  	_ =	shalt  }
0x5c: {  	_ =	shalt  }
0x5d: {  	_ =	shalt  }
0x5e: {  	_ =	shalt  }
0x5f: {  	_ =	shalt  }
0x60: {  	_ =	shalt  }
0x61: {  	_ =	shalt  }
0x62: {  	_ =	shalt  }
0x63: {  	_ =	shalt  }
0x64: {  	_ =	shalt  }
0x65: {  	_ =	shalt  }
0x66: {  	_ =	shalt  }
0x67: {  	_ =	shalt  }
0x68: {  	_ =	shalt  }
0x69: {  	_ =	shalt  }
0x6a: {  	_ =	shalt  }
0x6b: {  	_ =	shalt  }
0x6c: {  	_ =	shalt  }
0x6d: {  	_ =	shalt  }
0x6e: {  	_ =	shalt  }
0x6f: {  	_ =	shalt  }
0x70: {  	_ =	shalt  }
0x71: {  	_ =	shalt  }
0x72: {  	_ =	shalt  }
0x73: {  	_ =	shalt  }
0x74: {  	_ =	shalt  }
0x75: {  	_ =	shalt  }
0x76: {  	_ =	shalt  }
0x77: {  	_ =	shalt  }
0x78: {  	_ =	shalt  }
0x79: {  	_ =	shalt  }
0x7a: {  	_ =	shalt  }
0x7b: {  	_ =	shalt  }
0x7c: {  	_ =	shalt  }
0x7d: {  	_ =	shalt  }
0x7e: {  	_ =	shalt  }
0x7f: {  	_ =	shalt  }
0x80: {  	_ =	shalt  }
0x81: {  	_ =	shalt  }
0x82: {  	_ =	shalt  }
0x83: {  	_ =	shalt  }
0x84: {  	_ =	shalt  }
0x85: {  	_ =	shalt  }
0x86: {  	_ =	shalt  }
0x87: {  	_ =	shalt  }
.Lfunc_end0:
.L_simem_size_0:
called_computation_lowered:
.L_overlay_start_0:
0x88: {  	s2 =	sld [smem:$0x3FD9]  }
0x89: {  	s3 =	sld [smem:$0x3FFE];
	_ =	sdelay $0x1  }
0x8a: {  	s1 =	srdreg.scid  }
0x8b: {  	s0 =	sand.u32 $0x1, s1  }
0x8c: {  	s17 =	sshll.u32 s0, $0xA;
	s2 =	sadd.s32 s3, s2  }
0x8d: {  	s2 =	sadd.s32 s2, s17  }
0x8e: {  	[smem:$0x3FC1] =	sst s2  }
0x8f: {  	_ = 	snop  }
0x90: {  	s2 =	sld [smem:$0x3FC9]  }
0x91: {  	s18 =	sld [smem:$0x3FC8];
	(tm) =	ssettm $0x1  }
0x92: {  	s4 =	sld [smem:$0x3FFB];
	_ =	sdelay $0x3  }
0x93: {  	_ =	strace s4  }
0x94: {  	s4 =	sld [smem:$0x3FFC];
	_ =	sdelay $0x3  }
0x95: {  	_ =	strace s4  }
0x96: {  	s4 =	sld [smem:$0x3FFD];
	_ =	sdelay $0x3  }
0x97: {  	_ =	strace s4  }
0x98: {  	_ =	strace $0x8FFFFFFF  }
0x99: {  	s19 =	sld [smem:$0x3FDB];
	_ =	sdelay $0x1  }
0x9a: {  	s5 =	simm.s32 $_scs_section_size  }
0x9b: {  	s6 =	simm.s32 $_size__tile_overlayer_lowered;
	s7 =	simm.s32 $_tile_overlayer_lowered  }
0x9c: {  	s22 =	simm.s32 $0x1BFF;
	s21 =	sshll.u32 s7, $0x1;
	s4 =	sadd.s32 s5, s19  }
0x9d: {  	s8 =	simm.s32 $0x0;
	s20 =	sshll.u32 s6, $0x1;
	s6 =	sadd.s32 s21, s4  }
0x9e: {  	[timem:s8], [sflag:s22] =	dma.local [hbm:s6], s20  }
0x9f: {  	_ =	swait.ge [sflag:s22], s20  }
0xa0: {  	s5 =	ssub.s32 $0x0, s20;
	[sflag:s22] =	ssyncset.done $0x0  }
0xa1: {  	[sflag:s22] =	ssyncadd.s32 s5;
	_ =	sdelay $0x1  }
0xa2: {  	s23 =	simm.s32 $0x1B8B  }
0xa3: {  	_ =	swait.ge [sflag:s23], $0x1  }
0xa4: {  	[sflag:s23] =	ssyncset.done $0x0  }
0xa5: {  	s25 =	simm.s32 $0x1B8E;
	s24 =	sld [smem:$0x3FFE];
	[sflag:s23] =	ssyncadd.s32 $0xFFFFFFFF  }
0xa6: {  	s26 =	simm.s32 $execute0_lowered;
	[smem:$0x3FD2] =	sst s25  }
0xa7: {  	s6 =	sshll.u32 s26, $0x1;
	_ =	strace $0x80000046;
	[dreg:$0x1] =	wrdreg $0xFFFFFFFF  }
0xa8: {  	s28 =	simm.s32 $_size_execute0_lowered;
	s4 =	sadd.s32 s4, s6;
	[dreg:$0x0] =	wrdreg $0x0  }
0xa9: {  	s6 =	sshll.u32 s28, $0x1;
	[dreg:$0x2] =	wrdreg s4  }
0xaa: {  	[dreg:$0x3] =	wrdreg s6  }
0xab: {  	[dreg:$0x4] =	wrdreg $0xC0  }
0xac: {  	_ =	task [dreg:s8], $0x5FFFF  }
0xad: {  	[dreg:$0x1] =	wrdreg $0xFFFFFFFF  }
0xae: {  	[dreg:$0x0] =	wrdreg $0x60  }
0xaf: {  	[dreg:$0x2] =	wrdreg s2  }
0xb0: {  	[dreg:$0x3] =	wrdreg s18  }
0xb1: {  	[dreg:$0x4] =	wrdreg s24  }
0xb2: {  	[dreg:$0x5] =	wrdreg $0x9  }
0xb3: {  	_ =	task.clear_ibuf [dreg:s8], $0x6FFFF;
	_ =	strace $0x90000046  }
0xb4: {  	s29 =	simm.s32 $0x9;
	_ =	strace $0x80000048  }
0xb5: {  	_ =	swait.ge [sflag:s29], $0x1  }
0xb6: {  	[sflag:s29] =	ssyncadd.s32 $0xFFFFFFFF  }
0xb7: {  	_ =	strace $0x90000048  }
0xb8: {  	_ =	sfence  }
0xb9: {  	s30 =	sld [smem:$0x0];
	_ =	sdelay $0x2  }
0xba: {  	s31 =	sshll.u32 s1, $0xD;
	s1 =	sshrl.u32 s1, $0x2  }
0xbb: {  	s3 =	sand.u32 $0x4000, s31;
	s1 =	sadd.s32 s1, s30  }
0xbc: {  	s0 =	sor.u32 s3, s0;
	s1 =	sshll.u32 s1, $0x11  }
0xbd: {  	s0 =	sor.u32 s1, s0  }
0xbe: {  	s0 =	sadd.s32 $0x8F2B, s0  }
0xbf: {  	[sflag:s0] =	ssyncadd.remote.s32 $0x1  }
0xc0: {  	_ =	sfence.sel $0xFFFF  }
0xc1: {  	[dreg:$0x0] =	wrdreg $0xFFFFFFFF;
	(pc) =	sbr.abs _section_cstart, $3  }
0xc2: {  	[dreg:$0x1] =	wrdreg $0xFFFFFFFF  }
0xc3: {  	_ =	task.clear_ibuf [dreg:s8], $0x2FFFF;
	_ =	strace $0x9FFFFFFF  }
0xc4: {  	(tm) =	ssettm $0x7FFFFFFF  }
0xc5: {  	_ =	shalt  }
tec
execute0_lowered:
.L_overlay_start_1:
0x0: {  	(tag) =	ssettag $0x1  }
0x1: {  	s1 =	rddreg [dreg:$0x0]  }
0x2: {  	s2 =	rddreg [dreg:$0x1]  }
0x3: {  	s0 =	srdreg.scid;
	s6 =	rddreg [dreg:$0x2]  }
0x4: {  	s4 =	simm.s32 $0x0;
	s5 =	stileid.u32;
	s9 =	simm.s32 $0x1  }
0x5: {  	s10 =	simm.s32 $0x18700;
	s11 =	simm.s32 $0x1A300;
	s3 =	sand.u32 $0x1, s0  }
0x6: {  	s12 =	simm.s32 $0x2;
	s13 =	simm.s32 $0x3;
	s7 =	ssub.s32 $0x2, s3  }
0x7: {  	s14 =	simm.s32 $0x0;
	s0 =	rddreg [dreg:$0x3];
	s8 =	sshrl.u32 s7, $0x1  }
0x8: {  	[smem:$0x7FF] =	sst s4;
	s6 =	sadd.s32 $0x2E00, s6;
	s8 =	ssub.s32 s7, s8  }
0x9: {  	_ =	strace $0x80000047;
	s7 =	sshll.u32 s5, $0x1;
	s8 =	smax.u32 s8, $0x1  }
.LBB2_1:
0xa: {  	s15 =	simm.s32 $0x0  }
.LBB2_2:
0xb: {  	s16 =	sshll.u32 s15, $0x4  }
0xc: {  	s16 =	sand.u32 $0x60, s16  }
0xd: {  	s16 =	sor.u32 s16, s7  }
0xe: {  	s18 =	sor.u32 s3, s16  }
0xf: {  	s16 =	smul.u32 $0x30D5, s18  }
0x10: {  	s19 =	sand.u32 $0x1, s15  }
0x11: {  	s20 =	smul.u32 $0x380, s19;
	s17 =	sadd.s32 s2, s16;
	s16 =	simm.s32 $0x0  }
0x12: {  	[tilespmem:s16], [sflag:$0x1] =	stream.linear.gather [hbm4b:s17+s16], $0x186A8, $0x38;
	[tilespmem:$0x1CF00] =	vst v63  }
0x13: {  	s20 =	sadd.s32 s1, s20;
	s17 =	smul.u32 $0x38, s19;
	_ =	swait.ge [sflag:s9], $0x186A8  }
0x14: {  	s31 =	sshll.u32 s18, $0xF;
	s19 =	sshll.u32 s19, $0x16;
	[sflag:s9] =	ssyncset.done $0x0  }
0x15: {  	s19 =	sor.u32 s19, s31;
	s18 =	sadd.s32 $0xE0, s17;
	[sflag:s9] =	ssyncadd.s32 $0xFFFE7958  }
0x16: {  	[tilespmem:s10], [sflag:$0x2] =	stream.linear.gather [hbm4b:s20+s16], $0x1C00, $0x38;
	[tilespmem:$0x1CF00] =	vst v63  }
.LBB2_3:
0x17: {  	s21 =	sshllo.u32 s16, $0x1  }
0x18: {  	s20 =	smul.u32 $0x70, s21;
	_ =	sdelay $0x1  }
0x19: {  	s20 =	sadd.s32 s17, s20  }
0x1a: {  	s20 =	sshll.u32 s20, $0x4  }
0x1b: {  	s20 =	sadd.s32 s1, s20  }
0x1c: {  	[tilespmem:s11], [sflag:$0x3] =	stream.linear.gather [hbm4b:s20+s4], $0x1C00, $0x38;
	[tilespmem:$0x1CF00] =	vst v63  }
0x1d: {  	_ =	swait.ge [sflag:s12], $0x1C00  }
0x1e: {  	[sflag:s12] =	ssyncset.done $0x0  }
0x1f: {  	s31 =	simm.s32 $0x18980;
	[sflag:s12] =	ssyncadd.s32 $0xFFFFE400  }
0x20: {  	v0 =	vld [tilespmem:s31+$0xFFFFFD80];
	_ =	sdelay $0x1  }
0x21: {  	v1 =	vld [tilespmem:s31+$0xFFFFFE00]  }
0x22: {  	v3 =	vld [tilespmem:s31+$0xFFFFFE80];
	_ =	sdelay $0x1  }
0x23: {  	v4 =	vld [tilespmem:s31+$0xFFFFFF00]  }
0x24: {  	v5 =	vld [tilespmem:s31+$0xFFFFFF80]  }
0x25: {  	v11 =	vld [tilespmem:s31+$0x0]  }
0x26: {  	v6 =	vld.idx.msk [tilespmem:v0+s4+$0x0], $0xffff  }
0x27: {  	v2 =	vld [tilespmem:s31+$0x80]  }
0x28: {  	v7 =	vld.idx.msk [tilespmem:v1+s4+$0x0], $0xffff  }
0x29: {  	v10 =	vld.idx.msk [tilespmem:v3+s4+$0x0], $0xffff  }
0x2a: {  	v0 =	vld [tilespmem:s31+$0x100]  }
0x2b: {  	v3 =	vimm.f32 $0.0e+00;
	v4 =	vld.idx.msk [tilespmem:v4+s4+$0x0], $0xffff;
	v1 =	vshll.u32 v6, $0x10;
	v6 =	vand.u32 $0xFFFF0000, v6  }
0x2c: {  	v5 =	vld.idx.msk [tilespmem:v5+s4+$0x0], $0xffff;
	v8 =	vadd.f32 v1, v3;
	v6 =	vadd.f32 v6, v3  }
0x2d: {  	v9 =	vand.u32 $0xFFFF0000, v7;
	v1 =	vld [tilespmem:s31+$0x180];
	v3 =	vshll.u32 v7, $0x10  }
0x2e: {  	v7 =	vadd.f32 v3, v8;
	v3 =	vld [tilespmem:s31+$0x200];
	v8 =	vadd.f32 v9, v6  }
0x2f: {  	s22 =	simm.s32 $0x18E80;
	s20 =	simm.s32 $0x0;
	v9 =	vshll.u32 v10, $0x10;
	v10 =	vand.u32 $0xFFFF0000, v10;
	v6 =	vld.idx.msk [tilespmem:v11+s4+$0x0], $0xffff  }
.LBB2_4:
0x30: {  	v11 =	vld [tilespmem:s22+$0xFFFFFD80];
	v7 =	vadd.f32 v9, v7;
	v8 =	vadd.f32 v10, v8  }
0x31: {  	s20 =	sadd.s32 $0xA, s20;
	v9 =	vshll.u32 v4, $0x10;
	v4 =	vand.u32 $0xFFFF0000, v4;
	v2 =	vld.idx.msk [tilespmem:v2+s4+$0x0], $0xffff  }
0x32: {  	p0 =	slt.u32 s20, $0x28;
	v10 =	vld [tilespmem:s22+$0xFFFFFE00];
	v7 =	vadd.f32 v9, v7;
	v4 =	vadd.f32 v4, v8  }
0x33: {  	v8 =	vshll.u32 v5, $0x10;
	v5 =	vand.u32 $0xFFFF0000, v5;
	v0 =	vld.idx.msk [tilespmem:v0+s4+$0x0], $0xffff  }
0x34: {  	v9 =	vld [tilespmem:s22+$0xFFFFFE80];
	v7 =	vadd.f32 v8, v7;
	v4 =	vadd.f32 v5, v4  }
0x35: {  	v5 =	vshll.u32 v6, $0x10;
	v6 =	vand.u32 $0xFFFF0000, v6;
	v1 =	vld.idx.msk [tilespmem:v1+s4+$0x0], $0xffff  }
0x36: {  	v8 =	vld [tilespmem:s22+$0xFFFFFF00];
	v5 =	vadd.f32 v5, v7;
	v4 =	vadd.f32 v6, v4  }
0x37: {  	v6 =	vshll.u32 v2, $0x10;
	v2 =	vand.u32 $0xFFFF0000, v2;
	v3 =	vld.idx.msk [tilespmem:v3+s4+$0x0], $0xffff  }
0x38: {  	v7 =	vld [tilespmem:s22+$0xFFFFFF80];
	v5 =	vadd.f32 v6, v5;
	v2 =	vadd.f32 v2, v4  }
0x39: {  	v6 =	vshll.u32 v0, $0x10;
	v0 =	vand.u32 $0xFFFF0000, v0;
	v4 =	vld.idx.msk [tilespmem:v11+s4+$0x0], $0xffff  }
0x3a: {  	v11 =	vld [tilespmem:s22+$0x0];
	v5 =	vadd.f32 v6, v5;
	v0 =	vadd.f32 v0, v2  }
0x3b: {  	v6 =	vld.idx.msk [tilespmem:v10+s4+$0x0], $0xffff;
	v10 =	vshll.u32 v1, $0x10;
	v1 =	vand.u32 $0xFFFF0000, v1  }
0x3c: {  	v2 =	vld [tilespmem:s22+$0x80];
	v5 =	vadd.f32 v10, v5;
	v1 =	vadd.f32 v1, v0  }
0x3d: {  	v10 =	vld.idx.msk [tilespmem:v9+s4+$0x0], $0xffff;
	v9 =	vshll.u32 v3, $0x10;
	v3 =	vand.u32 $0xFFFF0000, v3  }
0x3e: {  	v0 =	vld [tilespmem:s22+$0x100];
	v5 =	vadd.f32 v9, v5;
	v1 =	vadd.f32 v3, v1  }
.Ltmp0:
0x3f: {  	v3 =	vshll.u32 v4, $0x10;
	v9 =	vand.u32 $0xFFFF0000, v4;
	v4 =	vld.idx.msk [tilespmem:v8+s4+$0x0], $0xffff;
	(pc) =	sbr.rel @p0 .LBB2_4-.Ltmp0, $4  }
0x40: {  	v3 =	vadd.f32 v3, v5;
	v8 =	vadd.f32 v9, v1;
	v1 =	vld [tilespmem:s22+$0x180]  }
0x41: {  	v9 =	vshll.u32 v6, $0x10;
	v6 =	vand.u32 $0xFFFF0000, v6;
	v5 =	vld.idx.msk [tilespmem:v7+s4+$0x0], $0xffff  }
0x42: {  	v7 =	vadd.f32 v9, v3;
	v8 =	vadd.f32 v6, v8;
	v3 =	vld [tilespmem:s22+$0x200]  }
0x43: {  	v9 =	vshll.u32 v10, $0x10;
	v10 =	vand.u32 $0xFFFF0000, v10;
	s22 =	sadd.s32 $0x500, s22;
	v6 =	vld.idx.msk [tilespmem:v11+s4+$0x0], $0xffff  }
0x44: {  	_ =	sdelay $0x1  }
0x45: {  	v7 =	vadd.f32 v9, v7  }
0x46: {  	v8 =	vadd.f32 v10, v8;
	v9 =	vshll.u32 v4, $0x10  }
0x47: {  	v4 =	vand.u32 $0xFFFF0000, v4;
	v2 =	vld.idx.msk [tilespmem:v2+s4+$0x0], $0xffff;
	v7 =	vadd.f32 v9, v7  }
0x48: {  	v4 =	vadd.f32 v4, v8;
	v8 =	vshll.u32 v5, $0x10  }
0x49: {  	v0 =	vld.idx.msk [tilespmem:v0+s4+$0x0], $0xffff;
	v5 =	vand.u32 $0xFFFF0000, v5;
	v7 =	vadd.f32 v8, v7  }
0x4a: {  	v4 =	vadd.f32 v5, v4;
	v5 =	vshll.u32 v6, $0x10  }
0x4b: {  	v1 =	vld.idx.msk [tilespmem:v1+s4+$0x0], $0xffff;
	v6 =	vand.u32 $0xFFFF0000, v6;
	v5 =	vadd.f32 v5, v7  }
0x4c: {  	v4 =	vadd.f32 v6, v4;
	v6 =	vshll.u32 v2, $0x10  }
0x4d: {  	v3 =	vld.idx.msk [tilespmem:v3+s4+$0x0], $0xffff;
	v2 =	vand.u32 $0xFFFF0000, v2;
	v5 =	vadd.f32 v6, v5  }
0x4e: {  	v2 =	vadd.f32 v2, v4;
	v4 =	vshll.u32 v0, $0x10  }
0x4f: {  	v0 =	vand.u32 $0xFFFF0000, v0;
	v4 =	vadd.f32 v4, v5  }
0x50: {  	v0 =	vadd.f32 v0, v2;
	v2 =	vshll.u32 v1, $0x10  }
0x51: {  	v1 =	vand.u32 $0xFFFF0000, v1;
	v2 =	vadd.f32 v2, v4  }
0x52: {  	v0 =	vadd.f32 v1, v0;
	v1 =	vshll.u32 v3, $0x10  }
0x53: {  	s20 =	sshll.u32 s16, $0x8;
	v3 =	vand.u32 $0xFFFF0000, v3;
	v1 =	vadd.f32 v1, v2  }
0x54: {  	s22 =	sand.u32 $0x700, s20;
	v0 =	vadd.f32 v3, v0  }
0x55: {  	[tilespmem:s22+$0x1BF00] =	vst v1  }
0x56: {  	s23 =	simm.s32 $0x18990;
	[tilespmem:s22+$0x1C700] =	vst v0  }
0x57: {  	v0 =	vld [tilespmem:s23+$0xFFFFFD80];
	_ =	sdelay $0x1  }
0x58: {  	v1 =	vld [tilespmem:s23+$0xFFFFFE00]  }
0x59: {  	v3 =	vld [tilespmem:s23+$0xFFFFFE80];
	_ =	sdelay $0x1  }
0x5a: {  	v4 =	vld [tilespmem:s23+$0xFFFFFF00]  }
0x5b: {  	v5 =	vld [tilespmem:s23+$0xFFFFFF80]  }
0x5c: {  	v11 =	vld [tilespmem:s23+$0x0]  }
0x5d: {  	v6 =	vld.idx.msk [tilespmem:v0+s4+$0x0], $0xffff  }
0x5e: {  	v2 =	vld [tilespmem:s23+$0x80]  }
0x5f: {  	v7 =	vld.idx.msk [tilespmem:v1+s4+$0x0], $0xffff  }
0x60: {  	v10 =	vld.idx.msk [tilespmem:v3+s4+$0x0], $0xffff  }
0x61: {  	v0 =	vld [tilespmem:s23+$0x100]  }
0x62: {  	v3 =	vimm.f32 $0.0e+00;
	v4 =	vld.idx.msk [tilespmem:v4+s4+$0x0], $0xffff;
	v1 =	vshll.u32 v6, $0x10;
	v6 =	vand.u32 $0xFFFF0000, v6  }
0x63: {  	v5 =	vld.idx.msk [tilespmem:v5+s4+$0x0], $0xffff;
	v8 =	vadd.f32 v1, v3;
	v6 =	vadd.f32 v6, v3  }
0x64: {  	v9 =	vand.u32 $0xFFFF0000, v7;
	v1 =	vld [tilespmem:s23+$0x180];
	v3 =	vshll.u32 v7, $0x10  }
0x65: {  	v7 =	vadd.f32 v3, v8;
	v3 =	vld [tilespmem:s23+$0x200];
	v8 =	vadd.f32 v9, v6  }
0x66: {  	s24 =	simm.s32 $0x18E90;
	s23 =	simm.s32 $0x0;
	v9 =	vshll.u32 v10, $0x10;
	v10 =	vand.u32 $0xFFFF0000, v10;
	v6 =	vld.idx.msk [tilespmem:v11+s4+$0x0], $0xffff  }
.LBB2_6:
0x67: {  	v11 =	vld [tilespmem:s24+$0xFFFFFD80];
	v7 =	vadd.f32 v9, v7;
	v8 =	vadd.f32 v10, v8  }
0x68: {  	s23 =	sadd.s32 $0xA, s23;
	v9 =	vshll.u32 v4, $0x10;
	v4 =	vand.u32 $0xFFFF0000, v4;
	v2 =	vld.idx.msk [tilespmem:v2+s4+$0x0], $0xffff  }
0x69: {  	p0 =	slt.u32 s23, $0x28;
	v10 =	vld [tilespmem:s24+$0xFFFFFE00];
	v7 =	vadd.f32 v9, v7;
	v4 =	vadd.f32 v4, v8  }
0x6a: {  	v8 =	vshll.u32 v5, $0x10;
	v5 =	vand.u32 $0xFFFF0000, v5;
	v0 =	vld.idx.msk [tilespmem:v0+s4+$0x0], $0xffff  }
0x6b: {  	v9 =	vld [tilespmem:s24+$0xFFFFFE80];
	v7 =	vadd.f32 v8, v7;
	v4 =	vadd.f32 v5, v4  }
0x6c: {  	v5 =	vshll.u32 v6, $0x10;
	v6 =	vand.u32 $0xFFFF0000, v6;
	v1 =	vld.idx.msk [tilespmem:v1+s4+$0x0], $0xffff  }
0x6d: {  	v8 =	vld [tilespmem:s24+$0xFFFFFF00];
	v5 =	vadd.f32 v5, v7;
	v4 =	vadd.f32 v6, v4  }
0x6e: {  	v6 =	vshll.u32 v2, $0x10;
	v2 =	vand.u32 $0xFFFF0000, v2;
	v3 =	vld.idx.msk [tilespmem:v3+s4+$0x0], $0xffff  }
0x6f: {  	v7 =	vld [tilespmem:s24+$0xFFFFFF80];
	v5 =	vadd.f32 v6, v5;
	v2 =	vadd.f32 v2, v4  }
0x70: {  	v6 =	vshll.u32 v0, $0x10;
	v0 =	vand.u32 $0xFFFF0000, v0;
	v4 =	vld.idx.msk [tilespmem:v11+s4+$0x0], $0xffff  }
0x71: {  	v11 =	vld [tilespmem:s24+$0x0];
	v5 =	vadd.f32 v6, v5;
	v0 =	vadd.f32 v0, v2  }
0x72: {  	v6 =	vld.idx.msk [tilespmem:v10+s4+$0x0], $0xffff;
	v10 =	vshll.u32 v1, $0x10;
	v1 =	vand.u32 $0xFFFF0000, v1  }
0x73: {  	v2 =	vld [tilespmem:s24+$0x80];
	v5 =	vadd.f32 v10, v5;
	v1 =	vadd.f32 v1, v0  }
0x74: {  	v10 =	vld.idx.msk [tilespmem:v9+s4+$0x0], $0xffff;
	v9 =	vshll.u32 v3, $0x10;
	v3 =	vand.u32 $0xFFFF0000, v3  }
0x75: {  	v0 =	vld [tilespmem:s24+$0x100];
	v5 =	vadd.f32 v9, v5;
	v1 =	vadd.f32 v3, v1  }
.Ltmp1:
0x76: {  	v3 =	vshll.u32 v4, $0x10;
	v9 =	vand.u32 $0xFFFF0000, v4;
	v4 =	vld.idx.msk [tilespmem:v8+s4+$0x0], $0xffff;
	(pc) =	sbr.rel @p0 .LBB2_6-.Ltmp1, $4  }
0x77: {  	v3 =	vadd.f32 v3, v5;
	v8 =	vadd.f32 v9, v1;
	v1 =	vld [tilespmem:s24+$0x180]  }
0x78: {  	v9 =	vshll.u32 v6, $0x10;
	v6 =	vand.u32 $0xFFFF0000, v6;
	v5 =	vld.idx.msk [tilespmem:v7+s4+$0x0], $0xffff  }
0x79: {  	v7 =	vadd.f32 v9, v3;
	v8 =	vadd.f32 v6, v8;
	v3 =	vld [tilespmem:s24+$0x200]  }
0x7a: {  	v9 =	vshll.u32 v10, $0x10;
	v10 =	vand.u32 $0xFFFF0000, v10;
	s24 =	sadd.s32 $0x500, s24;
	v6 =	vld.idx.msk [tilespmem:v11+s4+$0x0], $0xffff  }
0x7b: {  	_ =	sdelay $0x1  }
0x7c: {  	v7 =	vadd.f32 v9, v7  }
0x7d: {  	v8 =	vadd.f32 v10, v8;
	v9 =	vshll.u32 v4, $0x10  }
0x7e: {  	v4 =	vand.u32 $0xFFFF0000, v4;
	v2 =	vld.idx.msk [tilespmem:v2+s4+$0x0], $0xffff;
	v7 =	vadd.f32 v9, v7  }
0x7f: {  	v4 =	vadd.f32 v4, v8;
	v8 =	vshll.u32 v5, $0x10  }
0x80: {  	v0 =	vld.idx.msk [tilespmem:v0+s4+$0x0], $0xffff;
	v5 =	vand.u32 $0xFFFF0000, v5;
	v7 =	vadd.f32 v8, v7  }
0x81: {  	v4 =	vadd.f32 v5, v4;
	v5 =	vshll.u32 v6, $0x10  }
0x82: {  	v1 =	vld.idx.msk [tilespmem:v1+s4+$0x0], $0xffff;
	v6 =	vand.u32 $0xFFFF0000, v6;
	v5 =	vadd.f32 v5, v7  }
0x83: {  	v4 =	vadd.f32 v6, v4;
	v6 =	vshll.u32 v2, $0x10  }
0x84: {  	v3 =	vld.idx.msk [tilespmem:v3+s4+$0x0], $0xffff;
	v2 =	vand.u32 $0xFFFF0000, v2;
	v5 =	vadd.f32 v6, v5  }
0x85: {  	v2 =	vadd.f32 v2, v4;
	v4 =	vshll.u32 v0, $0x10  }
0x86: {  	v0 =	vand.u32 $0xFFFF0000, v0;
	v4 =	vadd.f32 v4, v5  }
0x87: {  	v0 =	vadd.f32 v0, v2;
	v2 =	vshll.u32 v1, $0x10  }
0x88: {  	v1 =	vand.u32 $0xFFFF0000, v1;
	v2 =	vadd.f32 v2, v4  }
0x89: {  	v0 =	vadd.f32 v1, v0;
	v1 =	vshll.u32 v3, $0x10  }
0x8a: {  	v3 =	vand.u32 $0xFFFF0000, v3;
	v1 =	vadd.f32 v1, v2  }
0x8b: {  	v0 =	vadd.f32 v3, v0  }
0x8c: {  	[tilespmem:s22+$0x1BF10] =	vst v1  }
0x8d: {  	s23 =	simm.s32 $0x189A0;
	[tilespmem:s22+$0x1C710] =	vst v0  }
0x8e: {  	v0 =	vld [tilespmem:s23+$0xFFFFFD80];
	_ =	sdelay $0x1  }
0x8f: {  	v1 =	vld [tilespmem:s23+$0xFFFFFE00]  }
0x90: {  	v3 =	vld [tilespmem:s23+$0xFFFFFE80];
	_ =	sdelay $0x1  }
0x91: {  	v4 =	vld [tilespmem:s23+$0xFFFFFF00]  }
0x92: {  	v5 =	vld [tilespmem:s23+$0xFFFFFF80]  }
0x93: {  	v11 =	vld [tilespmem:s23+$0x0]  }
0x94: {  	v6 =	vld.idx.msk [tilespmem:v0+s4+$0x0], $0xffff  }
0x95: {  	v2 =	vld [tilespmem:s23+$0x80]  }
0x96: {  	v7 =	vld.idx.msk [tilespmem:v1+s4+$0x0], $0xffff  }
0x97: {  	v10 =	vld.idx.msk [tilespmem:v3+s4+$0x0], $0xffff  }
0x98: {  	v0 =	vld [tilespmem:s23+$0x100]  }
0x99: {  	v3 =	vimm.f32 $0.0e+00;
	v4 =	vld.idx.msk [tilespmem:v4+s4+$0x0], $0xffff;
	v1 =	vshll.u32 v6, $0x10;
	v6 =	vand.u32 $0xFFFF0000, v6  }
0x9a: {  	v5 =	vld.idx.msk [tilespmem:v5+s4+$0x0], $0xffff;
	v8 =	vadd.f32 v1, v3;
	v6 =	vadd.f32 v6, v3  }
0x9b: {  	v9 =	vand.u32 $0xFFFF0000, v7;
	v1 =	vld [tilespmem:s23+$0x180];
	v3 =	vshll.u32 v7, $0x10  }
0x9c: {  	v7 =	vadd.f32 v3, v8;
	v3 =	vld [tilespmem:s23+$0x200];
	v8 =	vadd.f32 v9, v6  }
0x9d: {  	s24 =	simm.s32 $0x18EA0;
	s23 =	simm.s32 $0x0;
	v9 =	vshll.u32 v10, $0x10;
	v10 =	vand.u32 $0xFFFF0000, v10;
	v6 =	vld.idx.msk [tilespmem:v11+s4+$0x0], $0xffff  }
.LBB2_8:
0x9e: {  	v11 =	vld [tilespmem:s24+$0xFFFFFD80];
	v7 =	vadd.f32 v9, v7;
	v8 =	vadd.f32 v10, v8  }
0x9f: {  	s23 =	sadd.s32 $0xA, s23;
	v9 =	vshll.u32 v4, $0x10;
	v4 =	vand.u32 $0xFFFF0000, v4;
	v2 =	vld.idx.msk [tilespmem:v2+s4+$0x0], $0xffff  }
0xa0: {  	p0 =	slt.u32 s23, $0x28;
	v10 =	vld [tilespmem:s24+$0xFFFFFE00];
	v7 =	vadd.f32 v9, v7;
	v4 =	vadd.f32 v4, v8  }
0xa1: {  	v8 =	vshll.u32 v5, $0x10;
	v5 =	vand.u32 $0xFFFF0000, v5;
	v0 =	vld.idx.msk [tilespmem:v0+s4+$0x0], $0xffff  }
0xa2: {  	v9 =	vld [tilespmem:s24+$0xFFFFFE80];
	v7 =	vadd.f32 v8, v7;
	v4 =	vadd.f32 v5, v4  }
0xa3: {  	v5 =	vshll.u32 v6, $0x10;
	v6 =	vand.u32 $0xFFFF0000, v6;
	v1 =	vld.idx.msk [tilespmem:v1+s4+$0x0], $0xffff  }
0xa4: {  	v8 =	vld [tilespmem:s24+$0xFFFFFF00];
	v5 =	vadd.f32 v5, v7;
	v4 =	vadd.f32 v6, v4  }
0xa5: {  	v6 =	vshll.u32 v2, $0x10;
	v2 =	vand.u32 $0xFFFF0000, v2;
	v3 =	vld.idx.msk [tilespmem:v3+s4+$0x0], $0xffff  }
0xa6: {  	v7 =	vld [tilespmem:s24+$0xFFFFFF80];
	v5 =	vadd.f32 v6, v5;
	v2 =	vadd.f32 v2, v4  }
0xa7: {  	v6 =	vshll.u32 v0, $0x10;
	v0 =	vand.u32 $0xFFFF0000, v0;
	v4 =	vld.idx.msk [tilespmem:v11+s4+$0x0], $0xffff  }
0xa8: {  	v11 =	vld [tilespmem:s24+$0x0];
	v5 =	vadd.f32 v6, v5;
	v0 =	vadd.f32 v0, v2  }
0xa9: {  	v6 =	vld.idx.msk [tilespmem:v10+s4+$0x0], $0xffff;
	v10 =	vshll.u32 v1, $0x10;
	v1 =	vand.u32 $0xFFFF0000, v1  }
0xaa: {  	v2 =	vld [tilespmem:s24+$0x80];
	v5 =	vadd.f32 v10, v5;
	v1 =	vadd.f32 v1, v0  }
0xab: {  	v10 =	vld.idx.msk [tilespmem:v9+s4+$0x0], $0xffff;
	v9 =	vshll.u32 v3, $0x10;
	v3 =	vand.u32 $0xFFFF0000, v3  }
0xac: {  	v0 =	vld [tilespmem:s24+$0x100];
	v5 =	vadd.f32 v9, v5;
	v1 =	vadd.f32 v3, v1  }
.Ltmp2:
0xad: {  	v3 =	vshll.u32 v4, $0x10;
	v9 =	vand.u32 $0xFFFF0000, v4;
	v4 =	vld.idx.msk [tilespmem:v8+s4+$0x0], $0xffff;
	(pc) =	sbr.rel @p0 .LBB2_8-.Ltmp2, $4  }
0xae: {  	v3 =	vadd.f32 v3, v5;
	v8 =	vadd.f32 v9, v1;
	v1 =	vld [tilespmem:s24+$0x180]  }
0xaf: {  	v9 =	vshll.u32 v6, $0x10;
	v6 =	vand.u32 $0xFFFF0000, v6;
	v5 =	vld.idx.msk [tilespmem:v7+s4+$0x0], $0xffff  }
0xb0: {  	v7 =	vadd.f32 v9, v3;
	v8 =	vadd.f32 v6, v8;
	v3 =	vld [tilespmem:s24+$0x200]  }
0xb1: {  	v9 =	vshll.u32 v10, $0x10;
	v10 =	vand.u32 $0xFFFF0000, v10;
	s24 =	sadd.s32 $0x500, s24;
	v6 =	vld.idx.msk [tilespmem:v11+s4+$0x0], $0xffff  }
0xb2: {  	_ =	sdelay $0x1  }
0xb3: {  	v7 =	vadd.f32 v9, v7  }
0xb4: {  	v8 =	vadd.f32 v10, v8;
	v9 =	vshll.u32 v4, $0x10  }
0xb5: {  	v4 =	vand.u32 $0xFFFF0000, v4;
	v2 =	vld.idx.msk [tilespmem:v2+s4+$0x0], $0xffff;
	v7 =	vadd.f32 v9, v7  }
0xb6: {  	v4 =	vadd.f32 v4, v8;
	v8 =	vshll.u32 v5, $0x10  }
0xb7: {  	v0 =	vld.idx.msk [tilespmem:v0+s4+$0x0], $0xffff;
	v5 =	vand.u32 $0xFFFF0000, v5;
	v7 =	vadd.f32 v8, v7  }
0xb8: {  	v4 =	vadd.f32 v5, v4;
	v5 =	vshll.u32 v6, $0x10  }
0xb9: {  	v1 =	vld.idx.msk [tilespmem:v1+s4+$0x0], $0xffff;
	v6 =	vand.u32 $0xFFFF0000, v6;
	v5 =	vadd.f32 v5, v7  }
0xba: {  	v4 =	vadd.f32 v6, v4;
	v6 =	vshll.u32 v2, $0x10  }
0xbb: {  	v3 =	vld.idx.msk [tilespmem:v3+s4+$0x0], $0xffff;
	v2 =	vand.u32 $0xFFFF0000, v2;
	v5 =	vadd.f32 v6, v5  }
0xbc: {  	v2 =	vadd.f32 v2, v4;
	v4 =	vshll.u32 v0, $0x10  }
0xbd: {  	v0 =	vand.u32 $0xFFFF0000, v0;
	v4 =	vadd.f32 v4, v5  }
0xbe: {  	v0 =	vadd.f32 v0, v2;
	v2 =	vshll.u32 v1, $0x10  }
0xbf: {  	v1 =	vand.u32 $0xFFFF0000, v1;
	v2 =	vadd.f32 v2, v4  }
0xc0: {  	v0 =	vadd.f32 v1, v0;
	v1 =	vshll.u32 v3, $0x10  }
0xc1: {  	v3 =	vand.u32 $0xFFFF0000, v3;
	v1 =	vadd.f32 v1, v2  }
0xc2: {  	v0 =	vadd.f32 v3, v0  }
0xc3: {  	[tilespmem:s22+$0x1BF20] =	vst v1  }
0xc4: {  	s23 =	simm.s32 $0x189B0;
	[tilespmem:s22+$0x1C720] =	vst v0  }
0xc5: {  	v0 =	vld [tilespmem:s23+$0xFFFFFD80];
	_ =	sdelay $0x1  }
0xc6: {  	v1 =	vld [tilespmem:s23+$0xFFFFFE00]  }
0xc7: {  	v3 =	vld [tilespmem:s23+$0xFFFFFE80];
	_ =	sdelay $0x1  }
0xc8: {  	v4 =	vld [tilespmem:s23+$0xFFFFFF00]  }
0xc9: {  	v5 =	vld [tilespmem:s23+$0xFFFFFF80]  }
0xca: {  	v11 =	vld [tilespmem:s23+$0x0]  }
0xcb: {  	v6 =	vld.idx.msk [tilespmem:v0+s4+$0x0], $0xffff  }
0xcc: {  	v2 =	vld [tilespmem:s23+$0x80]  }
0xcd: {  	v7 =	vld.idx.msk [tilespmem:v1+s4+$0x0], $0xffff  }
0xce: {  	v10 =	vld.idx.msk [tilespmem:v3+s4+$0x0], $0xffff  }
0xcf: {  	v0 =	vld [tilespmem:s23+$0x100]  }
0xd0: {  	v3 =	vimm.f32 $0.0e+00;
	v4 =	vld.idx.msk [tilespmem:v4+s4+$0x0], $0xffff;
	v1 =	vshll.u32 v6, $0x10;
	v6 =	vand.u32 $0xFFFF0000, v6  }
0xd1: {  	v5 =	vld.idx.msk [tilespmem:v5+s4+$0x0], $0xffff;
	v8 =	vadd.f32 v1, v3;
	v6 =	vadd.f32 v6, v3  }
0xd2: {  	v9 =	vand.u32 $0xFFFF0000, v7;
	v1 =	vld [tilespmem:s23+$0x180];
	v3 =	vshll.u32 v7, $0x10  }
0xd3: {  	v7 =	vadd.f32 v3, v8;
	v3 =	vld [tilespmem:s23+$0x200];
	v8 =	vadd.f32 v9, v6  }
0xd4: {  	s24 =	simm.s32 $0x18EB0;
	s23 =	simm.s32 $0x0;
	v9 =	vshll.u32 v10, $0x10;
	v10 =	vand.u32 $0xFFFF0000, v10;
	v6 =	vld.idx.msk [tilespmem:v11+s4+$0x0], $0xffff  }
.LBB2_10:
0xd5: {  	v11 =	vld [tilespmem:s24+$0xFFFFFD80];
	v7 =	vadd.f32 v9, v7;
	v8 =	vadd.f32 v10, v8  }
0xd6: {  	s23 =	sadd.s32 $0xA, s23;
	v9 =	vshll.u32 v4, $0x10;
	v4 =	vand.u32 $0xFFFF0000, v4;
	v2 =	vld.idx.msk [tilespmem:v2+s4+$0x0], $0xffff  }
0xd7: {  	p0 =	slt.u32 s23, $0x28;
	v10 =	vld [tilespmem:s24+$0xFFFFFE00];
	v7 =	vadd.f32 v9, v7;
	v4 =	vadd.f32 v4, v8  }
0xd8: {  	v8 =	vshll.u32 v5, $0x10;
	v5 =	vand.u32 $0xFFFF0000, v5;
	v0 =	vld.idx.msk [tilespmem:v0+s4+$0x0], $0xffff  }
0xd9: {  	v9 =	vld [tilespmem:s24+$0xFFFFFE80];
	v7 =	vadd.f32 v8, v7;
	v4 =	vadd.f32 v5, v4  }
0xda: {  	v5 =	vshll.u32 v6, $0x10;
	v6 =	vand.u32 $0xFFFF0000, v6;
	v1 =	vld.idx.msk [tilespmem:v1+s4+$0x0], $0xffff  }
0xdb: {  	v8 =	vld [tilespmem:s24+$0xFFFFFF00];
	v5 =	vadd.f32 v5, v7;
	v4 =	vadd.f32 v6, v4  }
0xdc: {  	v6 =	vshll.u32 v2, $0x10;
	v2 =	vand.u32 $0xFFFF0000, v2;
	v3 =	vld.idx.msk [tilespmem:v3+s4+$0x0], $0xffff  }
0xdd: {  	v7 =	vld [tilespmem:s24+$0xFFFFFF80];
	v5 =	vadd.f32 v6, v5;
	v2 =	vadd.f32 v2, v4  }
0xde: {  	v6 =	vshll.u32 v0, $0x10;
	v0 =	vand.u32 $0xFFFF0000, v0;
	v4 =	vld.idx.msk [tilespmem:v11+s4+$0x0], $0xffff  }
0xdf: {  	v11 =	vld [tilespmem:s24+$0x0];
	v5 =	vadd.f32 v6, v5;
	v0 =	vadd.f32 v0, v2  }
0xe0: {  	v6 =	vld.idx.msk [tilespmem:v10+s4+$0x0], $0xffff;
	v10 =	vshll.u32 v1, $0x10;
	v1 =	vand.u32 $0xFFFF0000, v1  }
0xe1: {  	v2 =	vld [tilespmem:s24+$0x80];
	v5 =	vadd.f32 v10, v5;
	v1 =	vadd.f32 v1, v0  }
0xe2: {  	v10 =	vld.idx.msk [tilespmem:v9+s4+$0x0], $0xffff;
	v9 =	vshll.u32 v3, $0x10;
	v3 =	vand.u32 $0xFFFF0000, v3  }
0xe3: {  	v0 =	vld [tilespmem:s24+$0x100];
	v5 =	vadd.f32 v9, v5;
	v1 =	vadd.f32 v3, v1  }
.Ltmp3:
0xe4: {  	v3 =	vshll.u32 v4, $0x10;
	v9 =	vand.u32 $0xFFFF0000, v4;
	v4 =	vld.idx.msk [tilespmem:v8+s4+$0x0], $0xffff;
	(pc) =	sbr.rel @p0 .LBB2_10-.Ltmp3, $4  }
0xe5: {  	v3 =	vadd.f32 v3, v5;
	v8 =	vadd.f32 v9, v1;
	v1 =	vld [tilespmem:s24+$0x180]  }
0xe6: {  	v9 =	vshll.u32 v6, $0x10;
	v6 =	vand.u32 $0xFFFF0000, v6;
	v5 =	vld.idx.msk [tilespmem:v7+s4+$0x0], $0xffff  }
0xe7: {  	v7 =	vadd.f32 v9, v3;
	v8 =	vadd.f32 v6, v8;
	v3 =	vld [tilespmem:s24+$0x200]  }
0xe8: {  	v9 =	vshll.u32 v10, $0x10;
	v10 =	vand.u32 $0xFFFF0000, v10;
	s24 =	sadd.s32 $0x500, s24;
	v6 =	vld.idx.msk [tilespmem:v11+s4+$0x0], $0xffff  }
0xe9: {  	_ =	sdelay $0x1  }
0xea: {  	v7 =	vadd.f32 v9, v7  }
0xeb: {  	v8 =	vadd.f32 v10, v8;
	v9 =	vshll.u32 v4, $0x10  }
0xec: {  	v4 =	vand.u32 $0xFFFF0000, v4;
	v2 =	vld.idx.msk [tilespmem:v2+s4+$0x0], $0xffff;
	v7 =	vadd.f32 v9, v7  }
0xed: {  	v4 =	vadd.f32 v4, v8;
	v8 =	vshll.u32 v5, $0x10  }
0xee: {  	v0 =	vld.idx.msk [tilespmem:v0+s4+$0x0], $0xffff;
	v5 =	vand.u32 $0xFFFF0000, v5;
	v7 =	vadd.f32 v8, v7  }
0xef: {  	v4 =	vadd.f32 v5, v4;
	v5 =	vshll.u32 v6, $0x10  }
0xf0: {  	v1 =	vld.idx.msk [tilespmem:v1+s4+$0x0], $0xffff;
	v6 =	vand.u32 $0xFFFF0000, v6;
	v5 =	vadd.f32 v5, v7  }
0xf1: {  	v4 =	vadd.f32 v6, v4;
	v6 =	vshll.u32 v2, $0x10  }
0xf2: {  	v3 =	vld.idx.msk [tilespmem:v3+s4+$0x0], $0xffff;
	v2 =	vand.u32 $0xFFFF0000, v2;
	v5 =	vadd.f32 v6, v5  }
0xf3: {  	v2 =	vadd.f32 v2, v4;
	v4 =	vshll.u32 v0, $0x10  }
0xf4: {  	v0 =	vand.u32 $0xFFFF0000, v0;
	v4 =	vadd.f32 v4, v5  }
0xf5: {  	v0 =	vadd.f32 v0, v2;
	v2 =	vshll.u32 v1, $0x10  }
0xf6: {  	v1 =	vand.u32 $0xFFFF0000, v1;
	v2 =	vadd.f32 v2, v4  }
0xf7: {  	v0 =	vadd.f32 v1, v0;
	v1 =	vshll.u32 v3, $0x10  }
0xf8: {  	v3 =	vand.u32 $0xFFFF0000, v3;
	v1 =	vadd.f32 v1, v2  }
0xf9: {  	v0 =	vadd.f32 v3, v0  }
0xfa: {  	[tilespmem:s22+$0x1BF30] =	vst v1  }
0xfb: {  	s23 =	simm.s32 $0x189C0;
	[tilespmem:s22+$0x1C730] =	vst v0  }
0xfc: {  	v0 =	vld [tilespmem:s23+$0xFFFFFD80];
	_ =	sdelay $0x1  }
0xfd: {  	v1 =	vld [tilespmem:s23+$0xFFFFFE00]  }
0xfe: {  	v3 =	vld [tilespmem:s23+$0xFFFFFE80];
	_ =	sdelay $0x1  }
0xff: {  	v4 =	vld [tilespmem:s23+$0xFFFFFF00]  }
0x100: {  	v5 =	vld [tilespmem:s23+$0xFFFFFF80]  }
0x101: {  	v11 =	vld [tilespmem:s23+$0x0]  }
0x102: {  	v6 =	vld.idx.msk [tilespmem:v0+s4+$0x0], $0xffff  }
0x103: {  	v2 =	vld [tilespmem:s23+$0x80]  }
0x104: {  	v7 =	vld.idx.msk [tilespmem:v1+s4+$0x0], $0xffff  }
0x105: {  	v10 =	vld.idx.msk [tilespmem:v3+s4+$0x0], $0xffff  }
0x106: {  	v0 =	vld [tilespmem:s23+$0x100]  }
0x107: {  	v3 =	vimm.f32 $0.0e+00;
	v4 =	vld.idx.msk [tilespmem:v4+s4+$0x0], $0xffff;
	v1 =	vshll.u32 v6, $0x10;
	v6 =	vand.u32 $0xFFFF0000, v6  }
0x108: {  	v5 =	vld.idx.msk [tilespmem:v5+s4+$0x0], $0xffff;
	v8 =	vadd.f32 v1, v3;
	v6 =	vadd.f32 v6, v3  }
0x109: {  	v9 =	vand.u32 $0xFFFF0000, v7;
	v1 =	vld [tilespmem:s23+$0x180];
	v3 =	vshll.u32 v7, $0x10  }
0x10a: {  	v7 =	vadd.f32 v3, v8;
	v3 =	vld [tilespmem:s23+$0x200];
	v8 =	vadd.f32 v9, v6  }
0x10b: {  	s24 =	simm.s32 $0x18EC0;
	s23 =	simm.s32 $0x0;
	v9 =	vshll.u32 v10, $0x10;
	v10 =	vand.u32 $0xFFFF0000, v10;
	v6 =	vld.idx.msk [tilespmem:v11+s4+$0x0], $0xffff  }
.LBB2_12:
0x10c: {  	v11 =	vld [tilespmem:s24+$0xFFFFFD80];
	v7 =	vadd.f32 v9, v7;
	v8 =	vadd.f32 v10, v8  }
0x10d: {  	s23 =	sadd.s32 $0xA, s23;
	v9 =	vshll.u32 v4, $0x10;
	v4 =	vand.u32 $0xFFFF0000, v4;
	v2 =	vld.idx.msk [tilespmem:v2+s4+$0x0], $0xffff  }
0x10e: {  	p0 =	slt.u32 s23, $0x28;
	v10 =	vld [tilespmem:s24+$0xFFFFFE00];
	v7 =	vadd.f32 v9, v7;
	v4 =	vadd.f32 v4, v8  }
0x10f: {  	v8 =	vshll.u32 v5, $0x10;
	v5 =	vand.u32 $0xFFFF0000, v5;
	v0 =	vld.idx.msk [tilespmem:v0+s4+$0x0], $0xffff  }
0x110: {  	v9 =	vld [tilespmem:s24+$0xFFFFFE80];
	v7 =	vadd.f32 v8, v7;
	v4 =	vadd.f32 v5, v4  }
0x111: {  	v5 =	vshll.u32 v6, $0x10;
	v6 =	vand.u32 $0xFFFF0000, v6;
	v1 =	vld.idx.msk [tilespmem:v1+s4+$0x0], $0xffff  }
0x112: {  	v8 =	vld [tilespmem:s24+$0xFFFFFF00];
	v5 =	vadd.f32 v5, v7;
	v4 =	vadd.f32 v6, v4  }
0x113: {  	v6 =	vshll.u32 v2, $0x10;
	v2 =	vand.u32 $0xFFFF0000, v2;
	v3 =	vld.idx.msk [tilespmem:v3+s4+$0x0], $0xffff  }
0x114: {  	v7 =	vld [tilespmem:s24+$0xFFFFFF80];
	v5 =	vadd.f32 v6, v5;
	v2 =	vadd.f32 v2, v4  }
0x115: {  	v6 =	vshll.u32 v0, $0x10;
	v0 =	vand.u32 $0xFFFF0000, v0;
	v4 =	vld.idx.msk [tilespmem:v11+s4+$0x0], $0xffff  }
0x116: {  	v11 =	vld [tilespmem:s24+$0x0];
	v5 =	vadd.f32 v6, v5;
	v0 =	vadd.f32 v0, v2  }
0x117: {  	v6 =	vld.idx.msk [tilespmem:v10+s4+$0x0], $0xffff;
	v10 =	vshll.u32 v1, $0x10;
	v1 =	vand.u32 $0xFFFF0000, v1  }
0x118: {  	v2 =	vld [tilespmem:s24+$0x80];
	v5 =	vadd.f32 v10, v5;
	v1 =	vadd.f32 v1, v0  }
0x119: {  	v10 =	vld.idx.msk [tilespmem:v9+s4+$0x0], $0xffff;
	v9 =	vshll.u32 v3, $0x10;
	v3 =	vand.u32 $0xFFFF0000, v3  }
0x11a: {  	v0 =	vld [tilespmem:s24+$0x100];
	v5 =	vadd.f32 v9, v5;
	v1 =	vadd.f32 v3, v1  }
.Ltmp4:
0x11b: {  	v3 =	vshll.u32 v4, $0x10;
	v9 =	vand.u32 $0xFFFF0000, v4;
	v4 =	vld.idx.msk [tilespmem:v8+s4+$0x0], $0xffff;
	(pc) =	sbr.rel @p0 .LBB2_12-.Ltmp4, $4  }
0x11c: {  	v3 =	vadd.f32 v3, v5;
	v8 =	vadd.f32 v9, v1;
	v1 =	vld [tilespmem:s24+$0x180]  }
0x11d: {  	v9 =	vshll.u32 v6, $0x10;
	v6 =	vand.u32 $0xFFFF0000, v6;
	v5 =	vld.idx.msk [tilespmem:v7+s4+$0x0], $0xffff  }
0x11e: {  	v7 =	vadd.f32 v9, v3;
	v8 =	vadd.f32 v6, v8;
	v3 =	vld [tilespmem:s24+$0x200]  }
0x11f: {  	v9 =	vshll.u32 v10, $0x10;
	v10 =	vand.u32 $0xFFFF0000, v10;
	s24 =	sadd.s32 $0x500, s24;
	v6 =	vld.idx.msk [tilespmem:v11+s4+$0x0], $0xffff  }
0x120: {  	_ =	sdelay $0x1  }
0x121: {  	v7 =	vadd.f32 v9, v7  }
0x122: {  	v8 =	vadd.f32 v10, v8;
	v9 =	vshll.u32 v4, $0x10  }
0x123: {  	v4 =	vand.u32 $0xFFFF0000, v4;
	v2 =	vld.idx.msk [tilespmem:v2+s4+$0x0], $0xffff;
	v7 =	vadd.f32 v9, v7  }
0x124: {  	v4 =	vadd.f32 v4, v8;
	v8 =	vshll.u32 v5, $0x10  }
0x125: {  	v0 =	vld.idx.msk [tilespmem:v0+s4+$0x0], $0xffff;
	v5 =	vand.u32 $0xFFFF0000, v5;
	v7 =	vadd.f32 v8, v7  }
0x126: {  	v4 =	vadd.f32 v5, v4;
	v5 =	vshll.u32 v6, $0x10  }
0x127: {  	v1 =	vld.idx.msk [tilespmem:v1+s4+$0x0], $0xffff;
	v6 =	vand.u32 $0xFFFF0000, v6;
	v5 =	vadd.f32 v5, v7  }
0x128: {  	v4 =	vadd.f32 v6, v4;
	v6 =	vshll.u32 v2, $0x10  }
0x129: {  	v3 =	vld.idx.msk [tilespmem:v3+s4+$0x0], $0xffff;
	v2 =	vand.u32 $0xFFFF0000, v2;
	v5 =	vadd.f32 v6, v5  }
0x12a: {  	v2 =	vadd.f32 v2, v4;
	v4 =	vshll.u32 v0, $0x10  }
0x12b: {  	v0 =	vand.u32 $0xFFFF0000, v0;
	v4 =	vadd.f32 v4, v5  }
0x12c: {  	v0 =	vadd.f32 v0, v2;
	v2 =	vshll.u32 v1, $0x10  }
0x12d: {  	v1 =	vand.u32 $0xFFFF0000, v1;
	v2 =	vadd.f32 v2, v4  }
0x12e: {  	v0 =	vadd.f32 v1, v0;
	v1 =	vshll.u32 v3, $0x10  }
0x12f: {  	v3 =	vand.u32 $0xFFFF0000, v3;
	v1 =	vadd.f32 v1, v2  }
0x130: {  	v0 =	vadd.f32 v3, v0  }
0x131: {  	[tilespmem:s22+$0x1BF40] =	vst v1  }
0x132: {  	s23 =	simm.s32 $0x189D0;
	[tilespmem:s22+$0x1C740] =	vst v0  }
0x133: {  	v0 =	vld [tilespmem:s23+$0xFFFFFD80];
	_ =	sdelay $0x1  }
0x134: {  	v1 =	vld [tilespmem:s23+$0xFFFFFE00]  }
0x135: {  	v3 =	vld [tilespmem:s23+$0xFFFFFE80];
	_ =	sdelay $0x1  }
0x136: {  	v4 =	vld [tilespmem:s23+$0xFFFFFF00]  }
0x137: {  	v5 =	vld [tilespmem:s23+$0xFFFFFF80]  }
0x138: {  	v11 =	vld [tilespmem:s23+$0x0]  }
0x139: {  	v6 =	vld.idx.msk [tilespmem:v0+s4+$0x0], $0xffff  }
0x13a: {  	v2 =	vld [tilespmem:s23+$0x80]  }
0x13b: {  	v7 =	vld.idx.msk [tilespmem:v1+s4+$0x0], $0xffff  }
0x13c: {  	v10 =	vld.idx.msk [tilespmem:v3+s4+$0x0], $0xffff  }
0x13d: {  	v0 =	vld [tilespmem:s23+$0x100]  }
0x13e: {  	v3 =	vimm.f32 $0.0e+00;
	v4 =	vld.idx.msk [tilespmem:v4+s4+$0x0], $0xffff;
	v1 =	vshll.u32 v6, $0x10;
	v6 =	vand.u32 $0xFFFF0000, v6  }
0x13f: {  	v5 =	vld.idx.msk [tilespmem:v5+s4+$0x0], $0xffff;
	v8 =	vadd.f32 v1, v3;
	v6 =	vadd.f32 v6, v3  }
0x140: {  	v9 =	vand.u32 $0xFFFF0000, v7;
	v1 =	vld [tilespmem:s23+$0x180];
	v3 =	vshll.u32 v7, $0x10  }
0x141: {  	v7 =	vadd.f32 v3, v8;
	v3 =	vld [tilespmem:s23+$0x200];
	v8 =	vadd.f32 v9, v6  }
0x142: {  	s24 =	simm.s32 $0x18ED0;
	s23 =	simm.s32 $0x0;
	v9 =	vshll.u32 v10, $0x10;
	v10 =	vand.u32 $0xFFFF0000, v10;
	v6 =	vld.idx.msk [tilespmem:v11+s4+$0x0], $0xffff  }
.LBB2_14:
0x143: {  	v11 =	vld [tilespmem:s24+$0xFFFFFD80];
	v7 =	vadd.f32 v9, v7;
	v8 =	vadd.f32 v10, v8  }
0x144: {  	s23 =	sadd.s32 $0xA, s23;
	v9 =	vshll.u32 v4, $0x10;
	v4 =	vand.u32 $0xFFFF0000, v4;
	v2 =	vld.idx.msk [tilespmem:v2+s4+$0x0], $0xffff  }
0x145: {  	p0 =	slt.u32 s23, $0x28;
	v10 =	vld [tilespmem:s24+$0xFFFFFE00];
	v7 =	vadd.f32 v9, v7;
	v4 =	vadd.f32 v4, v8  }
0x146: {  	v8 =	vshll.u32 v5, $0x10;
	v5 =	vand.u32 $0xFFFF0000, v5;
	v0 =	vld.idx.msk [tilespmem:v0+s4+$0x0], $0xffff  }
0x147: {  	v9 =	vld [tilespmem:s24+$0xFFFFFE80];
	v7 =	vadd.f32 v8, v7;
	v4 =	vadd.f32 v5, v4  }
0x148: {  	v5 =	vshll.u32 v6, $0x10;
	v6 =	vand.u32 $0xFFFF0000, v6;
	v1 =	vld.idx.msk [tilespmem:v1+s4+$0x0], $0xffff  }
0x149: {  	v8 =	vld [tilespmem:s24+$0xFFFFFF00];
	v5 =	vadd.f32 v5, v7;
	v4 =	vadd.f32 v6, v4  }
0x14a: {  	v6 =	vshll.u32 v2, $0x10;
	v2 =	vand.u32 $0xFFFF0000, v2;
	v3 =	vld.idx.msk [tilespmem:v3+s4+$0x0], $0xffff  }
0x14b: {  	v7 =	vld [tilespmem:s24+$0xFFFFFF80];
	v5 =	vadd.f32 v6, v5;
	v2 =	vadd.f32 v2, v4  }
0x14c: {  	v6 =	vshll.u32 v0, $0x10;
	v0 =	vand.u32 $0xFFFF0000, v0;
	v4 =	vld.idx.msk [tilespmem:v11+s4+$0x0], $0xffff  }
0x14d: {  	v11 =	vld [tilespmem:s24+$0x0];
	v5 =	vadd.f32 v6, v5;
	v0 =	vadd.f32 v0, v2  }
0x14e: {  	v6 =	vld.idx.msk [tilespmem:v10+s4+$0x0], $0xffff;
	v10 =	vshll.u32 v1, $0x10;
	v1 =	vand.u32 $0xFFFF0000, v1  }
0x14f: {  	v2 =	vld [tilespmem:s24+$0x80];
	v5 =	vadd.f32 v10, v5;
	v1 =	vadd.f32 v1, v0  }
0x150: {  	v10 =	vld.idx.msk [tilespmem:v9+s4+$0x0], $0xffff;
	v9 =	vshll.u32 v3, $0x10;
	v3 =	vand.u32 $0xFFFF0000, v3  }
0x151: {  	v0 =	vld [tilespmem:s24+$0x100];
	v5 =	vadd.f32 v9, v5;
	v1 =	vadd.f32 v3, v1  }
.Ltmp5:
0x152: {  	v3 =	vshll.u32 v4, $0x10;
	v9 =	vand.u32 $0xFFFF0000, v4;
	v4 =	vld.idx.msk [tilespmem:v8+s4+$0x0], $0xffff;
	(pc) =	sbr.rel @p0 .LBB2_14-.Ltmp5, $4  }
0x153: {  	v3 =	vadd.f32 v3, v5;
	v8 =	vadd.f32 v9, v1;
	v1 =	vld [tilespmem:s24+$0x180]  }
0x154: {  	v9 =	vshll.u32 v6, $0x10;
	v6 =	vand.u32 $0xFFFF0000, v6;
	v5 =	vld.idx.msk [tilespmem:v7+s4+$0x0], $0xffff  }
0x155: {  	v7 =	vadd.f32 v9, v3;
	v8 =	vadd.f32 v6, v8;
	v3 =	vld [tilespmem:s24+$0x200]  }
0x156: {  	v9 =	vshll.u32 v10, $0x10;
	v10 =	vand.u32 $0xFFFF0000, v10;
	s24 =	sadd.s32 $0x500, s24;
	v6 =	vld.idx.msk [tilespmem:v11+s4+$0x0], $0xffff  }
0x157: {  	_ =	sdelay $0x1  }
0x158: {  	v7 =	vadd.f32 v9, v7  }
0x159: {  	v8 =	vadd.f32 v10, v8;
	v9 =	vshll.u32 v4, $0x10  }
0x15a: {  	v4 =	vand.u32 $0xFFFF0000, v4;
	v2 =	vld.idx.msk [tilespmem:v2+s4+$0x0], $0xffff;
	v7 =	vadd.f32 v9, v7  }
0x15b: {  	v4 =	vadd.f32 v4, v8;
	v8 =	vshll.u32 v5, $0x10  }
0x15c: {  	v0 =	vld.idx.msk [tilespmem:v0+s4+$0x0], $0xffff;
	v5 =	vand.u32 $0xFFFF0000, v5;
	v7 =	vadd.f32 v8, v7  }
0x15d: {  	v4 =	vadd.f32 v5, v4;
	v5 =	vshll.u32 v6, $0x10  }
0x15e: {  	v1 =	vld.idx.msk [tilespmem:v1+s4+$0x0], $0xffff;
	v6 =	vand.u32 $0xFFFF0000, v6;
	v5 =	vadd.f32 v5, v7  }
0x15f: {  	v4 =	vadd.f32 v6, v4;
	v6 =	vshll.u32 v2, $0x10  }
0x160: {  	v3 =	vld.idx.msk [tilespmem:v3+s4+$0x0], $0xffff;
	v2 =	vand.u32 $0xFFFF0000, v2;
	v5 =	vadd.f32 v6, v5  }
0x161: {  	v2 =	vadd.f32 v2, v4;
	v4 =	vshll.u32 v0, $0x10  }
0x162: {  	v0 =	vand.u32 $0xFFFF0000, v0;
	v4 =	vadd.f32 v4, v5  }
0x163: {  	v0 =	vadd.f32 v0, v2;
	v2 =	vshll.u32 v1, $0x10  }
0x164: {  	v1 =	vand.u32 $0xFFFF0000, v1;
	v2 =	vadd.f32 v2, v4  }
0x165: {  	v0 =	vadd.f32 v1, v0;
	v1 =	vshll.u32 v3, $0x10  }
0x166: {  	v3 =	vand.u32 $0xFFFF0000, v3;
	v1 =	vadd.f32 v1, v2  }
0x167: {  	v0 =	vadd.f32 v3, v0  }
0x168: {  	[tilespmem:s22+$0x1BF50] =	vst v1  }
0x169: {  	s23 =	simm.s32 $0x189E0;
	[tilespmem:s22+$0x1C750] =	vst v0  }
0x16a: {  	v0 =	vld [tilespmem:s23+$0xFFFFFD80];
	_ =	sdelay $0x1  }
0x16b: {  	v1 =	vld [tilespmem:s23+$0xFFFFFE00]  }
0x16c: {  	v3 =	vld [tilespmem:s23+$0xFFFFFE80];
	_ =	sdelay $0x1  }
0x16d: {  	v4 =	vld [tilespmem:s23+$0xFFFFFF00]  }
0x16e: {  	v5 =	vld [tilespmem:s23+$0xFFFFFF80]  }
0x16f: {  	v11 =	vld [tilespmem:s23+$0x0]  }
0x170: {  	v6 =	vld.idx.msk [tilespmem:v0+s4+$0x0], $0xffff  }
0x171: {  	v2 =	vld [tilespmem:s23+$0x80]  }
0x172: {  	v7 =	vld.idx.msk [tilespmem:v1+s4+$0x0], $0xffff  }
0x173: {  	v10 =	vld.idx.msk [tilespmem:v3+s4+$0x0], $0xffff  }
0x174: {  	v0 =	vld [tilespmem:s23+$0x100]  }
0x175: {  	v3 =	vimm.f32 $0.0e+00;
	v4 =	vld.idx.msk [tilespmem:v4+s4+$0x0], $0xffff;
	v1 =	vshll.u32 v6, $0x10;
	v6 =	vand.u32 $0xFFFF0000, v6  }
0x176: {  	v5 =	vld.idx.msk [tilespmem:v5+s4+$0x0], $0xffff;
	v8 =	vadd.f32 v1, v3;
	v6 =	vadd.f32 v6, v3  }
0x177: {  	v9 =	vand.u32 $0xFFFF0000, v7;
	v1 =	vld [tilespmem:s23+$0x180];
	v3 =	vshll.u32 v7, $0x10  }
0x178: {  	v7 =	vadd.f32 v3, v8;
	v3 =	vld [tilespmem:s23+$0x200];
	v8 =	vadd.f32 v9, v6  }
0x179: {  	s24 =	simm.s32 $0x18EE0;
	s23 =	simm.s32 $0x0;
	v9 =	vshll.u32 v10, $0x10;
	v10 =	vand.u32 $0xFFFF0000, v10;
	v6 =	vld.idx.msk [tilespmem:v11+s4+$0x0], $0xffff  }
.LBB2_16:
0x17a: {  	v11 =	vld [tilespmem:s24+$0xFFFFFD80];
	v7 =	vadd.f32 v9, v7;
	v8 =	vadd.f32 v10, v8  }
0x17b: {  	s23 =	sadd.s32 $0xA, s23;
	v9 =	vshll.u32 v4, $0x10;
	v4 =	vand.u32 $0xFFFF0000, v4;
	v2 =	vld.idx.msk [tilespmem:v2+s4+$0x0], $0xffff  }
0x17c: {  	p0 =	slt.u32 s23, $0x28;
	v10 =	vld [tilespmem:s24+$0xFFFFFE00];
	v7 =	vadd.f32 v9, v7;
	v4 =	vadd.f32 v4, v8  }
0x17d: {  	v8 =	vshll.u32 v5, $0x10;
	v5 =	vand.u32 $0xFFFF0000, v5;
	v0 =	vld.idx.msk [tilespmem:v0+s4+$0x0], $0xffff  }
0x17e: {  	v9 =	vld [tilespmem:s24+$0xFFFFFE80];
	v7 =	vadd.f32 v8, v7;
	v4 =	vadd.f32 v5, v4  }
0x17f: {  	v5 =	vshll.u32 v6, $0x10;
	v6 =	vand.u32 $0xFFFF0000, v6;
	v1 =	vld.idx.msk [tilespmem:v1+s4+$0x0], $0xffff  }
0x180: {  	v8 =	vld [tilespmem:s24+$0xFFFFFF00];
	v5 =	vadd.f32 v5, v7;
	v4 =	vadd.f32 v6, v4  }
0x181: {  	v6 =	vshll.u32 v2, $0x10;
	v2 =	vand.u32 $0xFFFF0000, v2;
	v3 =	vld.idx.msk [tilespmem:v3+s4+$0x0], $0xffff  }
0x182: {  	v7 =	vld [tilespmem:s24+$0xFFFFFF80];
	v5 =	vadd.f32 v6, v5;
	v2 =	vadd.f32 v2, v4  }
0x183: {  	v6 =	vshll.u32 v0, $0x10;
	v0 =	vand.u32 $0xFFFF0000, v0;
	v4 =	vld.idx.msk [tilespmem:v11+s4+$0x0], $0xffff  }
0x184: {  	v11 =	vld [tilespmem:s24+$0x0];
	v5 =	vadd.f32 v6, v5;
	v0 =	vadd.f32 v0, v2  }
0x185: {  	v6 =	vld.idx.msk [tilespmem:v10+s4+$0x0], $0xffff;
	v10 =	vshll.u32 v1, $0x10;
	v1 =	vand.u32 $0xFFFF0000, v1  }
0x186: {  	v2 =	vld [tilespmem:s24+$0x80];
	v5 =	vadd.f32 v10, v5;
	v1 =	vadd.f32 v1, v0  }
0x187: {  	v10 =	vld.idx.msk [tilespmem:v9+s4+$0x0], $0xffff;
	v9 =	vshll.u32 v3, $0x10;
	v3 =	vand.u32 $0xFFFF0000, v3  }
0x188: {  	v0 =	vld [tilespmem:s24+$0x100];
	v5 =	vadd.f32 v9, v5;
	v1 =	vadd.f32 v3, v1  }
.Ltmp6:
0x189: {  	v3 =	vshll.u32 v4, $0x10;
	v9 =	vand.u32 $0xFFFF0000, v4;
	v4 =	vld.idx.msk [tilespmem:v8+s4+$0x0], $0xffff;
	(pc) =	sbr.rel @p0 .LBB2_16-.Ltmp6, $4  }
0x18a: {  	v3 =	vadd.f32 v3, v5;
	v8 =	vadd.f32 v9, v1;
	v1 =	vld [tilespmem:s24+$0x180]  }
0x18b: {  	v9 =	vshll.u32 v6, $0x10;
	v6 =	vand.u32 $0xFFFF0000, v6;
	v5 =	vld.idx.msk [tilespmem:v7+s4+$0x0], $0xffff  }
0x18c: {  	v7 =	vadd.f32 v9, v3;
	v8 =	vadd.f32 v6, v8;
	v3 =	vld [tilespmem:s24+$0x200]  }
0x18d: {  	v9 =	vshll.u32 v10, $0x10;
	v10 =	vand.u32 $0xFFFF0000, v10;
	s24 =	sadd.s32 $0x500, s24;
	v6 =	vld.idx.msk [tilespmem:v11+s4+$0x0], $0xffff  }
0x18e: {  	_ =	sdelay $0x1  }
0x18f: {  	v7 =	vadd.f32 v9, v7  }
0x190: {  	v8 =	vadd.f32 v10, v8;
	v9 =	vshll.u32 v4, $0x10  }
0x191: {  	v4 =	vand.u32 $0xFFFF0000, v4;
	v2 =	vld.idx.msk [tilespmem:v2+s4+$0x0], $0xffff;
	v7 =	vadd.f32 v9, v7  }
0x192: {  	v4 =	vadd.f32 v4, v8;
	v8 =	vshll.u32 v5, $0x10  }
0x193: {  	v0 =	vld.idx.msk [tilespmem:v0+s4+$0x0], $0xffff;
	v5 =	vand.u32 $0xFFFF0000, v5;
	v7 =	vadd.f32 v8, v7  }
0x194: {  	v4 =	vadd.f32 v5, v4;
	v5 =	vshll.u32 v6, $0x10  }
0x195: {  	v1 =	vld.idx.msk [tilespmem:v1+s4+$0x0], $0xffff;
	v6 =	vand.u32 $0xFFFF0000, v6;
	v5 =	vadd.f32 v5, v7  }
0x196: {  	v4 =	vadd.f32 v6, v4;
	v6 =	vshll.u32 v2, $0x10  }
0x197: {  	v3 =	vld.idx.msk [tilespmem:v3+s4+$0x0], $0xffff;
	v2 =	vand.u32 $0xFFFF0000, v2;
	v5 =	vadd.f32 v6, v5  }
0x198: {  	v2 =	vadd.f32 v2, v4;
	v4 =	vshll.u32 v0, $0x10  }
0x199: {  	v0 =	vand.u32 $0xFFFF0000, v0;
	v4 =	vadd.f32 v4, v5  }
0x19a: {  	v0 =	vadd.f32 v0, v2;
	v2 =	vshll.u32 v1, $0x10  }
0x19b: {  	v1 =	vand.u32 $0xFFFF0000, v1;
	v2 =	vadd.f32 v2, v4  }
0x19c: {  	v0 =	vadd.f32 v1, v0;
	v1 =	vshll.u32 v3, $0x10  }
0x19d: {  	v3 =	vand.u32 $0xFFFF0000, v3;
	v1 =	vadd.f32 v1, v2  }
0x19e: {  	v0 =	vadd.f32 v3, v0  }
0x19f: {  	[tilespmem:s22+$0x1BF60] =	vst v1  }
0x1a0: {  	s23 =	simm.s32 $0x189F0;
	[tilespmem:s22+$0x1C760] =	vst v0  }
0x1a1: {  	v0 =	vld [tilespmem:s23+$0xFFFFFD80];
	_ =	sdelay $0x1  }
0x1a2: {  	v1 =	vld [tilespmem:s23+$0xFFFFFE00]  }
0x1a3: {  	v3 =	vld [tilespmem:s23+$0xFFFFFE80];
	_ =	sdelay $0x1  }
0x1a4: {  	v4 =	vld [tilespmem:s23+$0xFFFFFF00]  }
0x1a5: {  	v5 =	vld [tilespmem:s23+$0xFFFFFF80]  }
0x1a6: {  	v11 =	vld [tilespmem:s23+$0x0]  }
0x1a7: {  	v6 =	vld.idx.msk [tilespmem:v0+s4+$0x0], $0xffff  }
0x1a8: {  	v2 =	vld [tilespmem:s23+$0x80]  }
0x1a9: {  	v7 =	vld.idx.msk [tilespmem:v1+s4+$0x0], $0xffff  }
0x1aa: {  	v10 =	vld.idx.msk [tilespmem:v3+s4+$0x0], $0xffff  }
0x1ab: {  	v0 =	vld [tilespmem:s23+$0x100]  }
0x1ac: {  	v3 =	vimm.f32 $0.0e+00;
	v4 =	vld.idx.msk [tilespmem:v4+s4+$0x0], $0xffff;
	v1 =	vshll.u32 v6, $0x10;
	v6 =	vand.u32 $0xFFFF0000, v6  }
0x1ad: {  	v5 =	vld.idx.msk [tilespmem:v5+s4+$0x0], $0xffff;
	v8 =	vadd.f32 v1, v3;
	v6 =	vadd.f32 v6, v3  }
0x1ae: {  	v9 =	vand.u32 $0xFFFF0000, v7;
	v1 =	vld [tilespmem:s23+$0x180];
	v3 =	vshll.u32 v7, $0x10  }
0x1af: {  	v7 =	vadd.f32 v3, v8;
	v3 =	vld [tilespmem:s23+$0x200];
	v8 =	vadd.f32 v9, v6  }
0x1b0: {  	s24 =	simm.s32 $0x18EF0;
	s23 =	simm.s32 $0x0;
	v9 =	vshll.u32 v10, $0x10;
	v10 =	vand.u32 $0xFFFF0000, v10;
	v6 =	vld.idx.msk [tilespmem:v11+s4+$0x0], $0xffff  }
.LBB2_18:
0x1b1: {  	v11 =	vld [tilespmem:s24+$0xFFFFFD80];
	v7 =	vadd.f32 v9, v7;
	v8 =	vadd.f32 v10, v8  }
0x1b2: {  	s23 =	sadd.s32 $0xA, s23;
	v9 =	vshll.u32 v4, $0x10;
	v4 =	vand.u32 $0xFFFF0000, v4;
	v2 =	vld.idx.msk [tilespmem:v2+s4+$0x0], $0xffff  }
0x1b3: {  	p0 =	slt.u32 s23, $0x28;
	v10 =	vld [tilespmem:s24+$0xFFFFFE00];
	v7 =	vadd.f32 v9, v7;
	v4 =	vadd.f32 v4, v8  }
0x1b4: {  	v8 =	vshll.u32 v5, $0x10;
	v5 =	vand.u32 $0xFFFF0000, v5;
	v0 =	vld.idx.msk [tilespmem:v0+s4+$0x0], $0xffff  }
0x1b5: {  	v9 =	vld [tilespmem:s24+$0xFFFFFE80];
	v7 =	vadd.f32 v8, v7;
	v4 =	vadd.f32 v5, v4  }
0x1b6: {  	v5 =	vshll.u32 v6, $0x10;
	v6 =	vand.u32 $0xFFFF0000, v6;
	v1 =	vld.idx.msk [tilespmem:v1+s4+$0x0], $0xffff  }
0x1b7: {  	v8 =	vld [tilespmem:s24+$0xFFFFFF00];
	v5 =	vadd.f32 v5, v7;
	v4 =	vadd.f32 v6, v4  }
0x1b8: {  	v6 =	vshll.u32 v2, $0x10;
	v2 =	vand.u32 $0xFFFF0000, v2;
	v3 =	vld.idx.msk [tilespmem:v3+s4+$0x0], $0xffff  }
0x1b9: {  	v7 =	vld [tilespmem:s24+$0xFFFFFF80];
	v5 =	vadd.f32 v6, v5;
	v2 =	vadd.f32 v2, v4  }
0x1ba: {  	v6 =	vshll.u32 v0, $0x10;
	v0 =	vand.u32 $0xFFFF0000, v0;
	v4 =	vld.idx.msk [tilespmem:v11+s4+$0x0], $0xffff  }
0x1bb: {  	v11 =	vld [tilespmem:s24+$0x0];
	v5 =	vadd.f32 v6, v5;
	v0 =	vadd.f32 v0, v2  }
0x1bc: {  	v6 =	vld.idx.msk [tilespmem:v10+s4+$0x0], $0xffff;
	v10 =	vshll.u32 v1, $0x10;
	v1 =	vand.u32 $0xFFFF0000, v1  }
0x1bd: {  	v2 =	vld [tilespmem:s24+$0x80];
	v5 =	vadd.f32 v10, v5;
	v1 =	vadd.f32 v1, v0  }
0x1be: {  	v10 =	vld.idx.msk [tilespmem:v9+s4+$0x0], $0xffff;
	v9 =	vshll.u32 v3, $0x10;
	v3 =	vand.u32 $0xFFFF0000, v3  }
0x1bf: {  	v0 =	vld [tilespmem:s24+$0x100];
	v5 =	vadd.f32 v9, v5;
	v1 =	vadd.f32 v3, v1  }
.Ltmp7:
0x1c0: {  	v3 =	vshll.u32 v4, $0x10;
	v9 =	vand.u32 $0xFFFF0000, v4;
	v4 =	vld.idx.msk [tilespmem:v8+s4+$0x0], $0xffff;
	(pc) =	sbr.rel @p0 .LBB2_18-.Ltmp7, $4  }
0x1c1: {  	v3 =	vadd.f32 v3, v5;
	v8 =	vadd.f32 v9, v1;
	v1 =	vld [tilespmem:s24+$0x180]  }
0x1c2: {  	v9 =	vshll.u32 v6, $0x10;
	v6 =	vand.u32 $0xFFFF0000, v6;
	v5 =	vld.idx.msk [tilespmem:v7+s4+$0x0], $0xffff  }
0x1c3: {  	v7 =	vadd.f32 v9, v3;
	v8 =	vadd.f32 v6, v8;
	v3 =	vld [tilespmem:s24+$0x200]  }
0x1c4: {  	v9 =	vshll.u32 v10, $0x10;
	v10 =	vand.u32 $0xFFFF0000, v10;
	s24 =	sadd.s32 $0x500, s24;
	v6 =	vld.idx.msk [tilespmem:v11+s4+$0x0], $0xffff  }
0x1c5: {  	_ =	sdelay $0x1  }
0x1c6: {  	v7 =	vadd.f32 v9, v7  }
0x1c7: {  	v8 =	vadd.f32 v10, v8;
	v9 =	vshll.u32 v4, $0x10  }
0x1c8: {  	v4 =	vand.u32 $0xFFFF0000, v4;
	v2 =	vld.idx.msk [tilespmem:v2+s4+$0x0], $0xffff;
	v7 =	vadd.f32 v9, v7  }
0x1c9: {  	v4 =	vadd.f32 v4, v8;
	v8 =	vshll.u32 v5, $0x10  }
0x1ca: {  	v0 =	vld.idx.msk [tilespmem:v0+s4+$0x0], $0xffff;
	v5 =	vand.u32 $0xFFFF0000, v5;
	v7 =	vadd.f32 v8, v7  }
0x1cb: {  	v4 =	vadd.f32 v5, v4;
	v5 =	vshll.u32 v6, $0x10  }
0x1cc: {  	v1 =	vld.idx.msk [tilespmem:v1+s4+$0x0], $0xffff;
	v6 =	vand.u32 $0xFFFF0000, v6;
	v5 =	vadd.f32 v5, v7  }
0x1cd: {  	v4 =	vadd.f32 v6, v4;
	v6 =	vshll.u32 v2, $0x10  }
0x1ce: {  	v3 =	vld.idx.msk [tilespmem:v3+s4+$0x0], $0xffff;
	v2 =	vand.u32 $0xFFFF0000, v2;
	v5 =	vadd.f32 v6, v5  }
0x1cf: {  	v2 =	vadd.f32 v2, v4;
	v4 =	vshll.u32 v0, $0x10  }
0x1d0: {  	v0 =	vand.u32 $0xFFFF0000, v0;
	v4 =	vadd.f32 v4, v5  }
0x1d1: {  	v0 =	vadd.f32 v0, v2;
	v2 =	vshll.u32 v1, $0x10  }
0x1d2: {  	p0 =	seq.s32 s16, $0x3F;
	v1 =	vand.u32 $0xFFFF0000, v1;
	v2 =	vadd.f32 v2, v4  }
0x1d3: {  	s23 =	smul.u32 @!p0 $0xE0, s16;
	v0 =	vadd.f32 v1, v0;
	v1 =	vshll.u32 v3, $0x10  }
0x1d4: {  	v3 =	vand.u32 $0xFFFF0000, v3;
	v1 =	vadd.f32 v1, v2  }
0x1d5: {  	s23 =	sadd.s32 @!p0 s23, s18;
	v0 =	vadd.f32 v3, v0  }
0x1d6: {  	s23 =	sshll.u32 @!p0 s23, $0x4;
	[tilespmem:s22+$0x1BF70] =	vst v1  }
0x1d7: {  	s24 =	simm.s32 @!p0 $0x18700;
	[tilespmem:s22+$0x1C770] =	vst v0;
	s22 =	sadd.s32 @!p0 s1, s23;
	s23 =	simm.s32 @!p0 $0x0  }
0x1d8: {  	[tilespmem:s24], [sflag:$0x2] =	stream.linear.gather @!p0 [hbm4b:s22+s23], $0x1C00, $0x38;
	[tilespmem:$0x1CF00] =	vst v63  }
0x1d9: {  	_ =	swait.ge [sflag:s13], $0x1C00  }
0x1da: {  	[sflag:s13] =	ssyncset.done $0x0  }
0x1db: {  	s31 =	simm.s32 $0x1A580;
	[sflag:s13] =	ssyncadd.s32 $0xFFFFE400  }
0x1dc: {  	v0 =	vld [tilespmem:s31+$0xFFFFFD80];
	_ =	sdelay $0x1  }
0x1dd: {  	v1 =	vld [tilespmem:s31+$0xFFFFFE00]  }
0x1de: {  	v3 =	vld [tilespmem:s31+$0xFFFFFE80];
	_ =	sdelay $0x1  }
0x1df: {  	v4 =	vld [tilespmem:s31+$0xFFFFFF00]  }
0x1e0: {  	v5 =	vld [tilespmem:s31+$0xFFFFFF80]  }
0x1e1: {  	v11 =	vld [tilespmem:s31+$0x0]  }
0x1e2: {  	v6 =	vld.idx.msk [tilespmem:v0+s4+$0x0], $0xffff  }
0x1e3: {  	v2 =	vld [tilespmem:s31+$0x80]  }
0x1e4: {  	v7 =	vld.idx.msk [tilespmem:v1+s4+$0x0], $0xffff  }
0x1e5: {  	v10 =	vld.idx.msk [tilespmem:v3+s4+$0x0], $0xffff  }
0x1e6: {  	v0 =	vld [tilespmem:s31+$0x100]  }
0x1e7: {  	v3 =	vimm.f32 $0.0e+00;
	v4 =	vld.idx.msk [tilespmem:v4+s4+$0x0], $0xffff;
	v1 =	vshll.u32 v6, $0x10;
	v6 =	vand.u32 $0xFFFF0000, v6  }
0x1e8: {  	v5 =	vld.idx.msk [tilespmem:v5+s4+$0x0], $0xffff;
	v8 =	vadd.f32 v1, v3;
	v6 =	vadd.f32 v6, v3  }
0x1e9: {  	v9 =	vand.u32 $0xFFFF0000, v7;
	v1 =	vld [tilespmem:s31+$0x180];
	v3 =	vshll.u32 v7, $0x10  }
0x1ea: {  	v7 =	vadd.f32 v3, v8;
	v3 =	vld [tilespmem:s31+$0x200];
	v8 =	vadd.f32 v9, v6  }
0x1eb: {  	s22 =	simm.s32 $0x0;
	s23 =	simm.s32 $0x1AA80;
	v9 =	vshll.u32 v10, $0x10;
	v10 =	vand.u32 $0xFFFF0000, v10;
	v6 =	vld.idx.msk [tilespmem:v11+s4+$0x0], $0xffff  }
.LBB2_20:
0x1ec: {  	v11 =	vld [tilespmem:s23+$0xFFFFFD80];
	v7 =	vadd.f32 v9, v7;
	v8 =	vadd.f32 v10, v8  }
0x1ed: {  	s22 =	sadd.s32 $0xA, s22;
	v9 =	vshll.u32 v4, $0x10;
	v4 =	vand.u32 $0xFFFF0000, v4;
	v2 =	vld.idx.msk [tilespmem:v2+s4+$0x0], $0xffff  }
0x1ee: {  	p0 =	slt.u32 s22, $0x28;
	v10 =	vld [tilespmem:s23+$0xFFFFFE00];
	v7 =	vadd.f32 v9, v7;
	v4 =	vadd.f32 v4, v8  }
0x1ef: {  	v8 =	vshll.u32 v5, $0x10;
	v5 =	vand.u32 $0xFFFF0000, v5;
	v0 =	vld.idx.msk [tilespmem:v0+s4+$0x0], $0xffff  }
0x1f0: {  	v9 =	vld [tilespmem:s23+$0xFFFFFE80];
	v7 =	vadd.f32 v8, v7;
	v4 =	vadd.f32 v5, v4  }
0x1f1: {  	v5 =	vshll.u32 v6, $0x10;
	v6 =	vand.u32 $0xFFFF0000, v6;
	v1 =	vld.idx.msk [tilespmem:v1+s4+$0x0], $0xffff  }
0x1f2: {  	v8 =	vld [tilespmem:s23+$0xFFFFFF00];
	v5 =	vadd.f32 v5, v7;
	v4 =	vadd.f32 v6, v4  }
0x1f3: {  	v6 =	vshll.u32 v2, $0x10;
	v2 =	vand.u32 $0xFFFF0000, v2;
	v3 =	vld.idx.msk [tilespmem:v3+s4+$0x0], $0xffff  }
0x1f4: {  	v7 =	vld [tilespmem:s23+$0xFFFFFF80];
	v5 =	vadd.f32 v6, v5;
	v2 =	vadd.f32 v2, v4  }
0x1f5: {  	v6 =	vshll.u32 v0, $0x10;
	v0 =	vand.u32 $0xFFFF0000, v0;
	v4 =	vld.idx.msk [tilespmem:v11+s4+$0x0], $0xffff  }
0x1f6: {  	v11 =	vld [tilespmem:s23+$0x0];
	v5 =	vadd.f32 v6, v5;
	v0 =	vadd.f32 v0, v2  }
0x1f7: {  	v6 =	vld.idx.msk [tilespmem:v10+s4+$0x0], $0xffff;
	v10 =	vshll.u32 v1, $0x10;
	v1 =	vand.u32 $0xFFFF0000, v1  }
0x1f8: {  	v2 =	vld [tilespmem:s23+$0x80];
	v5 =	vadd.f32 v10, v5;
	v1 =	vadd.f32 v1, v0  }
0x1f9: {  	v10 =	vld.idx.msk [tilespmem:v9+s4+$0x0], $0xffff;
	v9 =	vshll.u32 v3, $0x10;
	v3 =	vand.u32 $0xFFFF0000, v3  }
0x1fa: {  	v0 =	vld [tilespmem:s23+$0x100];
	v5 =	vadd.f32 v9, v5;
	v1 =	vadd.f32 v3, v1  }
.Ltmp8:
0x1fb: {  	v3 =	vshll.u32 v4, $0x10;
	v9 =	vand.u32 $0xFFFF0000, v4;
	v4 =	vld.idx.msk [tilespmem:v8+s4+$0x0], $0xffff;
	(pc) =	sbr.rel @p0 .LBB2_20-.Ltmp8, $4  }
0x1fc: {  	v3 =	vadd.f32 v3, v5;
	v8 =	vadd.f32 v9, v1;
	v1 =	vld [tilespmem:s23+$0x180]  }
0x1fd: {  	v9 =	vshll.u32 v6, $0x10;
	v6 =	vand.u32 $0xFFFF0000, v6;
	v5 =	vld.idx.msk [tilespmem:v7+s4+$0x0], $0xffff  }
0x1fe: {  	v7 =	vadd.f32 v9, v3;
	v8 =	vadd.f32 v6, v8;
	v3 =	vld [tilespmem:s23+$0x200]  }
0x1ff: {  	v9 =	vshll.u32 v10, $0x10;
	v10 =	vand.u32 $0xFFFF0000, v10;
	s23 =	sadd.s32 $0x500, s23;
	v6 =	vld.idx.msk [tilespmem:v11+s4+$0x0], $0xffff  }
0x200: {  	_ =	sdelay $0x1  }
0x201: {  	v7 =	vadd.f32 v9, v7  }
0x202: {  	v8 =	vadd.f32 v10, v8;
	v9 =	vshll.u32 v4, $0x10  }
0x203: {  	v4 =	vand.u32 $0xFFFF0000, v4;
	v2 =	vld.idx.msk [tilespmem:v2+s4+$0x0], $0xffff;
	v7 =	vadd.f32 v9, v7  }
0x204: {  	v4 =	vadd.f32 v4, v8;
	v8 =	vshll.u32 v5, $0x10  }
0x205: {  	v0 =	vld.idx.msk [tilespmem:v0+s4+$0x0], $0xffff;
	v5 =	vand.u32 $0xFFFF0000, v5;
	v7 =	vadd.f32 v8, v7  }
0x206: {  	v4 =	vadd.f32 v5, v4;
	v5 =	vshll.u32 v6, $0x10  }
0x207: {  	v1 =	vld.idx.msk [tilespmem:v1+s4+$0x0], $0xffff;
	v6 =	vand.u32 $0xFFFF0000, v6;
	v5 =	vadd.f32 v5, v7  }
0x208: {  	v4 =	vadd.f32 v6, v4;
	v6 =	vshll.u32 v2, $0x10  }
0x209: {  	v3 =	vld.idx.msk [tilespmem:v3+s4+$0x0], $0xffff;
	v2 =	vand.u32 $0xFFFF0000, v2;
	v5 =	vadd.f32 v6, v5  }
0x20a: {  	v2 =	vadd.f32 v2, v4;
	v4 =	vshll.u32 v0, $0x10  }
0x20b: {  	v0 =	vand.u32 $0xFFFF0000, v0;
	v4 =	vadd.f32 v4, v5  }
0x20c: {  	v0 =	vadd.f32 v0, v2;
	v2 =	vshll.u32 v1, $0x10  }
0x20d: {  	v1 =	vand.u32 $0xFFFF0000, v1;
	v2 =	vadd.f32 v2, v4  }
0x20e: {  	v0 =	vadd.f32 v1, v0;
	v1 =	vshll.u32 v3, $0x10  }
0x20f: {  	s21 =	sshll.u32 s21, $0x7;
	v3 =	vand.u32 $0xFFFF0000, v3;
	v1 =	vadd.f32 v1, v2  }
0x210: {  	s21 =	sand.u32 $0x780, s21;
	v0 =	vadd.f32 v3, v0  }
0x211: {  	[tilespmem:s21+$0x1BF00] =	vst v1  }
0x212: {  	s22 =	simm.s32 $0x1A590;
	[tilespmem:s21+$0x1C700] =	vst v0  }
0x213: {  	v0 =	vld [tilespmem:s22+$0xFFFFFD80];
	_ =	sdelay $0x1  }
0x214: {  	v1 =	vld [tilespmem:s22+$0xFFFFFE00]  }
0x215: {  	v3 =	vld [tilespmem:s22+$0xFFFFFE80];
	_ =	sdelay $0x1  }
0x216: {  	v4 =	vld [tilespmem:s22+$0xFFFFFF00]  }
0x217: {  	v5 =	vld [tilespmem:s22+$0xFFFFFF80]  }
0x218: {  	v11 =	vld [tilespmem:s22+$0x0]  }
0x219: {  	v6 =	vld.idx.msk [tilespmem:v0+s4+$0x0], $0xffff  }
0x21a: {  	v2 =	vld [tilespmem:s22+$0x80]  }
0x21b: {  	v7 =	vld.idx.msk [tilespmem:v1+s4+$0x0], $0xffff  }
0x21c: {  	v10 =	vld.idx.msk [tilespmem:v3+s4+$0x0], $0xffff  }
0x21d: {  	v0 =	vld [tilespmem:s22+$0x100]  }
0x21e: {  	v3 =	vimm.f32 $0.0e+00;
	v4 =	vld.idx.msk [tilespmem:v4+s4+$0x0], $0xffff;
	v1 =	vshll.u32 v6, $0x10;
	v6 =	vand.u32 $0xFFFF0000, v6  }
0x21f: {  	v5 =	vld.idx.msk [tilespmem:v5+s4+$0x0], $0xffff;
	v8 =	vadd.f32 v1, v3;
	v6 =	vadd.f32 v6, v3  }
0x220: {  	v9 =	vand.u32 $0xFFFF0000, v7;
	v1 =	vld [tilespmem:s22+$0x180];
	v3 =	vshll.u32 v7, $0x10  }
0x221: {  	v7 =	vadd.f32 v3, v8;
	v3 =	vld [tilespmem:s22+$0x200];
	v8 =	vadd.f32 v9, v6  }
0x222: {  	s23 =	simm.s32 $0x1AA90;
	s22 =	simm.s32 $0x0;
	v9 =	vshll.u32 v10, $0x10;
	v10 =	vand.u32 $0xFFFF0000, v10;
	v6 =	vld.idx.msk [tilespmem:v11+s4+$0x0], $0xffff  }
.LBB2_22:
0x223: {  	v11 =	vld [tilespmem:s23+$0xFFFFFD80];
	v7 =	vadd.f32 v9, v7;
	v8 =	vadd.f32 v10, v8  }
0x224: {  	s22 =	sadd.s32 $0xA, s22;
	v9 =	vshll.u32 v4, $0x10;
	v4 =	vand.u32 $0xFFFF0000, v4;
	v2 =	vld.idx.msk [tilespmem:v2+s4+$0x0], $0xffff  }
0x225: {  	p0 =	slt.u32 s22, $0x28;
	v10 =	vld [tilespmem:s23+$0xFFFFFE00];
	v7 =	vadd.f32 v9, v7;
	v4 =	vadd.f32 v4, v8  }
0x226: {  	v8 =	vshll.u32 v5, $0x10;
	v5 =	vand.u32 $0xFFFF0000, v5;
	v0 =	vld.idx.msk [tilespmem:v0+s4+$0x0], $0xffff  }
0x227: {  	v9 =	vld [tilespmem:s23+$0xFFFFFE80];
	v7 =	vadd.f32 v8, v7;
	v4 =	vadd.f32 v5, v4  }
0x228: {  	v5 =	vshll.u32 v6, $0x10;
	v6 =	vand.u32 $0xFFFF0000, v6;
	v1 =	vld.idx.msk [tilespmem:v1+s4+$0x0], $0xffff  }
0x229: {  	v8 =	vld [tilespmem:s23+$0xFFFFFF00];
	v5 =	vadd.f32 v5, v7;
	v4 =	vadd.f32 v6, v4  }
0x22a: {  	v6 =	vshll.u32 v2, $0x10;
	v2 =	vand.u32 $0xFFFF0000, v2;
	v3 =	vld.idx.msk [tilespmem:v3+s4+$0x0], $0xffff  }
0x22b: {  	v7 =	vld [tilespmem:s23+$0xFFFFFF80];
	v5 =	vadd.f32 v6, v5;
	v2 =	vadd.f32 v2, v4  }
0x22c: {  	v6 =	vshll.u32 v0, $0x10;
	v0 =	vand.u32 $0xFFFF0000, v0;
	v4 =	vld.idx.msk [tilespmem:v11+s4+$0x0], $0xffff  }
0x22d: {  	v11 =	vld [tilespmem:s23+$0x0];
	v5 =	vadd.f32 v6, v5;
	v0 =	vadd.f32 v0, v2  }
0x22e: {  	v6 =	vld.idx.msk [tilespmem:v10+s4+$0x0], $0xffff;
	v10 =	vshll.u32 v1, $0x10;
	v1 =	vand.u32 $0xFFFF0000, v1  }
0x22f: {  	v2 =	vld [tilespmem:s23+$0x80];
	v5 =	vadd.f32 v10, v5;
	v1 =	vadd.f32 v1, v0  }
0x230: {  	v10 =	vld.idx.msk [tilespmem:v9+s4+$0x0], $0xffff;
	v9 =	vshll.u32 v3, $0x10;
	v3 =	vand.u32 $0xFFFF0000, v3  }
0x231: {  	v0 =	vld [tilespmem:s23+$0x100];
	v5 =	vadd.f32 v9, v5;
	v1 =	vadd.f32 v3, v1  }
.Ltmp9:
0x232: {  	v3 =	vshll.u32 v4, $0x10;
	v9 =	vand.u32 $0xFFFF0000, v4;
	v4 =	vld.idx.msk [tilespmem:v8+s4+$0x0], $0xffff;
	(pc) =	sbr.rel @p0 .LBB2_22-.Ltmp9, $4  }
0x233: {  	v3 =	vadd.f32 v3, v5;
	v8 =	vadd.f32 v9, v1;
	v1 =	vld [tilespmem:s23+$0x180]  }
0x234: {  	v9 =	vshll.u32 v6, $0x10;
	v6 =	vand.u32 $0xFFFF0000, v6;
	v5 =	vld.idx.msk [tilespmem:v7+s4+$0x0], $0xffff  }
0x235: {  	v7 =	vadd.f32 v9, v3;
	v8 =	vadd.f32 v6, v8;
	v3 =	vld [tilespmem:s23+$0x200]  }
0x236: {  	v9 =	vshll.u32 v10, $0x10;
	v10 =	vand.u32 $0xFFFF0000, v10;
	s23 =	sadd.s32 $0x500, s23;
	v6 =	vld.idx.msk [tilespmem:v11+s4+$0x0], $0xffff  }
0x237: {  	_ =	sdelay $0x1  }
0x238: {  	v7 =	vadd.f32 v9, v7  }
0x239: {  	v8 =	vadd.f32 v10, v8;
	v9 =	vshll.u32 v4, $0x10  }
0x23a: {  	v4 =	vand.u32 $0xFFFF0000, v4;
	v2 =	vld.idx.msk [tilespmem:v2+s4+$0x0], $0xffff;
	v7 =	vadd.f32 v9, v7  }
0x23b: {  	v4 =	vadd.f32 v4, v8;
	v8 =	vshll.u32 v5, $0x10  }
0x23c: {  	v0 =	vld.idx.msk [tilespmem:v0+s4+$0x0], $0xffff;
	v5 =	vand.u32 $0xFFFF0000, v5;
	v7 =	vadd.f32 v8, v7  }
0x23d: {  	v4 =	vadd.f32 v5, v4;
	v5 =	vshll.u32 v6, $0x10  }
0x23e: {  	v1 =	vld.idx.msk [tilespmem:v1+s4+$0x0], $0xffff;
	v6 =	vand.u32 $0xFFFF0000, v6;
	v5 =	vadd.f32 v5, v7  }
0x23f: {  	v4 =	vadd.f32 v6, v4;
	v6 =	vshll.u32 v2, $0x10  }
0x240: {  	v3 =	vld.idx.msk [tilespmem:v3+s4+$0x0], $0xffff;
	v2 =	vand.u32 $0xFFFF0000, v2;
	v5 =	vadd.f32 v6, v5  }
0x241: {  	v2 =	vadd.f32 v2, v4;
	v4 =	vshll.u32 v0, $0x10  }
0x242: {  	v0 =	vand.u32 $0xFFFF0000, v0;
	v4 =	vadd.f32 v4, v5  }
0x243: {  	v0 =	vadd.f32 v0, v2;
	v2 =	vshll.u32 v1, $0x10  }
0x244: {  	v1 =	vand.u32 $0xFFFF0000, v1;
	v2 =	vadd.f32 v2, v4  }
0x245: {  	v0 =	vadd.f32 v1, v0;
	v1 =	vshll.u32 v3, $0x10  }
0x246: {  	v3 =	vand.u32 $0xFFFF0000, v3;
	v1 =	vadd.f32 v1, v2  }
0x247: {  	v0 =	vadd.f32 v3, v0  }
0x248: {  	[tilespmem:s21+$0x1BF10] =	vst v1  }
0x249: {  	s22 =	simm.s32 $0x1A5A0;
	[tilespmem:s21+$0x1C710] =	vst v0  }
0x24a: {  	v0 =	vld [tilespmem:s22+$0xFFFFFD80];
	_ =	sdelay $0x1  }
0x24b: {  	v1 =	vld [tilespmem:s22+$0xFFFFFE00]  }
0x24c: {  	v3 =	vld [tilespmem:s22+$0xFFFFFE80];
	_ =	sdelay $0x1  }
0x24d: {  	v4 =	vld [tilespmem:s22+$0xFFFFFF00]  }
0x24e: {  	v5 =	vld [tilespmem:s22+$0xFFFFFF80]  }
0x24f: {  	v11 =	vld [tilespmem:s22+$0x0]  }
0x250: {  	v6 =	vld.idx.msk [tilespmem:v0+s4+$0x0], $0xffff  }
0x251: {  	v2 =	vld [tilespmem:s22+$0x80]  }
0x252: {  	v7 =	vld.idx.msk [tilespmem:v1+s4+$0x0], $0xffff  }
0x253: {  	v10 =	vld.idx.msk [tilespmem:v3+s4+$0x0], $0xffff  }
0x254: {  	v0 =	vld [tilespmem:s22+$0x100]  }
0x255: {  	v3 =	vimm.f32 $0.0e+00;
	v4 =	vld.idx.msk [tilespmem:v4+s4+$0x0], $0xffff;
	v1 =	vshll.u32 v6, $0x10;
	v6 =	vand.u32 $0xFFFF0000, v6  }
0x256: {  	v5 =	vld.idx.msk [tilespmem:v5+s4+$0x0], $0xffff;
	v8 =	vadd.f32 v1, v3;
	v6 =	vadd.f32 v6, v3  }
0x257: {  	v9 =	vand.u32 $0xFFFF0000, v7;
	v1 =	vld [tilespmem:s22+$0x180];
	v3 =	vshll.u32 v7, $0x10  }
0x258: {  	v7 =	vadd.f32 v3, v8;
	v3 =	vld [tilespmem:s22+$0x200];
	v8 =	vadd.f32 v9, v6  }
0x259: {  	s23 =	simm.s32 $0x1AAA0;
	s22 =	simm.s32 $0x0;
	v9 =	vshll.u32 v10, $0x10;
	v10 =	vand.u32 $0xFFFF0000, v10;
	v6 =	vld.idx.msk [tilespmem:v11+s4+$0x0], $0xffff  }
.LBB2_24:
0x25a: {  	v11 =	vld [tilespmem:s23+$0xFFFFFD80];
	v7 =	vadd.f32 v9, v7;
	v8 =	vadd.f32 v10, v8  }
0x25b: {  	s22 =	sadd.s32 $0xA, s22;
	v9 =	vshll.u32 v4, $0x10;
	v4 =	vand.u32 $0xFFFF0000, v4;
	v2 =	vld.idx.msk [tilespmem:v2+s4+$0x0], $0xffff  }
0x25c: {  	p0 =	slt.u32 s22, $0x28;
	v10 =	vld [tilespmem:s23+$0xFFFFFE00];
	v7 =	vadd.f32 v9, v7;
	v4 =	vadd.f32 v4, v8  }
0x25d: {  	v8 =	vshll.u32 v5, $0x10;
	v5 =	vand.u32 $0xFFFF0000, v5;
	v0 =	vld.idx.msk [tilespmem:v0+s4+$0x0], $0xffff  }
0x25e: {  	v9 =	vld [tilespmem:s23+$0xFFFFFE80];
	v7 =	vadd.f32 v8, v7;
	v4 =	vadd.f32 v5, v4  }
0x25f: {  	v5 =	vshll.u32 v6, $0x10;
	v6 =	vand.u32 $0xFFFF0000, v6;
	v1 =	vld.idx.msk [tilespmem:v1+s4+$0x0], $0xffff  }
0x260: {  	v8 =	vld [tilespmem:s23+$0xFFFFFF00];
	v5 =	vadd.f32 v5, v7;
	v4 =	vadd.f32 v6, v4  }
0x261: {  	v6 =	vshll.u32 v2, $0x10;
	v2 =	vand.u32 $0xFFFF0000, v2;
	v3 =	vld.idx.msk [tilespmem:v3+s4+$0x0], $0xffff  }
0x262: {  	v7 =	vld [tilespmem:s23+$0xFFFFFF80];
	v5 =	vadd.f32 v6, v5;
	v2 =	vadd.f32 v2, v4  }
0x263: {  	v6 =	vshll.u32 v0, $0x10;
	v0 =	vand.u32 $0xFFFF0000, v0;
	v4 =	vld.idx.msk [tilespmem:v11+s4+$0x0], $0xffff  }
0x264: {  	v11 =	vld [tilespmem:s23+$0x0];
	v5 =	vadd.f32 v6, v5;
	v0 =	vadd.f32 v0, v2  }
0x265: {  	v6 =	vld.idx.msk [tilespmem:v10+s4+$0x0], $0xffff;
	v10 =	vshll.u32 v1, $0x10;
	v1 =	vand.u32 $0xFFFF0000, v1  }
0x266: {  	v2 =	vld [tilespmem:s23+$0x80];
	v5 =	vadd.f32 v10, v5;
	v1 =	vadd.f32 v1, v0  }
0x267: {  	v10 =	vld.idx.msk [tilespmem:v9+s4+$0x0], $0xffff;
	v9 =	vshll.u32 v3, $0x10;
	v3 =	vand.u32 $0xFFFF0000, v3  }
0x268: {  	v0 =	vld [tilespmem:s23+$0x100];
	v5 =	vadd.f32 v9, v5;
	v1 =	vadd.f32 v3, v1  }
.Ltmp10:
0x269: {  	v3 =	vshll.u32 v4, $0x10;
	v9 =	vand.u32 $0xFFFF0000, v4;
	v4 =	vld.idx.msk [tilespmem:v8+s4+$0x0], $0xffff;
	(pc) =	sbr.rel @p0 .LBB2_24-.Ltmp10, $4  }
0x26a: {  	v3 =	vadd.f32 v3, v5;
	v8 =	vadd.f32 v9, v1;
	v1 =	vld [tilespmem:s23+$0x180]  }
0x26b: {  	v9 =	vshll.u32 v6, $0x10;
	v6 =	vand.u32 $0xFFFF0000, v6;
	v5 =	vld.idx.msk [tilespmem:v7+s4+$0x0], $0xffff  }
0x26c: {  	v7 =	vadd.f32 v9, v3;
	v8 =	vadd.f32 v6, v8;
	v3 =	vld [tilespmem:s23+$0x200]  }
0x26d: {  	v9 =	vshll.u32 v10, $0x10;
	v10 =	vand.u32 $0xFFFF0000, v10;
	s23 =	sadd.s32 $0x500, s23;
	v6 =	vld.idx.msk [tilespmem:v11+s4+$0x0], $0xffff  }
0x26e: {  	_ =	sdelay $0x1  }
0x26f: {  	v7 =	vadd.f32 v9, v7  }
0x270: {  	v8 =	vadd.f32 v10, v8;
	v9 =	vshll.u32 v4, $0x10  }
0x271: {  	v4 =	vand.u32 $0xFFFF0000, v4;
	v2 =	vld.idx.msk [tilespmem:v2+s4+$0x0], $0xffff;
	v7 =	vadd.f32 v9, v7  }
0x272: {  	v4 =	vadd.f32 v4, v8;
	v8 =	vshll.u32 v5, $0x10  }
0x273: {  	v0 =	vld.idx.msk [tilespmem:v0+s4+$0x0], $0xffff;
	v5 =	vand.u32 $0xFFFF0000, v5;
	v7 =	vadd.f32 v8, v7  }
0x274: {  	v4 =	vadd.f32 v5, v4;
	v5 =	vshll.u32 v6, $0x10  }
0x275: {  	v1 =	vld.idx.msk [tilespmem:v1+s4+$0x0], $0xffff;
	v6 =	vand.u32 $0xFFFF0000, v6;
	v5 =	vadd.f32 v5, v7  }
0x276: {  	v4 =	vadd.f32 v6, v4;
	v6 =	vshll.u32 v2, $0x10  }
0x277: {  	v3 =	vld.idx.msk [tilespmem:v3+s4+$0x0], $0xffff;
	v2 =	vand.u32 $0xFFFF0000, v2;
	v5 =	vadd.f32 v6, v5  }
0x278: {  	v2 =	vadd.f32 v2, v4;
	v4 =	vshll.u32 v0, $0x10  }
0x279: {  	v0 =	vand.u32 $0xFFFF0000, v0;
	v4 =	vadd.f32 v4, v5  }
0x27a: {  	v0 =	vadd.f32 v0, v2;
	v2 =	vshll.u32 v1, $0x10  }
0x27b: {  	v1 =	vand.u32 $0xFFFF0000, v1;
	v2 =	vadd.f32 v2, v4  }
0x27c: {  	v0 =	vadd.f32 v1, v0;
	v1 =	vshll.u32 v3, $0x10  }
0x27d: {  	v3 =	vand.u32 $0xFFFF0000, v3;
	v1 =	vadd.f32 v1, v2  }
0x27e: {  	v0 =	vadd.f32 v3, v0  }
0x27f: {  	[tilespmem:s21+$0x1BF20] =	vst v1  }
0x280: {  	s22 =	simm.s32 $0x1A5B0;
	[tilespmem:s21+$0x1C720] =	vst v0  }
0x281: {  	v0 =	vld [tilespmem:s22+$0xFFFFFD80];
	_ =	sdelay $0x1  }
0x282: {  	v1 =	vld [tilespmem:s22+$0xFFFFFE00]  }
0x283: {  	v3 =	vld [tilespmem:s22+$0xFFFFFE80];
	_ =	sdelay $0x1  }
0x284: {  	v4 =	vld [tilespmem:s22+$0xFFFFFF00]  }
0x285: {  	v5 =	vld [tilespmem:s22+$0xFFFFFF80]  }
0x286: {  	v11 =	vld [tilespmem:s22+$0x0]  }
0x287: {  	v6 =	vld.idx.msk [tilespmem:v0+s4+$0x0], $0xffff  }
0x288: {  	v2 =	vld [tilespmem:s22+$0x80]  }
0x289: {  	v7 =	vld.idx.msk [tilespmem:v1+s4+$0x0], $0xffff  }
0x28a: {  	v10 =	vld.idx.msk [tilespmem:v3+s4+$0x0], $0xffff  }
0x28b: {  	v0 =	vld [tilespmem:s22+$0x100]  }
0x28c: {  	v3 =	vimm.f32 $0.0e+00;
	v4 =	vld.idx.msk [tilespmem:v4+s4+$0x0], $0xffff;
	v1 =	vshll.u32 v6, $0x10;
	v6 =	vand.u32 $0xFFFF0000, v6  }
0x28d: {  	v5 =	vld.idx.msk [tilespmem:v5+s4+$0x0], $0xffff;
	v8 =	vadd.f32 v1, v3;
	v6 =	vadd.f32 v6, v3  }
0x28e: {  	v9 =	vand.u32 $0xFFFF0000, v7;
	v1 =	vld [tilespmem:s22+$0x180];
	v3 =	vshll.u32 v7, $0x10  }
0x28f: {  	v7 =	vadd.f32 v3, v8;
	v3 =	vld [tilespmem:s22+$0x200];
	v8 =	vadd.f32 v9, v6  }
0x290: {  	s23 =	simm.s32 $0x1AAB0;
	s22 =	simm.s32 $0x0;
	v9 =	vshll.u32 v10, $0x10;
	v10 =	vand.u32 $0xFFFF0000, v10;
	v6 =	vld.idx.msk [tilespmem:v11+s4+$0x0], $0xffff  }
.LBB2_26:
0x291: {  	v11 =	vld [tilespmem:s23+$0xFFFFFD80];
	v7 =	vadd.f32 v9, v7;
	v8 =	vadd.f32 v10, v8  }
0x292: {  	s22 =	sadd.s32 $0xA, s22;
	v9 =	vshll.u32 v4, $0x10;
	v4 =	vand.u32 $0xFFFF0000, v4;
	v2 =	vld.idx.msk [tilespmem:v2+s4+$0x0], $0xffff  }
0x293: {  	p0 =	slt.u32 s22, $0x28;
	v10 =	vld [tilespmem:s23+$0xFFFFFE00];
	v7 =	vadd.f32 v9, v7;
	v4 =	vadd.f32 v4, v8  }
0x294: {  	v8 =	vshll.u32 v5, $0x10;
	v5 =	vand.u32 $0xFFFF0000, v5;
	v0 =	vld.idx.msk [tilespmem:v0+s4+$0x0], $0xffff  }
0x295: {  	v9 =	vld [tilespmem:s23+$0xFFFFFE80];
	v7 =	vadd.f32 v8, v7;
	v4 =	vadd.f32 v5, v4  }
0x296: {  	v5 =	vshll.u32 v6, $0x10;
	v6 =	vand.u32 $0xFFFF0000, v6;
	v1 =	vld.idx.msk [tilespmem:v1+s4+$0x0], $0xffff  }
0x297: {  	v8 =	vld [tilespmem:s23+$0xFFFFFF00];
	v5 =	vadd.f32 v5, v7;
	v4 =	vadd.f32 v6, v4  }
0x298: {  	v6 =	vshll.u32 v2, $0x10;
	v2 =	vand.u32 $0xFFFF0000, v2;
	v3 =	vld.idx.msk [tilespmem:v3+s4+$0x0], $0xffff  }
0x299: {  	v7 =	vld [tilespmem:s23+$0xFFFFFF80];
	v5 =	vadd.f32 v6, v5;
	v2 =	vadd.f32 v2, v4  }
0x29a: {  	v6 =	vshll.u32 v0, $0x10;
	v0 =	vand.u32 $0xFFFF0000, v0;
	v4 =	vld.idx.msk [tilespmem:v11+s4+$0x0], $0xffff  }
0x29b: {  	v11 =	vld [tilespmem:s23+$0x0];
	v5 =	vadd.f32 v6, v5;
	v0 =	vadd.f32 v0, v2  }
0x29c: {  	v6 =	vld.idx.msk [tilespmem:v10+s4+$0x0], $0xffff;
	v10 =	vshll.u32 v1, $0x10;
	v1 =	vand.u32 $0xFFFF0000, v1  }
0x29d: {  	v2 =	vld [tilespmem:s23+$0x80];
	v5 =	vadd.f32 v10, v5;
	v1 =	vadd.f32 v1, v0  }
0x29e: {  	v10 =	vld.idx.msk [tilespmem:v9+s4+$0x0], $0xffff;
	v9 =	vshll.u32 v3, $0x10;
	v3 =	vand.u32 $0xFFFF0000, v3  }
0x29f: {  	v0 =	vld [tilespmem:s23+$0x100];
	v5 =	vadd.f32 v9, v5;
	v1 =	vadd.f32 v3, v1  }
.Ltmp11:
0x2a0: {  	v3 =	vshll.u32 v4, $0x10;
	v9 =	vand.u32 $0xFFFF0000, v4;
	v4 =	vld.idx.msk [tilespmem:v8+s4+$0x0], $0xffff;
	(pc) =	sbr.rel @p0 .LBB2_26-.Ltmp11, $4  }
0x2a1: {  	v3 =	vadd.f32 v3, v5;
	v8 =	vadd.f32 v9, v1;
	v1 =	vld [tilespmem:s23+$0x180]  }
0x2a2: {  	v9 =	vshll.u32 v6, $0x10;
	v6 =	vand.u32 $0xFFFF0000, v6;
	v5 =	vld.idx.msk [tilespmem:v7+s4+$0x0], $0xffff  }
0x2a3: {  	v7 =	vadd.f32 v9, v3;
	v8 =	vadd.f32 v6, v8;
	v3 =	vld [tilespmem:s23+$0x200]  }
0x2a4: {  	v9 =	vshll.u32 v10, $0x10;
	v10 =	vand.u32 $0xFFFF0000, v10;
	s23 =	sadd.s32 $0x500, s23;
	v6 =	vld.idx.msk [tilespmem:v11+s4+$0x0], $0xffff  }
0x2a5: {  	_ =	sdelay $0x1  }
0x2a6: {  	v7 =	vadd.f32 v9, v7  }
0x2a7: {  	v8 =	vadd.f32 v10, v8;
	v9 =	vshll.u32 v4, $0x10  }
0x2a8: {  	v4 =	vand.u32 $0xFFFF0000, v4;
	v2 =	vld.idx.msk [tilespmem:v2+s4+$0x0], $0xffff;
	v7 =	vadd.f32 v9, v7  }
0x2a9: {  	v4 =	vadd.f32 v4, v8;
	v8 =	vshll.u32 v5, $0x10  }
0x2aa: {  	v0 =	vld.idx.msk [tilespmem:v0+s4+$0x0], $0xffff;
	v5 =	vand.u32 $0xFFFF0000, v5;
	v7 =	vadd.f32 v8, v7  }
0x2ab: {  	v4 =	vadd.f32 v5, v4;
	v5 =	vshll.u32 v6, $0x10  }
0x2ac: {  	v1 =	vld.idx.msk [tilespmem:v1+s4+$0x0], $0xffff;
	v6 =	vand.u32 $0xFFFF0000, v6;
	v5 =	vadd.f32 v5, v7  }
0x2ad: {  	v4 =	vadd.f32 v6, v4;
	v6 =	vshll.u32 v2, $0x10  }
0x2ae: {  	v3 =	vld.idx.msk [tilespmem:v3+s4+$0x0], $0xffff;
	v2 =	vand.u32 $0xFFFF0000, v2;
	v5 =	vadd.f32 v6, v5  }
0x2af: {  	v2 =	vadd.f32 v2, v4;
	v4 =	vshll.u32 v0, $0x10  }
0x2b0: {  	v0 =	vand.u32 $0xFFFF0000, v0;
	v4 =	vadd.f32 v4, v5  }
0x2b1: {  	v0 =	vadd.f32 v0, v2;
	v2 =	vshll.u32 v1, $0x10  }
0x2b2: {  	v1 =	vand.u32 $0xFFFF0000, v1;
	v2 =	vadd.f32 v2, v4  }
0x2b3: {  	v0 =	vadd.f32 v1, v0;
	v1 =	vshll.u32 v3, $0x10  }
0x2b4: {  	v3 =	vand.u32 $0xFFFF0000, v3;
	v1 =	vadd.f32 v1, v2  }
0x2b5: {  	v0 =	vadd.f32 v3, v0  }
0x2b6: {  	[tilespmem:s21+$0x1BF30] =	vst v1  }
0x2b7: {  	s22 =	simm.s32 $0x1A5C0;
	[tilespmem:s21+$0x1C730] =	vst v0  }
0x2b8: {  	v0 =	vld [tilespmem:s22+$0xFFFFFD80];
	_ =	sdelay $0x1  }
0x2b9: {  	v1 =	vld [tilespmem:s22+$0xFFFFFE00]  }
0x2ba: {  	v3 =	vld [tilespmem:s22+$0xFFFFFE80];
	_ =	sdelay $0x1  }
0x2bb: {  	v4 =	vld [tilespmem:s22+$0xFFFFFF00]  }
0x2bc: {  	v5 =	vld [tilespmem:s22+$0xFFFFFF80]  }
0x2bd: {  	v11 =	vld [tilespmem:s22+$0x0]  }
0x2be: {  	v6 =	vld.idx.msk [tilespmem:v0+s4+$0x0], $0xffff  }
0x2bf: {  	v2 =	vld [tilespmem:s22+$0x80]  }
0x2c0: {  	v7 =	vld.idx.msk [tilespmem:v1+s4+$0x0], $0xffff  }
0x2c1: {  	v10 =	vld.idx.msk [tilespmem:v3+s4+$0x0], $0xffff  }
0x2c2: {  	v0 =	vld [tilespmem:s22+$0x100]  }
0x2c3: {  	v3 =	vimm.f32 $0.0e+00;
	v4 =	vld.idx.msk [tilespmem:v4+s4+$0x0], $0xffff;
	v1 =	vshll.u32 v6, $0x10;
	v6 =	vand.u32 $0xFFFF0000, v6  }
0x2c4: {  	v5 =	vld.idx.msk [tilespmem:v5+s4+$0x0], $0xffff;
	v8 =	vadd.f32 v1, v3;
	v6 =	vadd.f32 v6, v3  }
0x2c5: {  	v9 =	vand.u32 $0xFFFF0000, v7;
	v1 =	vld [tilespmem:s22+$0x180];
	v3 =	vshll.u32 v7, $0x10  }
0x2c6: {  	v7 =	vadd.f32 v3, v8;
	v3 =	vld [tilespmem:s22+$0x200];
	v8 =	vadd.f32 v9, v6  }
0x2c7: {  	s23 =	simm.s32 $0x1AAC0;
	s22 =	simm.s32 $0x0;
	v9 =	vshll.u32 v10, $0x10;
	v10 =	vand.u32 $0xFFFF0000, v10;
	v6 =	vld.idx.msk [tilespmem:v11+s4+$0x0], $0xffff  }
.LBB2_28:
0x2c8: {  	v11 =	vld [tilespmem:s23+$0xFFFFFD80];
	v7 =	vadd.f32 v9, v7;
	v8 =	vadd.f32 v10, v8  }
0x2c9: {  	s22 =	sadd.s32 $0xA, s22;
	v9 =	vshll.u32 v4, $0x10;
	v4 =	vand.u32 $0xFFFF0000, v4;
	v2 =	vld.idx.msk [tilespmem:v2+s4+$0x0], $0xffff  }
0x2ca: {  	p0 =	slt.u32 s22, $0x28;
	v10 =	vld [tilespmem:s23+$0xFFFFFE00];
	v7 =	vadd.f32 v9, v7;
	v4 =	vadd.f32 v4, v8  }
0x2cb: {  	v8 =	vshll.u32 v5, $0x10;
	v5 =	vand.u32 $0xFFFF0000, v5;
	v0 =	vld.idx.msk [tilespmem:v0+s4+$0x0], $0xffff  }
0x2cc: {  	v9 =	vld [tilespmem:s23+$0xFFFFFE80];
	v7 =	vadd.f32 v8, v7;
	v4 =	vadd.f32 v5, v4  }
0x2cd: {  	v5 =	vshll.u32 v6, $0x10;
	v6 =	vand.u32 $0xFFFF0000, v6;
	v1 =	vld.idx.msk [tilespmem:v1+s4+$0x0], $0xffff  }
0x2ce: {  	v8 =	vld [tilespmem:s23+$0xFFFFFF00];
	v5 =	vadd.f32 v5, v7;
	v4 =	vadd.f32 v6, v4  }
0x2cf: {  	v6 =	vshll.u32 v2, $0x10;
	v2 =	vand.u32 $0xFFFF0000, v2;
	v3 =	vld.idx.msk [tilespmem:v3+s4+$0x0], $0xffff  }
0x2d0: {  	v7 =	vld [tilespmem:s23+$0xFFFFFF80];
	v5 =	vadd.f32 v6, v5;
	v2 =	vadd.f32 v2, v4  }
0x2d1: {  	v6 =	vshll.u32 v0, $0x10;
	v0 =	vand.u32 $0xFFFF0000, v0;
	v4 =	vld.idx.msk [tilespmem:v11+s4+$0x0], $0xffff  }
0x2d2: {  	v11 =	vld [tilespmem:s23+$0x0];
	v5 =	vadd.f32 v6, v5;
	v0 =	vadd.f32 v0, v2  }
0x2d3: {  	v6 =	vld.idx.msk [tilespmem:v10+s4+$0x0], $0xffff;
	v10 =	vshll.u32 v1, $0x10;
	v1 =	vand.u32 $0xFFFF0000, v1  }
0x2d4: {  	v2 =	vld [tilespmem:s23+$0x80];
	v5 =	vadd.f32 v10, v5;
	v1 =	vadd.f32 v1, v0  }
0x2d5: {  	v10 =	vld.idx.msk [tilespmem:v9+s4+$0x0], $0xffff;
	v9 =	vshll.u32 v3, $0x10;
	v3 =	vand.u32 $0xFFFF0000, v3  }
0x2d6: {  	v0 =	vld [tilespmem:s23+$0x100];
	v5 =	vadd.f32 v9, v5;
	v1 =	vadd.f32 v3, v1  }
.Ltmp12:
0x2d7: {  	v3 =	vshll.u32 v4, $0x10;
	v9 =	vand.u32 $0xFFFF0000, v4;
	v4 =	vld.idx.msk [tilespmem:v8+s4+$0x0], $0xffff;
	(pc) =	sbr.rel @p0 .LBB2_28-.Ltmp12, $4  }
0x2d8: {  	v3 =	vadd.f32 v3, v5;
	v8 =	vadd.f32 v9, v1;
	v1 =	vld [tilespmem:s23+$0x180]  }
0x2d9: {  	v9 =	vshll.u32 v6, $0x10;
	v6 =	vand.u32 $0xFFFF0000, v6;
	v5 =	vld.idx.msk [tilespmem:v7+s4+$0x0], $0xffff  }
0x2da: {  	v7 =	vadd.f32 v9, v3;
	v8 =	vadd.f32 v6, v8;
	v3 =	vld [tilespmem:s23+$0x200]  }
0x2db: {  	v9 =	vshll.u32 v10, $0x10;
	v10 =	vand.u32 $0xFFFF0000, v10;
	s23 =	sadd.s32 $0x500, s23;
	v6 =	vld.idx.msk [tilespmem:v11+s4+$0x0], $0xffff  }
0x2dc: {  	_ =	sdelay $0x1  }
0x2dd: {  	v7 =	vadd.f32 v9, v7  }
0x2de: {  	v8 =	vadd.f32 v10, v8;
	v9 =	vshll.u32 v4, $0x10  }
0x2df: {  	v4 =	vand.u32 $0xFFFF0000, v4;
	v2 =	vld.idx.msk [tilespmem:v2+s4+$0x0], $0xffff;
	v7 =	vadd.f32 v9, v7  }
0x2e0: {  	v4 =	vadd.f32 v4, v8;
	v8 =	vshll.u32 v5, $0x10  }
0x2e1: {  	v0 =	vld.idx.msk [tilespmem:v0+s4+$0x0], $0xffff;
	v5 =	vand.u32 $0xFFFF0000, v5;
	v7 =	vadd.f32 v8, v7  }
0x2e2: {  	v4 =	vadd.f32 v5, v4;
	v5 =	vshll.u32 v6, $0x10  }
0x2e3: {  	v1 =	vld.idx.msk [tilespmem:v1+s4+$0x0], $0xffff;
	v6 =	vand.u32 $0xFFFF0000, v6;
	v5 =	vadd.f32 v5, v7  }
0x2e4: {  	v4 =	vadd.f32 v6, v4;
	v6 =	vshll.u32 v2, $0x10  }
0x2e5: {  	v3 =	vld.idx.msk [tilespmem:v3+s4+$0x0], $0xffff;
	v2 =	vand.u32 $0xFFFF0000, v2;
	v5 =	vadd.f32 v6, v5  }
0x2e6: {  	v2 =	vadd.f32 v2, v4;
	v4 =	vshll.u32 v0, $0x10  }
0x2e7: {  	v0 =	vand.u32 $0xFFFF0000, v0;
	v4 =	vadd.f32 v4, v5  }
0x2e8: {  	v0 =	vadd.f32 v0, v2;
	v2 =	vshll.u32 v1, $0x10  }
0x2e9: {  	v1 =	vand.u32 $0xFFFF0000, v1;
	v2 =	vadd.f32 v2, v4  }
0x2ea: {  	v0 =	vadd.f32 v1, v0;
	v1 =	vshll.u32 v3, $0x10  }
0x2eb: {  	v3 =	vand.u32 $0xFFFF0000, v3;
	v1 =	vadd.f32 v1, v2  }
0x2ec: {  	v0 =	vadd.f32 v3, v0  }
0x2ed: {  	[tilespmem:s21+$0x1BF40] =	vst v1  }
0x2ee: {  	s22 =	simm.s32 $0x1A5D0;
	[tilespmem:s21+$0x1C740] =	vst v0  }
0x2ef: {  	v0 =	vld [tilespmem:s22+$0xFFFFFD80];
	_ =	sdelay $0x1  }
0x2f0: {  	v1 =	vld [tilespmem:s22+$0xFFFFFE00]  }
0x2f1: {  	v3 =	vld [tilespmem:s22+$0xFFFFFE80];
	_ =	sdelay $0x1  }
0x2f2: {  	v4 =	vld [tilespmem:s22+$0xFFFFFF00]  }
0x2f3: {  	v5 =	vld [tilespmem:s22+$0xFFFFFF80]  }
0x2f4: {  	v11 =	vld [tilespmem:s22+$0x0]  }
0x2f5: {  	v6 =	vld.idx.msk [tilespmem:v0+s4+$0x0], $0xffff  }
0x2f6: {  	v2 =	vld [tilespmem:s22+$0x80]  }
0x2f7: {  	v7 =	vld.idx.msk [tilespmem:v1+s4+$0x0], $0xffff  }
0x2f8: {  	v10 =	vld.idx.msk [tilespmem:v3+s4+$0x0], $0xffff  }
0x2f9: {  	v0 =	vld [tilespmem:s22+$0x100]  }
0x2fa: {  	v3 =	vimm.f32 $0.0e+00;
	v4 =	vld.idx.msk [tilespmem:v4+s4+$0x0], $0xffff;
	v1 =	vshll.u32 v6, $0x10;
	v6 =	vand.u32 $0xFFFF0000, v6  }
0x2fb: {  	v5 =	vld.idx.msk [tilespmem:v5+s4+$0x0], $0xffff;
	v8 =	vadd.f32 v1, v3;
	v6 =	vadd.f32 v6, v3  }
0x2fc: {  	v9 =	vand.u32 $0xFFFF0000, v7;
	v1 =	vld [tilespmem:s22+$0x180];
	v3 =	vshll.u32 v7, $0x10  }
0x2fd: {  	v7 =	vadd.f32 v3, v8;
	v3 =	vld [tilespmem:s22+$0x200];
	v8 =	vadd.f32 v9, v6  }
0x2fe: {  	s23 =	simm.s32 $0x1AAD0;
	s22 =	simm.s32 $0x0;
	v9 =	vshll.u32 v10, $0x10;
	v10 =	vand.u32 $0xFFFF0000, v10;
	v6 =	vld.idx.msk [tilespmem:v11+s4+$0x0], $0xffff  }
.LBB2_30:
0x2ff: {  	v11 =	vld [tilespmem:s23+$0xFFFFFD80];
	v7 =	vadd.f32 v9, v7;
	v8 =	vadd.f32 v10, v8  }
0x300: {  	s22 =	sadd.s32 $0xA, s22;
	v9 =	vshll.u32 v4, $0x10;
	v4 =	vand.u32 $0xFFFF0000, v4;
	v2 =	vld.idx.msk [tilespmem:v2+s4+$0x0], $0xffff  }
0x301: {  	p0 =	slt.u32 s22, $0x28;
	v10 =	vld [tilespmem:s23+$0xFFFFFE00];
	v7 =	vadd.f32 v9, v7;
	v4 =	vadd.f32 v4, v8  }
0x302: {  	v8 =	vshll.u32 v5, $0x10;
	v5 =	vand.u32 $0xFFFF0000, v5;
	v0 =	vld.idx.msk [tilespmem:v0+s4+$0x0], $0xffff  }
0x303: {  	v9 =	vld [tilespmem:s23+$0xFFFFFE80];
	v7 =	vadd.f32 v8, v7;
	v4 =	vadd.f32 v5, v4  }
0x304: {  	v5 =	vshll.u32 v6, $0x10;
	v6 =	vand.u32 $0xFFFF0000, v6;
	v1 =	vld.idx.msk [tilespmem:v1+s4+$0x0], $0xffff  }
0x305: {  	v8 =	vld [tilespmem:s23+$0xFFFFFF00];
	v5 =	vadd.f32 v5, v7;
	v4 =	vadd.f32 v6, v4  }
0x306: {  	v6 =	vshll.u32 v2, $0x10;
	v2 =	vand.u32 $0xFFFF0000, v2;
	v3 =	vld.idx.msk [tilespmem:v3+s4+$0x0], $0xffff  }
0x307: {  	v7 =	vld [tilespmem:s23+$0xFFFFFF80];
	v5 =	vadd.f32 v6, v5;
	v2 =	vadd.f32 v2, v4  }
0x308: {  	v6 =	vshll.u32 v0, $0x10;
	v0 =	vand.u32 $0xFFFF0000, v0;
	v4 =	vld.idx.msk [tilespmem:v11+s4+$0x0], $0xffff  }
0x309: {  	v11 =	vld [tilespmem:s23+$0x0];
	v5 =	vadd.f32 v6, v5;
	v0 =	vadd.f32 v0, v2  }
0x30a: {  	v6 =	vld.idx.msk [tilespmem:v10+s4+$0x0], $0xffff;
	v10 =	vshll.u32 v1, $0x10;
	v1 =	vand.u32 $0xFFFF0000, v1  }
0x30b: {  	v2 =	vld [tilespmem:s23+$0x80];
	v5 =	vadd.f32 v10, v5;
	v1 =	vadd.f32 v1, v0  }
0x30c: {  	v10 =	vld.idx.msk [tilespmem:v9+s4+$0x0], $0xffff;
	v9 =	vshll.u32 v3, $0x10;
	v3 =	vand.u32 $0xFFFF0000, v3  }
0x30d: {  	v0 =	vld [tilespmem:s23+$0x100];
	v5 =	vadd.f32 v9, v5;
	v1 =	vadd.f32 v3, v1  }
.Ltmp13:
0x30e: {  	v3 =	vshll.u32 v4, $0x10;
	v9 =	vand.u32 $0xFFFF0000, v4;
	v4 =	vld.idx.msk [tilespmem:v8+s4+$0x0], $0xffff;
	(pc) =	sbr.rel @p0 .LBB2_30-.Ltmp13, $4  }
0x30f: {  	v3 =	vadd.f32 v3, v5;
	v8 =	vadd.f32 v9, v1;
	v1 =	vld [tilespmem:s23+$0x180]  }
0x310: {  	v9 =	vshll.u32 v6, $0x10;
	v6 =	vand.u32 $0xFFFF0000, v6;
	v5 =	vld.idx.msk [tilespmem:v7+s4+$0x0], $0xffff  }
0x311: {  	v7 =	vadd.f32 v9, v3;
	v8 =	vadd.f32 v6, v8;
	v3 =	vld [tilespmem:s23+$0x200]  }
0x312: {  	v9 =	vshll.u32 v10, $0x10;
	v10 =	vand.u32 $0xFFFF0000, v10;
	s23 =	sadd.s32 $0x500, s23;
	v6 =	vld.idx.msk [tilespmem:v11+s4+$0x0], $0xffff  }
0x313: {  	_ =	sdelay $0x1  }
0x314: {  	v7 =	vadd.f32 v9, v7  }
0x315: {  	v8 =	vadd.f32 v10, v8;
	v9 =	vshll.u32 v4, $0x10  }
0x316: {  	v4 =	vand.u32 $0xFFFF0000, v4;
	v2 =	vld.idx.msk [tilespmem:v2+s4+$0x0], $0xffff;
	v7 =	vadd.f32 v9, v7  }
0x317: {  	v4 =	vadd.f32 v4, v8;
	v8 =	vshll.u32 v5, $0x10  }
0x318: {  	v0 =	vld.idx.msk [tilespmem:v0+s4+$0x0], $0xffff;
	v5 =	vand.u32 $0xFFFF0000, v5;
	v7 =	vadd.f32 v8, v7  }
0x319: {  	v4 =	vadd.f32 v5, v4;
	v5 =	vshll.u32 v6, $0x10  }
0x31a: {  	v1 =	vld.idx.msk [tilespmem:v1+s4+$0x0], $0xffff;
	v6 =	vand.u32 $0xFFFF0000, v6;
	v5 =	vadd.f32 v5, v7  }
0x31b: {  	v4 =	vadd.f32 v6, v4;
	v6 =	vshll.u32 v2, $0x10  }
0x31c: {  	v3 =	vld.idx.msk [tilespmem:v3+s4+$0x0], $0xffff;
	v2 =	vand.u32 $0xFFFF0000, v2;
	v5 =	vadd.f32 v6, v5  }
0x31d: {  	v2 =	vadd.f32 v2, v4;
	v4 =	vshll.u32 v0, $0x10  }
0x31e: {  	v0 =	vand.u32 $0xFFFF0000, v0;
	v4 =	vadd.f32 v4, v5  }
0x31f: {  	v0 =	vadd.f32 v0, v2;
	v2 =	vshll.u32 v1, $0x10  }
0x320: {  	v1 =	vand.u32 $0xFFFF0000, v1;
	v2 =	vadd.f32 v2, v4  }
0x321: {  	v0 =	vadd.f32 v1, v0;
	v1 =	vshll.u32 v3, $0x10  }
0x322: {  	v3 =	vand.u32 $0xFFFF0000, v3;
	v1 =	vadd.f32 v1, v2  }
0x323: {  	v0 =	vadd.f32 v3, v0  }
0x324: {  	[tilespmem:s21+$0x1BF50] =	vst v1  }
0x325: {  	s22 =	simm.s32 $0x1A5E0;
	[tilespmem:s21+$0x1C750] =	vst v0  }
0x326: {  	v0 =	vld [tilespmem:s22+$0xFFFFFD80];
	_ =	sdelay $0x1  }
0x327: {  	v1 =	vld [tilespmem:s22+$0xFFFFFE00]  }
0x328: {  	v3 =	vld [tilespmem:s22+$0xFFFFFE80];
	_ =	sdelay $0x1  }
0x329: {  	v4 =	vld [tilespmem:s22+$0xFFFFFF00]  }
0x32a: {  	v5 =	vld [tilespmem:s22+$0xFFFFFF80]  }
0x32b: {  	v11 =	vld [tilespmem:s22+$0x0]  }
0x32c: {  	v6 =	vld.idx.msk [tilespmem:v0+s4+$0x0], $0xffff  }
0x32d: {  	v2 =	vld [tilespmem:s22+$0x80]  }
0x32e: {  	v7 =	vld.idx.msk [tilespmem:v1+s4+$0x0], $0xffff  }
0x32f: {  	v10 =	vld.idx.msk [tilespmem:v3+s4+$0x0], $0xffff  }
0x330: {  	v0 =	vld [tilespmem:s22+$0x100]  }
0x331: {  	v3 =	vimm.f32 $0.0e+00;
	v4 =	vld.idx.msk [tilespmem:v4+s4+$0x0], $0xffff;
	v1 =	vshll.u32 v6, $0x10;
	v6 =	vand.u32 $0xFFFF0000, v6  }
0x332: {  	v5 =	vld.idx.msk [tilespmem:v5+s4+$0x0], $0xffff;
	v8 =	vadd.f32 v1, v3;
	v6 =	vadd.f32 v6, v3  }
0x333: {  	v9 =	vand.u32 $0xFFFF0000, v7;
	v1 =	vld [tilespmem:s22+$0x180];
	v3 =	vshll.u32 v7, $0x10  }
0x334: {  	v7 =	vadd.f32 v3, v8;
	v3 =	vld [tilespmem:s22+$0x200];
	v8 =	vadd.f32 v9, v6  }
0x335: {  	s23 =	simm.s32 $0x1AAE0;
	s22 =	simm.s32 $0x0;
	v9 =	vshll.u32 v10, $0x10;
	v10 =	vand.u32 $0xFFFF0000, v10;
	v6 =	vld.idx.msk [tilespmem:v11+s4+$0x0], $0xffff  }
.LBB2_32:
0x336: {  	v11 =	vld [tilespmem:s23+$0xFFFFFD80];
	v7 =	vadd.f32 v9, v7;
	v8 =	vadd.f32 v10, v8  }
0x337: {  	s22 =	sadd.s32 $0xA, s22;
	v9 =	vshll.u32 v4, $0x10;
	v4 =	vand.u32 $0xFFFF0000, v4;
	v2 =	vld.idx.msk [tilespmem:v2+s4+$0x0], $0xffff  }
0x338: {  	p0 =	slt.u32 s22, $0x28;
	v10 =	vld [tilespmem:s23+$0xFFFFFE00];
	v7 =	vadd.f32 v9, v7;
	v4 =	vadd.f32 v4, v8  }
0x339: {  	v8 =	vshll.u32 v5, $0x10;
	v5 =	vand.u32 $0xFFFF0000, v5;
	v0 =	vld.idx.msk [tilespmem:v0+s4+$0x0], $0xffff  }
0x33a: {  	v9 =	vld [tilespmem:s23+$0xFFFFFE80];
	v7 =	vadd.f32 v8, v7;
	v4 =	vadd.f32 v5, v4  }
0x33b: {  	v5 =	vshll.u32 v6, $0x10;
	v6 =	vand.u32 $0xFFFF0000, v6;
	v1 =	vld.idx.msk [tilespmem:v1+s4+$0x0], $0xffff  }
0x33c: {  	v8 =	vld [tilespmem:s23+$0xFFFFFF00];
	v5 =	vadd.f32 v5, v7;
	v4 =	vadd.f32 v6, v4  }
0x33d: {  	v6 =	vshll.u32 v2, $0x10;
	v2 =	vand.u32 $0xFFFF0000, v2;
	v3 =	vld.idx.msk [tilespmem:v3+s4+$0x0], $0xffff  }
0x33e: {  	v7 =	vld [tilespmem:s23+$0xFFFFFF80];
	v5 =	vadd.f32 v6, v5;
	v2 =	vadd.f32 v2, v4  }
0x33f: {  	v6 =	vshll.u32 v0, $0x10;
	v0 =	vand.u32 $0xFFFF0000, v0;
	v4 =	vld.idx.msk [tilespmem:v11+s4+$0x0], $0xffff  }
0x340: {  	v11 =	vld [tilespmem:s23+$0x0];
	v5 =	vadd.f32 v6, v5;
	v0 =	vadd.f32 v0, v2  }
0x341: {  	v6 =	vld.idx.msk [tilespmem:v10+s4+$0x0], $0xffff;
	v10 =	vshll.u32 v1, $0x10;
	v1 =	vand.u32 $0xFFFF0000, v1  }
0x342: {  	v2 =	vld [tilespmem:s23+$0x80];
	v5 =	vadd.f32 v10, v5;
	v1 =	vadd.f32 v1, v0  }
0x343: {  	v10 =	vld.idx.msk [tilespmem:v9+s4+$0x0], $0xffff;
	v9 =	vshll.u32 v3, $0x10;
	v3 =	vand.u32 $0xFFFF0000, v3  }
0x344: {  	v0 =	vld [tilespmem:s23+$0x100];
	v5 =	vadd.f32 v9, v5;
	v1 =	vadd.f32 v3, v1  }
.Ltmp14:
0x345: {  	v3 =	vshll.u32 v4, $0x10;
	v9 =	vand.u32 $0xFFFF0000, v4;
	v4 =	vld.idx.msk [tilespmem:v8+s4+$0x0], $0xffff;
	(pc) =	sbr.rel @p0 .LBB2_32-.Ltmp14, $4  }
0x346: {  	v3 =	vadd.f32 v3, v5;
	v8 =	vadd.f32 v9, v1;
	v1 =	vld [tilespmem:s23+$0x180]  }
0x347: {  	v9 =	vshll.u32 v6, $0x10;
	v6 =	vand.u32 $0xFFFF0000, v6;
	v5 =	vld.idx.msk [tilespmem:v7+s4+$0x0], $0xffff  }
0x348: {  	v7 =	vadd.f32 v9, v3;
	v8 =	vadd.f32 v6, v8;
	v3 =	vld [tilespmem:s23+$0x200]  }
0x349: {  	v9 =	vshll.u32 v10, $0x10;
	v10 =	vand.u32 $0xFFFF0000, v10;
	s23 =	sadd.s32 $0x500, s23;
	v6 =	vld.idx.msk [tilespmem:v11+s4+$0x0], $0xffff  }
0x34a: {  	_ =	sdelay $0x1  }
0x34b: {  	v7 =	vadd.f32 v9, v7  }
0x34c: {  	v8 =	vadd.f32 v10, v8;
	v9 =	vshll.u32 v4, $0x10  }
0x34d: {  	v4 =	vand.u32 $0xFFFF0000, v4;
	v2 =	vld.idx.msk [tilespmem:v2+s4+$0x0], $0xffff;
	v7 =	vadd.f32 v9, v7  }
0x34e: {  	v4 =	vadd.f32 v4, v8;
	v8 =	vshll.u32 v5, $0x10  }
0x34f: {  	v0 =	vld.idx.msk [tilespmem:v0+s4+$0x0], $0xffff;
	v5 =	vand.u32 $0xFFFF0000, v5;
	v7 =	vadd.f32 v8, v7  }
0x350: {  	v4 =	vadd.f32 v5, v4;
	v5 =	vshll.u32 v6, $0x10  }
0x351: {  	v1 =	vld.idx.msk [tilespmem:v1+s4+$0x0], $0xffff;
	v6 =	vand.u32 $0xFFFF0000, v6;
	v5 =	vadd.f32 v5, v7  }
0x352: {  	v4 =	vadd.f32 v6, v4;
	v6 =	vshll.u32 v2, $0x10  }
0x353: {  	v3 =	vld.idx.msk [tilespmem:v3+s4+$0x0], $0xffff;
	v2 =	vand.u32 $0xFFFF0000, v2;
	v5 =	vadd.f32 v6, v5  }
0x354: {  	v2 =	vadd.f32 v2, v4;
	v4 =	vshll.u32 v0, $0x10  }
0x355: {  	v0 =	vand.u32 $0xFFFF0000, v0;
	v4 =	vadd.f32 v4, v5  }
0x356: {  	v0 =	vadd.f32 v0, v2;
	v2 =	vshll.u32 v1, $0x10  }
0x357: {  	v1 =	vand.u32 $0xFFFF0000, v1;
	v2 =	vadd.f32 v2, v4  }
0x358: {  	v0 =	vadd.f32 v1, v0;
	v1 =	vshll.u32 v3, $0x10  }
0x359: {  	v3 =	vand.u32 $0xFFFF0000, v3;
	v1 =	vadd.f32 v1, v2  }
0x35a: {  	v0 =	vadd.f32 v3, v0  }
0x35b: {  	[tilespmem:s21+$0x1BF60] =	vst v1  }
0x35c: {  	s22 =	simm.s32 $0x1A5F0;
	[tilespmem:s21+$0x1C760] =	vst v0  }
0x35d: {  	v0 =	vld [tilespmem:s22+$0xFFFFFD80];
	_ =	sdelay $0x1  }
0x35e: {  	v1 =	vld [tilespmem:s22+$0xFFFFFE00]  }
0x35f: {  	v3 =	vld [tilespmem:s22+$0xFFFFFE80];
	_ =	sdelay $0x1  }
0x360: {  	v4 =	vld [tilespmem:s22+$0xFFFFFF00]  }
0x361: {  	v5 =	vld [tilespmem:s22+$0xFFFFFF80]  }
0x362: {  	v11 =	vld [tilespmem:s22+$0x0]  }
0x363: {  	v6 =	vld.idx.msk [tilespmem:v0+s4+$0x0], $0xffff  }
0x364: {  	v2 =	vld [tilespmem:s22+$0x80]  }
0x365: {  	v7 =	vld.idx.msk [tilespmem:v1+s4+$0x0], $0xffff  }
0x366: {  	v10 =	vld.idx.msk [tilespmem:v3+s4+$0x0], $0xffff  }
0x367: {  	v0 =	vld [tilespmem:s22+$0x100]  }
0x368: {  	v3 =	vimm.f32 $0.0e+00;
	v4 =	vld.idx.msk [tilespmem:v4+s4+$0x0], $0xffff;
	v1 =	vshll.u32 v6, $0x10;
	v6 =	vand.u32 $0xFFFF0000, v6  }
0x369: {  	v5 =	vld.idx.msk [tilespmem:v5+s4+$0x0], $0xffff;
	v8 =	vadd.f32 v1, v3;
	v6 =	vadd.f32 v6, v3  }
0x36a: {  	v9 =	vand.u32 $0xFFFF0000, v7;
	v1 =	vld [tilespmem:s22+$0x180];
	v3 =	vshll.u32 v7, $0x10  }
0x36b: {  	v7 =	vadd.f32 v3, v8;
	v3 =	vld [tilespmem:s22+$0x200];
	v8 =	vadd.f32 v9, v6  }
0x36c: {  	s23 =	simm.s32 $0x1AAF0;
	s22 =	simm.s32 $0x0;
	v9 =	vshll.u32 v10, $0x10;
	v10 =	vand.u32 $0xFFFF0000, v10;
	v6 =	vld.idx.msk [tilespmem:v11+s4+$0x0], $0xffff  }
.LBB2_34:
0x36d: {  	v11 =	vld [tilespmem:s23+$0xFFFFFD80];
	v7 =	vadd.f32 v9, v7;
	v8 =	vadd.f32 v10, v8  }
0x36e: {  	s22 =	sadd.s32 $0xA, s22;
	v9 =	vshll.u32 v4, $0x10;
	v4 =	vand.u32 $0xFFFF0000, v4;
	v2 =	vld.idx.msk [tilespmem:v2+s4+$0x0], $0xffff  }
0x36f: {  	p0 =	slt.u32 s22, $0x28;
	v10 =	vld [tilespmem:s23+$0xFFFFFE00];
	v7 =	vadd.f32 v9, v7;
	v4 =	vadd.f32 v4, v8  }
0x370: {  	v8 =	vshll.u32 v5, $0x10;
	v5 =	vand.u32 $0xFFFF0000, v5;
	v0 =	vld.idx.msk [tilespmem:v0+s4+$0x0], $0xffff  }
0x371: {  	v9 =	vld [tilespmem:s23+$0xFFFFFE80];
	v7 =	vadd.f32 v8, v7;
	v4 =	vadd.f32 v5, v4  }
0x372: {  	v5 =	vshll.u32 v6, $0x10;
	v6 =	vand.u32 $0xFFFF0000, v6;
	v1 =	vld.idx.msk [tilespmem:v1+s4+$0x0], $0xffff  }
0x373: {  	v8 =	vld [tilespmem:s23+$0xFFFFFF00];
	v5 =	vadd.f32 v5, v7;
	v4 =	vadd.f32 v6, v4  }
0x374: {  	v6 =	vshll.u32 v2, $0x10;
	v2 =	vand.u32 $0xFFFF0000, v2;
	v3 =	vld.idx.msk [tilespmem:v3+s4+$0x0], $0xffff  }
0x375: {  	v7 =	vld [tilespmem:s23+$0xFFFFFF80];
	v5 =	vadd.f32 v6, v5;
	v2 =	vadd.f32 v2, v4  }
0x376: {  	v6 =	vshll.u32 v0, $0x10;
	v0 =	vand.u32 $0xFFFF0000, v0;
	v4 =	vld.idx.msk [tilespmem:v11+s4+$0x0], $0xffff  }
0x377: {  	v11 =	vld [tilespmem:s23+$0x0];
	v5 =	vadd.f32 v6, v5;
	v0 =	vadd.f32 v0, v2  }
0x378: {  	v6 =	vld.idx.msk [tilespmem:v10+s4+$0x0], $0xffff;
	v10 =	vshll.u32 v1, $0x10;
	v1 =	vand.u32 $0xFFFF0000, v1  }
0x379: {  	v2 =	vld [tilespmem:s23+$0x80];
	v5 =	vadd.f32 v10, v5;
	v1 =	vadd.f32 v1, v0  }
0x37a: {  	v10 =	vld.idx.msk [tilespmem:v9+s4+$0x0], $0xffff;
	v9 =	vshll.u32 v3, $0x10;
	v3 =	vand.u32 $0xFFFF0000, v3  }
0x37b: {  	v0 =	vld [tilespmem:s23+$0x100];
	v5 =	vadd.f32 v9, v5;
	v1 =	vadd.f32 v3, v1  }
.Ltmp15:
0x37c: {  	v3 =	vshll.u32 v4, $0x10;
	v9 =	vand.u32 $0xFFFF0000, v4;
	v4 =	vld.idx.msk [tilespmem:v8+s4+$0x0], $0xffff;
	(pc) =	sbr.rel @p0 .LBB2_34-.Ltmp15, $4  }
0x37d: {  	v3 =	vadd.f32 v3, v5;
	v8 =	vadd.f32 v9, v1;
	v1 =	vld [tilespmem:s23+$0x180]  }
0x37e: {  	v9 =	vshll.u32 v6, $0x10;
	v6 =	vand.u32 $0xFFFF0000, v6;
	v5 =	vld.idx.msk [tilespmem:v7+s4+$0x0], $0xffff  }
0x37f: {  	v7 =	vadd.f32 v9, v3;
	v8 =	vadd.f32 v6, v8;
	v3 =	vld [tilespmem:s23+$0x200]  }
0x380: {  	v9 =	vshll.u32 v10, $0x10;
	v10 =	vand.u32 $0xFFFF0000, v10;
	s23 =	sadd.s32 $0x500, s23;
	v6 =	vld.idx.msk [tilespmem:v11+s4+$0x0], $0xffff  }
0x381: {  	_ =	sdelay $0x1  }
0x382: {  	v7 =	vadd.f32 v9, v7  }
0x383: {  	v8 =	vadd.f32 v10, v8;
	v54 =	vshll.u32 v4, $0x10  }
0x384: {  	v55 =	vand.u32 $0xFFFF0000, v4;
	v2 =	vld.idx.msk [tilespmem:v2+s4+$0x0], $0xffff;
	v7 =	vadd.f32 v54, v7  }
0x385: {  	v4 =	vadd.f32 v55, v8;
	v56 =	vshll.u32 v5, $0x10  }
0x386: {  	v0 =	vld.idx.msk [tilespmem:v0+s4+$0x0], $0xffff;
	v57 =	vand.u32 $0xFFFF0000, v5;
	v7 =	vadd.f32 v56, v7  }
0x387: {  	v4 =	vadd.f32 v57, v4;
	v58 =	vshll.u32 v6, $0x10  }
0x388: {  	v1 =	vld.idx.msk [tilespmem:v1+s4+$0x0], $0xffff;
	v59 =	vand.u32 $0xFFFF0000, v6;
	v5 =	vadd.f32 v58, v7  }
0x389: {  	v60 =	vshll.u32 v2, $0x10;
	v4 =	vadd.f32 v59, v4  }
0x38a: {  	v3 =	vld.idx.msk [tilespmem:v3+s4+$0x0], $0xffff;
	v2 =	vand.u32 $0xFFFF0000, v2;
	v5 =	vadd.f32 v60, v5  }
0x38b: {  	v61 =	vshll.u32 v0, $0x10;
	v2 =	vadd.f32 v2, v4  }
0x38c: {  	v0 =	vand.u32 $0xFFFF0000, v0;
	v4 =	vadd.f32 v61, v5  }
0x38d: {  	v62 =	vshll.u32 v1, $0x10;
	v0 =	vadd.f32 v0, v2  }
0x38e: {  	s22 =	sand.u32 $0x7, s16;
	v1 =	vand.u32 $0xFFFF0000, v1;
	v2 =	vadd.f32 v62, v4  }
0x38f: {  	p0 =	sne.s32 s22, $0x7;
	v63 =	vshll.u32 v3, $0x10;
	v0 =	vadd.f32 v1, v0  }
0x390: {  	s20 =	sand.u32 @!p0 $0x3800, s20;
	v3 =	vand.u32 $0xFFFF0000, v3;
	v1 =	vadd.f32 v63, v2  }
0x391: {  	s20 =	sor.u32 @!p0 s20, s19;
	v0 =	vadd.f32 v3, v0  }
0x392: {  	s20 =	sshrl.u32 @!p0 s20, $0x3;
	[tilespmem:s21+$0x1BF70] =	vst v1  }
0x393: {  	s22 =	simm.s32 @!p0 $0x1BF00;
	s20 =	sadd.s32 @!p0 s6, s20;
	[tilespmem:s21+$0x1C770] =	vst v0;
	s21 =	simm.s32 @!p0 $0x0  }
0x394: {  	[hbm4b:s20+s21] =	stream.linear.scatter @!p0 [tilespmem:s22], [sflag:$0x5], $0x800, $0x38;
	[tilespmem:$0x1CF00] =	vst v63  }
0x395: {  	s22 =	simm.s32 @!p0 $0x5  }
0x396: {  	s16 =	sadd.s32 $0x1, s16;
	_ =	swait.ge @!p0 [sflag:s22], $0x800  }
0x397: {  	p1 =	sne.s32 s16, $0x40;
	[sflag:s22] =	ssyncset.done @!p0 $0x0  }
0x398: {  	s20 =	sadd.s32 @!p0 $0x800, s20;
	[sflag:s22] =	ssyncadd.s32 @!p0 $0xFFFFF800;
	s22 =	simm.s32 @!p0 $0x1C700  }
0x399: {  	[hbm4b:s20+s21] =	stream.linear.scatter @!p0 [tilespmem:s22], [sflag:$0x4], $0x800, $0x38;
	[tilespmem:$0x1CF00] =	vst v63  }
.Ltmp16:
0x39a: {  	_ = 	snop;
	(pc) =	sbr.rel @p1 .LBB2_3-.Ltmp16, $4  }
0x39b: {  	s20 =	simm.s32 @!p0 $0x4  }
0x39c: {  	_ =	swait.ge @!p0 [sflag:s20], $0x800  }
0x39d: {  	[sflag:s20] =	ssyncset.done @!p0 $0x0  }
0x39e: {  	[sflag:s20] =	ssyncadd.s32 @!p0 $0xFFFFF800  }
0x39f: {  	s15 =	sadd.s32 $0x1, s15  }
0x3a0: {  	p0 =	sne.s32 s15, $0x8  }
.Ltmp17:
0x3a1: {  	_ = 	snop;
	(pc) =	sbr.rel @p0 .LBB2_2-.Ltmp17, $1  }
0x3a2: {  	_ =	sdelay $0x3  }
0x3a3: {  	s14 =	sadd.s32 $0x1, s14  }
0x3a4: {  	p0 =	sne.s32 s14, s8  }
.Ltmp18:
0x3a5: {  	_ = 	snop;
	(pc) =	sbr.rel @p0 .LBB2_1-.Ltmp18, $1  }
0x3a6: {  	_ =	sdelay $0x3  }
0x3a7: {  	_ =	sfence.sel $0x180000  }
0x3a8: {  	[bflag:$0x0] =	sbarrier.arrive $0xFFFF  }
0x3a9: {  	p0 =	sne.s32 s5, $0x0;
	_ =	strace $0x90000047  }
0x3aa: {  	s0 =	sadd.s32 @!p0 $0x100000, s0;
	[bflag:$0x2] =	sbarrier.arrive $0xFFFF  }
0x3ab: {  	[sflag:s0] =	ssyncadd.tile.s32 @!p0 $0x1;
	_ =	shalt  }
.Lfunc_end2:
_tile_overlayer_lowered:
.L_overlay_start_2:
0x3ac: {  	(tag) =	ssettag $0x2  }
0x3ad: {  	s0 =	rddreg [dreg:$0x0];
	s2 =	stileid.u32  }
0x3ae: {  	s1 =	rddreg [dreg:$0x1];
	p0 =	sne.s32 s2, $0x0  }
0x3af: {  	s3 =	rddreg [dreg:$0x2];
	[bflag:$0x3] =	sbarrier.arrive $0xFFFF;
	s2 =	simm.s32 @!p0 $0x1C04  }
0x3b0: {  	[timem:s3], [sflag:s2] =	dma.local @!p0 [hbm:s0], s1  }
0x3b1: {  	s0 =	simm.s32 @!p0 $0x4  }
0x3b2: {  	_ =	swait.ge @!p0 [sflag:s0], s1  }
0x3b3: {  	s1 =	ssub.s32 @!p0 $0x0, s1;
	[sflag:s0] =	ssyncset.done @!p0 $0x0  }
0x3b4: {  	[sflag:s0] =	ssyncadd.s32 @!p0 s1  }
0x3b5: {  	[bflag:$0x3] =	sbarrier.arrive $0xFFFF  }
0x3b6: {  	_ =	shalt  }

</sc_bundles>
